<compile_context>
chip_gen: v7x
topology: tpu7x:2x2x1
jax: 0.10.2.dev20260603
libtpu: 0.0.44.dev20260713+nightly
codegen_flags: <defaults>
</compile_context>

<pallas_src>
import jax
import jax.numpy as jnp
from jax import lax
from jax.experimental import pallas as pl
from jax.experimental.pallas import tpu as pltpu
from jax.experimental.pallas import tpu_sc as plsc

_HIDDEN = 4096
_TOPK = 8
_BANK = 64
_NGROUPS = _HIDDEN // _BANK

_NC = 2
_NS = 16
_NW = _NC * _NS

_N_TOKENS = 4096
_TOK_PER_W = _N_TOKENS // _NW
_CHUNK_TOK = 8
_N_CHUNKS = _TOK_PER_W // _CHUNK_TOK
_CHUNK_ROWS = _CHUNK_TOK * _NGROUPS

_NEG = float("-inf")


def _sort_a(v):
    s, _ = plsc.sort_key_val(v, v)
    return s


def _sort_d(v):
    s, _ = plsc.sort_key_val(v, v, descending=True)
    return s


def _row_threshold(s0, s1, s2, s3):
    w1 = jnp.maximum(_sort_a(s0), _sort_d(s1))
    w2 = jnp.maximum(_sort_a(s2), _sort_d(s3))
    w3 = jnp.maximum(_sort_a(w1), _sort_d(w2))
    w3 = _sort_a(w3)
    lane = lax.iota(jnp.int32, 16)
    return jnp.max(jnp.where(lane == 8, w3, _NEG))


def _sc_body(x_hbm, out_hbm, pc_hbm, buf0, buf1, cnt_v, ls0, ls1, ss0, ss1):
    cid = lax.axis_index("c")
    sid = lax.axis_index("s")
    wid = sid * _NC + cid
    tok_base = wid * _TOK_PER_W
    bufs = (buf0, buf1)
    lsem = (ls0, ls1)
    ssem = (ss0, ss1)

    def _zero(i, _):
        cnt_v[pl.ds(i * 16, 16)] = jnp.zeros((16,), jnp.float32)
        return _
    lax.fori_loop(0, _HIDDEN // 16, _zero, None)

    pltpu.async_copy(x_hbm.at[pl.ds(tok_base, _CHUNK_TOK)], buf0, ls0)

    def _half(buf, h):
        @plsc.parallel_loop(h * (_CHUNK_ROWS // 2),
                            (h + 1) * (_CHUNK_ROWS // 2), unroll=16)
        def _row(r):
            t = lax.div(r, _NGROUPS)
            g64 = lax.rem(r, _NGROUPS) * _BANK
            xs = [buf[t, pl.ds(g64 + 16 * j, 16)] for j in range(4)]
            ss = [jnp.abs(x) for x in xs]
            t8 = _row_threshold(*ss)
            for j in range(4):
                o = jnp.where(ss[j] >= t8, xs[j], jnp.float32(0.0))
                buf[t, pl.ds(g64 + 16 * j, 16)] = o
                ind = (o != 0.0).astype(jnp.float32)
                plsc.addupdate(cnt_v.at[pl.ds(g64 + 16 * j, 16)], ind)

    def _iter(i, _):
        for b in range(2):
            ch = 2 * i + b
            o = bufs[1 - b]
            tok = tok_base + ch * _CHUNK_TOK
            pltpu.make_async_copy(
                x_hbm.at[pl.ds(tok_base, _CHUNK_TOK)], bufs[b],
                lsem[b]).wait()
            _half(bufs[b], 0)

            @pl.when((ch >= 1) & (ch + 1 < _N_CHUNKS))
            def _recycle():
                pltpu.make_async_copy(
                    o, out_hbm.at[pl.ds(tok_base, _CHUNK_TOK)],
                    ssem[1 - b]).wait()
                pltpu.async_copy(
                    x_hbm.at[pl.ds(tok + _CHUNK_TOK, _CHUNK_TOK)],
                    o, lsem[1 - b])

            @pl.when((ch < 1) & (ch + 1 < _N_CHUNKS))
            def _first():
                pltpu.async_copy(
                    x_hbm.at[pl.ds(tok + _CHUNK_TOK, _CHUNK_TOK)],
                    o, lsem[1 - b])

            _half(bufs[b], 1)
            pltpu.async_copy(bufs[b], out_hbm.at[pl.ds(tok, _CHUNK_TOK)],
                             ssem[b])
        return _
    lax.fori_loop(0, _N_CHUNKS // 2, _iter, None)

    for b in range(2):
        pltpu.make_async_copy(
            bufs[b], out_hbm.at[pl.ds(tok_base, _CHUNK_TOK)], ssem[b]).wait()
    pltpu.sync_copy(cnt_v, pc_hbm.at[wid])


@jax.jit
def _sc_call(x2d):
    mesh = plsc.VectorSubcoreMesh(core_axis_name="c", subcore_axis_name="s")
    fn = pl.kernel(
        _sc_body,
        out_type=[
            jax.ShapeDtypeStruct((_N_TOKENS, _HIDDEN), jnp.float32),
            jax.ShapeDtypeStruct((_NW, _HIDDEN), jnp.float32),
        ],
        mesh=mesh,
        scratch_types=[
            pltpu.VMEM((_CHUNK_TOK, _HIDDEN), jnp.float32),
            pltpu.VMEM((_CHUNK_TOK, _HIDDEN), jnp.float32),
            pltpu.VMEM((_HIDDEN,), jnp.float32),
            pltpu.SemaphoreType.DMA,
            pltpu.SemaphoreType.DMA,
            pltpu.SemaphoreType.DMA,
            pltpu.SemaphoreType.DMA,
        ],
        compiler_params=pltpu.CompilerParams(needs_layout_passes=False),
    )
    return fn(x2d)


def kernel(x, balanced_bias, num_assigned_tokens):
    out2d, partials = _sc_call(x.reshape(_N_TOKENS, _HIDDEN))
    counts = num_assigned_tokens + jnp.sum(partials, axis=0)
    return out2d.reshape(x.shape), counts

# --- scband reference (transcript-rebuilt; emitter-appended) ---
"""Pipeline reference for scband-balanced-topk-module-52003464020212 (READ-ONLY COPY).

The authoritative reference and input builder live on the scoring server;
editing this copy changes nothing except your own understanding.
"""

import jax, jax.numpy as jnp
import numpy as np

HIDDEN_SIZE = 4096
TOPK = 8
BANK_SIZE = 64

def setup_inputs(seed: int = 0) -> dict:
    key = jax.random.key(seed)
    x = jax.random.normal(key, (2, 2048, 4096), dtype=jnp.float32)
    balanced_bias = jnp.zeros((HIDDEN_SIZE,), dtype=jnp.float32)
    num_assigned_tokens = jnp.zeros((HIDDEN_SIZE,), dtype=jnp.float32)
    return {"x": x, "balanced_bias": balanced_bias, "num_assigned_tokens": num_assigned_tokens}

def reference(x, balanced_bias, num_assigned_tokens):
    n_groups = HIDDEN_SIZE // BANK_SIZE
    xv = x.reshape(-1, n_groups, BANK_SIZE)
    biasv = balanced_bias.reshape(n_groups, BANK_SIZE)
    scores = jnp.abs(xv) + biasv[None, :, :]
    _, topk_idx = jax.lax.top_k(scores, TOPK)
    # build 0/1 mask via scatter of ones along last dim (distinct topk indices)
    mask = jnp.sum(jax.nn.one_hot(topk_idx, BANK_SIZE, dtype=xv.dtype), axis=-2)
    out = xv * mask
    mask_full = out.reshape(x.shape)
    # training-mode buffer update: count nonzero assignments per hidden unit
    reduce_axes = tuple(range(x.ndim - 1))
    counts = num_assigned_tokens + jnp.sum((mask_full != 0).astype(jnp.float32), axis=reduce_axes)
    return (mask_full, counts)

if __name__ == "__main__":
    import jax
    _d = setup_inputs()
    print(jax.jit(kernel)(*tuple(_d.values())))

</pallas_src>

<mosaic_0001>
#map = affine_map<(d0, d1) -> (0, 0)>
module attributes {stable_mosaic.version = 14 : i64} {
  func.func @_sc_body(%arg0: i32, %arg1: i32, %arg2: memref<4096x4096xf32, #tpu.memory_space<hbm>>, %arg3: memref<4096x4096xf32, #tpu.memory_space<hbm>>, %arg4: memref<32x4096xf32, #tpu.memory_space<hbm>>, %arg5: memref<8x4096xf32, #tpu.memory_space<vmem>>, %arg6: memref<8x4096xf32, #tpu.memory_space<vmem>>, %arg7: memref<4096xf32, #tpu.memory_space<vmem>>, %arg8: memref<!tpu.dma_semaphore, #tpu.memory_space<semaphore_mem>>, %arg9: memref<!tpu.dma_semaphore, #tpu.memory_space<semaphore_mem>>, %arg10: memref<!tpu.dma_semaphore, #tpu.memory_space<semaphore_mem>>, %arg11: memref<!tpu.dma_semaphore, #tpu.memory_space<semaphore_mem>>) attributes {dimension_semantics = [#tpu.dimension_semantics<core_parallel>, #tpu.dimension_semantics<subcore_parallel>], iteration_bounds = array<i64: 2, 16>, scalar_prefetch = 0 : i64, scratch_operands = 7 : i64, tpu.core_type = #tpu.core_type<sc_vector_subcore>, window_params = [{transform_indices = #map}, {transform_indices = #map}, {transform_indices = #map}]} {
    %mul3A = arith.constant 2 : i32
    %mul3A_0 = arith.muli %arg1, %mul3A : i32
    %add3A = arith.addi %mul3A_0, %arg0 : i32
    %mul3A_1 = arith.constant 128 : i32
    %mul3A_2 = arith.muli %add3A, %mul3A_1 : i32
    %scan3A = arith.constant 0 : i32
    %scan3A_3 = arith.constant 256 : i32
    %scan3A_4 = arith.addi %scan3A, %scan3A_3 : i32
    %scan3A_5 = arith.constant 1 : i32
    scf.for %scan3A_22 = %scan3A to %scan3A_4 step %scan3A_5  : i32 {
      %broadcast_in_dim3A = arith.constant 0.000000e+00 : f32
      %broadcast_in_dim3A_23 = vector.broadcast %broadcast_in_dim3A : f32 to vector<16xf32>
      %mul3A_24 = arith.constant 16 : i32
      %mul3A_25 = arith.muli %scan3A_22, %mul3A_24 : i32
      %swap3A = arith.index_cast %mul3A_25 : i32 to index
      %swap3A_26 = tpu.vector_load %arg7[%swap3A] {strides = array<i32>} : memref<4096xf32, #tpu.memory_space<vmem>>, vector<16xf32>,
      tpu.vector_store %arg7[%swap3A], %broadcast_in_dim3A_23 {strides = array<i32>} : memref<4096xf32, #tpu.memory_space<vmem>>, vector<16xf32>,
    }
    %scan3A_6 = arith.constant 256 : i32
    %dma_start3A = arith.constant 0 : i32
    %dma_start3A_7 = tpu.memref_slice %arg2[%mul3A_2, %dma_start3A] : memref<4096x4096xf32, #tpu.memory_space<hbm>> -> memref<8x4096xf32, #tpu.memory_space<hbm>>
    %dma_start3A_8 = arith.constant 0 : i32
    %dma_start3A_9 = tpu.memref_slice %arg2[%mul3A_2, %dma_start3A_8] : memref<4096x4096xf32, #tpu.memory_space<hbm>> -> memref<8x4096xf32, #tpu.memory_space<hbm>>
    tpu.enqueue_dma source(%dma_start3A_9 : memref<8x4096xf32, #tpu.memory_space<hbm>>) target(%arg5 : memref<8x4096xf32, #tpu.memory_space<vmem>>) target_semaphore(%arg8 : memref<!tpu.dma_semaphore, #tpu.memory_space<semaphore_mem>>)
    %scan3A_10 = arith.constant 0 : i32
    %scan3A_11 = arith.constant 8 : i32
    %scan3A_12 = arith.addi %scan3A_10, %scan3A_11 : i32
    %scan3A_13 = arith.constant 1 : i32
    scf.for %scan3A_22 = %scan3A_10 to %scan3A_12 step %scan3A_13  : i32 {
      %mul3A_23 = arith.constant 2 : i32
      %mul3A_24 = arith.muli %mul3A_23, %scan3A_22 : i32
      %add3A_25 = arith.constant 0 : i32
      %add3A_26 = arith.addi %mul3A_24, %add3A_25 : i32
      %mul3A_27 = arith.constant 8 : i32
      %mul3A_28 = arith.muli %add3A_26, %mul3A_27 : i32
      %add3A_29 = arith.addi %mul3A_2, %mul3A_28 : i32
      %dma_wait3A_30 = arith.constant 0 : i32
      %dma_wait3A_31 = tpu.memref_slice %arg2[%mul3A_2, %dma_wait3A_30] : memref<4096x4096xf32, #tpu.memory_space<hbm>> -> memref<8x4096xf32, #tpu.memory_space<hbm>>
      %dma_wait3A_32 = arith.constant 0 : i32
      %dma_wait3A_33 = tpu.memref_slice %arg2[%mul3A_2, %dma_wait3A_32] : memref<4096x4096xf32, #tpu.memory_space<hbm>> -> memref<8x4096xf32, #tpu.memory_space<hbm>>
      tpu.wait_dma2 semaphore(%arg8 : memref<!tpu.dma_semaphore, #tpu.memory_space<semaphore_mem>>) src(%dma_wait3A_33 : memref<8x4096xf32, #tpu.memory_space<hbm>>) dst(%arg5 : memref<8x4096xf32, #tpu.memory_space<vmem>>)
      %parallel_loop3A = arith.constant 0 : i32
      %parallel_loop3A_34 = arith.constant 256 : i32
      %parallel_loop3A_35 = arith.constant 1 : i32
      scf.for %parallel_loop3A_99 = %parallel_loop3A to %parallel_loop3A_34 step %parallel_loop3A_35  : i32 {
        %parallel_loop3A_100 = arith.constant 64 : i32
        %parallel_loop3A_101 = arith.divsi %parallel_loop3A_99, %parallel_loop3A_100 : i32
        %parallel_loop3A_102 = arith.constant 64 : i32
        %parallel_loop3A_103 = arith.remsi %parallel_loop3A_99, %parallel_loop3A_102 : i32
        %parallel_loop3A_104 = arith.constant 64 : i32
        %parallel_loop3A_105 = arith.muli %parallel_loop3A_103, %parallel_loop3A_104 : i32
        %parallel_loop3A_106 = arith.constant 0 : i32
        %parallel_loop3A_107 = arith.addi %parallel_loop3A_105, %parallel_loop3A_106 : i32
        %parallel_loop3A_108 = arith.index_cast %parallel_loop3A_101 : i32 to index
        %parallel_loop3A_109 = arith.index_cast %parallel_loop3A_107 : i32 to index
        %parallel_loop3A_110 = tpu.vector_load %arg5[%parallel_loop3A_108, %parallel_loop3A_109] {strides = array<i32>} : memref<8x4096xf32, #tpu.memory_space<vmem>>, vector<16xf32>,
        %parallel_loop3A_111 = arith.constant 16 : i32
        %parallel_loop3A_112 = arith.addi %parallel_loop3A_105, %parallel_loop3A_111 : i32
        %parallel_loop3A_113 = arith.index_cast %parallel_loop3A_101 : i32 to index
        %parallel_loop3A_114 = arith.index_cast %parallel_loop3A_112 : i32 to index
        %parallel_loop3A_115 = tpu.vector_load %arg5[%parallel_loop3A_113, %parallel_loop3A_114] {strides = array<i32>} : memref<8x4096xf32, #tpu.memory_space<vmem>>, vector<16xf32>,
        %parallel_loop3A_116 = arith.constant 32 : i32
        %parallel_loop3A_117 = arith.addi %parallel_loop3A_105, %parallel_loop3A_116 : i32
        %parallel_loop3A_118 = arith.index_cast %parallel_loop3A_101 : i32 to index
        %parallel_loop3A_119 = arith.index_cast %parallel_loop3A_117 : i32 to index
        %parallel_loop3A_120 = tpu.vector_load %arg5[%parallel_loop3A_118, %parallel_loop3A_119] {strides = array<i32>} : memref<8x4096xf32, #tpu.memory_space<vmem>>, vector<16xf32>,
        %parallel_loop3A_121 = arith.constant 48 : i32
        %parallel_loop3A_122 = arith.addi %parallel_loop3A_105, %parallel_loop3A_121 : i32
        %parallel_loop3A_123 = arith.index_cast %parallel_loop3A_101 : i32 to index
        %parallel_loop3A_124 = arith.index_cast %parallel_loop3A_122 : i32 to index
        %parallel_loop3A_125 = tpu.vector_load %arg5[%parallel_loop3A_123, %parallel_loop3A_124] {strides = array<i32>} : memref<8x4096xf32, #tpu.memory_space<vmem>>, vector<16xf32>,
        %parallel_loop3A_126 = math.absf %parallel_loop3A_110 : vector<16xf32>
        %parallel_loop3A_127 = math.absf %parallel_loop3A_115 : vector<16xf32>
        %parallel_loop3A_128 = math.absf %parallel_loop3A_120 : vector<16xf32>
        %parallel_loop3A_129 = math.absf %parallel_loop3A_125 : vector<16xf32>
        %parallel_loop3A_130 = arith.constant dense<true> : vector<16xi1>
        %parallel_loop3A_131, %parallel_loop3A_132, %parallel_loop3A_133 = tpu.sort %parallel_loop3A_126, %parallel_loop3A_126 masked %parallel_loop3A_130 : (vector<16xf32>, vector<16xf32>, vector<16xi1>) -> (vector<16xi1>, vector<16xf32>, vector<16xf32>)
        %parallel_loop3A_134 = arith.constant dense<true> : vector<16xi1>
        %parallel_loop3A_135, %parallel_loop3A_136, %parallel_loop3A_137 = tpu.sort %parallel_loop3A_127, %parallel_loop3A_127 masked %parallel_loop3A_134 {descending = true} : (vector<16xf32>, vector<16xf32>, vector<16xi1>) -> (vector<16xi1>, vector<16xf32>, vector<16xf32>)
        %parallel_loop3A_138 = arith.maximumf %parallel_loop3A_132, %parallel_loop3A_136 : vector<16xf32>
        %parallel_loop3A_139 = arith.constant dense<true> : vector<16xi1>
        %parallel_loop3A_140, %parallel_loop3A_141, %parallel_loop3A_142 = tpu.sort %parallel_loop3A_128, %parallel_loop3A_128 masked %parallel_loop3A_139 : (vector<16xf32>, vector<16xf32>, vector<16xi1>) -> (vector<16xi1>, vector<16xf32>, vector<16xf32>)
        %parallel_loop3A_143 = arith.constant dense<true> : vector<16xi1>
        %parallel_loop3A_144, %parallel_loop3A_145, %parallel_loop3A_146 = tpu.sort %parallel_loop3A_129, %parallel_loop3A_129 masked %parallel_loop3A_143 {descending = true} : (vector<16xf32>, vector<16xf32>, vector<16xi1>) -> (vector<16xi1>, vector<16xf32>, vector<16xf32>)
        %parallel_loop3A_147 = arith.maximumf %parallel_loop3A_141, %parallel_loop3A_145 : vector<16xf32>
        %parallel_loop3A_148 = arith.constant dense<true> : vector<16xi1>
        %parallel_loop3A_149, %parallel_loop3A_150, %parallel_loop3A_151 = tpu.sort %parallel_loop3A_138, %parallel_loop3A_138 masked %parallel_loop3A_148 : (vector<16xf32>, vector<16xf32>, vector<16xi1>) -> (vector<16xi1>, vector<16xf32>, vector<16xf32>)
        %parallel_loop3A_152 = arith.constant dense<true> : vector<16xi1>
        %parallel_loop3A_153, %parallel_loop3A_154, %parallel_loop3A_155 = tpu.sort %parallel_loop3A_147, %parallel_loop3A_147 masked %parallel_loop3A_152 {descending = true} : (vector<16xf32>, vector<16xf32>, vector<16xi1>) -> (vector<16xi1>, vector<16xf32>, vector<16xf32>)
        %parallel_loop3A_156 = arith.maximumf %parallel_loop3A_150, %parallel_loop3A_154 : vector<16xf32>
        %parallel_loop3A_157 = arith.constant dense<true> : vector<16xi1>
        %parallel_loop3A_158, %parallel_loop3A_159, %parallel_loop3A_160 = tpu.sort %parallel_loop3A_156, %parallel_loop3A_156 masked %parallel_loop3A_157 : (vector<16xf32>, vector<16xf32>, vector<16xi1>) -> (vector<16xi1>, vector<16xf32>, vector<16xf32>)
        %parallel_loop3A_161 = tpu.iota {dimensions = array<i32: 0>} : vector<16xi32>
        %parallel_loop3A_162 = arith.constant 8 : i32
        %parallel_loop3A_163 = vector.broadcast %parallel_loop3A_162 : i32 to vector<16xi32>
        %parallel_loop3A_164 = arith.cmpi eq, %parallel_loop3A_161, %parallel_loop3A_163 : vector<16xi32>
        %parallel_loop3A_165 = arith.constant 0xFF800000 : f32
        %parallel_loop3A_166 = vector.broadcast %parallel_loop3A_165 : f32 to vector<16xf32>
        %parallel_loop3A_167 = arith.select %parallel_loop3A_164, %parallel_loop3A_159, %parallel_loop3A_166 : vector<16xi1>, vector<16xf32>
        %parallel_loop3A_168 = arith.constant true
        %parallel_loop3A_169 = vector.broadcast %parallel_loop3A_168 : i1 to vector<16xi1>
        %parallel_loop3A_170 = tpu.scan <max>, %parallel_loop3A_167 masked %parallel_loop3A_169 : vector<16xf32>, vector<16xi1> -> vector<16xf32>
        %parallel_loop3A_171 = vector.extract %parallel_loop3A_170[15] : f32 from vector<16xf32>
        %parallel_loop3A_172 = vector.broadcast %parallel_loop3A_171 : f32 to vector<16xf32>
        %parallel_loop3A_173 = arith.cmpf oge, %parallel_loop3A_126, %parallel_loop3A_172 : vector<16xf32>
        %parallel_loop3A_174 = arith.constant 0.000000e+00 : f32
        %parallel_loop3A_175 = vector.broadcast %parallel_loop3A_174 : f32 to vector<16xf32>
        %parallel_loop3A_176 = arith.select %parallel_loop3A_173, %parallel_loop3A_110, %parallel_loop3A_175 : vector<16xi1>, vector<16xf32>
        %parallel_loop3A_177 = arith.constant 0 : i32
        %parallel_loop3A_178 = arith.addi %parallel_loop3A_105, %parallel_loop3A_177 : i32
        %parallel_loop3A_179 = arith.index_cast %parallel_loop3A_101 : i32 to index
        %parallel_loop3A_180 = arith.index_cast %parallel_loop3A_178 : i32 to index
        %parallel_loop3A_181 = tpu.vector_load %arg5[%parallel_loop3A_179, %parallel_loop3A_180] {strides = array<i32>} : memref<8x4096xf32, #tpu.memory_space<vmem>>, vector<16xf32>,
        tpu.vector_store %arg5[%parallel_loop3A_179, %parallel_loop3A_180], %parallel_loop3A_176 {strides = array<i32>} : memref<8x4096xf32, #tpu.memory_space<vmem>>, vector<16xf32>,
        %parallel_loop3A_182 = arith.constant 0.000000e+00 : f32
        %parallel_loop3A_183 = vector.broadcast %parallel_loop3A_182 : f32 to vector<16xf32>
        %parallel_loop3A_184 = arith.cmpf one, %parallel_loop3A_176, %parallel_loop3A_183 : vector<16xf32>
        %parallel_loop3A_185 = arith.extui %parallel_loop3A_184 : vector<16xi1> to vector<16xi32>
        %parallel_loop3A_186 = arith.sitofp %parallel_loop3A_185 : vector<16xi32> to vector<16xf32>
        %parallel_loop3A_187 = arith.constant 0 : i32
        %parallel_loop3A_188 = arith.addi %parallel_loop3A_105, %parallel_loop3A_187 : i32
        %parallel_loop3A_189 = arith.index_cast %parallel_loop3A_188 : i32 to index
        %parallel_loop3A_190 = tpu.vector_load %arg7[%parallel_loop3A_189] {strides = array<i32>} : memref<4096xf32, #tpu.memory_space<vmem>>, vector<16xf32>,
        tpu.vector_store %arg7[%parallel_loop3A_189], %parallel_loop3A_186 {add = true, strides = array<i32>} : memref<4096xf32, #tpu.memory_space<vmem>>, vector<16xf32>,
        %parallel_loop3A_191 = vector.broadcast %parallel_loop3A_171 : f32 to vector<16xf32>
        %parallel_loop3A_192 = arith.cmpf oge, %parallel_loop3A_127, %parallel_loop3A_191 : vector<16xf32>
        %parallel_loop3A_193 = arith.constant 0.000000e+00 : f32
        %parallel_loop3A_194 = vector.broadcast %parallel_loop3A_193 : f32 to vector<16xf32>
        %parallel_loop3A_195 = arith.select %parallel_loop3A_192, %parallel_loop3A_115, %parallel_loop3A_194 : vector<16xi1>, vector<16xf32>
        %parallel_loop3A_196 = arith.constant 16 : i32
        %parallel_loop3A_197 = arith.addi %parallel_loop3A_105, %parallel_loop3A_196 : i32
        %parallel_loop3A_198 = arith.index_cast %parallel_loop3A_101 : i32 to index
        %parallel_loop3A_199 = arith.index_cast %parallel_loop3A_197 : i32 to index
        %parallel_loop3A_200 = tpu.vector_load %arg5[%parallel_loop3A_198, %parallel_loop3A_199] {strides = array<i32>} : memref<8x4096xf32, #tpu.memory_space<vmem>>, vector<16xf32>,
        tpu.vector_store %arg5[%parallel_loop3A_198, %parallel_loop3A_199], %parallel_loop3A_195 {strides = array<i32>} : memref<8x4096xf32, #tpu.memory_space<vmem>>, vector<16xf32>,
        %parallel_loop3A_201 = arith.constant 0.000000e+00 : f32
        %parallel_loop3A_202 = vector.broadcast %parallel_loop3A_201 : f32 to vector<16xf32>
        %parallel_loop3A_203 = arith.cmpf one, %parallel_loop3A_195, %parallel_loop3A_202 : vector<16xf32>
        %parallel_loop3A_204 = arith.extui %parallel_loop3A_203 : vector<16xi1> to vector<16xi32>
        %parallel_loop3A_205 = arith.sitofp %parallel_loop3A_204 : vector<16xi32> to vector<16xf32>
        %parallel_loop3A_206 = arith.constant 16 : i32
        %parallel_loop3A_207 = arith.addi %parallel_loop3A_105, %parallel_loop3A_206 : i32
        %parallel_loop3A_208 = arith.index_cast %parallel_loop3A_207 : i32 to index
        %parallel_loop3A_209 = tpu.vector_load %arg7[%parallel_loop3A_208] {strides = array<i32>} : memref<4096xf32, #tpu.memory_space<vmem>>, vector<16xf32>,
        tpu.vector_store %arg7[%parallel_loop3A_208], %parallel_loop3A_205 {add = true, strides = array<i32>} : memref<4096xf32, #tpu.memory_space<vmem>>, vector<16xf32>,
        %parallel_loop3A_210 = vector.broadcast %parallel_loop3A_171 : f32 to vector<16xf32>
        %parallel_loop3A_211 = arith.cmpf oge, %parallel_loop3A_128, %parallel_loop3A_210 : vector<16xf32>
        %parallel_loop3A_212 = arith.constant 0.000000e+00 : f32
        %parallel_loop3A_213 = vector.broadcast %parallel_loop3A_212 : f32 to vector<16xf32>
        %parallel_loop3A_214 = arith.select %parallel_loop3A_211, %parallel_loop3A_120, %parallel_loop3A_213 : vector<16xi1>, vector<16xf32>
        %parallel_loop3A_215 = arith.constant 32 : i32
        %parallel_loop3A_216 = arith.addi %parallel_loop3A_105, %parallel_loop3A_215 : i32
        %parallel_loop3A_217 = arith.index_cast %parallel_loop3A_101 : i32 to index
        %parallel_loop3A_218 = arith.index_cast %parallel_loop3A_216 : i32 to index
        %parallel_loop3A_219 = tpu.vector_load %arg5[%parallel_loop3A_217, %parallel_loop3A_218] {strides = array<i32>} : memref<8x4096xf32, #tpu.memory_space<vmem>>, vector<16xf32>,
        tpu.vector_store %arg5[%parallel_loop3A_217, %parallel_loop3A_218], %parallel_loop3A_214 {strides = array<i32>} : memref<8x4096xf32, #tpu.memory_space<vmem>>, vector<16xf32>,
        %parallel_loop3A_220 = arith.constant 0.000000e+00 : f32
        %parallel_loop3A_221 = vector.broadcast %parallel_loop3A_220 : f32 to vector<16xf32>
        %parallel_loop3A_222 = arith.cmpf one, %parallel_loop3A_214, %parallel_loop3A_221 : vector<16xf32>
        %parallel_loop3A_223 = arith.extui %parallel_loop3A_222 : vector<16xi1> to vector<16xi32>
        %parallel_loop3A_224 = arith.sitofp %parallel_loop3A_223 : vector<16xi32> to vector<16xf32>
        %parallel_loop3A_225 = arith.constant 32 : i32
        %parallel_loop3A_226 = arith.addi %parallel_loop3A_105, %parallel_loop3A_225 : i32
        %parallel_loop3A_227 = arith.index_cast %parallel_loop3A_226 : i32 to index
        %parallel_loop3A_228 = tpu.vector_load %arg7[%parallel_loop3A_227] {strides = array<i32>} : memref<4096xf32, #tpu.memory_space<vmem>>, vector<16xf32>,
        tpu.vector_store %arg7[%parallel_loop3A_227], %parallel_loop3A_224 {add = true, strides = array<i32>} : memref<4096xf32, #tpu.memory_space<vmem>>, vector<16xf32>,
        %parallel_loop3A_229 = vector.broadcast %parallel_loop3A_171 : f32 to vector<16xf32>
        %parallel_loop3A_230 = arith.cmpf oge, %parallel_loop3A_129, %parallel_loop3A_229 : vector<16xf32>
        %parallel_loop3A_231 = arith.constant 0.000000e+00 : f32
        %parallel_loop3A_232 = vector.broadcast %parallel_loop3A_231 : f32 to vector<16xf32>
        %parallel_loop3A_233 = arith.select %parallel_loop3A_230, %parallel_loop3A_125, %parallel_loop3A_232 : vector<16xi1>, vector<16xf32>
        %parallel_loop3A_234 = arith.constant 48 : i32
        %parallel_loop3A_235 = arith.addi %parallel_loop3A_105, %parallel_loop3A_234 : i32
        %parallel_loop3A_236 = arith.index_cast %parallel_loop3A_101 : i32 to index
        %parallel_loop3A_237 = arith.index_cast %parallel_loop3A_235 : i32 to index
        %parallel_loop3A_238 = tpu.vector_load %arg5[%parallel_loop3A_236, %parallel_loop3A_237] {strides = array<i32>} : memref<8x4096xf32, #tpu.memory_space<vmem>>, vector<16xf32>,
        tpu.vector_store %arg5[%parallel_loop3A_236, %parallel_loop3A_237], %parallel_loop3A_233 {strides = array<i32>} : memref<8x4096xf32, #tpu.memory_space<vmem>>, vector<16xf32>,
        %parallel_loop3A_239 = arith.constant 0.000000e+00 : f32
        %parallel_loop3A_240 = vector.broadcast %parallel_loop3A_239 : f32 to vector<16xf32>
        %parallel_loop3A_241 = arith.cmpf one, %parallel_loop3A_233, %parallel_loop3A_240 : vector<16xf32>
        %parallel_loop3A_242 = arith.extui %parallel_loop3A_241 : vector<16xi1> to vector<16xi32>
        %parallel_loop3A_243 = arith.sitofp %parallel_loop3A_242 : vector<16xi32> to vector<16xf32>
        %parallel_loop3A_244 = arith.constant 48 : i32
        %parallel_loop3A_245 = arith.addi %parallel_loop3A_105, %parallel_loop3A_244 : i32
        %parallel_loop3A_246 = arith.index_cast %parallel_loop3A_245 : i32 to index
        %parallel_loop3A_247 = tpu.vector_load %arg7[%parallel_loop3A_246] {strides = array<i32>} : memref<4096xf32, #tpu.memory_space<vmem>>, vector<16xf32>,
        tpu.vector_store %arg7[%parallel_loop3A_246], %parallel_loop3A_243 {add = true, strides = array<i32>} : memref<4096xf32, #tpu.memory_space<vmem>>, vector<16xf32>,
      } {sc.loop_unroll_factor = 16 : i64, sc.parallel_access}
      %ge3A = arith.constant 1 : i32
      %ge3A_36 = arith.cmpi sge, %add3A_26, %ge3A : i32
      %add3A_37 = arith.constant 1 : i32
      %add3A_38 = arith.addi %add3A_26, %add3A_37 : i32
      %lt3A = arith.constant 16 : i32
      %lt3A_39 = arith.cmpi slt, %add3A_38, %lt3A : i32
      %and3A = arith.andi %ge3A_36, %lt3A_39 : i1
      %convert_element_type3A = arith.extui %and3A : i1 to i32
      %cond3A = arith.constant 0 : i32
      %cond3A_40 = arith.cmpi ne, %convert_element_type3A, %cond3A : i32
      scf.if %cond3A_40 {
        %dma_wait3A_99 = arith.constant 0 : i32
        %dma_wait3A_100 = tpu.memref_slice %arg3[%mul3A_2, %dma_wait3A_99] : memref<4096x4096xf32, #tpu.memory_space<hbm>> -> memref<8x4096xf32, #tpu.memory_space<hbm>>
        %dma_wait3A_101 = arith.constant 0 : i32
        %dma_wait3A_102 = tpu.memref_slice %arg3[%mul3A_2, %dma_wait3A_101] : memref<4096x4096xf32, #tpu.memory_space<hbm>> -> memref<8x4096xf32, #tpu.memory_space<hbm>>
        tpu.wait_dma2 semaphore(%arg11 : memref<!tpu.dma_semaphore, #tpu.memory_space<semaphore_mem>>) src(%arg6 : memref<8x4096xf32, #tpu.memory_space<vmem>>) dst(%dma_wait3A_102 : memref<8x4096xf32, #tpu.memory_space<hbm>>)
        %add3A_103 = arith.constant 8 : i32
        %add3A_104 = arith.addi %add3A_29, %add3A_103 : i32
        %dma_start3A_105 = arith.constant 0 : i32
        %dma_start3A_106 = tpu.memref_slice %arg2[%add3A_104, %dma_start3A_105] : memref<4096x4096xf32, #tpu.memory_space<hbm>> -> memref<8x4096xf32, #tpu.memory_space<hbm>>
        %dma_start3A_107 = arith.constant 0 : i32
        %dma_start3A_108 = tpu.memref_slice %arg2[%add3A_104, %dma_start3A_107] : memref<4096x4096xf32, #tpu.memory_space<hbm>> -> memref<8x4096xf32, #tpu.memory_space<hbm>>
        tpu.enqueue_dma source(%dma_start3A_108 : memref<8x4096xf32, #tpu.memory_space<hbm>>) target(%arg6 : memref<8x4096xf32, #tpu.memory_space<vmem>>) target_semaphore(%arg9 : memref<!tpu.dma_semaphore, #tpu.memory_space<semaphore_mem>>)
      } else {
      }
      %lt3A_41 = arith.constant 1 : i32
      %lt3A_42 = arith.cmpi slt, %add3A_26, %lt3A_41 : i32
      %add3A_43 = arith.constant 1 : i32
      %add3A_44 = arith.addi %add3A_26, %add3A_43 : i32
      %lt3A_45 = arith.constant 16 : i32
      %lt3A_46 = arith.cmpi slt, %add3A_44, %lt3A_45 : i32
      %and3A_47 = arith.andi %lt3A_42, %lt3A_46 : i1
      %convert_element_type3A_48 = arith.extui %and3A_47 : i1 to i32
      %cond3A_49 = arith.constant 0 : i32
      %cond3A_50 = arith.cmpi ne, %convert_element_type3A_48, %cond3A_49 : i32
      scf.if %cond3A_50 {
        %add3A_99 = arith.constant 8 : i32
        %add3A_100 = arith.addi %add3A_29, %add3A_99 : i32
        %dma_start3A_101 = arith.constant 0 : i32
        %dma_start3A_102 = tpu.memref_slice %arg2[%add3A_100, %dma_start3A_101] : memref<4096x4096xf32, #tpu.memory_space<hbm>> -> memref<8x4096xf32, #tpu.memory_space<hbm>>
        %dma_start3A_103 = arith.constant 0 : i32
        %dma_start3A_104 = tpu.memref_slice %arg2[%add3A_100, %dma_start3A_103] : memref<4096x4096xf32, #tpu.memory_space<hbm>> -> memref<8x4096xf32, #tpu.memory_space<hbm>>
        tpu.enqueue_dma source(%dma_start3A_104 : memref<8x4096xf32, #tpu.memory_space<hbm>>) target(%arg6 : memref<8x4096xf32, #tpu.memory_space<vmem>>) target_semaphore(%arg9 : memref<!tpu.dma_semaphore, #tpu.memory_space<semaphore_mem>>)
      } else {
      }
      %parallel_loop3A_51 = arith.constant 256 : i32
      %parallel_loop3A_52 = arith.constant 512 : i32
      %parallel_loop3A_53 = arith.constant 1 : i32
      scf.for %parallel_loop3A_99 = %parallel_loop3A_51 to %parallel_loop3A_52 step %parallel_loop3A_53  : i32 {
        %parallel_loop3A_100 = arith.constant 64 : i32
        %parallel_loop3A_101 = arith.divsi %parallel_loop3A_99, %parallel_loop3A_100 : i32
        %parallel_loop3A_102 = arith.constant 64 : i32
        %parallel_loop3A_103 = arith.remsi %parallel_loop3A_99, %parallel_loop3A_102 : i32
        %parallel_loop3A_104 = arith.constant 64 : i32
        %parallel_loop3A_105 = arith.muli %parallel_loop3A_103, %parallel_loop3A_104 : i32
        %parallel_loop3A_106 = arith.constant 0 : i32
        %parallel_loop3A_107 = arith.addi %parallel_loop3A_105, %parallel_loop3A_106 : i32
        %parallel_loop3A_108 = arith.index_cast %parallel_loop3A_101 : i32 to index
        %parallel_loop3A_109 = arith.index_cast %parallel_loop3A_107 : i32 to index
        %parallel_loop3A_110 = tpu.vector_load %arg5[%parallel_loop3A_108, %parallel_loop3A_109] {strides = array<i32>} : memref<8x4096xf32, #tpu.memory_space<vmem>>, vector<16xf32>,
        %parallel_loop3A_111 = arith.constant 16 : i32
        %parallel_loop3A_112 = arith.addi %parallel_loop3A_105, %parallel_loop3A_111 : i32
        %parallel_loop3A_113 = arith.index_cast %parallel_loop3A_101 : i32 to index
        %parallel_loop3A_114 = arith.index_cast %parallel_loop3A_112 : i32 to index
        %parallel_loop3A_115 = tpu.vector_load %arg5[%parallel_loop3A_113, %parallel_loop3A_114] {strides = array<i32>} : memref<8x4096xf32, #tpu.memory_space<vmem>>, vector<16xf32>,
        %parallel_loop3A_116 = arith.constant 32 : i32
        %parallel_loop3A_117 = arith.addi %parallel_loop3A_105, %parallel_loop3A_116 : i32
        %parallel_loop3A_118 = arith.index_cast %parallel_loop3A_101 : i32 to index
        %parallel_loop3A_119 = arith.index_cast %parallel_loop3A_117 : i32 to index
        %parallel_loop3A_120 = tpu.vector_load %arg5[%parallel_loop3A_118, %parallel_loop3A_119] {strides = array<i32>} : memref<8x4096xf32, #tpu.memory_space<vmem>>, vector<16xf32>,
        %parallel_loop3A_121 = arith.constant 48 : i32
        %parallel_loop3A_122 = arith.addi %parallel_loop3A_105, %parallel_loop3A_121 : i32
        %parallel_loop3A_123 = arith.index_cast %parallel_loop3A_101 : i32 to index
        %parallel_loop3A_124 = arith.index_cast %parallel_loop3A_122 : i32 to index
        %parallel_loop3A_125 = tpu.vector_load %arg5[%parallel_loop3A_123, %parallel_loop3A_124] {strides = array<i32>} : memref<8x4096xf32, #tpu.memory_space<vmem>>, vector<16xf32>,
        %parallel_loop3A_126 = math.absf %parallel_loop3A_110 : vector<16xf32>
        %parallel_loop3A_127 = math.absf %parallel_loop3A_115 : vector<16xf32>
        %parallel_loop3A_128 = math.absf %parallel_loop3A_120 : vector<16xf32>
        %parallel_loop3A_129 = math.absf %parallel_loop3A_125 : vector<16xf32>
        %parallel_loop3A_130 = arith.constant dense<true> : vector<16xi1>
        %parallel_loop3A_131, %parallel_loop3A_132, %parallel_loop3A_133 = tpu.sort %parallel_loop3A_126, %parallel_loop3A_126 masked %parallel_loop3A_130 : (vector<16xf32>, vector<16xf32>, vector<16xi1>) -> (vector<16xi1>, vector<16xf32>, vector<16xf32>)
        %parallel_loop3A_134 = arith.constant dense<true> : vector<16xi1>
        %parallel_loop3A_135, %parallel_loop3A_136, %parallel_loop3A_137 = tpu.sort %parallel_loop3A_127, %parallel_loop3A_127 masked %parallel_loop3A_134 {descending = true} : (vector<16xf32>, vector<16xf32>, vector<16xi1>) -> (vector<16xi1>, vector<16xf32>, vector<16xf32>)
        %parallel_loop3A_138 = arith.maximumf %parallel_loop3A_132, %parallel_loop3A_136 : vector<16xf32>
        %parallel_loop3A_139 = arith.constant dense<true> : vector<16xi1>
        %parallel_loop3A_140, %parallel_loop3A_141, %parallel_loop3A_142 = tpu.sort %parallel_loop3A_128, %parallel_loop3A_128 masked %parallel_loop3A_139 : (vector<16xf32>, vector<16xf32>, vector<16xi1>) -> (vector<16xi1>, vector<16xf32>, vector<16xf32>)
        %parallel_loop3A_143 = arith.constant dense<true> : vector<16xi1>
        %parallel_loop3A_144, %parallel_loop3A_145, %parallel_loop3A_146 = tpu.sort %parallel_loop3A_129, %parallel_loop3A_129 masked %parallel_loop3A_143 {descending = true} : (vector<16xf32>, vector<16xf32>, vector<16xi1>) -> (vector<16xi1>, vector<16xf32>, vector<16xf32>)
        %parallel_loop3A_147 = arith.maximumf %parallel_loop3A_141, %parallel_loop3A_145 : vector<16xf32>
        %parallel_loop3A_148 = arith.constant dense<true> : vector<16xi1>
        %parallel_loop3A_149, %parallel_loop3A_150, %parallel_loop3A_151 = tpu.sort %parallel_loop3A_138, %parallel_loop3A_138 masked %parallel_loop3A_148 : (vector<16xf32>, vector<16xf32>, vector<16xi1>) -> (vector<16xi1>, vector<16xf32>, vector<16xf32>)
        %parallel_loop3A_152 = arith.constant dense<true> : vector<16xi1>
        %parallel_loop3A_153, %parallel_loop3A_154, %parallel_loop3A_155 = tpu.sort %parallel_loop3A_147, %parallel_loop3A_147 masked %parallel_loop3A_152 {descending = true} : (vector<16xf32>, vector<16xf32>, vector<16xi1>) -> (vector<16xi1>, vector<16xf32>, vector<16xf32>)
        %parallel_loop3A_156 = arith.maximumf %parallel_loop3A_150, %parallel_loop3A_154 : vector<16xf32>
        %parallel_loop3A_157 = arith.constant dense<true> : vector<16xi1>
        %parallel_loop3A_158, %parallel_loop3A_159, %parallel_loop3A_160 = tpu.sort %parallel_loop3A_156, %parallel_loop3A_156 masked %parallel_loop3A_157 : (vector<16xf32>, vector<16xf32>, vector<16xi1>) -> (vector<16xi1>, vector<16xf32>, vector<16xf32>)
        %parallel_loop3A_161 = tpu.iota {dimensions = array<i32: 0>} : vector<16xi32>
        %parallel_loop3A_162 = arith.constant 8 : i32
        %parallel_loop3A_163 = vector.broadcast %parallel_loop3A_162 : i32 to vector<16xi32>
        %parallel_loop3A_164 = arith.cmpi eq, %parallel_loop3A_161, %parallel_loop3A_163 : vector<16xi32>
        %parallel_loop3A_165 = arith.constant 0xFF800000 : f32
        %parallel_loop3A_166 = vector.broadcast %parallel_loop3A_165 : f32 to vector<16xf32>
        %parallel_loop3A_167 = arith.select %parallel_loop3A_164, %parallel_loop3A_159, %parallel_loop3A_166 : vector<16xi1>, vector<16xf32>
        %parallel_loop3A_168 = arith.constant true
        %parallel_loop3A_169 = vector.broadcast %parallel_loop3A_168 : i1 to vector<16xi1>
        %parallel_loop3A_170 = tpu.scan <max>, %parallel_loop3A_167 masked %parallel_loop3A_169 : vector<16xf32>, vector<16xi1> -> vector<16xf32>
        %parallel_loop3A_171 = vector.extract %parallel_loop3A_170[15] : f32 from vector<16xf32>
        %parallel_loop3A_172 = vector.broadcast %parallel_loop3A_171 : f32 to vector<16xf32>
        %parallel_loop3A_173 = arith.cmpf oge, %parallel_loop3A_126, %parallel_loop3A_172 : vector<16xf32>
        %parallel_loop3A_174 = arith.constant 0.000000e+00 : f32
        %parallel_loop3A_175 = vector.broadcast %parallel_loop3A_174 : f32 to vector<16xf32>
        %parallel_loop3A_176 = arith.select %parallel_loop3A_173, %parallel_loop3A_110, %parallel_loop3A_175 : vector<16xi1>, vector<16xf32>
        %parallel_loop3A_177 = arith.constant 0 : i32
        %parallel_loop3A_178 = arith.addi %parallel_loop3A_105, %parallel_loop3A_177 : i32
        %parallel_loop3A_179 = arith.index_cast %parallel_loop3A_101 : i32 to index
        %parallel_loop3A_180 = arith.index_cast %parallel_loop3A_178 : i32 to index
        %parallel_loop3A_181 = tpu.vector_load %arg5[%parallel_loop3A_179, %parallel_loop3A_180] {strides = array<i32>} : memref<8x4096xf32, #tpu.memory_space<vmem>>, vector<16xf32>,
        tpu.vector_store %arg5[%parallel_loop3A_179, %parallel_loop3A_180], %parallel_loop3A_176 {strides = array<i32>} : memref<8x4096xf32, #tpu.memory_space<vmem>>, vector<16xf32>,
        %parallel_loop3A_182 = arith.constant 0.000000e+00 : f32
        %parallel_loop3A_183 = vector.broadcast %parallel_loop3A_182 : f32 to vector<16xf32>
        %parallel_loop3A_184 = arith.cmpf one, %parallel_loop3A_176, %parallel_loop3A_183 : vector<16xf32>
        %parallel_loop3A_185 = arith.extui %parallel_loop3A_184 : vector<16xi1> to vector<16xi32>
        %parallel_loop3A_186 = arith.sitofp %parallel_loop3A_185 : vector<16xi32> to vector<16xf32>
        %parallel_loop3A_187 = arith.constant 0 : i32
        %parallel_loop3A_188 = arith.addi %parallel_loop3A_105, %parallel_loop3A_187 : i32
        %parallel_loop3A_189 = arith.index_cast %parallel_loop3A_188 : i32 to index
        %parallel_loop3A_190 = tpu.vector_load %arg7[%parallel_loop3A_189] {strides = array<i32>} : memref<4096xf32, #tpu.memory_space<vmem>>, vector<16xf32>,
        tpu.vector_store %arg7[%parallel_loop3A_189], %parallel_loop3A_186 {add = true, strides = array<i32>} : memref<4096xf32, #tpu.memory_space<vmem>>, vector<16xf32>,
        %parallel_loop3A_191 = vector.broadcast %parallel_loop3A_171 : f32 to vector<16xf32>
        %parallel_loop3A_192 = arith.cmpf oge, %parallel_loop3A_127, %parallel_loop3A_191 : vector<16xf32>
        %parallel_loop3A_193 = arith.constant 0.000000e+00 : f32
        %parallel_loop3A_194 = vector.broadcast %parallel_loop3A_193 : f32 to vector<16xf32>
        %parallel_loop3A_195 = arith.select %parallel_loop3A_192, %parallel_loop3A_115, %parallel_loop3A_194 : vector<16xi1>, vector<16xf32>
        %parallel_loop3A_196 = arith.constant 16 : i32
        %parallel_loop3A_197 = arith.addi %parallel_loop3A_105, %parallel_loop3A_196 : i32
        %parallel_loop3A_198 = arith.index_cast %parallel_loop3A_101 : i32 to index
        %parallel_loop3A_199 = arith.index_cast %parallel_loop3A_197 : i32 to index
        %parallel_loop3A_200 = tpu.vector_load %arg5[%parallel_loop3A_198, %parallel_loop3A_199] {strides = array<i32>} : memref<8x4096xf32, #tpu.memory_space<vmem>>, vector<16xf32>,
        tpu.vector_store %arg5[%parallel_loop3A_198, %parallel_loop3A_199], %parallel_loop3A_195 {strides = array<i32>} : memref<8x4096xf32, #tpu.memory_space<vmem>>, vector<16xf32>,
        %parallel_loop3A_201 = arith.constant 0.000000e+00 : f32
        %parallel_loop3A_202 = vector.broadcast %parallel_loop3A_201 : f32 to vector<16xf32>
        %parallel_loop3A_203 = arith.cmpf one, %parallel_loop3A_195, %parallel_loop3A_202 : vector<16xf32>
        %parallel_loop3A_204 = arith.extui %parallel_loop3A_203 : vector<16xi1> to vector<16xi32>
        %parallel_loop3A_205 = arith.sitofp %parallel_loop3A_204 : vector<16xi32> to vector<16xf32>
        %parallel_loop3A_206 = arith.constant 16 : i32
        %parallel_loop3A_207 = arith.addi %parallel_loop3A_105, %parallel_loop3A_206 : i32
        %parallel_loop3A_208 = arith.index_cast %parallel_loop3A_207 : i32 to index
        %parallel_loop3A_209 = tpu.vector_load %arg7[%parallel_loop3A_208] {strides = array<i32>} : memref<4096xf32, #tpu.memory_space<vmem>>, vector<16xf32>,
        tpu.vector_store %arg7[%parallel_loop3A_208], %parallel_loop3A_205 {add = true, strides = array<i32>} : memref<4096xf32, #tpu.memory_space<vmem>>, vector<16xf32>,
        %parallel_loop3A_210 = vector.broadcast %parallel_loop3A_171 : f32 to vector<16xf32>
        %parallel_loop3A_211 = arith.cmpf oge, %parallel_loop3A_128, %parallel_loop3A_210 : vector<16xf32>
        %parallel_loop3A_212 = arith.constant 0.000000e+00 : f32
        %parallel_loop3A_213 = vector.broadcast %parallel_loop3A_212 : f32 to vector<16xf32>
        %parallel_loop3A_214 = arith.select %parallel_loop3A_211, %parallel_loop3A_120, %parallel_loop3A_213 : vector<16xi1>, vector<16xf32>
        %parallel_loop3A_215 = arith.constant 32 : i32
        %parallel_loop3A_216 = arith.addi %parallel_loop3A_105, %parallel_loop3A_215 : i32
        %parallel_loop3A_217 = arith.index_cast %parallel_loop3A_101 : i32 to index
        %parallel_loop3A_218 = arith.index_cast %parallel_loop3A_216 : i32 to index
        %parallel_loop3A_219 = tpu.vector_load %arg5[%parallel_loop3A_217, %parallel_loop3A_218] {strides = array<i32>} : memref<8x4096xf32, #tpu.memory_space<vmem>>, vector<16xf32>,
        tpu.vector_store %arg5[%parallel_loop3A_217, %parallel_loop3A_218], %parallel_loop3A_214 {strides = array<i32>} : memref<8x4096xf32, #tpu.memory_space<vmem>>, vector<16xf32>,
        %parallel_loop3A_220 = arith.constant 0.000000e+00 : f32
        %parallel_loop3A_221 = vector.broadcast %parallel_loop3A_220 : f32 to vector<16xf32>
        %parallel_loop3A_222 = arith.cmpf one, %parallel_loop3A_214, %parallel_loop3A_221 : vector<16xf32>
        %parallel_loop3A_223 = arith.extui %parallel_loop3A_222 : vector<16xi1> to vector<16xi32>
        %parallel_loop3A_224 = arith.sitofp %parallel_loop3A_223 : vector<16xi32> to vector<16xf32>
        %parallel_loop3A_225 = arith.constant 32 : i32
        %parallel_loop3A_226 = arith.addi %parallel_loop3A_105, %parallel_loop3A_225 : i32
        %parallel_loop3A_227 = arith.index_cast %parallel_loop3A_226 : i32 to index
        %parallel_loop3A_228 = tpu.vector_load %arg7[%parallel_loop3A_227] {strides = array<i32>} : memref<4096xf32, #tpu.memory_space<vmem>>, vector<16xf32>,
        tpu.vector_store %arg7[%parallel_loop3A_227], %parallel_loop3A_224 {add = true, strides = array<i32>} : memref<4096xf32, #tpu.memory_space<vmem>>, vector<16xf32>,
        %parallel_loop3A_229 = vector.broadcast %parallel_loop3A_171 : f32 to vector<16xf32>
        %parallel_loop3A_230 = arith.cmpf oge, %parallel_loop3A_129, %parallel_loop3A_229 : vector<16xf32>
        %parallel_loop3A_231 = arith.constant 0.000000e+00 : f32
        %parallel_loop3A_232 = vector.broadcast %parallel_loop3A_231 : f32 to vector<16xf32>
        %parallel_loop3A_233 = arith.select %parallel_loop3A_230, %parallel_loop3A_125, %parallel_loop3A_232 : vector<16xi1>, vector<16xf32>
        %parallel_loop3A_234 = arith.constant 48 : i32
        %parallel_loop3A_235 = arith.addi %parallel_loop3A_105, %parallel_loop3A_234 : i32
        %parallel_loop3A_236 = arith.index_cast %parallel_loop3A_101 : i32 to index
        %parallel_loop3A_237 = arith.index_cast %parallel_loop3A_235 : i32 to index
        %parallel_loop3A_238 = tpu.vector_load %arg5[%parallel_loop3A_236, %parallel_loop3A_237] {strides = array<i32>} : memref<8x4096xf32, #tpu.memory_space<vmem>>, vector<16xf32>,
        tpu.vector_store %arg5[%parallel_loop3A_236, %parallel_loop3A_237], %parallel_loop3A_233 {strides = array<i32>} : memref<8x4096xf32, #tpu.memory_space<vmem>>, vector<16xf32>,
        %parallel_loop3A_239 = arith.constant 0.000000e+00 : f32
        %parallel_loop3A_240 = vector.broadcast %parallel_loop3A_239 : f32 to vector<16xf32>
        %parallel_loop3A_241 = arith.cmpf one, %parallel_loop3A_233, %parallel_loop3A_240 : vector<16xf32>
        %parallel_loop3A_242 = arith.extui %parallel_loop3A_241 : vector<16xi1> to vector<16xi32>
        %parallel_loop3A_243 = arith.sitofp %parallel_loop3A_242 : vector<16xi32> to vector<16xf32>
        %parallel_loop3A_244 = arith.constant 48 : i32
        %parallel_loop3A_245 = arith.addi %parallel_loop3A_105, %parallel_loop3A_244 : i32
        %parallel_loop3A_246 = arith.index_cast %parallel_loop3A_245 : i32 to index
        %parallel_loop3A_247 = tpu.vector_load %arg7[%parallel_loop3A_246] {strides = array<i32>} : memref<4096xf32, #tpu.memory_space<vmem>>, vector<16xf32>,
        tpu.vector_store %arg7[%parallel_loop3A_246], %parallel_loop3A_243 {add = true, strides = array<i32>} : memref<4096xf32, #tpu.memory_space<vmem>>, vector<16xf32>,
      } {sc.loop_unroll_factor = 16 : i64, sc.parallel_access}
      %dma_start3A_54 = arith.constant 0 : i32
      %dma_start3A_55 = tpu.memref_slice %arg3[%add3A_29, %dma_start3A_54] : memref<4096x4096xf32, #tpu.memory_space<hbm>> -> memref<8x4096xf32, #tpu.memory_space<hbm>>
      %dma_start3A_56 = arith.constant 0 : i32
      %dma_start3A_57 = tpu.memref_slice %arg3[%add3A_29, %dma_start3A_56] : memref<4096x4096xf32, #tpu.memory_space<hbm>> -> memref<8x4096xf32, #tpu.memory_space<hbm>>
      tpu.enqueue_dma source(%arg5 : memref<8x4096xf32, #tpu.memory_space<vmem>>) target(%dma_start3A_57 : memref<8x4096xf32, #tpu.memory_space<hbm>>) target_semaphore(%arg10 : memref<!tpu.dma_semaphore, #tpu.memory_space<semaphore_mem>>)
      %mul3A_58 = arith.constant 2 : i32
      %mul3A_59 = arith.muli %mul3A_58, %scan3A_22 : i32
      %add3A_60 = arith.constant 1 : i32
      %add3A_61 = arith.addi %mul3A_59, %add3A_60 : i32
      %mul3A_62 = arith.constant 8 : i32
      %mul3A_63 = arith.muli %add3A_61, %mul3A_62 : i32
      %add3A_64 = arith.addi %mul3A_2, %mul3A_63 : i32
      %dma_wait3A_65 = arith.constant 0 : i32
      %dma_wait3A_66 = tpu.memref_slice %arg2[%mul3A_2, %dma_wait3A_65] : memref<4096x4096xf32, #tpu.memory_space<hbm>> -> memref<8x4096xf32, #tpu.memory_space<hbm>>
      %dma_wait3A_67 = arith.constant 0 : i32
      %dma_wait3A_68 = tpu.memref_slice %arg2[%mul3A_2, %dma_wait3A_67] : memref<4096x4096xf32, #tpu.memory_space<hbm>> -> memref<8x4096xf32, #tpu.memory_space<hbm>>
      tpu.wait_dma2 semaphore(%arg9 : memref<!tpu.dma_semaphore, #tpu.memory_space<semaphore_mem>>) src(%dma_wait3A_68 : memref<8x4096xf32, #tpu.memory_space<hbm>>) dst(%arg6 : memref<8x4096xf32, #tpu.memory_space<vmem>>)
      %parallel_loop3A_69 = arith.constant 0 : i32
      %parallel_loop3A_70 = arith.constant 256 : i32
      %parallel_loop3A_71 = arith.constant 1 : i32
      scf.for %parallel_loop3A_99 = %parallel_loop3A_69 to %parallel_loop3A_70 step %parallel_loop3A_71  : i32 {
        %parallel_loop3A_100 = arith.constant 64 : i32
        %parallel_loop3A_101 = arith.divsi %parallel_loop3A_99, %parallel_loop3A_100 : i32
        %parallel_loop3A_102 = arith.constant 64 : i32
        %parallel_loop3A_103 = arith.remsi %parallel_loop3A_99, %parallel_loop3A_102 : i32
        %parallel_loop3A_104 = arith.constant 64 : i32
        %parallel_loop3A_105 = arith.muli %parallel_loop3A_103, %parallel_loop3A_104 : i32
        %parallel_loop3A_106 = arith.constant 0 : i32
        %parallel_loop3A_107 = arith.addi %parallel_loop3A_105, %parallel_loop3A_106 : i32
        %parallel_loop3A_108 = arith.index_cast %parallel_loop3A_101 : i32 to index
        %parallel_loop3A_109 = arith.index_cast %parallel_loop3A_107 : i32 to index
        %parallel_loop3A_110 = tpu.vector_load %arg6[%parallel_loop3A_108, %parallel_loop3A_109] {strides = array<i32>} : memref<8x4096xf32, #tpu.memory_space<vmem>>, vector<16xf32>,
        %parallel_loop3A_111 = arith.constant 16 : i32
        %parallel_loop3A_112 = arith.addi %parallel_loop3A_105, %parallel_loop3A_111 : i32
        %parallel_loop3A_113 = arith.index_cast %parallel_loop3A_101 : i32 to index
        %parallel_loop3A_114 = arith.index_cast %parallel_loop3A_112 : i32 to index
        %parallel_loop3A_115 = tpu.vector_load %arg6[%parallel_loop3A_113, %parallel_loop3A_114] {strides = array<i32>} : memref<8x4096xf32, #tpu.memory_space<vmem>>, vector<16xf32>,
        %parallel_loop3A_116 = arith.constant 32 : i32
        %parallel_loop3A_117 = arith.addi %parallel_loop3A_105, %parallel_loop3A_116 : i32
        %parallel_loop3A_118 = arith.index_cast %parallel_loop3A_101 : i32 to index
        %parallel_loop3A_119 = arith.index_cast %parallel_loop3A_117 : i32 to index
        %parallel_loop3A_120 = tpu.vector_load %arg6[%parallel_loop3A_118, %parallel_loop3A_119] {strides = array<i32>} : memref<8x4096xf32, #tpu.memory_space<vmem>>, vector<16xf32>,
        %parallel_loop3A_121 = arith.constant 48 : i32
        %parallel_loop3A_122 = arith.addi %parallel_loop3A_105, %parallel_loop3A_121 : i32
        %parallel_loop3A_123 = arith.index_cast %parallel_loop3A_101 : i32 to index
        %parallel_loop3A_124 = arith.index_cast %parallel_loop3A_122 : i32 to index
        %parallel_loop3A_125 = tpu.vector_load %arg6[%parallel_loop3A_123, %parallel_loop3A_124] {strides = array<i32>} : memref<8x4096xf32, #tpu.memory_space<vmem>>, vector<16xf32>,
        %parallel_loop3A_126 = math.absf %parallel_loop3A_110 : vector<16xf32>
        %parallel_loop3A_127 = math.absf %parallel_loop3A_115 : vector<16xf32>
        %parallel_loop3A_128 = math.absf %parallel_loop3A_120 : vector<16xf32>
        %parallel_loop3A_129 = math.absf %parallel_loop3A_125 : vector<16xf32>
        %parallel_loop3A_130 = arith.constant dense<true> : vector<16xi1>
        %parallel_loop3A_131, %parallel_loop3A_132, %parallel_loop3A_133 = tpu.sort %parallel_loop3A_126, %parallel_loop3A_126 masked %parallel_loop3A_130 : (vector<16xf32>, vector<16xf32>, vector<16xi1>) -> (vector<16xi1>, vector<16xf32>, vector<16xf32>)
        %parallel_loop3A_134 = arith.constant dense<true> : vector<16xi1>
        %parallel_loop3A_135, %parallel_loop3A_136, %parallel_loop3A_137 = tpu.sort %parallel_loop3A_127, %parallel_loop3A_127 masked %parallel_loop3A_134 {descending = true} : (vector<16xf32>, vector<16xf32>, vector<16xi1>) -> (vector<16xi1>, vector<16xf32>, vector<16xf32>)
        %parallel_loop3A_138 = arith.maximumf %parallel_loop3A_132, %parallel_loop3A_136 : vector<16xf32>
        %parallel_loop3A_139 = arith.constant dense<true> : vector<16xi1>
        %parallel_loop3A_140, %parallel_loop3A_141, %parallel_loop3A_142 = tpu.sort %parallel_loop3A_128, %parallel_loop3A_128 masked %parallel_loop3A_139 : (vector<16xf32>, vector<16xf32>, vector<16xi1>) -> (vector<16xi1>, vector<16xf32>, vector<16xf32>)
        %parallel_loop3A_143 = arith.constant dense<true> : vector<16xi1>
        %parallel_loop3A_144, %parallel_loop3A_145, %parallel_loop3A_146 = tpu.sort %parallel_loop3A_129, %parallel_loop3A_129 masked %parallel_loop3A_143 {descending = true} : (vector<16xf32>, vector<16xf32>, vector<16xi1>) -> (vector<16xi1>, vector<16xf32>, vector<16xf32>)
        %parallel_loop3A_147 = arith.maximumf %parallel_loop3A_141, %parallel_loop3A_145 : vector<16xf32>
        %parallel_loop3A_148 = arith.constant dense<true> : vector<16xi1>
        %parallel_loop3A_149, %parallel_loop3A_150, %parallel_loop3A_151 = tpu.sort %parallel_loop3A_138, %parallel_loop3A_138 masked %parallel_loop3A_148 : (vector<16xf32>, vector<16xf32>, vector<16xi1>) -> (vector<16xi1>, vector<16xf32>, vector<16xf32>)
        %parallel_loop3A_152 = arith.constant dense<true> : vector<16xi1>
        %parallel_loop3A_153, %parallel_loop3A_154, %parallel_loop3A_155 = tpu.sort %parallel_loop3A_147, %parallel_loop3A_147 masked %parallel_loop3A_152 {descending = true} : (vector<16xf32>, vector<16xf32>, vector<16xi1>) -> (vector<16xi1>, vector<16xf32>, vector<16xf32>)
        %parallel_loop3A_156 = arith.maximumf %parallel_loop3A_150, %parallel_loop3A_154 : vector<16xf32>
        %parallel_loop3A_157 = arith.constant dense<true> : vector<16xi1>
        %parallel_loop3A_158, %parallel_loop3A_159, %parallel_loop3A_160 = tpu.sort %parallel_loop3A_156, %parallel_loop3A_156 masked %parallel_loop3A_157 : (vector<16xf32>, vector<16xf32>, vector<16xi1>) -> (vector<16xi1>, vector<16xf32>, vector<16xf32>)
        %parallel_loop3A_161 = tpu.iota {dimensions = array<i32: 0>} : vector<16xi32>
        %parallel_loop3A_162 = arith.constant 8 : i32
        %parallel_loop3A_163 = vector.broadcast %parallel_loop3A_162 : i32 to vector<16xi32>
        %parallel_loop3A_164 = arith.cmpi eq, %parallel_loop3A_161, %parallel_loop3A_163 : vector<16xi32>
        %parallel_loop3A_165 = arith.constant 0xFF800000 : f32
        %parallel_loop3A_166 = vector.broadcast %parallel_loop3A_165 : f32 to vector<16xf32>
        %parallel_loop3A_167 = arith.select %parallel_loop3A_164, %parallel_loop3A_159, %parallel_loop3A_166 : vector<16xi1>, vector<16xf32>
        %parallel_loop3A_168 = arith.constant true
        %parallel_loop3A_169 = vector.broadcast %parallel_loop3A_168 : i1 to vector<16xi1>
        %parallel_loop3A_170 = tpu.scan <max>, %parallel_loop3A_167 masked %parallel_loop3A_169 : vector<16xf32>, vector<16xi1> -> vector<16xf32>
        %parallel_loop3A_171 = vector.extract %parallel_loop3A_170[15] : f32 from vector<16xf32>
        %parallel_loop3A_172 = vector.broadcast %parallel_loop3A_171 : f32 to vector<16xf32>
        %parallel_loop3A_173 = arith.cmpf oge, %parallel_loop3A_126, %parallel_loop3A_172 : vector<16xf32>
        %parallel_loop3A_174 = arith.constant 0.000000e+00 : f32
        %parallel_loop3A_175 = vector.broadcast %parallel_loop3A_174 : f32 to vector<16xf32>
        %parallel_loop3A_176 = arith.select %parallel_loop3A_173, %parallel_loop3A_110, %parallel_loop3A_175 : vector<16xi1>, vector<16xf32>
        %parallel_loop3A_177 = arith.constant 0 : i32
        %parallel_loop3A_178 = arith.addi %parallel_loop3A_105, %parallel_loop3A_177 : i32
        %parallel_loop3A_179 = arith.index_cast %parallel_loop3A_101 : i32 to index
        %parallel_loop3A_180 = arith.index_cast %parallel_loop3A_178 : i32 to index
        %parallel_loop3A_181 = tpu.vector_load %arg6[%parallel_loop3A_179, %parallel_loop3A_180] {strides = array<i32>} : memref<8x4096xf32, #tpu.memory_space<vmem>>, vector<16xf32>,
        tpu.vector_store %arg6[%parallel_loop3A_179, %parallel_loop3A_180], %parallel_loop3A_176 {strides = array<i32>} : memref<8x4096xf32, #tpu.memory_space<vmem>>, vector<16xf32>,
        %parallel_loop3A_182 = arith.constant 0.000000e+00 : f32
        %parallel_loop3A_183 = vector.broadcast %parallel_loop3A_182 : f32 to vector<16xf32>
        %parallel_loop3A_184 = arith.cmpf one, %parallel_loop3A_176, %parallel_loop3A_183 : vector<16xf32>
        %parallel_loop3A_185 = arith.extui %parallel_loop3A_184 : vector<16xi1> to vector<16xi32>
        %parallel_loop3A_186 = arith.sitofp %parallel_loop3A_185 : vector<16xi32> to vector<16xf32>
        %parallel_loop3A_187 = arith.constant 0 : i32
        %parallel_loop3A_188 = arith.addi %parallel_loop3A_105, %parallel_loop3A_187 : i32
        %parallel_loop3A_189 = arith.index_cast %parallel_loop3A_188 : i32 to index
        %parallel_loop3A_190 = tpu.vector_load %arg7[%parallel_loop3A_189] {strides = array<i32>} : memref<4096xf32, #tpu.memory_space<vmem>>, vector<16xf32>,
        tpu.vector_store %arg7[%parallel_loop3A_189], %parallel_loop3A_186 {add = true, strides = array<i32>} : memref<4096xf32, #tpu.memory_space<vmem>>, vector<16xf32>,
        %parallel_loop3A_191 = vector.broadcast %parallel_loop3A_171 : f32 to vector<16xf32>
        %parallel_loop3A_192 = arith.cmpf oge, %parallel_loop3A_127, %parallel_loop3A_191 : vector<16xf32>
        %parallel_loop3A_193 = arith.constant 0.000000e+00 : f32
        %parallel_loop3A_194 = vector.broadcast %parallel_loop3A_193 : f32 to vector<16xf32>
        %parallel_loop3A_195 = arith.select %parallel_loop3A_192, %parallel_loop3A_115, %parallel_loop3A_194 : vector<16xi1>, vector<16xf32>
        %parallel_loop3A_196 = arith.constant 16 : i32
        %parallel_loop3A_197 = arith.addi %parallel_loop3A_105, %parallel_loop3A_196 : i32
        %parallel_loop3A_198 = arith.index_cast %parallel_loop3A_101 : i32 to index
        %parallel_loop3A_199 = arith.index_cast %parallel_loop3A_197 : i32 to index
        %parallel_loop3A_200 = tpu.vector_load %arg6[%parallel_loop3A_198, %parallel_loop3A_199] {strides = array<i32>} : memref<8x4096xf32, #tpu.memory_space<vmem>>, vector<16xf32>,
        tpu.vector_store %arg6[%parallel_loop3A_198, %parallel_loop3A_199], %parallel_loop3A_195 {strides = array<i32>} : memref<8x4096xf32, #tpu.memory_space<vmem>>, vector<16xf32>,
        %parallel_loop3A_201 = arith.constant 0.000000e+00 : f32
        %parallel_loop3A_202 = vector.broadcast %parallel_loop3A_201 : f32 to vector<16xf32>
        %parallel_loop3A_203 = arith.cmpf one, %parallel_loop3A_195, %parallel_loop3A_202 : vector<16xf32>
        %parallel_loop3A_204 = arith.extui %parallel_loop3A_203 : vector<16xi1> to vector<16xi32>
        %parallel_loop3A_205 = arith.sitofp %parallel_loop3A_204 : vector<16xi32> to vector<16xf32>
        %parallel_loop3A_206 = arith.constant 16 : i32
        %parallel_loop3A_207 = arith.addi %parallel_loop3A_105, %parallel_loop3A_206 : i32
        %parallel_loop3A_208 = arith.index_cast %parallel_loop3A_207 : i32 to index
        %parallel_loop3A_209 = tpu.vector_load %arg7[%parallel_loop3A_208] {strides = array<i32>} : memref<4096xf32, #tpu.memory_space<vmem>>, vector<16xf32>,
        tpu.vector_store %arg7[%parallel_loop3A_208], %parallel_loop3A_205 {add = true, strides = array<i32>} : memref<4096xf32, #tpu.memory_space<vmem>>, vector<16xf32>,
        %parallel_loop3A_210 = vector.broadcast %parallel_loop3A_171 : f32 to vector<16xf32>
        %parallel_loop3A_211 = arith.cmpf oge, %parallel_loop3A_128, %parallel_loop3A_210 : vector<16xf32>
        %parallel_loop3A_212 = arith.constant 0.000000e+00 : f32
        %parallel_loop3A_213 = vector.broadcast %parallel_loop3A_212 : f32 to vector<16xf32>
        %parallel_loop3A_214 = arith.select %parallel_loop3A_211, %parallel_loop3A_120, %parallel_loop3A_213 : vector<16xi1>, vector<16xf32>
        %parallel_loop3A_215 = arith.constant 32 : i32
        %parallel_loop3A_216 = arith.addi %parallel_loop3A_105, %parallel_loop3A_215 : i32
        %parallel_loop3A_217 = arith.index_cast %parallel_loop3A_101 : i32 to index
        %parallel_loop3A_218 = arith.index_cast %parallel_loop3A_216 : i32 to index
        %parallel_loop3A_219 = tpu.vector_load %arg6[%parallel_loop3A_217, %parallel_loop3A_218] {strides = array<i32>} : memref<8x4096xf32, #tpu.memory_space<vmem>>, vector<16xf32>,
        tpu.vector_store %arg6[%parallel_loop3A_217, %parallel_loop3A_218], %parallel_loop3A_214 {strides = array<i32>} : memref<8x4096xf32, #tpu.memory_space<vmem>>, vector<16xf32>,
        %parallel_loop3A_220 = arith.constant 0.000000e+00 : f32
        %parallel_loop3A_221 = vector.broadcast %parallel_loop3A_220 : f32 to vector<16xf32>
        %parallel_loop3A_222 = arith.cmpf one, %parallel_loop3A_214, %parallel_loop3A_221 : vector<16xf32>
        %parallel_loop3A_223 = arith.extui %parallel_loop3A_222 : vector<16xi1> to vector<16xi32>
        %parallel_loop3A_224 = arith.sitofp %parallel_loop3A_223 : vector<16xi32> to vector<16xf32>
        %parallel_loop3A_225 = arith.constant 32 : i32
        %parallel_loop3A_226 = arith.addi %parallel_loop3A_105, %parallel_loop3A_225 : i32
        %parallel_loop3A_227 = arith.index_cast %parallel_loop3A_226 : i32 to index
        %parallel_loop3A_228 = tpu.vector_load %arg7[%parallel_loop3A_227] {strides = array<i32>} : memref<4096xf32, #tpu.memory_space<vmem>>, vector<16xf32>,
        tpu.vector_store %arg7[%parallel_loop3A_227], %parallel_loop3A_224 {add = true, strides = array<i32>} : memref<4096xf32, #tpu.memory_space<vmem>>, vector<16xf32>,
        %parallel_loop3A_229 = vector.broadcast %parallel_loop3A_171 : f32 to vector<16xf32>
        %parallel_loop3A_230 = arith.cmpf oge, %parallel_loop3A_129, %parallel_loop3A_229 : vector<16xf32>
        %parallel_loop3A_231 = arith.constant 0.000000e+00 : f32
        %parallel_loop3A_232 = vector.broadcast %parallel_loop3A_231 : f32 to vector<16xf32>
        %parallel_loop3A_233 = arith.select %parallel_loop3A_230, %parallel_loop3A_125, %parallel_loop3A_232 : vector<16xi1>, vector<16xf32>
        %parallel_loop3A_234 = arith.constant 48 : i32
        %parallel_loop3A_235 = arith.addi %parallel_loop3A_105, %parallel_loop3A_234 : i32
        %parallel_loop3A_236 = arith.index_cast %parallel_loop3A_101 : i32 to index
        %parallel_loop3A_237 = arith.index_cast %parallel_loop3A_235 : i32 to index
        %parallel_loop3A_238 = tpu.vector_load %arg6[%parallel_loop3A_236, %parallel_loop3A_237] {strides = array<i32>} : memref<8x4096xf32, #tpu.memory_space<vmem>>, vector<16xf32>,
        tpu.vector_store %arg6[%parallel_loop3A_236, %parallel_loop3A_237], %parallel_loop3A_233 {strides = array<i32>} : memref<8x4096xf32, #tpu.memory_space<vmem>>, vector<16xf32>,
        %parallel_loop3A_239 = arith.constant 0.000000e+00 : f32
        %parallel_loop3A_240 = vector.broadcast %parallel_loop3A_239 : f32 to vector<16xf32>
        %parallel_loop3A_241 = arith.cmpf one, %parallel_loop3A_233, %parallel_loop3A_240 : vector<16xf32>
        %parallel_loop3A_242 = arith.extui %parallel_loop3A_241 : vector<16xi1> to vector<16xi32>
        %parallel_loop3A_243 = arith.sitofp %parallel_loop3A_242 : vector<16xi32> to vector<16xf32>
        %parallel_loop3A_244 = arith.constant 48 : i32
        %parallel_loop3A_245 = arith.addi %parallel_loop3A_105, %parallel_loop3A_244 : i32
        %parallel_loop3A_246 = arith.index_cast %parallel_loop3A_245 : i32 to index
        %parallel_loop3A_247 = tpu.vector_load %arg7[%parallel_loop3A_246] {strides = array<i32>} : memref<4096xf32, #tpu.memory_space<vmem>>, vector<16xf32>,
        tpu.vector_store %arg7[%parallel_loop3A_246], %parallel_loop3A_243 {add = true, strides = array<i32>} : memref<4096xf32, #tpu.memory_space<vmem>>, vector<16xf32>,
      } {sc.loop_unroll_factor = 16 : i64, sc.parallel_access}
      %ge3A_72 = arith.constant 1 : i32
      %ge3A_73 = arith.cmpi sge, %add3A_61, %ge3A_72 : i32
      %add3A_74 = arith.constant 1 : i32
      %add3A_75 = arith.addi %add3A_61, %add3A_74 : i32
      %lt3A_76 = arith.constant 16 : i32
      %lt3A_77 = arith.cmpi slt, %add3A_75, %lt3A_76 : i32
      %and3A_78 = arith.andi %ge3A_73, %lt3A_77 : i1
      %convert_element_type3A_79 = arith.extui %and3A_78 : i1 to i32
      %cond3A_80 = arith.constant 0 : i32
      %cond3A_81 = arith.cmpi ne, %convert_element_type3A_79, %cond3A_80 : i32
      scf.if %cond3A_81 {
        %dma_wait3A_99 = arith.constant 0 : i32
        %dma_wait3A_100 = tpu.memref_slice %arg3[%mul3A_2, %dma_wait3A_99] : memref<4096x4096xf32, #tpu.memory_space<hbm>> -> memref<8x4096xf32, #tpu.memory_space<hbm>>
        %dma_wait3A_101 = arith.constant 0 : i32
        %dma_wait3A_102 = tpu.memref_slice %arg3[%mul3A_2, %dma_wait3A_101] : memref<4096x4096xf32, #tpu.memory_space<hbm>> -> memref<8x4096xf32, #tpu.memory_space<hbm>>
        tpu.wait_dma2 semaphore(%arg10 : memref<!tpu.dma_semaphore, #tpu.memory_space<semaphore_mem>>) src(%arg5 : memref<8x4096xf32, #tpu.memory_space<vmem>>) dst(%dma_wait3A_102 : memref<8x4096xf32, #tpu.memory_space<hbm>>)
        %add3A_103 = arith.constant 8 : i32
        %add3A_104 = arith.addi %add3A_64, %add3A_103 : i32
        %dma_start3A_105 = arith.constant 0 : i32
        %dma_start3A_106 = tpu.memref_slice %arg2[%add3A_104, %dma_start3A_105] : memref<4096x4096xf32, #tpu.memory_space<hbm>> -> memref<8x4096xf32, #tpu.memory_space<hbm>>
        %dma_start3A_107 = arith.constant 0 : i32
        %dma_start3A_108 = tpu.memref_slice %arg2[%add3A_104, %dma_start3A_107] : memref<4096x4096xf32, #tpu.memory_space<hbm>> -> memref<8x4096xf32, #tpu.memory_space<hbm>>
        tpu.enqueue_dma source(%dma_start3A_108 : memref<8x4096xf32, #tpu.memory_space<hbm>>) target(%arg5 : memref<8x4096xf32, #tpu.memory_space<vmem>>) target_semaphore(%arg8 : memref<!tpu.dma_semaphore, #tpu.memory_space<semaphore_mem>>)
      } else {
      }
      %lt3A_82 = arith.constant 1 : i32
      %lt3A_83 = arith.cmpi slt, %add3A_61, %lt3A_82 : i32
      %add3A_84 = arith.constant 1 : i32
      %add3A_85 = arith.addi %add3A_61, %add3A_84 : i32
      %lt3A_86 = arith.constant 16 : i32
      %lt3A_87 = arith.cmpi slt, %add3A_85, %lt3A_86 : i32
      %and3A_88 = arith.andi %lt3A_83, %lt3A_87 : i1
      %convert_element_type3A_89 = arith.extui %and3A_88 : i1 to i32
      %cond3A_90 = arith.constant 0 : i32
      %cond3A_91 = arith.cmpi ne, %convert_element_type3A_89, %cond3A_90 : i32
      scf.if %cond3A_91 {
        %add3A_99 = arith.constant 8 : i32
        %add3A_100 = arith.addi %add3A_64, %add3A_99 : i32
        %dma_start3A_101 = arith.constant 0 : i32
        %dma_start3A_102 = tpu.memref_slice %arg2[%add3A_100, %dma_start3A_101] : memref<4096x4096xf32, #tpu.memory_space<hbm>> -> memref<8x4096xf32, #tpu.memory_space<hbm>>
        %dma_start3A_103 = arith.constant 0 : i32
        %dma_start3A_104 = tpu.memref_slice %arg2[%add3A_100, %dma_start3A_103] : memref<4096x4096xf32, #tpu.memory_space<hbm>> -> memref<8x4096xf32, #tpu.memory_space<hbm>>
        tpu.enqueue_dma source(%dma_start3A_104 : memref<8x4096xf32, #tpu.memory_space<hbm>>) target(%arg5 : memref<8x4096xf32, #tpu.memory_space<vmem>>) target_semaphore(%arg8 : memref<!tpu.dma_semaphore, #tpu.memory_space<semaphore_mem>>)
      } else {
      }
      %parallel_loop3A_92 = arith.constant 256 : i32
      %parallel_loop3A_93 = arith.constant 512 : i32
      %parallel_loop3A_94 = arith.constant 1 : i32
      scf.for %parallel_loop3A_99 = %parallel_loop3A_92 to %parallel_loop3A_93 step %parallel_loop3A_94  : i32 {
        %parallel_loop3A_100 = arith.constant 64 : i32
        %parallel_loop3A_101 = arith.divsi %parallel_loop3A_99, %parallel_loop3A_100 : i32
        %parallel_loop3A_102 = arith.constant 64 : i32
        %parallel_loop3A_103 = arith.remsi %parallel_loop3A_99, %parallel_loop3A_102 : i32
        %parallel_loop3A_104 = arith.constant 64 : i32
        %parallel_loop3A_105 = arith.muli %parallel_loop3A_103, %parallel_loop3A_104 : i32
        %parallel_loop3A_106 = arith.constant 0 : i32
        %parallel_loop3A_107 = arith.addi %parallel_loop3A_105, %parallel_loop3A_106 : i32
        %parallel_loop3A_108 = arith.index_cast %parallel_loop3A_101 : i32 to index
        %parallel_loop3A_109 = arith.index_cast %parallel_loop3A_107 : i32 to index
        %parallel_loop3A_110 = tpu.vector_load %arg6[%parallel_loop3A_108, %parallel_loop3A_109] {strides = array<i32>} : memref<8x4096xf32, #tpu.memory_space<vmem>>, vector<16xf32>,
        %parallel_loop3A_111 = arith.constant 16 : i32
        %parallel_loop3A_112 = arith.addi %parallel_loop3A_105, %parallel_loop3A_111 : i32
        %parallel_loop3A_113 = arith.index_cast %parallel_loop3A_101 : i32 to index
        %parallel_loop3A_114 = arith.index_cast %parallel_loop3A_112 : i32 to index
        %parallel_loop3A_115 = tpu.vector_load %arg6[%parallel_loop3A_113, %parallel_loop3A_114] {strides = array<i32>} : memref<8x4096xf32, #tpu.memory_space<vmem>>, vector<16xf32>,
        %parallel_loop3A_116 = arith.constant 32 : i32
        %parallel_loop3A_117 = arith.addi %parallel_loop3A_105, %parallel_loop3A_116 : i32
        %parallel_loop3A_118 = arith.index_cast %parallel_loop3A_101 : i32 to index
        %parallel_loop3A_119 = arith.index_cast %parallel_loop3A_117 : i32 to index
        %parallel_loop3A_120 = tpu.vector_load %arg6[%parallel_loop3A_118, %parallel_loop3A_119] {strides = array<i32>} : memref<8x4096xf32, #tpu.memory_space<vmem>>, vector<16xf32>,
        %parallel_loop3A_121 = arith.constant 48 : i32
        %parallel_loop3A_122 = arith.addi %parallel_loop3A_105, %parallel_loop3A_121 : i32
        %parallel_loop3A_123 = arith.index_cast %parallel_loop3A_101 : i32 to index
        %parallel_loop3A_124 = arith.index_cast %parallel_loop3A_122 : i32 to index
        %parallel_loop3A_125 = tpu.vector_load %arg6[%parallel_loop3A_123, %parallel_loop3A_124] {strides = array<i32>} : memref<8x4096xf32, #tpu.memory_space<vmem>>, vector<16xf32>,
        %parallel_loop3A_126 = math.absf %parallel_loop3A_110 : vector<16xf32>
        %parallel_loop3A_127 = math.absf %parallel_loop3A_115 : vector<16xf32>
        %parallel_loop3A_128 = math.absf %parallel_loop3A_120 : vector<16xf32>
        %parallel_loop3A_129 = math.absf %parallel_loop3A_125 : vector<16xf32>
        %parallel_loop3A_130 = arith.constant dense<true> : vector<16xi1>
        %parallel_loop3A_131, %parallel_loop3A_132, %parallel_loop3A_133 = tpu.sort %parallel_loop3A_126, %parallel_loop3A_126 masked %parallel_loop3A_130 : (vector<16xf32>, vector<16xf32>, vector<16xi1>) -> (vector<16xi1>, vector<16xf32>, vector<16xf32>)
        %parallel_loop3A_134 = arith.constant dense<true> : vector<16xi1>
        %parallel_loop3A_135, %parallel_loop3A_136, %parallel_loop3A_137 = tpu.sort %parallel_loop3A_127, %parallel_loop3A_127 masked %parallel_loop3A_134 {descending = true} : (vector<16xf32>, vector<16xf32>, vector<16xi1>) -> (vector<16xi1>, vector<16xf32>, vector<16xf32>)
        %parallel_loop3A_138 = arith.maximumf %parallel_loop3A_132, %parallel_loop3A_136 : vector<16xf32>
        %parallel_loop3A_139 = arith.constant dense<true> : vector<16xi1>
        %parallel_loop3A_140, %parallel_loop3A_141, %parallel_loop3A_142 = tpu.sort %parallel_loop3A_128, %parallel_loop3A_128 masked %parallel_loop3A_139 : (vector<16xf32>, vector<16xf32>, vector<16xi1>) -> (vector<16xi1>, vector<16xf32>, vector<16xf32>)
        %parallel_loop3A_143 = arith.constant dense<true> : vector<16xi1>
        %parallel_loop3A_144, %parallel_loop3A_145, %parallel_loop3A_146 = tpu.sort %parallel_loop3A_129, %parallel_loop3A_129 masked %parallel_loop3A_143 {descending = true} : (vector<16xf32>, vector<16xf32>, vector<16xi1>) -> (vector<16xi1>, vector<16xf32>, vector<16xf32>)
        %parallel_loop3A_147 = arith.maximumf %parallel_loop3A_141, %parallel_loop3A_145 : vector<16xf32>
        %parallel_loop3A_148 = arith.constant dense<true> : vector<16xi1>
        %parallel_loop3A_149, %parallel_loop3A_150, %parallel_loop3A_151 = tpu.sort %parallel_loop3A_138, %parallel_loop3A_138 masked %parallel_loop3A_148 : (vector<16xf32>, vector<16xf32>, vector<16xi1>) -> (vector<16xi1>, vector<16xf32>, vector<16xf32>)
        %parallel_loop3A_152 = arith.constant dense<true> : vector<16xi1>
        %parallel_loop3A_153, %parallel_loop3A_154, %parallel_loop3A_155 = tpu.sort %parallel_loop3A_147, %parallel_loop3A_147 masked %parallel_loop3A_152 {descending = true} : (vector<16xf32>, vector<16xf32>, vector<16xi1>) -> (vector<16xi1>, vector<16xf32>, vector<16xf32>)
        %parallel_loop3A_156 = arith.maximumf %parallel_loop3A_150, %parallel_loop3A_154 : vector<16xf32>
        %parallel_loop3A_157 = arith.constant dense<true> : vector<16xi1>
        %parallel_loop3A_158, %parallel_loop3A_159, %parallel_loop3A_160 = tpu.sort %parallel_loop3A_156, %parallel_loop3A_156 masked %parallel_loop3A_157 : (vector<16xf32>, vector<16xf32>, vector<16xi1>) -> (vector<16xi1>, vector<16xf32>, vector<16xf32>)
        %parallel_loop3A_161 = tpu.iota {dimensions = array<i32: 0>} : vector<16xi32>
        %parallel_loop3A_162 = arith.constant 8 : i32
        %parallel_loop3A_163 = vector.broadcast %parallel_loop3A_162 : i32 to vector<16xi32>
        %parallel_loop3A_164 = arith.cmpi eq, %parallel_loop3A_161, %parallel_loop3A_163 : vector<16xi32>
        %parallel_loop3A_165 = arith.constant 0xFF800000 : f32
        %parallel_loop3A_166 = vector.broadcast %parallel_loop3A_165 : f32 to vector<16xf32>
        %parallel_loop3A_167 = arith.select %parallel_loop3A_164, %parallel_loop3A_159, %parallel_loop3A_166 : vector<16xi1>, vector<16xf32>
        %parallel_loop3A_168 = arith.constant true
        %parallel_loop3A_169 = vector.broadcast %parallel_loop3A_168 : i1 to vector<16xi1>
        %parallel_loop3A_170 = tpu.scan <max>, %parallel_loop3A_167 masked %parallel_loop3A_169 : vector<16xf32>, vector<16xi1> -> vector<16xf32>
        %parallel_loop3A_171 = vector.extract %parallel_loop3A_170[15] : f32 from vector<16xf32>
        %parallel_loop3A_172 = vector.broadcast %parallel_loop3A_171 : f32 to vector<16xf32>
        %parallel_loop3A_173 = arith.cmpf oge, %parallel_loop3A_126, %parallel_loop3A_172 : vector<16xf32>
        %parallel_loop3A_174 = arith.constant 0.000000e+00 : f32
        %parallel_loop3A_175 = vector.broadcast %parallel_loop3A_174 : f32 to vector<16xf32>
        %parallel_loop3A_176 = arith.select %parallel_loop3A_173, %parallel_loop3A_110, %parallel_loop3A_175 : vector<16xi1>, vector<16xf32>
        %parallel_loop3A_177 = arith.constant 0 : i32
        %parallel_loop3A_178 = arith.addi %parallel_loop3A_105, %parallel_loop3A_177 : i32
        %parallel_loop3A_179 = arith.index_cast %parallel_loop3A_101 : i32 to index
        %parallel_loop3A_180 = arith.index_cast %parallel_loop3A_178 : i32 to index
        %parallel_loop3A_181 = tpu.vector_load %arg6[%parallel_loop3A_179, %parallel_loop3A_180] {strides = array<i32>} : memref<8x4096xf32, #tpu.memory_space<vmem>>, vector<16xf32>,
        tpu.vector_store %arg6[%parallel_loop3A_179, %parallel_loop3A_180], %parallel_loop3A_176 {strides = array<i32>} : memref<8x4096xf32, #tpu.memory_space<vmem>>, vector<16xf32>,
        %parallel_loop3A_182 = arith.constant 0.000000e+00 : f32
        %parallel_loop3A_183 = vector.broadcast %parallel_loop3A_182 : f32 to vector<16xf32>
        %parallel_loop3A_184 = arith.cmpf one, %parallel_loop3A_176, %parallel_loop3A_183 : vector<16xf32>
        %parallel_loop3A_185 = arith.extui %parallel_loop3A_184 : vector<16xi1> to vector<16xi32>
        %parallel_loop3A_186 = arith.sitofp %parallel_loop3A_185 : vector<16xi32> to vector<16xf32>
        %parallel_loop3A_187 = arith.constant 0 : i32
        %parallel_loop3A_188 = arith.addi %parallel_loop3A_105, %parallel_loop3A_187 : i32
        %parallel_loop3A_189 = arith.index_cast %parallel_loop3A_188 : i32 to index
        %parallel_loop3A_190 = tpu.vector_load %arg7[%parallel_loop3A_189] {strides = array<i32>} : memref<4096xf32, #tpu.memory_space<vmem>>, vector<16xf32>,
        tpu.vector_store %arg7[%parallel_loop3A_189], %parallel_loop3A_186 {add = true, strides = array<i32>} : memref<4096xf32, #tpu.memory_space<vmem>>, vector<16xf32>,
        %parallel_loop3A_191 = vector.broadcast %parallel_loop3A_171 : f32 to vector<16xf32>
        %parallel_loop3A_192 = arith.cmpf oge, %parallel_loop3A_127, %parallel_loop3A_191 : vector<16xf32>
        %parallel_loop3A_193 = arith.constant 0.000000e+00 : f32
        %parallel_loop3A_194 = vector.broadcast %parallel_loop3A_193 : f32 to vector<16xf32>
        %parallel_loop3A_195 = arith.select %parallel_loop3A_192, %parallel_loop3A_115, %parallel_loop3A_194 : vector<16xi1>, vector<16xf32>
        %parallel_loop3A_196 = arith.constant 16 : i32
        %parallel_loop3A_197 = arith.addi %parallel_loop3A_105, %parallel_loop3A_196 : i32
        %parallel_loop3A_198 = arith.index_cast %parallel_loop3A_101 : i32 to index
        %parallel_loop3A_199 = arith.index_cast %parallel_loop3A_197 : i32 to index
        %parallel_loop3A_200 = tpu.vector_load %arg6[%parallel_loop3A_198, %parallel_loop3A_199] {strides = array<i32>} : memref<8x4096xf32, #tpu.memory_space<vmem>>, vector<16xf32>,
        tpu.vector_store %arg6[%parallel_loop3A_198, %parallel_loop3A_199], %parallel_loop3A_195 {strides = array<i32>} : memref<8x4096xf32, #tpu.memory_space<vmem>>, vector<16xf32>,
        %parallel_loop3A_201 = arith.constant 0.000000e+00 : f32
        %parallel_loop3A_202 = vector.broadcast %parallel_loop3A_201 : f32 to vector<16xf32>
        %parallel_loop3A_203 = arith.cmpf one, %parallel_loop3A_195, %parallel_loop3A_202 : vector<16xf32>
        %parallel_loop3A_204 = arith.extui %parallel_loop3A_203 : vector<16xi1> to vector<16xi32>
        %parallel_loop3A_205 = arith.sitofp %parallel_loop3A_204 : vector<16xi32> to vector<16xf32>
        %parallel_loop3A_206 = arith.constant 16 : i32
        %parallel_loop3A_207 = arith.addi %parallel_loop3A_105, %parallel_loop3A_206 : i32
        %parallel_loop3A_208 = arith.index_cast %parallel_loop3A_207 : i32 to index
        %parallel_loop3A_209 = tpu.vector_load %arg7[%parallel_loop3A_208] {strides = array<i32>} : memref<4096xf32, #tpu.memory_space<vmem>>, vector<16xf32>,
        tpu.vector_store %arg7[%parallel_loop3A_208], %parallel_loop3A_205 {add = true, strides = array<i32>} : memref<4096xf32, #tpu.memory_space<vmem>>, vector<16xf32>,
        %parallel_loop3A_210 = vector.broadcast %parallel_loop3A_171 : f32 to vector<16xf32>
        %parallel_loop3A_211 = arith.cmpf oge, %parallel_loop3A_128, %parallel_loop3A_210 : vector<16xf32>
        %parallel_loop3A_212 = arith.constant 0.000000e+00 : f32
        %parallel_loop3A_213 = vector.broadcast %parallel_loop3A_212 : f32 to vector<16xf32>
        %parallel_loop3A_214 = arith.select %parallel_loop3A_211, %parallel_loop3A_120, %parallel_loop3A_213 : vector<16xi1>, vector<16xf32>
        %parallel_loop3A_215 = arith.constant 32 : i32
        %parallel_loop3A_216 = arith.addi %parallel_loop3A_105, %parallel_loop3A_215 : i32
        %parallel_loop3A_217 = arith.index_cast %parallel_loop3A_101 : i32 to index
        %parallel_loop3A_218 = arith.index_cast %parallel_loop3A_216 : i32 to index
        %parallel_loop3A_219 = tpu.vector_load %arg6[%parallel_loop3A_217, %parallel_loop3A_218] {strides = array<i32>} : memref<8x4096xf32, #tpu.memory_space<vmem>>, vector<16xf32>,
        tpu.vector_store %arg6[%parallel_loop3A_217, %parallel_loop3A_218], %parallel_loop3A_214 {strides = array<i32>} : memref<8x4096xf32, #tpu.memory_space<vmem>>, vector<16xf32>,
        %parallel_loop3A_220 = arith.constant 0.000000e+00 : f32
        %parallel_loop3A_221 = vector.broadcast %parallel_loop3A_220 : f32 to vector<16xf32>
        %parallel_loop3A_222 = arith.cmpf one, %parallel_loop3A_214, %parallel_loop3A_221 : vector<16xf32>
        %parallel_loop3A_223 = arith.extui %parallel_loop3A_222 : vector<16xi1> to vector<16xi32>
        %parallel_loop3A_224 = arith.sitofp %parallel_loop3A_223 : vector<16xi32> to vector<16xf32>
        %parallel_loop3A_225 = arith.constant 32 : i32
        %parallel_loop3A_226 = arith.addi %parallel_loop3A_105, %parallel_loop3A_225 : i32
        %parallel_loop3A_227 = arith.index_cast %parallel_loop3A_226 : i32 to index
        %parallel_loop3A_228 = tpu.vector_load %arg7[%parallel_loop3A_227] {strides = array<i32>} : memref<4096xf32, #tpu.memory_space<vmem>>, vector<16xf32>,
        tpu.vector_store %arg7[%parallel_loop3A_227], %parallel_loop3A_224 {add = true, strides = array<i32>} : memref<4096xf32, #tpu.memory_space<vmem>>, vector<16xf32>,
        %parallel_loop3A_229 = vector.broadcast %parallel_loop3A_171 : f32 to vector<16xf32>
        %parallel_loop3A_230 = arith.cmpf oge, %parallel_loop3A_129, %parallel_loop3A_229 : vector<16xf32>
        %parallel_loop3A_231 = arith.constant 0.000000e+00 : f32
        %parallel_loop3A_232 = vector.broadcast %parallel_loop3A_231 : f32 to vector<16xf32>
        %parallel_loop3A_233 = arith.select %parallel_loop3A_230, %parallel_loop3A_125, %parallel_loop3A_232 : vector<16xi1>, vector<16xf32>
        %parallel_loop3A_234 = arith.constant 48 : i32
        %parallel_loop3A_235 = arith.addi %parallel_loop3A_105, %parallel_loop3A_234 : i32
        %parallel_loop3A_236 = arith.index_cast %parallel_loop3A_101 : i32 to index
        %parallel_loop3A_237 = arith.index_cast %parallel_loop3A_235 : i32 to index
        %parallel_loop3A_238 = tpu.vector_load %arg6[%parallel_loop3A_236, %parallel_loop3A_237] {strides = array<i32>} : memref<8x4096xf32, #tpu.memory_space<vmem>>, vector<16xf32>,
        tpu.vector_store %arg6[%parallel_loop3A_236, %parallel_loop3A_237], %parallel_loop3A_233 {strides = array<i32>} : memref<8x4096xf32, #tpu.memory_space<vmem>>, vector<16xf32>,
        %parallel_loop3A_239 = arith.constant 0.000000e+00 : f32
        %parallel_loop3A_240 = vector.broadcast %parallel_loop3A_239 : f32 to vector<16xf32>
        %parallel_loop3A_241 = arith.cmpf one, %parallel_loop3A_233, %parallel_loop3A_240 : vector<16xf32>
        %parallel_loop3A_242 = arith.extui %parallel_loop3A_241 : vector<16xi1> to vector<16xi32>
        %parallel_loop3A_243 = arith.sitofp %parallel_loop3A_242 : vector<16xi32> to vector<16xf32>
        %parallel_loop3A_244 = arith.constant 48 : i32
        %parallel_loop3A_245 = arith.addi %parallel_loop3A_105, %parallel_loop3A_244 : i32
        %parallel_loop3A_246 = arith.index_cast %parallel_loop3A_245 : i32 to index
        %parallel_loop3A_247 = tpu.vector_load %arg7[%parallel_loop3A_246] {strides = array<i32>} : memref<4096xf32, #tpu.memory_space<vmem>>, vector<16xf32>,
        tpu.vector_store %arg7[%parallel_loop3A_246], %parallel_loop3A_243 {add = true, strides = array<i32>} : memref<4096xf32, #tpu.memory_space<vmem>>, vector<16xf32>,
      } {sc.loop_unroll_factor = 16 : i64, sc.parallel_access}
      %dma_start3A_95 = arith.constant 0 : i32
      %dma_start3A_96 = tpu.memref_slice %arg3[%add3A_64, %dma_start3A_95] : memref<4096x4096xf32, #tpu.memory_space<hbm>> -> memref<8x4096xf32, #tpu.memory_space<hbm>>
      %dma_start3A_97 = arith.constant 0 : i32
      %dma_start3A_98 = tpu.memref_slice %arg3[%add3A_64, %dma_start3A_97] : memref<4096x4096xf32, #tpu.memory_space<hbm>> -> memref<8x4096xf32, #tpu.memory_space<hbm>>
      tpu.enqueue_dma source(%arg6 : memref<8x4096xf32, #tpu.memory_space<vmem>>) target(%dma_start3A_98 : memref<8x4096xf32, #tpu.memory_space<hbm>>) target_semaphore(%arg11 : memref<!tpu.dma_semaphore, #tpu.memory_space<semaphore_mem>>)
    }
    %scan3A_14 = arith.constant 8 : i32
    %dma_wait3A = arith.constant 0 : i32
    %dma_wait3A_15 = tpu.memref_slice %arg3[%mul3A_2, %dma_wait3A] : memref<4096x4096xf32, #tpu.memory_space<hbm>> -> memref<8x4096xf32, #tpu.memory_space<hbm>>
    %dma_wait3A_16 = arith.constant 0 : i32
    %dma_wait3A_17 = tpu.memref_slice %arg3[%mul3A_2, %dma_wait3A_16] : memref<4096x4096xf32, #tpu.memory_space<hbm>> -> memref<8x4096xf32, #tpu.memory_space<hbm>>
    tpu.wait_dma2 semaphore(%arg10 : memref<!tpu.dma_semaphore, #tpu.memory_space<semaphore_mem>>) src(%arg5 : memref<8x4096xf32, #tpu.memory_space<vmem>>) dst(%dma_wait3A_17 : memref<8x4096xf32, #tpu.memory_space<hbm>>)
    %dma_wait3A_18 = arith.constant 0 : i32
    %dma_wait3A_19 = tpu.memref_slice %arg3[%mul3A_2, %dma_wait3A_18] : memref<4096x4096xf32, #tpu.memory_space<hbm>> -> memref<8x4096xf32, #tpu.memory_space<hbm>>
    %dma_wait3A_20 = arith.constant 0 : i32
    %dma_wait3A_21 = tpu.memref_slice %arg3[%mul3A_2, %dma_wait3A_20] : memref<4096x4096xf32, #tpu.memory_space<hbm>> -> memref<8x4096xf32, #tpu.memory_space<hbm>>
    tpu.wait_dma2 semaphore(%arg11 : memref<!tpu.dma_semaphore, #tpu.memory_space<semaphore_mem>>) src(%arg6 : memref<8x4096xf32, #tpu.memory_space<vmem>>) dst(%dma_wait3A_21 : memref<8x4096xf32, #tpu.memory_space<hbm>>)
    "tpu.region"() ({
      %run_scoped3A = tpu.sem_alloc : memref<!tpu.dma_semaphore, #tpu.memory_space<semaphore_mem>>
      %dma_start3A_22 = arith.constant 0 : i32
      %dma_start3A_23 = tpu.memref_slice %arg4[%add3A, %dma_start3A_22] : memref<32x4096xf32, #tpu.memory_space<hbm>> -> memref<1x4096xf32, #tpu.memory_space<hbm>>
      %dma_start3A_24 = tpu.memref_squeeze %dma_start3A_23 : memref<1x4096xf32, #tpu.memory_space<hbm>> -> memref<4096xf32, #tpu.memory_space<hbm>>
      %dma_start3A_25 = arith.constant 0 : i32
      %dma_start3A_26 = tpu.memref_slice %arg4[%add3A, %dma_start3A_25] : memref<32x4096xf32, #tpu.memory_space<hbm>> -> memref<1x4096xf32, #tpu.memory_space<hbm>>
      %dma_start3A_27 = tpu.memref_squeeze %dma_start3A_26 : memref<1x4096xf32, #tpu.memory_space<hbm>> -> memref<4096xf32, #tpu.memory_space<hbm>>
      tpu.enqueue_dma source(%arg7 : memref<4096xf32, #tpu.memory_space<vmem>>) target(%dma_start3A_27 : memref<4096xf32, #tpu.memory_space<hbm>>) target_semaphore(%run_scoped3A : memref<!tpu.dma_semaphore, #tpu.memory_space<semaphore_mem>>)
      %dma_wait3A_28 = arith.constant 0 : i32
      %dma_wait3A_29 = tpu.memref_slice %arg4[%add3A, %dma_wait3A_28] : memref<32x4096xf32, #tpu.memory_space<hbm>> -> memref<1x4096xf32, #tpu.memory_space<hbm>>
      %dma_wait3A_30 = tpu.memref_squeeze %dma_wait3A_29 : memref<1x4096xf32, #tpu.memory_space<hbm>> -> memref<4096xf32, #tpu.memory_space<hbm>>
      %dma_wait3A_31 = arith.constant 0 : i32
      %dma_wait3A_32 = tpu.memref_slice %arg4[%add3A, %dma_wait3A_31] : memref<32x4096xf32, #tpu.memory_space<hbm>> -> memref<1x4096xf32, #tpu.memory_space<hbm>>
      %dma_wait3A_33 = tpu.memref_squeeze %dma_wait3A_32 : memref<1x4096xf32, #tpu.memory_space<hbm>> -> memref<4096xf32, #tpu.memory_space<hbm>>
      tpu.wait_dma2 semaphore(%run_scoped3A : memref<!tpu.dma_semaphore, #tpu.memory_space<semaphore_mem>>) src(%arg7 : memref<4096xf32, #tpu.memory_space<vmem>>) dst(%dma_wait3A_33 : memref<4096xf32, #tpu.memory_space<hbm>>)
      tpu.yield
    }) : () -> ()
    return
  }
}

</mosaic_0001>

<sc_bundles>
// kernel: _sc_call.3.cloned.1.call-start
scs
__scs_entry_jumppad:
0x0: {  	(pc) =	sbr.rel $0x88, $3  }
0x1: {  	(tag) =	ssettag $0x0;
	lr =	simm.s32 $0x1  }
0x2: {  	[smem:$0x3FA0] =	sst lr;
	_ =	strace $0xD0000000  }
0x3: {  	_ = 	snop  }
0x4: {  	_ = 	snop  }
0x5: {  	_ = 	snop  }
0x6: {  	_ = 	snop  }
0x7: {  	_ = 	snop  }
__scs_overlays_trampoline_lowered:
0x8: {  	[smem:$0x3FAF] =	sst s0  }
0x9: {  	[smem:$0x3FB0] =	sst s1  }
0xa: {  	[smem:$0x3FB1] =	sst s2  }
0xb: {  	[smem:$0x3FB2] =	sst s3  }
0xc: {  	[smem:$0x3FB3] =	sst s4  }
0xd: {  	[smem:$0x3FB4] =	sst s5  }
0xe: {  	[smem:$0x3FB5] =	sst s6  }
0xf: {  	[smem:$0x3FB6] =	sst s7  }
0x10: {  	[smem:$0x3FB7] =	sst s8  }
0x11: {  	[smem:$0x3FB8] =	sst s9;
	s0 =	simm.s32 @!p0 $0x0  }
0x12: {  	s1 =	sld [smem:$0x3F9E];
	s0 =	simm.s32 @p0 $0x1  }
0x13: {  	[smem:$0x3FB9] =	sst s0;
	s0 =	simm.s32 @!p1 $0x0  }
0x14: {  	s2 =	sld [smem:$0x3F9D];
	s0 =	simm.s32 @p1 $0x1  }
0x15: {  	[smem:$0x3FBA] =	sst s0;
	s0 =	simm.s32 @!p2 $0x0  }
0x16: {  	s3 =	sld [smem:$0x3FDB];
	s0 =	simm.s32 @p2 $0x1  }
0x17: {  	s4 =	simm.s32 $0x1BF5;
	[smem:$0x3FBC] =	sst s0  }
0x18: {  	s0 =	sld [smem:$0x3F9F];
	_ =	swait.ge [sflag:s4], $0x0  }
0x19: {  	s7 =	sld [smem:$0x3FA0]  }
0x1a: {  	s8 =	sadd.s32 $0xFFFFE003, lr  }
0x1b: {  	s9 =	sadd.s32 $0xFFFFFEF7, lr;
	s5 =	simm.s32 $0xFFFFFFFF;
	p2 =	slt.u32 s8, $0xFFFFF086  }
0x1c: {  	p1 =	slt.u32 s9, $0xF7A;
	s5 =	simm.s32 @!p2 $0x0  }
0x1d: {  	s5 =	simm.s32 @p1 $0x1;
	p0 =	seq.s32 s7, s2  }
0x1e: {  	s7 =	smul.u32 @!p0 $0xF7A, s2;
	p2 =	seq.s32 @!p0 s5, $0x0  }
0x1f: {  	s9 =	smul.u32 $0xF7A, s1;
	s8 =	simm.s32 @!p0 $0x1BF5;
	p2 =	por !p2, p0  }
0x20: {  	[sflag:s8] =	ssyncset.s32 @!p0 $0xFFFFF086;
	s6 =	sadd.s32 @!p0 s3, s7;
	s7 =	simm.s32 @!p0 $0x108  }
0x21: {  	s3 =	sadd.s32 s3, s9;
	s6 =	sadd.s32 @!p0 $0x88, s6;
	s7 =	simm.s32 @p2 $0x1082  }
0x22: {  	[simem:s7], [sflag:s8] =	dma.local @!p0 [hbm:s6], $0xF7A  }
0x23: {  	s9 =	sor.u32 $0xD0000000, s2;
	s6 =	simm.s32 $0x108;
	_ =	swait.ge @!p0 [sflag:s8], $0x0  }
0x24: {  	s3 =	sadd.s32 $0x88, s3;
	s6 =	simm.s32 @!p1 $0x1082;
	[sflag:s4] =	ssyncset.s32 $0xFFFFF086  }
0x25: {  	[simem:s6], [sflag:s4] =	dma.local [hbm:s3], $0xF7A  }
0x26: {  	[smem:$0x3FA0] =	sst s1;
	(tag) =	ssettag s2;
	_ =	strace s9  }
0x27: {  	s1 =	sld [smem:$0x3FB0]  }
0x28: {  	s2 =	sld [smem:$0x3FB1]  }
0x29: {  	s4 =	sld [smem:$0x3FB3]  }
0x2a: {  	p0 =	seq.s32 s5, $0x0;
	s5 =	sld [smem:$0x3FB4]  }
0x2b: {  	s6 =	sld [smem:$0x3FB5]  }
0x2c: {  	s7 =	sld [smem:$0x3FB6]  }
0x2d: {  	s3 =	simm.s32 $0x108;
	s8 =	sld [smem:$0x3FB7]  }
0x2e: {  	s3 =	simm.s32 @!p0 $0x1082;
	s9 =	sld [smem:$0x3FB8]  }
0x2f: {  	lr =	sadd.s32 s0, s3;
	s0 =	sld [smem:$0x3FAF]  }
0x30: {  	s3 =	sld [smem:$0x3FB2]  }
0x31: {  	[smem:$0x3FBB] =	sst s10  }
0x32: {  	s10 =	sld [smem:$0x3FB9];
	_ =	sdelay $0x3  }
0x33: {  	p0 =	seq.s32 s10, $0x1;
	s10 =	sld [smem:$0x3FBB];
	_ =	sdelay $0x3  }
0x34: {  	[smem:$0x3FBB] =	sst s10  }
0x35: {  	s10 =	sld [smem:$0x3FBA];
	_ =	sdelay $0x3  }
0x36: {  	p1 =	seq.s32 s10, $0x1;
	s10 =	sld [smem:$0x3FBB];
	_ =	sdelay $0x3  }
0x37: {  	[smem:$0x3FBB] =	sst s10  }
0x38: {  	s10 =	sld [smem:$0x3FBC]  }
0x39: {  	_ = 	snop;
	(pc) =	sbr.ind lr, $3  }
0x3a: {  	_ = 	snop  }
0x3b: {  	_ = 	snop  }
0x3c: {  	p2 =	seq.s32 s10, $0x1;
	s10 =	sld [smem:$0x3FBB]  }
0x3d: {  	_ =	shalt  }
0x3e: {  	_ =	shalt  }
0x3f: {  	_ =	shalt  }
0x40: {  	_ =	shalt  }
0x41: {  	_ =	shalt  }
0x42: {  	_ =	shalt  }
0x43: {  	_ =	shalt  }
0x44: {  	_ =	shalt  }
0x45: {  	_ =	shalt  }
0x46: {  	_ =	shalt  }
0x47: {  	_ =	shalt  }
0x48: {  	_ =	shalt  }
0x49: {  	_ =	shalt  }
0x4a: {  	_ =	shalt  }
0x4b: {  	_ =	shalt  }
0x4c: {  	_ =	shalt  }
0x4d: {  	_ =	shalt  }
0x4e: {  	_ =	shalt  }
0x4f: {  	_ =	shalt  }
0x50: {  	_ =	shalt  }
0x51: {  	_ =	shalt  }
0x52: {  	_ =	shalt  }
0x53: {  	_ =	shalt  }
0x54: {  	_ =	shalt  }
0x55: {  	_ =	shalt  }
0x56: {  	_ =	shalt  }
0x57: {  	_ =	shalt  }
0x58: {  	_ =	shalt  }
0x59: {  	_ =	shalt  }
0x5a: {  	_ =	shalt  }
0x5b: {  	_ =	shalt  }
0x5c: {  	_ =	shalt  }
0x5d: {  	_ =	shalt  }
0x5e: {  	_ =	shalt  }
0x5f: {  	_ =	shalt  }
0x60: {  	_ =	shalt  }
0x61: {  	_ =	shalt  }
0x62: {  	_ =	shalt  }
0x63: {  	_ =	shalt  }
0x64: {  	_ =	shalt  }
0x65: {  	_ =	shalt  }
0x66: {  	_ =	shalt  }
0x67: {  	_ =	shalt  }
0x68: {  	_ =	shalt  }
0x69: {  	_ =	shalt  }
0x6a: {  	_ =	shalt  }
0x6b: {  	_ =	shalt  }
0x6c: {  	_ =	shalt  }
0x6d: {  	_ =	shalt  }
0x6e: {  	_ =	shalt  }
0x6f: {  	_ =	shalt  }
0x70: {  	_ =	shalt  }
0x71: {  	_ =	shalt  }
0x72: {  	_ =	shalt  }
0x73: {  	_ =	shalt  }
0x74: {  	_ =	shalt  }
0x75: {  	_ =	shalt  }
0x76: {  	_ =	shalt  }
0x77: {  	_ =	shalt  }
0x78: {  	_ =	shalt  }
0x79: {  	_ =	shalt  }
0x7a: {  	_ =	shalt  }
0x7b: {  	_ =	shalt  }
0x7c: {  	_ =	shalt  }
0x7d: {  	_ =	shalt  }
0x7e: {  	_ =	shalt  }
0x7f: {  	_ =	shalt  }
0x80: {  	_ =	shalt  }
0x81: {  	_ =	shalt  }
0x82: {  	_ =	shalt  }
0x83: {  	_ =	shalt  }
0x84: {  	_ =	shalt  }
0x85: {  	_ =	shalt  }
0x86: {  	_ =	shalt  }
0x87: {  	_ =	shalt  }
.Lfunc_end0:
.L_simem_size_0:
called_computation_lowered:
.L_overlay_start_0:
0x88: {  	s2 =	sld [smem:$0x3FD9]  }
0x89: {  	s3 =	sld [smem:$0x3FFE];
	_ =	sdelay $0x1  }
0x8a: {  	s1 =	srdreg.scid  }
0x8b: {  	s0 =	sand.u32 $0x1, s1  }
0x8c: {  	s15 =	sshll.u32 s0, $0xA;
	s2 =	sadd.s32 s3, s2  }
0x8d: {  	s2 =	sadd.s32 s2, s15  }
0x8e: {  	[smem:$0x3FC7] =	sst s2  }
0x8f: {  	_ = 	snop  }
0x90: {  	s2 =	sld [smem:$0x3FD0];
	_ =	sdelay $0x2  }
0x91: {  	s4 =	simm.s32 $0xA;
	s5 =	simm.s32 $0x10;
	s16 =	sld [smem:$0x3FC9]  }
0x92: {  	[smem:s5], [sflag:s4] =	dma.local [hbm:s2], $0x1  }
0x93: {  	_ =	swait.eq [sflag:s4], $0x1  }
0x94: {  	[sflag:s4] =	ssyncset.done $0x0  }
0x95: {  	s17 =	sld [smem:$0x10];
	[sflag:s4] =	ssyncadd.s32 $0xFFFFFFFF  }
0x96: {  	s18 =	sld [smem:$0x11];
	(tm) =	ssettm $0x1  }
0x97: {  	s19 =	sld [smem:$0x3FFB];
	_ =	sdelay $0x3  }
0x98: {  	_ =	strace s19  }
0x99: {  	s5 =	sld [smem:$0x3FFC];
	_ =	sdelay $0x3  }
0x9a: {  	_ =	strace s5  }
0x9b: {  	s5 =	sld [smem:$0x3FFD];
	_ =	sdelay $0x3  }
0x9c: {  	_ =	strace s5  }
0x9d: {  	_ =	strace $0x8FFFFFFF  }
0x9e: {  	s20 =	sld [smem:$0x3FDB];
	_ =	sdelay $0x1  }
0x9f: {  	s6 =	simm.s32 $_scs_section_size  }
0xa0: {  	s7 =	simm.s32 $_size__tile_overlayer_lowered;
	s8 =	simm.s32 $_tile_overlayer_lowered  }
0xa1: {  	s23 =	simm.s32 $0x1BFF;
	s22 =	sshll.u32 s8, $0x1;
	s5 =	sadd.s32 s6, s20  }
0xa2: {  	s9 =	simm.s32 $0x0;
	s21 =	sshll.u32 s7, $0x1;
	s7 =	sadd.s32 s22, s5  }
0xa3: {  	[timem:s9], [sflag:s23] =	dma.local [hbm:s7], s21  }
0xa4: {  	_ =	swait.ge [sflag:s23], s21  }
0xa5: {  	s6 =	ssub.s32 $0x0, s21;
	[sflag:s23] =	ssyncset.done $0x0  }
0xa6: {  	[sflag:s23] =	ssyncadd.s32 s6;
	_ =	sdelay $0x1  }
0xa7: {  	s24 =	simm.s32 $0x1B8B  }
0xa8: {  	_ =	swait.ge [sflag:s24], $0x1  }
0xa9: {  	[sflag:s24] =	ssyncset.done $0x0  }
0xaa: {  	s25 =	simm.s32 $0x1B8E;
	[sflag:s24] =	ssyncadd.s32 $0xFFFFFFFF  }
0xab: {  	s26 =	simm.s32 $execute0_lowered;
	[smem:$0x3FD2] =	sst s25  }
0xac: {  	s6 =	sshll.u32 s26, $0x1;
	_ =	strace $0x80000046;
	[dreg:$0x1] =	wrdreg $0xFFFFFFFF  }
0xad: {  	s28 =	simm.s32 $_size_execute0_lowered;
	s5 =	sadd.s32 s5, s6;
	[dreg:$0x0] =	wrdreg $0x0  }
0xae: {  	s6 =	sshll.u32 s28, $0x1;
	[dreg:$0x2] =	wrdreg s5  }
0xaf: {  	[dreg:$0x3] =	wrdreg s6  }
0xb0: {  	[dreg:$0x4] =	wrdreg $0xC0  }
0xb1: {  	_ =	task [dreg:s9], $0x5FFFF  }
0xb2: {  	[dreg:$0x1] =	wrdreg $0xFFFFFFFF  }
0xb3: {  	[dreg:$0x0] =	wrdreg $0x60  }
0xb4: {  	[dreg:$0x2] =	wrdreg s16  }
0xb5: {  	[dreg:$0x3] =	wrdreg s17  }
0xb6: {  	[dreg:$0x4] =	wrdreg s18  }
0xb7: {  	[dreg:$0x5] =	wrdreg $0x9  }
0xb8: {  	_ =	task.clear_ibuf [dreg:s9], $0x6FFFF;
	_ =	strace $0x90000046  }
0xb9: {  	s29 =	simm.s32 $0x9;
	_ =	strace $0x80000048  }
0xba: {  	_ =	swait.ge [sflag:s29], $0x1  }
0xbb: {  	[sflag:s29] =	ssyncadd.s32 $0xFFFFFFFF  }
0xbc: {  	_ =	strace $0x90000048  }
0xbd: {  	_ =	sfence  }
0xbe: {  	s30 =	sld [smem:$0x0];
	_ =	sdelay $0x2  }
0xbf: {  	s31 =	sshll.u32 s1, $0xD;
	s1 =	sshrl.u32 s1, $0x2  }
0xc0: {  	s3 =	sand.u32 $0x4000, s31;
	s1 =	sadd.s32 s1, s30  }
0xc1: {  	s0 =	sor.u32 s3, s0;
	s1 =	sshll.u32 s1, $0x11  }
0xc2: {  	s0 =	sor.u32 s1, s0  }
0xc3: {  	s0 =	sadd.s32 $0x8F2B, s0  }
0xc4: {  	[sflag:s0] =	ssyncadd.remote.s32 $0x1  }
0xc5: {  	_ =	sfence.sel $0xFFFF  }
0xc6: {  	[dreg:$0x0] =	wrdreg $0xFFFFFFFF;
	(pc) =	sbr.abs _section_cstart, $3  }
0xc7: {  	[dreg:$0x1] =	wrdreg $0xFFFFFFFF  }
0xc8: {  	_ =	task.clear_ibuf [dreg:s9], $0x2FFFF;
	_ =	strace $0x9FFFFFFF  }
0xc9: {  	(tm) =	ssettm $0x7FFFFFFF  }
tec
execute0_lowered:
.L_overlay_start_1:
0x0: {  	(tag) =	ssettag $0x1  }
0x1: {  	s0 =	rddreg [dreg:$0x0]  }
0x2: {  	s1 =	rddreg [dreg:$0x2]  }
0x3: {  	s2 =	srdreg.scid;
	s4 =	stileid.u32;
	s5 =	simm.s32 $0x0  }
0x4: {  	s2 =	sand.u32 $0x1, s2;
	s3 =	sshll.u32 s4, $0x1;
	[smem:$0x7FF] =	sst s5  }
0x5: {  	s4 =	sshll.u32 s4, $0xD;
	s3 =	sor.u32 s2, s3;
	s2 =	ssub.s32 $0x2, s2  }
0x6: {  	_ =	strace $0x80000047;
	s6 =	sshll.u32 s3, $0x7;
	s25 =	sshrl.u32 s2, $0x1  }
0x7: {  	s26 =	sshll.u32 s3, $0x10;
	[dreg:$0x4] =	wrdreg s6;
	s4 =	sor.u32 s4, s6  }
0x8: {  	s2 =	ssub.s32 s2, s25;
	[dreg:$0x5] =	wrdreg s26;
	s29 =	sadd.s32 s0, s26  }
0x9: {  	s0 =	sadd.s32 $0x1000, s0;
	s28 =	sand.u32 $0x18380, s4;
	[dreg:$0x6] =	wrdreg s29  }
0xa: {  	[dreg:$0x7] =	wrdreg s0;
	s31 =	smax.u32 s2, $0x1;
	s30 =	sshrl.u32 s28, $0x3  }
0xb: {  	[dreg:$0x9] =	wrdreg s31;
	s0 =	sadd.s32 s1, s30  }
0xc: {  	v0 =	vimm.f32 $0.0e+00;
	vm0 =	vcmask $0x1F24;
	v54 =	vimm.s32 $0x0;
	s2 =	simm.s32 $0x0;
	[dreg:$0x8] =	wrdreg s0  }
.LBB2_1:
0xd: {  	s0 =	simm.s32 $0x40;
	s1 =	simm.s32 $0x0  }
.LBB2_2:
0xe: {  	p0 =	sne.s32 s0, $0x3FC0;
	[tilespmem:s1+$0x10000] =	vst v0;
	s1 =	smov.u32 s0;
	s0 =	sadd.s32 $0x40, s0  }
.Ltmp0:
0xf: {  	(pc) =	sbr.rel @p0 .LBB2_2-.Ltmp0, $2  }
0x10: {  	_ =	sdelay $0x2  }
0x11: {  	s1 =	sshra.s32 s1, $0x2  }
0x12: {  	[dreg:$0xa] =	wrdreg s2  }
0x13: {  	s0 =	rddreg [dreg:$0x6];
	s31 =	simm.s32 $0x0  }
0x14: {  	[tilespmem:s1+$0x10000] =	vst v0;
	s30 =	simm.s32 $0x0;
	[dreg:$0xb] =	wrdreg s31  }
0x15: {  	[tilespmem:s30], [sflag:$0x1] =	stream.linear.gather [hbm4b:s0+s30], $0x8000, $0x38;
	[tilespmem:$0x11000] =	vst v63  }
.LBB2_4:
0x16: {  	s0 =	simm.s32 $0x1  }
0x17: {  	_ =	swait.ge [sflag:s0], $0x8000  }
0x18: {  	[sflag:s0] =	ssyncset.done $0x0  }
0x19: {  	s21 =	simm.s32 $0xFFFFFFF0;
	s22 =	simm.s32 $0x0;
	[sflag:s0] =	ssyncadd.s32 $0xFFFF8000  }
.LBB2_5:
0x1a: {  	s21 =	sadd.s32 $0x10, s21  }
0x1b: {  	s24 =	sand.u32 $0x30, s21  }
0x1c: {  	s23 =	sand.u32 $0x180, s22;
	s0 =	sshll.u32 s24, $0x9  }
0x1d: {  	s11 =	sor.u32 s23, s0  }
0x1e: {  	v4 =	vld [tilespmem:s11+$0x0]  }
0x1f: {  	v11 =	vld [tilespmem:s11+$0x10]  }
0x20: {  	v12 =	vld [tilespmem:s11+$0x20]  }
0x21: {  	v18 =	vld [tilespmem:s11+$0x30];
	_ =	sdelay $0x1  }
0x22: {  	v3 =	vand.u32 $0x7FFFFFFF, v4  }
0x23: {  	v8 =	vand.u32 $0x7FFFFFFF, v11;
	(xrf1) =	vsort.ascd.msk.f32 $0xffff, v3, v3  }
0x24: {  	v5 =	vand.u32 $0x7FFFFFFF, v12;
	(xrf1) =	vsort.dscd.msk.f32 $0xffff, v8, v8  }
0x25: {  	v9 =	vand.u32 $0x7FFFFFFF, v18;
	(xrf1) =	vsort.ascd.msk.f32 $0xffff, v5, v5  }
0x26: {  	(xrf1) =	vsort.dscd.msk.f32 $0xffff, v9, v9;
	_ =	sdelay $0xa  }
0x27: {  	v6, _, _ =	vpop (xrf1)  }
0x28: {  	v7, _, _ =	vpop (xrf1)  }
0x29: {  	v10, _, _ =	vpop (xrf1)  }
0x2a: {  	v6 =	vmax.f32 v6, v7;
	v47, _, _ =	vpop (xrf1)  }
0x2b: {  	(xrf1) =	vsort.ascd.msk.f32 $0xffff, v6, v6;
	v7 =	vmax.f32 v10, v47  }
0x2c: {  	(xrf1) =	vsort.dscd.msk.f32 $0xffff, v7, v7;
	_ =	sdelay $0xa  }
0x2d: {  	v10 =	vld [tilespmem:s11+$0x40]  }
0x2e: {  	v17 =	vld [tilespmem:s11+$0x50]  }
0x2f: {  	v33 =	vld [tilespmem:s11+$0x60];
	v6, _, _ =	vpop (xrf1)  }
0x30: {  	v46 =	vld [tilespmem:s11+$0x70];
	v7, _, _ =	vpop (xrf1)  }
0x31: {  	v6 =	vmax.f32 v6, v7  }
0x32: {  	(xrf1) =	vsort.ascd.msk.f32 $0xffff, v6, v6;
	v6 =	vand.u32 $0x7FFFFFFF, v10  }
0x33: {  	v7 =	vand.u32 $0x7FFFFFFF, v17;
	(xrf1) =	vsort.ascd.msk.f32 $0xffff, v6, v6  }
0x34: {  	v37 =	vand.u32 $0x7FFFFFFF, v33;
	(xrf1) =	vsort.dscd.msk.f32 $0xffff, v7, v7  }
0x35: {  	v50 =	vand.u32 $0x7FFFFFFF, v46;
	(xrf1) =	vsort.ascd.msk.f32 $0xffff, v37, v37  }
0x36: {  	(xrf1) =	vsort.dscd.msk.f32 $0xffff, v50, v50;
	_ =	sdelay $0x9  }
0x37: {  	v43, _, _ =	vpop (xrf1)  }
0x38: {  	v13, _, _ =	vpop (xrf1)  }
0x39: {  	v14, _, _ =	vpop (xrf1)  }
0x3a: {  	v15, _, _ =	vpop (xrf1)  }
0x3b: {  	v13 =	vmax.f32 v13, v14;
	v48, _, _ =	vpop (xrf1)  }
0x3c: {  	(xrf1) =	vsort.ascd.msk.f32 $0xffff, v13, v13;
	v14 =	vmax.f32 v15, v48  }
0x3d: {  	(xrf1) =	vsort.dscd.msk.f32 $0xffff, v14, v14;
	_ =	sdelay $0x7  }
0x3e: {  	s12 =	sor.u32 $0x2, s24  }
0x3f: {  	s17 =	sshll.u32 s12, $0x9  }
0x40: {  	s5 =	sor.u32 s23, s17  }
0x41: {  	v21 =	vld [tilespmem:s5+$0x0]  }
0x42: {  	v22 =	vld [tilespmem:s5+$0x10]  }
0x43: {  	v25 =	vld [tilespmem:s5+$0x20];
	v13, _, _ =	vpop (xrf1)  }
0x44: {  	v29 =	vld [tilespmem:s5+$0x30];
	v14, _, _ =	vpop (xrf1)  }
0x45: {  	v13 =	vmax.f32 v13, v14  }
0x46: {  	v45 =	vand.u32 $0x7FFFFFFF, v21;
	(xrf1) =	vsort.ascd.msk.f32 $0xffff, v13, v13  }
0x47: {  	v42 =	vand.u32 $0x7FFFFFFF, v22;
	(xrf1) =	vsort.ascd.msk.f32 $0xffff, v45, v45  }
0x48: {  	v13 =	vand.u32 $0x7FFFFFFF, v25;
	(xrf1) =	vsort.dscd.msk.f32 $0xffff, v42, v42  }
0x49: {  	v15 =	vand.u32 $0x7FFFFFFF, v29;
	(xrf1) =	vsort.ascd.msk.f32 $0xffff, v13, v13  }
0x4a: {  	(xrf1) =	vsort.dscd.msk.f32 $0xffff, v15, v15;
	_ =	sdelay $0x9  }
0x4b: {  	v31, _, _ =	vpop (xrf1)  }
0x4c: {  	v49, _, _ =	vpop (xrf1)  }
0x4d: {  	v16, _, _ =	vpop (xrf1)  }
0x4e: {  	v19, _, _ =	vpop (xrf1)  }
0x4f: {  	v14 =	vmax.f32 v49, v16;
	v51, _, _ =	vpop (xrf1)  }
0x50: {  	(xrf1) =	vsort.ascd.msk.f32 $0xffff, v14, v14;
	v16 =	vmax.f32 v19, v51  }
0x51: {  	(xrf1) =	vsort.dscd.msk.f32 $0xffff, v16, v16;
	_ =	sdelay $0x6  }
0x52: {  	s10 =	sor.u32 $0x3, s24  }
0x53: {  	s18 =	sshll.u32 s10, $0x9  }
0x54: {  	s0 =	sand.u32 $0x6400, s18  }
0x55: {  	s3 =	sor.u32 s23, s0  }
0x56: {  	v19 =	vld [tilespmem:s3+$0x40]  }
0x57: {  	v28 =	vld [tilespmem:s3+$0x50]  }
0x58: {  	v36 =	vld [tilespmem:s3+$0x60];
	v14, _, _ =	vpop (xrf1)  }
0x59: {  	v40 =	vld [tilespmem:s3+$0x70];
	v16, _, _ =	vpop (xrf1)  }
0x5a: {  	v14 =	vmax.f32 v14, v16  }
0x5b: {  	(xrf1) =	vsort.ascd.msk.f32 $0xffff, v14, v14;
	v14 =	vand.u32 $0x7FFFFFFF, v19  }
0x5c: {  	v16 =	vand.u32 $0x7FFFFFFF, v28;
	(xrf1) =	vsort.ascd.msk.f32 $0xffff, v14, v14  }
0x5d: {  	v26 =	vand.u32 $0x7FFFFFFF, v36;
	(xrf1) =	vsort.dscd.msk.f32 $0xffff, v16, v16  }
0x5e: {  	v23 =	vand.u32 $0x7FFFFFFF, v40;
	(xrf1) =	vsort.ascd.msk.f32 $0xffff, v26, v26  }
0x5f: {  	(xrf1) =	vsort.dscd.msk.f32 $0xffff, v23, v23;
	_ =	sdelay $0x9  }
0x60: {  	v0, _, _ =	vpop (xrf1)  }
0x61: {  	v20, _, _ =	vpop (xrf1)  }
0x62: {  	v24, _, _ =	vpop (xrf1)  }
0x63: {  	v27, _, _ =	vpop (xrf1)  }
0x64: {  	v20 =	vmax.f32 v20, v24;
	v52, _, _ =	vpop (xrf1)  }
0x65: {  	(xrf1) =	vsort.ascd.msk.f32 $0xffff, v20, v20;
	v24 =	vmax.f32 v27, v52  }
0x66: {  	(xrf1) =	vsort.dscd.msk.f32 $0xffff, v24, v24;
	_ =	sdelay $0x7  }
0x67: {  	s4 =	sor.u32 $0x4, s24  }
0x68: {  	s19 =	sshll.u32 s4, $0x9  }
0x69: {  	s19 =	sor.u32 s23, s19  }
0x6a: {  	v35 =	vld [tilespmem:s19+$0x0]  }
0x6b: {  	v39 =	vld [tilespmem:s19+$0x10]  }
0x6c: {  	v49 =	vld [tilespmem:s19+$0x20];
	v20, _, _ =	vpop (xrf1)  }
0x6d: {  	v63 =	vld [tilespmem:s19+$0x30];
	v24, _, _ =	vpop (xrf1)  }
0x6e: {  	v20 =	vmax.f32 v20, v24  }
0x6f: {  	(xrf1) =	vsort.ascd.msk.f32 $0xffff, v20, v20;
	v20 =	vand.u32 $0x7FFFFFFF, v35  }
0x70: {  	v24 =	vand.u32 $0x7FFFFFFF, v39;
	(xrf1) =	vsort.ascd.msk.f32 $0xffff, v20, v20  }
0x71: {  	v27 =	vand.u32 $0x7FFFFFFF, v49;
	(xrf1) =	vsort.dscd.msk.f32 $0xffff, v24, v24  }
0x72: {  	v51 =	vand.u32 $0x7FFFFFFF, v63;
	(xrf1) =	vsort.ascd.msk.f32 $0xffff, v27, v27  }
0x73: {  	(xrf1) =	vsort.dscd.msk.f32 $0xffff, v51, v51;
	_ =	sdelay $0x9  }
0x74: {  	v56, _, _ =	vpop (xrf1)  }
0x75: {  	v30, _, _ =	vpop (xrf1)  }
0x76: {  	v32, _, _ =	vpop (xrf1)  }
0x77: {  	v34, _, _ =	vpop (xrf1)  }
0x78: {  	v30 =	vmax.f32 v30, v32;
	v53, _, _ =	vpop (xrf1)  }
0x79: {  	(xrf1) =	vsort.ascd.msk.f32 $0xffff, v30, v30;
	v32 =	vmax.f32 v34, v53  }
0x7a: {  	(xrf1) =	vsort.dscd.msk.f32 $0xffff, v32, v32;
	_ =	sdelay $0x6  }
0x7b: {  	s2 =	sor.u32 $0x5, s24  }
0x7c: {  	s20 =	sshll.u32 s2, $0x9  }
0x7d: {  	s0 =	sand.u32 $0x6800, s20  }
0x7e: {  	s14 =	sor.u32 s23, s0  }
0x7f: {  	v53 =	vld [tilespmem:s14+$0x40]  }
0x80: {  	v57 =	vld [tilespmem:s14+$0x50]  }
0x81: {  	v1 =	vld [tilespmem:s14+$0x60];
	v30, _, _ =	vpop (xrf1)  }
0x82: {  	v55 =	vld [tilespmem:s14+$0x70];
	v32, _, _ =	vpop (xrf1)  }
0x83: {  	v30 =	vmax.f32 v30, v32  }
0x84: {  	v32 =	vand.u32 $0x7FFFFFFF, v53;
	(xrf1) =	vsort.ascd.msk.f32 $0xffff, v30, v30  }
0x85: {  	v30 =	vand.u32 $0x7FFFFFFF, v57;
	(xrf1) =	vsort.ascd.msk.f32 $0xffff, v32, v32  }
0x86: {  	v34 =	vand.u32 $0x7FFFFFFF, v1;
	(xrf1) =	vsort.dscd.msk.f32 $0xffff, v30, v30  }
0x87: {  	v38 =	vand.u32 $0x7FFFFFFF, v55;
	(xrf1) =	vsort.ascd.msk.f32 $0xffff, v34, v34  }
0x88: {  	(xrf1) =	vsort.dscd.msk.f32 $0xffff, v38, v38;
	_ =	sdelay $0x9  }
0x89: {  	v58, _, _ =	vpop (xrf1)  }
0x8a: {  	v41, _, _ =	vpop (xrf1)  }
0x8b: {  	v44, _, _ =	vpop (xrf1)  }
0x8c: {  	v47, _, _ =	vpop (xrf1)  }
0x8d: {  	v41 =	vmax.f32 v41, v44;
	v59, _, _ =	vpop (xrf1)  }
0x8e: {  	(xrf1) =	vsort.ascd.msk.f32 $0xffff, v41, v41;
	v44 =	vmax.f32 v47, v59  }
0x8f: {  	(xrf1) =	vsort.dscd.msk.f32 $0xffff, v44, v44;
	_ =	sdelay $0x7  }
0x90: {  	s18 =	sor.u32 $0x6, s24  }
0x91: {  	s25 =	sshll.u32 s18, $0x9  }
0x92: {  	s8 =	sor.u32 s23, s25  }
0x93: {  	[tilespmem:$0x1FCA0] =	vst v58;
	v58 =	vld [tilespmem:s8+$0x0]  }
0x94: {  	v2 =	vld [tilespmem:s8+$0x10]  }
0x95: {  	v60 =	vld [tilespmem:s8+$0x20];
	v41, _, _ =	vpop (xrf1)  }
0x96: {  	v61 =	vld [tilespmem:s8+$0x30];
	v44, _, _ =	vpop (xrf1)  }
0x97: {  	v41 =	vmax.f32 v41, v44  }
0x98: {  	(xrf1) =	vsort.ascd.msk.f32 $0xffff, v41, v41;
	v41 =	vand.u32 $0x7FFFFFFF, v58  }
0x99: {  	v44 =	vand.u32 $0x7FFFFFFF, v2;
	(xrf1) =	vsort.ascd.msk.f32 $0xffff, v41, v41  }
0x9a: {  	[tilespmem:$0x1FCF0] =	vst v55;
	v55 =	vand.u32 $0x7FFFFFFF, v60;
	(xrf1) =	vsort.dscd.msk.f32 $0xffff, v44, v44  }
0x9b: {  	[tilespmem:$0x1FC90] =	vst v0;
	v0 =	vand.u32 $0x7FFFFFFF, v61;
	(xrf1) =	vsort.ascd.msk.f32 $0xffff, v55, v55  }
0x9c: {  	(xrf1) =	vsort.dscd.msk.f32 $0xffff, v0, v0;
	_ =	sdelay $0x9  }
0x9d: {  	v62, _, _ =	vpop (xrf1)  }
0x9e: {  	[tilespmem:$0x1FCE0] =	vst v1;
	v1, _, _ =	vpop (xrf1)  }
0x9f: {  	v48, _, _ =	vpop (xrf1)  }
0xa0: {  	v52, _, _ =	vpop (xrf1)  }
0xa1: {  	[tilespmem:$0x1FD00] =	vst v2;
	v47 =	vmax.f32 v1, v48;
	v2, _, _ =	vpop (xrf1)  }
0xa2: {  	(xrf1) =	vsort.ascd.msk.f32 $0xffff, v47, v47;
	v48 =	vmax.f32 v52, v2  }
0xa3: {  	(xrf1) =	vsort.dscd.msk.f32 $0xffff, v48, v48;
	_ =	sdelay $0x6  }
0xa4: {  	s13 =	sor.u32 $0x7, s24  }
0xa5: {  	s26 =	sshll.u32 s13, $0x9  }
0xa6: {  	s0 =	sand.u32 $0x6C00, s26  }
0xa7: {  	s6 =	sor.u32 s23, s0  }
0xa8: {  	v59 =	vld [tilespmem:s6+$0x40]  }
0xa9: {  	[tilespmem:$0x1FD20] =	vst v60;
	v60 =	vld [tilespmem:s6+$0x50]  }
0xaa: {  	[tilespmem:$0x1FD40] =	vst v61;
	v61 =	vld [tilespmem:s6+$0x60];
	v47, _, _ =	vpop (xrf1)  }
0xab: {  	[tilespmem:$0x1FCB0] =	vst v62;
	v62 =	vld [tilespmem:s6+$0x70];
	v48, _, _ =	vpop (xrf1)  }
0xac: {  	v47 =	vmax.f32 v47, v48  }
0xad: {  	(xrf1) =	vsort.ascd.msk.f32 $0xffff, v47, v47;
	v47 =	vand.u32 $0x7FFFFFFF, v59  }
0xae: {  	v48 =	vand.u32 $0x7FFFFFFF, v60;
	(xrf1) =	vsort.ascd.msk.f32 $0xffff, v47, v47  }
0xaf: {  	v52 =	vand.u32 $0x7FFFFFFF, v61;
	(xrf1) =	vsort.dscd.msk.f32 $0xffff, v48, v48  }
0xb0: {  	[tilespmem:$0x1FD80] =	vst v62;
	v62 =	vand.u32 $0x7FFFFFFF, v62;
	(xrf1) =	vsort.ascd.msk.f32 $0xffff, v52, v52  }
0xb1: {  	(xrf1) =	vsort.dscd.msk.f32 $0xffff, v62, v62;
	_ =	sdelay $0x9  }
0xb2: {  	[tilespmem:$0x1FD50] =	vst v59;
	v59, _, _ =	vpop (xrf1)  }
0xb3: {  	[tilespmem:$0x1FD60] =	vst v60;
	v60, _, _ =	vpop (xrf1)  }
0xb4: {  	[tilespmem:$0x1FD70] =	vst v61;
	v61, _, _ =	vpop (xrf1)  }
0xb5: {  	[tilespmem:$0x1FCC0] =	vst v59;
	v59, _, _ =	vpop (xrf1)  }
0xb6: {  	[tilespmem:$0x1FD10] =	vst v0;
	v0 =	vmax.f32 v60, v61;
	v60, _, _ =	vpop (xrf1)  }
0xb7: {  	(xrf1) =	vsort.ascd.msk.f32 $0xffff, v0, v0;
	v1 =	vmax.f32 v59, v60  }
0xb8: {  	(xrf1) =	vsort.dscd.msk.f32 $0xffff, v1, v1;
	_ =	sdelay $0x7  }
0xb9: {  	s9 =	sor.u32 $0x8, s24  }
0xba: {  	s28 =	sshll.u32 s9, $0x9  }
0xbb: {  	s15 =	sor.u32 s23, s28  }
0xbc: {  	v61 =	vld [tilespmem:s15+$0x0]  }
0xbd: {  	v60 =	vld [tilespmem:s15+$0x10]  }
0xbe: {  	v59 =	vld [tilespmem:s15+$0x20];
	v0, _, _ =	vpop (xrf1)  }
0xbf: {  	v2 =	vld [tilespmem:s15+$0x30];
	v1, _, _ =	vpop (xrf1)  }
0xc0: {  	v0 =	vmax.f32 v0, v1  }
0xc1: {  	[tilespmem:$0x1FDA0] =	vst v61;
	v61 =	vand.u32 $0x7FFFFFFF, v61;
	(xrf1) =	vsort.ascd.msk.f32 $0xffff, v0, v0  }
0xc2: {  	[tilespmem:$0x1FD90] =	vst v61;
	(xrf1) =	vsort.ascd.msk.f32 $0xffff, v61, v61;
	v61 =	vand.u32 $0x7FFFFFFF, v60  }
0xc3: {  	[tilespmem:$0x1FDD0] =	vst v60;
	v60 =	vand.u32 $0x7FFFFFFF, v59;
	(xrf1) =	vsort.dscd.msk.f32 $0xffff, v61, v61  }
0xc4: {  	[tilespmem:$0x1FDC0] =	vst v61;
	v61 =	vand.u32 $0x7FFFFFFF, v2;
	(xrf1) =	vsort.ascd.msk.f32 $0xffff, v60, v60  }
0xc5: {  	(xrf1) =	vsort.dscd.msk.f32 $0xffff, v61, v61;
	_ =	sdelay $0x9  }
0xc6: {  	[tilespmem:$0x1FDF0] =	vst v59;
	v59, _, _ =	vpop (xrf1)  }
0xc7: {  	[tilespmem:$0x1FDE0] =	vst v60;
	v60, _, _ =	vpop (xrf1)  }
0xc8: {  	[tilespmem:$0x1FE00] =	vst v61;
	v61, _, _ =	vpop (xrf1)  }
0xc9: {  	[tilespmem:$0x1FCD0] =	vst v59;
	v59, _, _ =	vpop (xrf1)  }
0xca: {  	v0 =	vmax.f32 v60, v61;
	v60, _, _ =	vpop (xrf1)  }
0xcb: {  	(xrf1) =	vsort.ascd.msk.f32 $0xffff, v0, v0;
	v1 =	vmax.f32 v59, v60  }
0xcc: {  	(xrf1) =	vsort.dscd.msk.f32 $0xffff, v1, v1;
	_ =	sdelay $0x6  }
0xcd: {  	s17 =	sor.u32 $0x9, s24  }
0xce: {  	s29 =	sshll.u32 s17, $0x9  }
0xcf: {  	s0 =	sand.u32 $0x7000, s29  }
0xd0: {  	s31 =	sor.u32 s23, s0  }
0xd1: {  	v61 =	vld [tilespmem:s31+$0x40]  }
0xd2: {  	v60 =	vld [tilespmem:s31+$0x50]  }
0xd3: {  	v59 =	vld [tilespmem:s31+$0x60];
	v0, _, _ =	vpop (xrf1)  }
0xd4: {  	[tilespmem:$0x1FE20] =	vst v2;
	v2 =	vld [tilespmem:s31+$0x70];
	v1, _, _ =	vpop (xrf1)  }
0xd5: {  	v0 =	vmax.f32 v0, v1  }
0xd6: {  	[tilespmem:$0x1FE50] =	vst v61;
	v61 =	vand.u32 $0x7FFFFFFF, v61;
	(xrf1) =	vsort.ascd.msk.f32 $0xffff, v0, v0  }
0xd7: {  	[tilespmem:$0x1FE10] =	vst v61;
	(xrf1) =	vsort.ascd.msk.f32 $0xffff, v61, v61;
	v61 =	vand.u32 $0x7FFFFFFF, v60  }
0xd8: {  	[tilespmem:$0x1FE70] =	vst v60;
	v60 =	vand.u32 $0x7FFFFFFF, v59;
	(xrf1) =	vsort.dscd.msk.f32 $0xffff, v61, v61  }
0xd9: {  	[tilespmem:$0x1FE40] =	vst v61;
	v61 =	vand.u32 $0x7FFFFFFF, v2;
	(xrf1) =	vsort.ascd.msk.f32 $0xffff, v60, v60  }
0xda: {  	(xrf1) =	vsort.dscd.msk.f32 $0xffff, v61, v61;
	_ =	sdelay $0x9  }
0xdb: {  	[tilespmem:$0x1FE80] =	vst v59;
	v59, _, _ =	vpop (xrf1)  }
0xdc: {  	[tilespmem:$0x1FE60] =	vst v60;
	v60, _, _ =	vpop (xrf1)  }
0xdd: {  	[tilespmem:$0x1FE90] =	vst v61;
	v61, _, _ =	vpop (xrf1)  }
0xde: {  	[tilespmem:$0x1FD30] =	vst v59;
	v59, _, _ =	vpop (xrf1)  }
0xdf: {  	v0 =	vmax.f32 v60, v61;
	v60, _, _ =	vpop (xrf1)  }
0xe0: {  	(xrf1) =	vsort.ascd.msk.f32 $0xffff, v0, v0;
	v1 =	vmax.f32 v59, v60  }
0xe1: {  	(xrf1) =	vsort.dscd.msk.f32 $0xffff, v1, v1;
	_ =	sdelay $0x7  }
0xe2: {  	s1 =	sor.u32 $0xA, s24  }
0xe3: {  	s30 =	sshll.u32 s1, $0x9  }
0xe4: {  	s28 =	sor.u32 s23, s30  }
0xe5: {  	v61 =	vld [tilespmem:s28+$0x0]  }
0xe6: {  	v60 =	vld [tilespmem:s28+$0x10]  }
0xe7: {  	v59 =	vld [tilespmem:s28+$0x20];
	v0, _, _ =	vpop (xrf1)  }
0xe8: {  	[tilespmem:$0x1FEA0] =	vst v2;
	v2 =	vld [tilespmem:s28+$0x30];
	v1, _, _ =	vpop (xrf1)  }
0xe9: {  	v0 =	vmax.f32 v0, v1  }
0xea: {  	[tilespmem:$0x1FED0] =	vst v61;
	v61 =	vand.u32 $0x7FFFFFFF, v61;
	(xrf1) =	vsort.ascd.msk.f32 $0xffff, v0, v0  }
0xeb: {  	[tilespmem:$0x1FEC0] =	vst v61;
	(xrf1) =	vsort.ascd.msk.f32 $0xffff, v61, v61;
	v61 =	vand.u32 $0x7FFFFFFF, v60  }
0xec: {  	[tilespmem:$0x1FEF0] =	vst v60;
	v60 =	vand.u32 $0x7FFFFFFF, v59;
	(xrf1) =	vsort.dscd.msk.f32 $0xffff, v61, v61  }
0xed: {  	[tilespmem:$0x1FEE0] =	vst v61;
	v61 =	vand.u32 $0x7FFFFFFF, v2;
	(xrf1) =	vsort.ascd.msk.f32 $0xffff, v60, v60  }
0xee: {  	(xrf1) =	vsort.dscd.msk.f32 $0xffff, v61, v61;
	_ =	sdelay $0x9  }
0xef: {  	[tilespmem:$0x1FF20] =	vst v59;
	v59, _, _ =	vpop (xrf1)  }
0xf0: {  	[tilespmem:$0x1FF00] =	vst v60;
	v60, _, _ =	vpop (xrf1)  }
0xf1: {  	[tilespmem:$0x1FF10] =	vst v61;
	v61, _, _ =	vpop (xrf1)  }
0xf2: {  	[tilespmem:$0x1FDB0] =	vst v59;
	v59, _, _ =	vpop (xrf1)  }
0xf3: {  	v0 =	vmax.f32 v60, v61;
	v60, _, _ =	vpop (xrf1)  }
0xf4: {  	(xrf1) =	vsort.ascd.msk.f32 $0xffff, v0, v0;
	v1 =	vmax.f32 v59, v60  }
0xf5: {  	(xrf1) =	vsort.dscd.msk.f32 $0xffff, v1, v1;
	_ =	sdelay $0x6  }
0xf6: {  	s30 =	sor.u32 $0xB, s24  }
0xf7: {  	s7 =	sshll.u32 s30, $0x9  }
0xf8: {  	s0 =	sand.u32 $0x7400, s7  }
0xf9: {  	s26 =	sor.u32 s23, s0  }
0xfa: {  	v61 =	vld [tilespmem:s26+$0x40]  }
0xfb: {  	v60 =	vld [tilespmem:s26+$0x50]  }
0xfc: {  	v59 =	vld [tilespmem:s26+$0x60];
	v0, _, _ =	vpop (xrf1)  }
0xfd: {  	[tilespmem:$0x1FF40] =	vst v2;
	v2 =	vld [tilespmem:s26+$0x70];
	v1, _, _ =	vpop (xrf1)  }
0xfe: {  	v0 =	vmax.f32 v0, v1  }
0xff: {  	[tilespmem:$0x1FF60] =	vst v61;
	v61 =	vand.u32 $0x7FFFFFFF, v61;
	(xrf1) =	vsort.ascd.msk.f32 $0xffff, v0, v0  }
0x100: {  	[tilespmem:$0x1FF30] =	vst v61;
	(xrf1) =	vsort.ascd.msk.f32 $0xffff, v61, v61;
	v61 =	vand.u32 $0x7FFFFFFF, v60  }
0x101: {  	[tilespmem:$0x1FF70] =	vst v60;
	v60 =	vand.u32 $0x7FFFFFFF, v59;
	(xrf1) =	vsort.dscd.msk.f32 $0xffff, v61, v61  }
0x102: {  	[tilespmem:$0x1FF50] =	vst v61;
	v61 =	vand.u32 $0x7FFFFFFF, v2;
	(xrf1) =	vsort.ascd.msk.f32 $0xffff, v60, v60  }
0x103: {  	(xrf1) =	vsort.dscd.msk.f32 $0xffff, v61, v61;
	_ =	sdelay $0x9  }
0x104: {  	[tilespmem:$0x1FF90] =	vst v59;
	v59, _, _ =	vpop (xrf1)  }
0x105: {  	[tilespmem:$0x1FF80] =	vst v60;
	v60, _, _ =	vpop (xrf1)  }
0x106: {  	[tilespmem:$0x1FFA0] =	vst v61;
	v61, _, _ =	vpop (xrf1)  }
0x107: {  	[tilespmem:$0x1FE30] =	vst v59;
	v59, _, _ =	vpop (xrf1)  }
0x108: {  	v0 =	vmax.f32 v60, v61;
	v60, _, _ =	vpop (xrf1)  }
0x109: {  	(xrf1) =	vsort.ascd.msk.f32 $0xffff, v0, v0;
	v1 =	vmax.f32 v59, v60  }
0x10a: {  	(xrf1) =	vsort.dscd.msk.f32 $0xffff, v1, v1;
	_ =	sdelay $0x7  }
0x10b: {  	s29 =	sor.u32 $0xC, s24  }
0x10c: {  	s16 =	sshll.u32 s29, $0x9  }
0x10d: {  	s25 =	sor.u32 s23, s16  }
0x10e: {  	v61 =	vld [tilespmem:s25+$0x0]  }
0x10f: {  	v60 =	vld [tilespmem:s25+$0x10]  }
0x110: {  	v59 =	vld [tilespmem:s25+$0x20];
	v0, _, _ =	vpop (xrf1)  }
0x111: {  	[tilespmem:$0x1FFB0] =	vst v2;
	v1 =	vsel vm0, $0xFF800000, v43;
	v43 =	vld [tilespmem:s25+$0x30];
	v2, _, _ =	vpop (xrf1)  }
0x112: {  	(xrf0) =	vmax.scan.msk.f32 $0xffff, v1;
	v0 =	vmax.f32 v0, v2  }
0x113: {  	[tilespmem:$0x1FFD0] =	vst v61;
	v61 =	vand.u32 $0x7FFFFFFF, v61;
	(xrf1) =	vsort.ascd.msk.f32 $0xffff, v0, v0  }
0x114: {  	[tilespmem:$0x1FFC0] =	vst v61;
	(xrf1) =	vsort.ascd.msk.f32 $0xffff, v61, v61;
	v61 =	vand.u32 $0x7FFFFFFF, v60  }
0x115: {  	[tilespmem:$0x1FFE0] =	vst v60;
	v60 =	vand.u32 $0x7FFFFFFF, v59;
	(xrf1) =	vsort.dscd.msk.f32 $0xffff, v61, v61  }
0x116: {  	[tilespmem:$0x1FFF0] =	vst v59;
	v59 =	vand.u32 $0x7FFFFFFF, v43;
	(xrf1) =	vsort.ascd.msk.f32 $0xffff, v60, v60  }
0x117: {  	(xrf1) =	vsort.dscd.msk.f32 $0xffff, v59, v59;
	_ =	sdelay $0x1  }
0x118: {  	v0, _, _ =	vpop (xrf0)  }
0x119: {  	v0 =	vbroadcast v0, $0xF;
	_ =	sdelay $0x1  }
0x11a: {  	v31 =	vsel vm0, $0xFF800000, v31;
	vm1 =	vge.f32 v3, v0  }
0x11b: {  	(xrf0) =	vmax.scan.msk.f32 $0xffff, v31;
	v31 =	vnsel vm1, $0x0, v4  }
0x11c: {  	vm1 =	vlt.f32 v31, $0.0e+00;
	vm2 =	vgt.f32 v31, $0.0e+00  }
0x11d: {  	s7 =	sshll.u32 s24, $0x6;
	vm1 =	vmor vm2, vm1  }
0x11e: {  	s20 =	sor.u32 $0x10000, s7;
	[tilespmem:s11+$0x0] =	vst v31;
	vm2 =	vge.f32 v8, v0;
	v31 =	vsel vm1, $0x3F800000, v54  }
0x11f: {  	[tilespmem:s20+$0x0] =	vst.add.f32.msk $0xffff, v31;
	v31 =	vnsel vm2, $0x0, v11;
	v4, _, _ =	vpop (xrf1)  }
0x120: {  	vm2 =	vlt.f32 v31, $0.0e+00;
	vm4 =	vgt.f32 v31, $0.0e+00;
	v2, _, _ =	vpop (xrf1)  }
0x121: {  	vm2 =	vmor vm4, vm2;
	v3, _, _ =	vpop (xrf1)  }
0x122: {  	s16 =	sor.u32 $0x10010, s7;
	[tilespmem:s11+$0x10] =	vst v31;
	v11 =	vsel vm2, $0x3F800000, v54;
	v8, _, _ =	vpop (xrf1)  }
0x123: {  	vm3 =	vge.f32 v5, v0;
	vm1 =	vge.f32 v9, v0;
	[tilespmem:s16+$0x0] =	vst.add.f32.msk $0xffff, v11;
	v9 =	vmax.f32 v2, v3;
	v5, _, _ =	vpop (xrf1)  }
0x124: {  	(xrf1) =	vsort.ascd.msk.f32 $0xffff, v9, v9;
	v9 =	vnsel vm3, $0x0, v12;
	v12 =	vnsel vm1, $0x0, v18;
	v2 =	vmax.f32 v8, v5;
	v8, _, _ =	vpop (xrf0)  }
0x125: {  	[tilespmem:$0x1FEB0] =	vst v4;
	vm3 =	vlt.f32 v9, $0.0e+00;
	vm14 =	vgt.f32 v9, $0.0e+00;
	v0 =	vbroadcast v8, $0xF  }
0x126: {  	vm1 =	vlt.f32 v12, $0.0e+00;
	vm15 =	vgt.f32 v12, $0.0e+00;
	(xrf1) =	vsort.dscd.msk.f32 $0xffff, v2, v2;
	vm3 =	vmor vm14, vm3  }
0x127: {  	s20 =	sor.u32 $0x10020, s7;
	[tilespmem:s11+$0x20] =	vst v9;
	v18 =	vsel vm3, $0x3F800000, v54;
	vm2 =	vge.f32 v6, v0;
	vm3 =	vge.f32 v7, v0;
	v7 =	vld [tilespmem:$0x1FC90]  }
0x128: {  	vm1 =	vmor vm15, vm1;
	[tilespmem:s20+$0x0] =	vst.add.f32.msk $0xffff, v18;
	v31 =	vnsel vm2, $0x0, v10  }
0x129: {  	s16 =	sor.u32 $0x10030, s7;
	v4 =	vsel vm1, $0x3F800000, v54;
	[tilespmem:s11+$0x30] =	vst v12;
	vm2 =	vlt.f32 v31, $0.0e+00;
	vm8 =	vgt.f32 v31, $0.0e+00  }
0x12a: {  	v5 =	vnsel vm3, $0x0, v17;
	[tilespmem:s16+$0x0] =	vst.add.f32.msk $0xffff, v4;
	vm1 =	vmor vm8, vm2  }
0x12b: {  	s20 =	sor.u32 $0x10040, s7;
	[tilespmem:s11+$0x40] =	vst v31;
	vm3 =	vgt.f32 v5, $0.0e+00;
	s16 =	sor.u32 $0xD, s24;
	vm2 =	vlt.f32 v5, $0.0e+00;
	v6 =	vsel vm1, $0x3F800000, v54  }
0x12c: {  	vm1 =	vmor vm3, vm2;
	[tilespmem:s20+$0x0] =	vst.add.f32.msk $0xffff, v6;
	v2 =	vsel vm0, $0xFF800000, v7;
	s20 =	sshll.u32 s16, $0x9  }
0x12d: {  	v8 =	vsel vm1, $0x3F800000, v54;
	[tilespmem:s11+$0x50] =	vst v5;
	(xrf0) =	vmax.scan.msk.f32 $0xffff, v2;
	s0 =	sand.u32 $0x7800, s20;
	s20 =	sor.u32 $0x10050, s7  }
0x12e: {  	vm1 =	vge.f32 v37, v0;
	[tilespmem:s20+$0x0] =	vst.add.f32.msk $0xffff, v8;
	s0 =	sor.u32 s23, s0  }
0x12f: {  	v9 =	vnsel vm1, $0x0, v33;
	v37 =	vld [tilespmem:s0+$0x40]  }
0x130: {  	vm1 =	vlt.f32 v9, $0.0e+00;
	vm2 =	vgt.f32 v9, $0.0e+00;
	v33 =	vld [tilespmem:s0+$0x50]  }
0x131: {  	vm1 =	vmor vm2, vm1;
	v11 =	vld [tilespmem:s0+$0x60]  }
0x132: {  	v12 =	vsel vm0, $0xFF800000, v56;
	v31 =	vld [tilespmem:s0+$0x70];
	v17 =	vsel vm1, $0x3F800000, v54;
	vm1 =	vge.f32 v50, v0;
	v10, _, _ =	vpop (xrf1)  }
0x133: {  	s20 =	sor.u32 $0x10060, s7;
	(xrf0) =	vmax.scan.msk.f32 $0xffff, v12;
	[tilespmem:s11+$0x60] =	vst v9;
	v9 =	vld [tilespmem:$0x1FCA0];
	v4 =	vnsel vm1, $0x0, v46;
	v56, _, _ =	vpop (xrf0)  }
0x134: {  	[tilespmem:s20+$0x0] =	vst.add.f32.msk $0xffff, v17;
	vm1 =	vlt.f32 v4, $0.0e+00;
	vm2 =	vgt.f32 v4, $0.0e+00;
	v18, _, _ =	vpop (xrf1);
	v1 =	vbroadcast v56, $0xF  }
0x135: {  	[tilespmem:s11+$0x70] =	vst v4;
	vm1 =	vmor vm2, vm1;
	v50 =	vmax.f32 v10, v18;
	v46 =	vand.u32 $0x7FFFFFFF, v33  }
0x136: {  	s7 =	sor.u32 $0x10070, s7;
	v7 =	vsel vm1, $0x3F800000, v54;
	(xrf1) =	vsort.ascd.msk.f32 $0xffff, v50, v50;
	v50 =	vand.u32 $0x7FFFFFFF, v37;
	vm3 =	vge.f32 v45, v1  }
0x137: {  	v56 =	vmovc v11;
	[tilespmem:s7+$0x0] =	vst.add.f32.msk $0xffff, v7;
	v45 =	vand.u32 $0x7FFFFFFF, v11;
	vm9 =	vge.f32 v42, v1;
	v42 =	vand.u32 $0x7FFFFFFF, v31  }
0x138: {  	(xrf1) =	vsort.ascd.msk.f32 $0xffff, v50, v50;
	vm2 =	vge.f32 v13, v1;
	vm1 =	vge.f32 v15, v1;
	v1 =	vsel vm0, $0xFF800000, v9  }
0x139: {  	v11, _, _ =	vpop (xrf0);
	(xrf1) =	vsort.dscd.msk.f32 $0xffff, v46, v46;
	v6 =	vnsel vm3, $0x0, v21;
	v8 =	vnsel vm9, $0x0, v22;
	v12 =	vnsel vm2, $0x0, v25  }
0x13a: {  	(xrf0) =	vmax.scan.msk.f32 $0xffff, v1;
	v2 =	vbroadcast v11, $0xF;
	vm3 =	vlt.f32 v6, $0.0e+00;
	vm5 =	vgt.f32 v6, $0.0e+00  }
0x13b: {  	s7 =	sshll.u32 s12, $0x6;
	(xrf1) =	vsort.ascd.msk.f32 $0xffff, v45, v45;
	vm4 =	vlt.f32 v8, $0.0e+00;
	vm10 =	vgt.f32 v8, $0.0e+00;
	vm3 =	vmor vm5, vm3  }
0x13c: {  	s20 =	sor.u32 $0x10000, s7;
	[tilespmem:s5+$0x0] =	vst v6;
	vm2 =	vlt.f32 v12, $0.0e+00;
	vm11 =	vgt.f32 v12, $0.0e+00;
	v10 =	vsel vm3, $0x3F800000, v54  }
0x13d: {  	(xrf1) =	vsort.dscd.msk.f32 $0xffff, v42, v42;
	vm2 =	vmor vm11, vm2;
	vm3 =	vmor vm10, vm4;
	[tilespmem:s20+$0x0] =	vst.add.f32.msk $0xffff, v10  }
0x13e: {  	s12 =	sor.u32 $0x10010, s7;
	vm14 =	vge.f32 v23, v2;
	v13 =	vsel vm3, $0x3F800000, v54;
	vm3 =	vge.f32 v14, v2;
	[tilespmem:s5+$0x10] =	vst v8  }
0x13f: {  	v15 =	vsel vm2, $0x3F800000, v54;
	v14 =	vnsel vm1, $0x0, v29;
	v17 =	vnsel vm3, $0x0, v19;
	[tilespmem:s12+$0x0] =	vst.add.f32.msk $0xffff, v13  }
0x140: {  	vm2 =	vge.f32 v16, v2;
	vm1 =	vlt.f32 v14, $0.0e+00;
	vm12 =	vgt.f32 v14, $0.0e+00;
	[tilespmem:s3+$0x40] =	vst v17  }
0x141: {  	s20 =	sor.u32 $0x10020, s7;
	vm1 =	vmor vm12, vm1;
	vm3 =	vlt.f32 v17, $0.0e+00;
	vm13 =	vgt.f32 v17, $0.0e+00;
	[tilespmem:s5+$0x20] =	vst v12  }
0x142: {  	v21 =	vnsel vm2, $0x0, v28;
	s12 =	sshll.u32 s10, $0x6;
	v18 =	vsel vm1, $0x3F800000, v54;
	vm1 =	vmor vm13, vm3;
	[tilespmem:s20+$0x0] =	vst.add.f32.msk $0xffff, v15  }
0x143: {  	vm2 =	vlt.f32 v21, $0.0e+00;
	v19, _, _ =	vpop (xrf0);
	v17 =	vld [tilespmem:$0x1FCB0];
	vm3 =	vgt.f32 v21, $0.0e+00;
	s20 =	sor.u32 $0x10000, s12;
	v22 =	vsel vm1, $0x3F800000, v54;
	[tilespmem:s5+$0x30] =	vst v14  }
0x144: {  	s11 =	sor.u32 $0x10030, s7;
	v11 =	vbroadcast v19, $0xF;
	vm1 =	vge.f32 v26, v2;
	vm2 =	vmor vm3, vm2;
	[tilespmem:s20+$0x0] =	vst.add.f32.msk $0xffff, v22  }
0x145: {  	v36 =	vnsel vm1, $0x0, v36;
	v8 =	vsel vm2, $0x3F800000, v54;
	v14 =	vnsel vm14, $0x0, v40;
	[tilespmem:s11+$0x0] =	vst.add.f32.msk $0xffff, v18  }
0x146: {  	s10 =	sor.u32 $0x10050, s12;
	[tilespmem:s3+$0x50] =	vst v21;
	vm1 =	vlt.f32 v36, $0.0e+00;
	vm2 =	vgt.f32 v36, $0.0e+00;
	vm3 =	vlt.f32 v14, $0.0e+00  }
0x147: {  	vm4 =	vgt.f32 v14, $0.0e+00;
	[tilespmem:s10+$0x0] =	vst.add.f32.msk $0xffff, v8;
	vm1 =	vmor vm2, vm1;
	vm2 =	vge.f32 v20, v11;
	v9, _, _ =	vpop (xrf1)  }
0x148: {  	vm3 =	vmor vm4, vm3;
	v1 =	vsel vm0, $0xFF800000, v17;
	[tilespmem:s3+$0x60] =	vst v36;
	v15 =	vsel vm1, $0x3F800000, v54;
	v25, _, _ =	vpop (xrf1)  }
0x149: {  	v26 =	vld [tilespmem:$0x1FCC0];
	s11 =	sor.u32 $0x10060, s12;
	vm1 =	vge.f32 v24, v11;
	v16 =	vnsel vm2, $0x0, v35;
	(xrf0) =	vmax.scan.msk.f32 $0xffff, v1;
	v18 =	vsel vm3, $0x3F800000, v54;
	v28, _, _ =	vpop (xrf1)  }
0x14a: {  	vm3 =	vge.f32 v27, v11;
	[tilespmem:s11+$0x0] =	vst.add.f32.msk $0xffff, v15;
	vm2 =	vlt.f32 v16, $0.0e+00;
	vm15 =	vgt.f32 v16, $0.0e+00;
	v10, _, _ =	vpop (xrf1)  }
0x14b: {  	v17 =	vld [tilespmem:$0x1FD00];
	v19 =	vnsel vm1, $0x0, v39;
	v21 =	vnsel vm3, $0x0, v49;
	[tilespmem:s3+$0x70] =	vst v14;
	v29 =	vmax.f32 v25, v28;
	v12, _, _ =	vpop (xrf1)  }
0x14c: {  	s20 =	sshll.u32 s4, $0x6;
	s4 =	sor.u32 $0xE, s24;
	s12 =	sor.u32 $0x10070, s12;
	v49 =	vld [tilespmem:$0x1FCE0];
	vm2 =	vmor vm15, vm2;
	vm1 =	vlt.f32 v19, $0.0e+00;
	(xrf1) =	vsort.ascd.msk.f32 $0xffff, v29, v29;
	v13 =	vmax.f32 v10, v12  }
0x14d: {  	vm8 =	vgt.f32 v19, $0.0e+00;
	vm3 =	vgt.f32 v21, $0.0e+00;
	[tilespmem:s12+$0x0] =	vst.add.f32.msk $0xffff, v18;
	s12 =	sshll.u32 s4, $0x9;
	(xrf1) =	vsort.dscd.msk.f32 $0xffff, v13, v13  }
0x14e: {  	v20 =	vsel vm2, $0x3F800000, v54;
	vm1 =	vmor vm8, vm1;
	vm2 =	vlt.f32 v21, $0.0e+00;
	s3 =	sor.u32 s23, s12;
	v29 =	vld [tilespmem:$0x1FCD0]  }
0x14f: {  	v22 =	vsel vm1, $0x3F800000, v54;
	vm1 =	vmor vm3, vm2;
	v4 =	vld [tilespmem:s3+$0x0]  }
0x150: {  	v23 =	vsel vm1, $0x3F800000, v54;
	vm1 =	vge.f32 v51, v11;
	v3 =	vld [tilespmem:s3+$0x10]  }
0x151: {  	v1 =	vsel vm0, $0xFF800000, v26;
	v2 =	vld [tilespmem:s3+$0x20];
	v24, _, _ =	vpop (xrf0);
	v27 =	vnsel vm1, $0x0, v63  }
0x152: {  	s7 =	sor.u32 $0x10000, s20;
	[tilespmem:s19+$0x0] =	vst v16;
	v0 =	vld [tilespmem:s3+$0x30];
	v25 =	vbroadcast v24, $0xF;
	vm10 =	vlt.f32 v27, $0.0e+00;
	vm6 =	vgt.f32 v27, $0.0e+00  }
0x153: {  	[tilespmem:s7+$0x0] =	vst.add.f32.msk $0xffff, v20;
	(xrf0) =	vmax.scan.msk.f32 $0xffff, v1;
	vm5 =	vmor vm6, vm10  }
0x154: {  	s10 =	sor.u32 $0x10010, s20;
	v26 =	vld [tilespmem:$0x1FD40];
	[tilespmem:s19+$0x10] =	vst v19;
	vm9 =	vge.f32 v32, v25;
	vm3 =	vge.f32 v30, v25;
	vm2 =	vge.f32 v34, v25  }
0x155: {  	[tilespmem:s10+$0x0] =	vst.add.f32.msk $0xffff, v22;
	vm1 =	vge.f32 v38, v25;
	v30 =	vsel vm0, $0xFF800000, v29;
	v35 =	vsel vm5, $0x3F800000, v54  }
0x156: {  	s11 =	sor.u32 $0x10020, s20;
	v20 =	vld [tilespmem:$0x1FD20];
	[tilespmem:s19+$0x20] =	vst v21;
	v36 =	vnsel vm9, $0x0, v53;
	v8 =	vand.u32 $0x7FFFFFFF, v4;
	v6 =	vand.u32 $0x7FFFFFFF, v3  }
0x157: {  	[tilespmem:s11+$0x0] =	vst.add.f32.msk $0xffff, v23;
	v7 =	vand.u32 $0x7FFFFFFF, v2;
	v39 =	vnsel vm3, $0x0, v57;
	v5 =	vand.u32 $0x7FFFFFFF, v0  }
0x158: {  	v19 =	vld [tilespmem:$0x1FD10];
	[tilespmem:s19+$0x30] =	vst v27;
	v11 =	vnsel vm2, $0x0, v49;
	vm4 =	vlt.f32 v36, $0.0e+00;
	vm11 =	vgt.f32 v36, $0.0e+00  }
0x159: {  	s5 =	sor.u32 $0x10030, s20;
	(xrf0) =	vmax.scan.msk.f32 $0xffff, v30;
	v53 =	vld [tilespmem:$0x1FCF0];
	vm3 =	vlt.f32 v39, $0.0e+00;
	vm12 =	vgt.f32 v39, $0.0e+00;
	vm2 =	vlt.f32 v11, $0.0e+00;
	v38, _, _ =	vpop (xrf0)  }
0x15a: {  	s2 =	sshll.u32 s2, $0x6;
	[tilespmem:s5+$0x0] =	vst.add.f32.msk $0xffff, v35;
	vm14 =	vgt.f32 v11, $0.0e+00;
	vm4 =	vmor vm11, vm4;
	vm3 =	vmor vm12, vm3;
	v28, _, _ =	vpop (xrf1)  }
0x15b: {  	s20 =	sor.u32 $0x10000, s2;
	v23 =	vld [tilespmem:$0x1FD30];
	[tilespmem:s14+$0x40] =	vst v36;
	vm2 =	vmor vm14, vm2;
	v1 =	vbroadcast v38, $0xF;
	v40 =	vsel vm4, $0x3F800000, v54;
	v32, _, _ =	vpop (xrf1)  }
0x15c: {  	v51 =	vsel vm3, $0x3F800000, v54;
	v57 =	vsel vm2, $0x3F800000, v54;
	[tilespmem:s20+$0x0] =	vst.add.f32.msk $0xffff, v40;
	v34 =	vmax.f32 v28, v32  }
0x15d: {  	v29 =	vld [tilespmem:$0x1FD50];
	vm13 =	vge.f32 v41, v1;
	[tilespmem:s14+$0x50] =	vst v39;
	vm3 =	vge.f32 v44, v1;
	(xrf1) =	vsort.ascd.msk.f32 $0xffff, v34, v34  }
0x15e: {  	s7 =	sor.u32 $0x10050, s2;
	v49 =	vld [tilespmem:$0x1FDA0];
	v10 =	vnsel vm1, $0x0, v53;
	vm2 =	vge.f32 v55, v1;
	vm10 =	vge.f32 v19, v1;
	(xrf1) =	vsort.ascd.msk.f32 $0xffff, v8, v8  }
0x15f: {  	[tilespmem:s7+$0x0] =	vst.add.f32.msk $0xffff, v51;
	vm1 =	vlt.f32 v10, $0.0e+00;
	vm15 =	vgt.f32 v10, $0.0e+00;
	(xrf1) =	vsort.dscd.msk.f32 $0xffff, v6, v6  }
0x160: {  	v36 =	vld [tilespmem:$0x1FD70];
	v58 =	vnsel vm13, $0x0, v58;
	v1 =	vnsel vm2, $0x0, v20;
	[tilespmem:s14+$0x60] =	vst v11;
	(xrf1) =	vsort.ascd.msk.f32 $0xffff, v7, v7  }
0x161: {  	s10 =	sor.u32 $0x10060, s2;
	v44 =	vld [tilespmem:$0x1FD80];
	v16, _, _ =	vpop (xrf0);
	vm1 =	vmor vm15, vm1;
	vm4 =	vlt.f32 v58, $0.0e+00;
	[tilespmem:s8+$0x0] =	vst v58;
	(xrf1) =	vsort.dscd.msk.f32 $0xffff, v5, v5  }
0x162: {  	vm8 =	vgt.f32 v58, $0.0e+00;
	v12 =	vbroadcast v16, $0xF;
	vm12 =	vlt.f32 v1, $0.0e+00;
	[tilespmem:s10+$0x0] =	vst.add.f32.msk $0xffff, v57  }
0x163: {  	s2 =	sor.u32 $0x10070, s2;
	s11 =	sshll.u32 s18, $0x6;
	v53 =	vld [tilespmem:$0x1FDB0];
	vm7 =	vgt.f32 v1, $0.0e+00;
	v63 =	vsel vm1, $0x3F800000, v54;
	vm1 =	vmor vm8, vm4;
	[tilespmem:s14+$0x70] =	vst v10  }
0x164: {  	s12 =	sor.u32 $0x10000, s11;
	vm4 =	vmor vm7, vm12;
	v18 =	vsel vm1, $0x3F800000, v54;
	[tilespmem:s2+$0x0] =	vst.add.f32.msk $0xffff, v63  }
0x165: {  	v10 =	vnsel vm3, $0x0, v17;
	vm11 =	vge.f32 v47, v12;
	vm2 =	vge.f32 v52, v12;
	[tilespmem:s12+$0x0] =	vst.add.f32.msk $0xffff, v18  }
0x166: {  	v27 =	vsel vm4, $0x3F800000, v54;
	vm3 =	vlt.f32 v10, $0.0e+00;
	vm9 =	vgt.f32 v10, $0.0e+00;
	v34 =	vld [tilespmem:$0x1FD60]  }
0x167: {  	v55 =	vld [tilespmem:$0x1FDC0];
	v11 =	vnsel vm11, $0x0, v29;
	vm1 =	vmor vm9, vm3;
	[tilespmem:s8+$0x10] =	vst v10;
	v10 =	vnsel vm10, $0x0, v26  }
0x168: {  	v20 =	vld [tilespmem:$0x1FDE0];
	s14 =	sor.u32 $0x10010, s11;
	[tilespmem:s6+$0x40] =	vst v11;
	v21 =	vsel vm1, $0x3F800000, v54;
	vm13 =	vlt.f32 v10, $0.0e+00;
	vm5 =	vgt.f32 v10, $0.0e+00  }
0x169: {  	vm3 =	vge.f32 v48, v12;
	vm14 =	vlt.f32 v11, $0.0e+00;
	[tilespmem:s14+$0x0] =	vst.add.f32.msk $0xffff, v21;
	vm4 =	vmor vm5, vm13  }
0x16a: {  	s18 =	sor.u32 $0x10020, s11;
	v57 =	vld [tilespmem:$0x1FDD0];
	vm1 =	vge.f32 v62, v12;
	[tilespmem:s8+$0x20] =	vst v1;
	v1 =	vsel vm0, $0xFF800000, v23;
	v35 =	vsel vm4, $0x3F800000, v54  }
0x16b: {  	(xrf0) =	vmax.scan.msk.f32 $0xffff, v1;
	[tilespmem:s18+$0x0] =	vst.add.f32.msk $0xffff, v27;
	v1 =	vnsel vm3, $0x0, v34;
	vm3 =	vgt.f32 v11, $0.0e+00;
	v18, _, _ =	vpop (xrf1)  }
0x16c: {  	s19 =	sshll.u32 s13, $0x6;
	s2 =	sor.u32 $0x10030, s11;
	v29 =	vld [tilespmem:$0x1FE20];
	[tilespmem:s8+$0x30] =	vst v10;
	v10 =	vnsel vm2, $0x0, v36;
	v11 =	vnsel vm1, $0x0, v44;
	vm3 =	vmor vm3, vm14;
	v22, _, _ =	vpop (xrf1)  }
0x16d: {  	s20 =	sor.u32 $0x10000, s19;
	[tilespmem:s2+$0x0] =	vst.add.f32.msk $0xffff, v35;
	vm15 =	vlt.f32 v1, $0.0e+00;
	vm2 =	vgt.f32 v1, $0.0e+00;
	v38 =	vsel vm3, $0x3F800000, v54;
	v24, _, _ =	vpop (xrf1)  }
0x16e: {  	vm8 =	vgt.f32 v10, $0.0e+00;
	vm1 =	vlt.f32 v11, $0.0e+00;
	vm2 =	vmor vm2, vm15;
	[tilespmem:s20+$0x0] =	vst.add.f32.msk $0xffff, v38;
	v28, _, _ =	vpop (xrf1)  }
0x16f: {  	s7 =	sor.u32 $0x10050, s19;
	v48 =	vld [tilespmem:$0x1FD90];
	vm3 =	vlt.f32 v10, $0.0e+00;
	v41 =	vsel vm2, $0x3F800000, v54;
	[tilespmem:s6+$0x50] =	vst v1;
	v25 =	vmax.f32 v22, v24;
	v30, _, _ =	vpop (xrf1)  }
0x170: {  	vm3 =	vmor vm8, vm3;
	[tilespmem:s7+$0x0] =	vst.add.f32.msk $0xffff, v41;
	(xrf1) =	vsort.ascd.msk.f32 $0xffff, v25, v25;
	v32 =	vmax.f32 v28, v30  }
0x171: {  	v23 =	vld [tilespmem:$0x1FDF0];
	s8 =	sor.u32 $0x10060, s19;
	vm2 =	vgt.f32 v11, $0.0e+00;
	v39, _, _ =	vpop (xrf0);
	v47 =	vsel vm3, $0x3F800000, v54;
	[tilespmem:s6+$0x60] =	vst v10;
	(xrf1) =	vsort.dscd.msk.f32 $0xffff, v32, v32  }
0x172: {  	s5 =	sor.u32 $0xF, s24;
	vm1 =	vmor vm2, vm1;
	v40 =	vbroadcast v39, $0xF;
	[tilespmem:s8+$0x0] =	vst.add.f32.msk $0xffff, v47  }
0x173: {  	s11 =	sshll.u32 s5, $0x9;
	v27 =	vld [tilespmem:$0x1FE10];
	s2 =	sor.u32 $0x10070, s19;
	v51 =	vsel vm1, $0x3F800000, v54;
	[tilespmem:s6+$0x70] =	vst v11  }
0x174: {  	vm3 =	vge.f32 v48, v40;
	[tilespmem:s2+$0x0] =	vst.add.f32.msk $0xffff, v51;
	s2 =	sand.u32 $0x7C00, s11  }
0x175: {  	v36 =	vld [tilespmem:$0x1FE60];
	v10 =	vnsel vm3, $0x0, v49;
	s2 =	sor.u32 s23, s2  }
0x176: {  	vm1 =	vlt.f32 v10, $0.0e+00;
	vm2 =	vgt.f32 v10, $0.0e+00;
	[tilespmem:s15+$0x0] =	vst v10;
	v10 =	vsel vm0, $0xFF800000, v53;
	v13 =	vld [tilespmem:s2+$0x40]  }
0x177: {  	vm1 =	vmor vm2, vm1;
	(xrf0) =	vmax.scan.msk.f32 $0xffff, v10;
	v12 =	vld [tilespmem:s2+$0x50]  }
0x178: {  	v52 =	vsel vm1, $0x3F800000, v54;
	vm1 =	vge.f32 v55, v40;
	v11 =	vld [tilespmem:s2+$0x60]  }
0x179: {  	v58 =	vnsel vm1, $0x0, v57;
	v25 =	vld [tilespmem:$0x1FE00]  }
0x17a: {  	s10 =	sshll.u32 s9, $0x6;
	vm1 =	vlt.f32 v58, $0.0e+00;
	vm2 =	vgt.f32 v58, $0.0e+00;
	v30 =	vld [tilespmem:$0x1FE30]  }
0x17b: {  	s12 =	sor.u32 $0x10000, s10;
	v34 =	vld [tilespmem:$0x1FE50];
	vm1 =	vmor vm2, vm1;
	vm2 =	vge.f32 v20, v40  }
0x17c: {  	[tilespmem:s12+$0x0] =	vst.add.f32.msk $0xffff, v52;
	v22 =	vsel vm1, $0x3F800000, v54;
	v24 =	vnsel vm2, $0x0, v23  }
0x17d: {  	s13 =	sor.u32 $0x10010, s10;
	v38 =	vld [tilespmem:$0x1FE70];
	[tilespmem:s15+$0x10] =	vst v58;
	v16 =	vand.u32 $0x7FFFFFFF, v13;
	vm1 =	vlt.f32 v24, $0.0e+00;
	v26, _, _ =	vpop (xrf0);
	v17 =	vand.u32 $0x7FFFFFFF, v12  }
0x17e: {  	[tilespmem:s13+$0x0] =	vst.add.f32.msk $0xffff, v22;
	vm3 =	vgt.f32 v24, $0.0e+00;
	v15 =	vand.u32 $0x7FFFFFFF, v11;
	v1 =	vbroadcast v26, $0xF;
	v62, _, _ =	vpop (xrf1)  }
0x17f: {  	v10 =	vld [tilespmem:s2+$0x70];
	[tilespmem:s15+$0x20] =	vst v24;
	vm1 =	vmor vm3, vm1;
	vm2 =	vge.f32 v25, v40;
	v19 =	vsel vm0, $0xFF800000, v30;
	v63, _, _ =	vpop (xrf1)  }
0x180: {  	v32 =	vld [tilespmem:$0x1FE40];
	v28 =	vsel vm1, $0x3F800000, v54;
	v20 =	vnsel vm2, $0x0, v29;
	(xrf0) =	vmax.scan.msk.f32 $0xffff, v19;
	v21 =	vmax.f32 v62, v63  }
0x181: {  	s14 =	sor.u32 $0x10020, s10;
	v49 =	vld [tilespmem:$0x1FEB0];
	vm3 =	vge.f32 v27, v1;
	vm1 =	vlt.f32 v20, $0.0e+00;
	vm2 =	vgt.f32 v20, $0.0e+00;
	(xrf1) =	vsort.ascd.msk.f32 $0xffff, v21, v21  }
0x182: {  	[tilespmem:s14+$0x0] =	vst.add.f32.msk $0xffff, v28;
	v19 =	vnsel vm3, $0x0, v34;
	vm1 =	vmor vm2, vm1;
	(xrf1) =	vsort.ascd.msk.f32 $0xffff, v16, v16  }
0x183: {  	v44 =	vld [tilespmem:$0x1FE90];
	vm2 =	vgt.f32 v19, $0.0e+00;
	v35 =	vsel vm1, $0x3F800000, v54;
	vm1 =	vlt.f32 v19, $0.0e+00;
	(xrf1) =	vsort.dscd.msk.f32 $0xffff, v17, v17  }
0x184: {  	s18 =	sshll.u32 s17, $0x6;
	v48 =	vld [tilespmem:$0x1FEA0];
	v14 =	vand.u32 $0x7FFFFFFF, v10;
	[tilespmem:s15+$0x30] =	vst v20;
	vm1 =	vmor vm2, vm1;
	(xrf1) =	vsort.ascd.msk.f32 $0xffff, v15, v15  }
0x185: {  	s19 =	sor.u32 $0x10000, s18;
	v53 =	vld [tilespmem:$0x1FEC0];
	vm9 =	vge.f32 v32, v1;
	[tilespmem:s31+$0x40] =	vst v19;
	v39 =	vsel vm1, $0x3F800000, v54;
	(xrf1) =	vsort.dscd.msk.f32 $0xffff, v14, v14  }
0x186: {  	v20 =	vnsel vm9, $0x0, v38;
	[tilespmem:s19+$0x0] =	vst.add.f32.msk $0xffff, v39  }
0x187: {  	v58 =	vld [tilespmem:$0x1FED0];
	vm2 =	vgt.f32 v20, $0.0e+00;
	vm1 =	vlt.f32 v20, $0.0e+00;
	[tilespmem:s31+$0x50] =	vst v20;
	v20 =	vsel vm0, $0xFF800000, v49  }
0x188: {  	v40 =	vld [tilespmem:$0x1FE80];
	v47, _, _ =	vpop (xrf0);
	(xrf0) =	vmax.scan.msk.f32 $0xffff, v20  }
0x189: {  	v25 =	vld [tilespmem:$0x1FEF0]  }
0x18a: {  	v28 =	vld [tilespmem:$0x1FF00]  }
0x18b: {  	v30 =	vld [tilespmem:$0x1FF10]  }
0x18c: {  	vm3 =	vge.f32 v36, v1;
	v34 =	vld [tilespmem:$0x1FF20]  }
0x18d: {  	s6 =	sor.u32 $0x10030, s10;
	v36 =	vld [tilespmem:$0x1FF40];
	v19 =	vnsel vm3, $0x0, v40;
	vm1 =	vmor vm2, vm1  }
0x18e: {  	s20 =	sor.u32 $0x10050, s18;
	[tilespmem:s6+$0x0] =	vst.add.f32.msk $0xffff, v35;
	vm2 =	vgt.f32 v19, $0.0e+00;
	v41 =	vsel vm1, $0x3F800000, v54;
	vm1 =	vlt.f32 v19, $0.0e+00;
	v27, _, _ =	vpop (xrf0)  }
0x18f: {  	vm3 =	vge.f32 v44, v1;
	[tilespmem:s20+$0x0] =	vst.add.f32.msk $0xffff, v41;
	vm1 =	vmor vm2, vm1;
	v21, _, _ =	vpop (xrf1)  }
0x190: {  	s23 =	sor.u32 $0x10060, s18;
	v1 =	vbroadcast v47, $0xF;
	[tilespmem:s31+$0x60] =	vst v19;
	v19 =	vnsel vm3, $0x0, v48;
	v51 =	vsel vm1, $0x3F800000, v54;
	v63 =	vld [tilespmem:$0x1FEE0];
	v52, _, _ =	vpop (xrf1)  }
0x191: {  	vm1 =	vlt.f32 v19, $0.0e+00;
	vm2 =	vgt.f32 v19, $0.0e+00;
	[tilespmem:s23+$0x0] =	vst.add.f32.msk $0xffff, v51;
	v55, _, _ =	vpop (xrf1)  }
0x192: {  	v9 =	vsel vm0, $0xFF800000, v9;
	v35 =	vld [tilespmem:$0x1FF30];
	vm1 =	vmor vm2, vm1;
	vm2 =	vge.f32 v53, v1;
	[tilespmem:s31+$0x70] =	vst v19;
	v62, _, _ =	vpop (xrf1)  }
0x193: {  	v39 =	vld [tilespmem:$0x1FF50];
	v57 =	vsel vm1, $0x3F800000, v54;
	v23 =	vnsel vm2, $0x0, v58;
	(xrf0) =	vmax.scan.msk.f32 $0xffff, v9;
	v19 =	vmax.f32 v52, v55;
	v24, _, _ =	vpop (xrf1)  }
0x194: {  	v40 =	vld [tilespmem:$0x1FF60];
	vm1 =	vlt.f32 v23, $0.0e+00;
	vm2 =	vgt.f32 v23, $0.0e+00;
	(xrf1) =	vsort.ascd.msk.f32 $0xffff, v19, v19;
	v20 =	vmax.f32 v62, v24  }
0x195: {  	s6 =	sor.u32 $0x10070, s18;
	v44 =	vld [tilespmem:$0x1FF70];
	v58 =	vsel vm0, $0xFF800000, v18;
	vm1 =	vmor vm2, vm1;
	vm3 =	vge.f32 v63, v1;
	(xrf1) =	vsort.dscd.msk.f32 $0xffff, v20, v20  }
0x196: {  	s1 =	sshll.u32 s1, $0x6;
	[tilespmem:s6+$0x0] =	vst.add.f32.msk $0xffff, v57;
	v26 =	vsel vm1, $0x3F800000, v54;
	v29 =	vbroadcast v27, $0xF;
	v22 =	vnsel vm3, $0x0, v25  }
0x197: {  	s24 =	sor.u32 $0x10000, s1;
	v48 =	vld [tilespmem:$0x1FF80];
	[tilespmem:s28+$0x0] =	vst v23;
	vm3 =	vge.f32 v28, v1;
	vm1 =	vlt.f32 v22, $0.0e+00;
	vm2 =	vgt.f32 v22, $0.0e+00  }
0x198: {  	[tilespmem:s24+$0x0] =	vst.add.f32.msk $0xffff, v26;
	vm11 =	vge.f32 v39, v29;
	vm1 =	vmor vm2, vm1;
	vm2 =	vge.f32 v30, v1  }
0x199: {  	v51 =	vld [tilespmem:$0x1FF90];
	s31 =	sor.u32 $0x10010, s1;
	[tilespmem:s28+$0x10] =	vst v22;
	v32 =	vsel vm1, $0x3F800000, v54;
	vm1 =	vge.f32 v35, v29;
	v20 =	vnsel vm3, $0x0, v34  }
0x19a: {  	v1 =	vnsel vm2, $0x0, v36;
	[tilespmem:s31+$0x0] =	vst.add.f32.msk $0xffff, v32;
	vm3 =	vlt.f32 v20, $0.0e+00;
	vm10 =	vgt.f32 v20, $0.0e+00  }
0x19b: {  	v57 =	vld [tilespmem:$0x1FFA0];
	vm2 =	vlt.f32 v1, $0.0e+00;
	v9 =	vnsel vm1, $0x0, v40;
	v52, _, _ =	vpop (xrf0);
	(xrf0) =	vmax.scan.msk.f32 $0xffff, v58;
	vm3 =	vmor vm10, vm3  }
0x19c: {  	v63 =	vld [tilespmem:$0x1FFC0];
	[tilespmem:s26+$0x40] =	vst v9;
	v53 =	vbroadcast v52, $0xF;
	v38 =	vsel vm3, $0x3F800000, v54;
	vm3 =	vgt.f32 v1, $0.0e+00  }
0x19d: {  	s7 =	sor.u32 $0x10020, s1;
	vm1 =	vlt.f32 v9, $0.0e+00;
	v30 =	vsel vm0, $0xFF800000, v21;
	v62 =	vld [tilespmem:$0x1FFB0];
	[tilespmem:s28+$0x20] =	vst v20;
	vm2 =	vmor vm3, vm2  }
0x19e: {  	vm12 =	vge.f32 v61, v53;
	[tilespmem:s7+$0x0] =	vst.add.f32.msk $0xffff, v38;
	v41 =	vsel vm2, $0x3F800000, v54;
	vm2 =	vgt.f32 v9, $0.0e+00  }
0x19f: {  	s8 =	sshll.u32 s30, $0x6;
	s1 =	sor.u32 $0x10030, s1;
	v26 =	vld [tilespmem:$0x1FFE0];
	vm13 =	vge.f32 v59, v53;
	[tilespmem:s28+$0x30] =	vst v1;
	v1 =	vnsel vm11, $0x0, v44;
	vm1 =	vmor vm2, vm1  }
0x1a0: {  	s9 =	sor.u32 $0x10000, s8;
	[tilespmem:s1+$0x0] =	vst.add.f32.msk $0xffff, v41;
	vm2 =	vgt.f32 v1, $0.0e+00;
	v47 =	vsel vm1, $0x3F800000, v54;
	vm1 =	vlt.f32 v1, $0.0e+00  }
0x1a1: {  	vm3 =	vge.f32 v57, v29;
	[tilespmem:s9+$0x0] =	vst.add.f32.msk $0xffff, v47;
	vm1 =	vmor vm2, vm1;
	vm2 =	vge.f32 v48, v29;
	v29, _, _ =	vpop (xrf0)  }
0x1a2: {  	s10 =	sor.u32 $0x10050, s8;
	v24 =	vld [tilespmem:$0x1FFD0];
	v34 =	vnsel vm13, $0x0, v43;
	v18 =	vnsel vm3, $0x0, v62;
	[tilespmem:s26+$0x50] =	vst v1;
	v49 =	vsel vm1, $0x3F800000, v54;
	v55, _, _ =	vpop (xrf1)  }
0x1a3: {  	vm3 =	vgt.f32 v18, $0.0e+00;
	v9 =	vnsel vm2, $0x0, v51;
	v19 =	vbroadcast v29, $0xF;
	[tilespmem:s10+$0x0] =	vst.add.f32.msk $0xffff, v49;
	v23, _, _ =	vpop (xrf1)  }
0x1a4: {  	v28 =	vld [tilespmem:$0x1FFF0];
	vm1 =	vlt.f32 v9, $0.0e+00;
	vm2 =	vgt.f32 v9, $0.0e+00;
	[tilespmem:s26+$0x60] =	vst v9;
	v9 =	vmax.f32 v55, v23  }
0x1a5: {  	vm1 =	vmor vm2, vm1;
	vm2 =	vge.f32 v63, v53;
	vm14 =	vge.f32 v42, v19;
	(xrf1) =	vsort.ascd.msk.f32 $0xffff, v9, v9  }
0x1a6: {  	s11 =	sor.u32 $0x10060, s8;
	(xrf0) =	vmax.scan.msk.f32 $0xffff, v30;
	v22 =	vsel vm1, $0x3F800000, v54;
	vm1 =	vlt.f32 v18, $0.0e+00;
	v44 =	vnsel vm14, $0x0, v31  }
0x1a7: {  	[tilespmem:s11+$0x0] =	vst.add.f32.msk $0xffff, v22;
	vm1 =	vmor vm3, vm1;
	vm3 =	vge.f32 v60, v53;
	v9 =	vnsel vm2, $0x0, v24  }
0x1a8: {  	[tilespmem:s26+$0x70] =	vst v18;
	v25 =	vsel vm1, $0x3F800000, v54;
	vm1 =	vlt.f32 v9, $0.0e+00;
	vm2 =	vgt.f32 v9, $0.0e+00  }
0x1a9: {  	s12 =	sshll.u32 s29, $0x6;
	s1 =	sor.u32 $0x10070, s8;
	v18 =	vnsel vm12, $0x0, v26;
	[tilespmem:s25+$0x0] =	vst v9;
	v9 =	vnsel vm3, $0x0, v28;
	vm1 =	vmor vm2, vm1  }
0x1aa: {  	s13 =	sor.u32 $0x10000, s12;
	[tilespmem:s1+$0x0] =	vst.add.f32.msk $0xffff, v25;
	vm2 =	vgt.f32 v18, $0.0e+00;
	v27 =	vsel vm1, $0x3F800000, v54;
	vm1 =	vlt.f32 v18, $0.0e+00  }
0x1ab: {  	vm3 =	vgt.f32 v9, $0.0e+00;
	[tilespmem:s13+$0x0] =	vst.add.f32.msk $0xffff, v27;
	vm1 =	vmor vm2, vm1;
	vm2 =	vlt.f32 v9, $0.0e+00  }
0x1ac: {  	s14 =	sor.u32 $0x10010, s12;
	vm4 =	vgt.f32 v44, $0.0e+00;
	v20, _, _ =	vpop (xrf0);
	[tilespmem:s25+$0x10] =	vst v18;
	vm2 =	vmor vm3, vm2;
	v32 =	vsel vm1, $0x3F800000, v54  }
0x1ad: {  	v40 =	vbroadcast v20, $0xF;
	vm1 =	vge.f32 v50, v19;
	[tilespmem:s14+$0x0] =	vst.add.f32.msk $0xffff, v32;
	v35 =	vsel vm2, $0x3F800000, v54  }
0x1ae: {  	vm2 =	vlt.f32 v34, $0.0e+00;
	v36 =	vnsel vm1, $0x0, v37;
	vm1 =	vgt.f32 v34, $0.0e+00;
	[tilespmem:s25+$0x20] =	vst v9  }
0x1af: {  	s15 =	sor.u32 $0x10020, s12;
	vm1 =	vmor vm1, vm2;
	vm2 =	vlt.f32 v36, $0.0e+00;
	vm3 =	vgt.f32 v36, $0.0e+00;
	[tilespmem:s0+$0x40] =	vst v36  }
0x1b0: {  	vm15 =	vge.f32 v6, v40;
	[tilespmem:s15+$0x0] =	vst.add.f32.msk $0xffff, v35;
	vm2 =	vmor vm3, vm2;
	vm3 =	vge.f32 v46, v19  }
0x1b1: {  	s16 =	sshll.u32 s16, $0x6;
	s1 =	sor.u32 $0x10030, s12;
	v37 =	vsel vm1, $0x3F800000, v54;
	vm1 =	vge.f32 v45, v19;
	[tilespmem:s25+$0x30] =	vst v34;
	v39 =	vnsel vm3, $0x0, v33  }
0x1b2: {  	s17 =	sor.u32 $0x10000, s16;
	v38 =	vsel vm2, $0x3F800000, v54;
	[tilespmem:s1+$0x0] =	vst.add.f32.msk $0xffff, v37;
	vm2 =	vlt.f32 v39, $0.0e+00;
	vm3 =	vgt.f32 v39, $0.0e+00  }
0x1b3: {  	v3 =	vnsel vm15, $0x0, v3;
	v41 =	vnsel vm1, $0x0, v56;
	[tilespmem:s17+$0x0] =	vst.add.f32.msk $0xffff, v38;
	vm2 =	vmor vm3, vm2;
	v43, _, _ =	vpop (xrf1)  }
0x1b4: {  	s18 =	sor.u32 $0x10050, s16;
	[tilespmem:s0+$0x50] =	vst v39;
	v42 =	vsel vm2, $0x3F800000, v54;
	vm2 =	vge.f32 v8, v40;
	v8 =	vsel vm0, $0xFF800000, v43  }
0x1b5: {  	vm1 =	vlt.f32 v41, $0.0e+00;
	vm3 =	vgt.f32 v41, $0.0e+00;
	[tilespmem:s18+$0x0] =	vst.add.f32.msk $0xffff, v42;
	(xrf0) =	vmax.scan.msk.f32 $0xffff, v8  }
0x1b6: {  	vm1 =	vmor vm3, vm1;
	vm3 =	vlt.f32 v44, $0.0e+00;
	v46 =	vnsel vm2, $0x0, v4;
	[tilespmem:s0+$0x60] =	vst v41  }
0x1b7: {  	s19 =	sor.u32 $0x10060, s16;
	vm3 =	vmor vm4, vm3;
	v45 =	vsel vm1, $0x3F800000, v54;
	vm1 =	vge.f32 v7, v40;
	[tilespmem:s3+$0x0] =	vst v46  }
0x1b8: {  	v47 =	vsel vm3, $0x3F800000, v54;
	vm2 =	vlt.f32 v46, $0.0e+00;
	vm3 =	vgt.f32 v46, $0.0e+00;
	[tilespmem:s19+$0x0] =	vst.add.f32.msk $0xffff, v45  }
0x1b9: {  	s20 =	sor.u32 $0x10070, s16;
	s23 =	sshll.u32 s4, $0x6;
	vm4 =	vgt.f32 v3, $0.0e+00;
	v48 =	vnsel vm1, $0x0, v2;
	vm2 =	vmor vm3, vm2;
	[tilespmem:s0+$0x70] =	vst v44  }
0x1ba: {  	s24 =	sor.u32 $0x10000, s23;
	vm1 =	vge.f32 v5, v40;
	vm3 =	vlt.f32 v3, $0.0e+00;
	v49 =	vsel vm2, $0x3F800000, v54;
	[tilespmem:s20+$0x0] =	vst.add.f32.msk $0xffff, v47  }
0x1bb: {  	v0 =	vnsel vm1, $0x0, v0;
	vm1 =	vgt.f32 v48, $0.0e+00;
	vm3 =	vmor vm4, vm3;
	[tilespmem:s24+$0x0] =	vst.add.f32.msk $0xffff, v49;
	v51, _, _ =	vpop (xrf0)  }
0x1bc: {  	s25 =	sor.u32 $0x10010, s23;
	vm2 =	vlt.f32 v48, $0.0e+00;
	v50 =	vsel vm3, $0x3F800000, v54;
	[tilespmem:s3+$0x10] =	vst v3;
	v52 =	vbroadcast v51, $0xF  }
0x1bd: {  	vm1 =	vmor vm1, vm2;
	vm2 =	vlt.f32 v0, $0.0e+00;
	vm3 =	vgt.f32 v0, $0.0e+00;
	[tilespmem:s25+$0x0] =	vst.add.f32.msk $0xffff, v50  }
0x1be: {  	s26 =	sor.u32 $0x10020, s23;
	vm2 =	vmor vm3, vm2;
	v53 =	vsel vm1, $0x3F800000, v54;
	[tilespmem:s3+$0x20] =	vst v48;
	vm1 =	vge.f32 v16, v52  }
0x1bf: {  	v55 =	vsel vm2, $0x3F800000, v54;
	[tilespmem:s26+$0x0] =	vst.add.f32.msk $0xffff, v53;
	v56 =	vnsel vm1, $0x0, v13;
	vm1 =	vge.f32 v17, v52  }
0x1c0: {  	s0 =	sor.u32 $0x10030, s23;
	[tilespmem:s3+$0x30] =	vst v0;
	vm2 =	vlt.f32 v56, $0.0e+00;
	vm3 =	vgt.f32 v56, $0.0e+00;
	v57 =	vnsel vm1, $0x0, v12  }
0x1c1: {  	s28 =	sshll.u32 s5, $0x6;
	[tilespmem:s0+$0x0] =	vst.add.f32.msk $0xffff, v55;
	vm1 =	vmor vm3, vm2;
	vm2 =	vlt.f32 v57, $0.0e+00;
	vm3 =	vgt.f32 v57, $0.0e+00  }
0x1c2: {  	s29 =	sor.u32 $0x10000, s28;
	[tilespmem:s2+$0x40] =	vst v56;
	v58 =	vsel vm1, $0x3F800000, v54;
	vm1 =	vmor vm3, vm2;
	vm2 =	vge.f32 v15, v52  }
0x1c3: {  	vm3 =	vge.f32 v14, v52;
	[tilespmem:s29+$0x0] =	vst.add.f32.msk $0xffff, v58;
	v60 =	vnsel vm2, $0x0, v11  }
0x1c4: {  	p0 =	slt.u32 s21, $0xF0;
	s30 =	sor.u32 $0x10050, s28;
	v59 =	vsel vm1, $0x3F800000, v54;
	[tilespmem:s2+$0x50] =	vst v57;
	vm1 =	vlt.f32 v60, $0.0e+00;
	vm2 =	vgt.f32 v60, $0.0e+00  }
.Ltmp1:
0x1c5: {  	v61 =	vnsel vm3, $0x0, v10;
	vm1 =	vmor vm2, vm1;
	[tilespmem:s30+$0x0] =	vst.add.f32.msk $0xffff, v59;
	(pc) =	sbr.rel @p0 .LBB2_5-.Ltmp1, $4  }
0x1c6: {  	s31 =	sor.u32 $0x10060, s28;
	vm2 =	vgt.f32 v61, $0.0e+00;
	[tilespmem:s2+$0x60] =	vst v60;
	v62 =	vsel vm1, $0x3F800000, v54;
	vm1 =	vlt.f32 v61, $0.0e+00  }
0x1c7: {  	[tilespmem:s31+$0x0] =	vst.add.f32.msk $0xffff, v62;
	vm1 =	vmor vm2, vm1  }
0x1c8: {  	s0 =	sor.u32 $0x10070, s28;
	[tilespmem:s2+$0x70] =	vst v61;
	v63 =	vsel vm1, $0x3F800000, v54  }
0x1c9: {  	s22 =	sadd.s32 $0x20, s22;
	[tilespmem:s0+$0x0] =	vst.add.f32.msk $0xffff, v63  }
0x1ca: {  	s1 =	rddreg [dreg:$0xb]  }
0x1cb: {  	s28 =	rddreg [dreg:$0x4];
	s0 =	sshll.u32 s1, $0x4;
	p0 =	seq.s32 s1, $0x0  }
0x1cc: {  	s30 =	simm.s32 $0x0;
	s1 =	sor.u32 s28, s0;
	s0 =	simm.s32 @!p0 $0x4  }
0x1cd: {  	s31 =	simm.s32 $0x8000;
	_ =	swait.ge @!p0 [sflag:s0], $0x8000;
	[dreg:$0xc] =	wrdreg s1  }
0x1ce: {  	s22 =	simm.s32 $0xF0;
	s1 =	sshll.u32 @!p0 s1, $0x9;
	s2 =	rddreg [dreg:$0x5]  }
0x1cf: {  	[sflag:s0] =	ssyncset.done @!p0 $0x0;
	s29 =	rddreg [dreg:$0x7];
	s1 =	smov.u32 @p0 s2  }
0x1d0: {  	s23 =	simm.s32 $0x200;
	[sflag:s0] =	ssyncadd.s32 @!p0 $0xFFFF8000;
	s0 =	sadd.s32 s1, s29  }
0x1d1: {  	[tilespmem:s31], [sflag:$0x2] =	stream.linear.gather [hbm4b:s0+s30], $0x8000, $0x38;
	[tilespmem:$0x11000] =	vst v63  }
.LBB2_7:
0x1d2: {  	s22 =	sadd.s32 $0x10, s22  }
0x1d3: {  	s25 =	sand.u32 $0x30, s22  }
0x1d4: {  	s24 =	sand.u32 $0x380, s23;
	s0 =	sshll.u32 s25, $0x9  }
0x1d5: {  	s10 =	sor.u32 s24, s0  }
0x1d6: {  	v3 =	vld [tilespmem:s10+$0x0]  }
0x1d7: {  	v9 =	vld [tilespmem:s10+$0x10]  }
0x1d8: {  	v10 =	vld [tilespmem:s10+$0x20]  }
0x1d9: {  	v15 =	vld [tilespmem:s10+$0x30];
	_ =	sdelay $0x1  }
0x1da: {  	v2 =	vand.u32 $0x7FFFFFFF, v3  }
0x1db: {  	v5 =	vand.u32 $0x7FFFFFFF, v9;
	(xrf1) =	vsort.ascd.msk.f32 $0xffff, v2, v2  }
0x1dc: {  	v4 =	vand.u32 $0x7FFFFFFF, v10;
	(xrf1) =	vsort.dscd.msk.f32 $0xffff, v5, v5  }
0x1dd: {  	v8 =	vand.u32 $0x7FFFFFFF, v15;
	(xrf1) =	vsort.ascd.msk.f32 $0xffff, v4, v4  }
0x1de: {  	(xrf1) =	vsort.dscd.msk.f32 $0xffff, v8, v8;
	_ =	sdelay $0xa  }
0x1df: {  	v1, _, _ =	vpop (xrf1)  }
0x1e0: {  	v6, _, _ =	vpop (xrf1)  }
0x1e1: {  	v7, _, _ =	vpop (xrf1)  }
0x1e2: {  	v1 =	vmax.f32 v1, v6;
	v41, _, _ =	vpop (xrf1)  }
0x1e3: {  	(xrf1) =	vsort.ascd.msk.f32 $0xffff, v1, v1;
	v6 =	vmax.f32 v7, v41  }
0x1e4: {  	(xrf1) =	vsort.dscd.msk.f32 $0xffff, v6, v6;
	_ =	sdelay $0xa  }
0x1e5: {  	v11 =	vld [tilespmem:s10+$0x40]  }
0x1e6: {  	v12 =	vld [tilespmem:s10+$0x50]  }
0x1e7: {  	v33 =	vld [tilespmem:s10+$0x60];
	v1, _, _ =	vpop (xrf1)  }
0x1e8: {  	v46 =	vld [tilespmem:s10+$0x70];
	v6, _, _ =	vpop (xrf1)  }
0x1e9: {  	v1 =	vmax.f32 v1, v6  }
0x1ea: {  	v6 =	vand.u32 $0x7FFFFFFF, v11;
	(xrf1) =	vsort.ascd.msk.f32 $0xffff, v1, v1  }
0x1eb: {  	v7 =	vand.u32 $0x7FFFFFFF, v12;
	(xrf1) =	vsort.ascd.msk.f32 $0xffff, v6, v6  }
0x1ec: {  	v37 =	vand.u32 $0x7FFFFFFF, v33;
	(xrf1) =	vsort.dscd.msk.f32 $0xffff, v7, v7  }
0x1ed: {  	v50 =	vand.u32 $0x7FFFFFFF, v46;
	(xrf1) =	vsort.ascd.msk.f32 $0xffff, v37, v37  }
0x1ee: {  	(xrf1) =	vsort.dscd.msk.f32 $0xffff, v50, v50;
	_ =	sdelay $0x9  }
0x1ef: {  	v51, _, _ =	vpop (xrf1)  }
0x1f0: {  	v42, _, _ =	vpop (xrf1)  }
0x1f1: {  	v13, _, _ =	vpop (xrf1)  }
0x1f2: {  	v14, _, _ =	vpop (xrf1)  }
0x1f3: {  	v1 =	vmax.f32 v42, v13;
	v43, _, _ =	vpop (xrf1)  }
0x1f4: {  	(xrf1) =	vsort.ascd.msk.f32 $0xffff, v1, v1;
	v13 =	vmax.f32 v14, v43  }
0x1f5: {  	(xrf1) =	vsort.dscd.msk.f32 $0xffff, v13, v13;
	_ =	sdelay $0x7  }
0x1f6: {  	s7 =	sor.u32 $0x2, s25  }
0x1f7: {  	s17 =	sshll.u32 s7, $0x9  }
0x1f8: {  	s11 =	sor.u32 s24, s17  }
0x1f9: {  	v18 =	vld [tilespmem:s11+$0x0]  }
0x1fa: {  	v19 =	vld [tilespmem:s11+$0x10]  }
0x1fb: {  	v25 =	vld [tilespmem:s11+$0x20];
	v1, _, _ =	vpop (xrf1)  }
0x1fc: {  	v27 =	vld [tilespmem:s11+$0x30];
	v13, _, _ =	vpop (xrf1)  }
0x1fd: {  	v1 =	vmax.f32 v1, v13  }
0x1fe: {  	v45 =	vand.u32 $0x7FFFFFFF, v18;
	(xrf1) =	vsort.ascd.msk.f32 $0xffff, v1, v1  }
0x1ff: {  	v42 =	vand.u32 $0x7FFFFFFF, v19;
	(xrf1) =	vsort.ascd.msk.f32 $0xffff, v45, v45  }
0x200: {  	v13 =	vand.u32 $0x7FFFFFFF, v25;
	(xrf1) =	vsort.dscd.msk.f32 $0xffff, v42, v42  }
0x201: {  	v17 =	vand.u32 $0x7FFFFFFF, v27;
	(xrf1) =	vsort.ascd.msk.f32 $0xffff, v13, v13  }
0x202: {  	(xrf1) =	vsort.dscd.msk.f32 $0xffff, v17, v17;
	_ =	sdelay $0x9  }
0x203: {  	v29, _, _ =	vpop (xrf1)  }
0x204: {  	v44, _, _ =	vpop (xrf1)  }
0x205: {  	v47, _, _ =	vpop (xrf1)  }
0x206: {  	v16, _, _ =	vpop (xrf1)  }
0x207: {  	v1 =	vmax.f32 v44, v47;
	v48, _, _ =	vpop (xrf1)  }
0x208: {  	(xrf1) =	vsort.ascd.msk.f32 $0xffff, v1, v1;
	v14 =	vmax.f32 v16, v48  }
0x209: {  	(xrf1) =	vsort.dscd.msk.f32 $0xffff, v14, v14;
	_ =	sdelay $0x6  }
0x20a: {  	s12 =	sor.u32 $0x3, s25  }
0x20b: {  	s18 =	sshll.u32 s12, $0x9  }
0x20c: {  	s0 =	sand.u32 $0x6400, s18  }
0x20d: {  	s4 =	sor.u32 s24, s0  }
0x20e: {  	v21 =	vld [tilespmem:s4+$0x40]  }
0x20f: {  	v26 =	vld [tilespmem:s4+$0x50]  }
0x210: {  	v34 =	vld [tilespmem:s4+$0x60];
	v1, _, _ =	vpop (xrf1)  }
0x211: {  	v39 =	vld [tilespmem:s4+$0x70];
	v14, _, _ =	vpop (xrf1)  }
0x212: {  	v1 =	vmax.f32 v1, v14  }
0x213: {  	v14 =	vand.u32 $0x7FFFFFFF, v21;
	(xrf1) =	vsort.ascd.msk.f32 $0xffff, v1, v1  }
0x214: {  	v16 =	vand.u32 $0x7FFFFFFF, v26;
	(xrf1) =	vsort.ascd.msk.f32 $0xffff, v14, v14  }
0x215: {  	v23 =	vand.u32 $0x7FFFFFFF, v34;
	(xrf1) =	vsort.dscd.msk.f32 $0xffff, v16, v16  }
0x216: {  	v22 =	vand.u32 $0x7FFFFFFF, v39;
	(xrf1) =	vsort.ascd.msk.f32 $0xffff, v23, v23  }
0x217: {  	(xrf1) =	vsort.dscd.msk.f32 $0xffff, v22, v22;
	_ =	sdelay $0x9  }
0x218: {  	v0, _, _ =	vpop (xrf1)  }
0x219: {  	v1, _, _ =	vpop (xrf1)  }
0x21a: {  	v20, _, _ =	vpop (xrf1)  }
0x21b: {  	v24, _, _ =	vpop (xrf1)  }
0x21c: {  	v1 =	vmax.f32 v1, v20;
	v49, _, _ =	vpop (xrf1)  }
0x21d: {  	(xrf1) =	vsort.ascd.msk.f32 $0xffff, v1, v1;
	v20 =	vmax.f32 v24, v49  }
0x21e: {  	(xrf1) =	vsort.dscd.msk.f32 $0xffff, v20, v20;
	_ =	sdelay $0x7  }
0x21f: {  	s5 =	sor.u32 $0x4, s25  }
0x220: {  	s19 =	sshll.u32 s5, $0x9  }
0x221: {  	s2 =	sor.u32 s24, s19  }
0x222: {  	v31 =	vld [tilespmem:s2+$0x0]  }
0x223: {  	v38 =	vld [tilespmem:s2+$0x10]  }
0x224: {  	v40 =	vld [tilespmem:s2+$0x20];
	v1, _, _ =	vpop (xrf1)  }
0x225: {  	v61 =	vld [tilespmem:s2+$0x30];
	v20, _, _ =	vpop (xrf1)  }
0x226: {  	v1 =	vmax.f32 v1, v20  }
0x227: {  	v20 =	vand.u32 $0x7FFFFFFF, v31;
	(xrf1) =	vsort.ascd.msk.f32 $0xffff, v1, v1  }
0x228: {  	v24 =	vand.u32 $0x7FFFFFFF, v38;
	(xrf1) =	vsort.ascd.msk.f32 $0xffff, v20, v20  }
0x229: {  	v28 =	vand.u32 $0x7FFFFFFF, v40;
	(xrf1) =	vsort.dscd.msk.f32 $0xffff, v24, v24  }
0x22a: {  	v53 =	vand.u32 $0x7FFFFFFF, v61;
	(xrf1) =	vsort.ascd.msk.f32 $0xffff, v28, v28  }
0x22b: {  	(xrf1) =	vsort.dscd.msk.f32 $0xffff, v53, v53;
	_ =	sdelay $0x9  }
0x22c: {  	v58, _, _ =	vpop (xrf1)  }
0x22d: {  	v52, _, _ =	vpop (xrf1)  }
0x22e: {  	v30, _, _ =	vpop (xrf1)  }
0x22f: {  	v32, _, _ =	vpop (xrf1)  }
0x230: {  	v1 =	vmax.f32 v52, v30;
	v55, _, _ =	vpop (xrf1)  }
0x231: {  	(xrf1) =	vsort.ascd.msk.f32 $0xffff, v1, v1;
	v30 =	vmax.f32 v32, v55  }
0x232: {  	(xrf1) =	vsort.dscd.msk.f32 $0xffff, v30, v30;
	_ =	sdelay $0x6  }
0x233: {  	s3 =	sor.u32 $0x5, s25  }
0x234: {  	s20 =	sshll.u32 s3, $0x9  }
0x235: {  	s0 =	sand.u32 $0x6800, s20  }
0x236: {  	s18 =	sor.u32 s24, s0  }
0x237: {  	v55 =	vld [tilespmem:s18+$0x40]  }
0x238: {  	v60 =	vld [tilespmem:s18+$0x50]  }
0x239: {  	v35 =	vld [tilespmem:s18+$0x60];
	v1, _, _ =	vpop (xrf1)  }
0x23a: {  	v56 =	vld [tilespmem:s18+$0x70];
	v30, _, _ =	vpop (xrf1)  }
0x23b: {  	v1 =	vmax.f32 v1, v30  }
0x23c: {  	v32 =	vand.u32 $0x7FFFFFFF, v55;
	(xrf1) =	vsort.ascd.msk.f32 $0xffff, v1, v1  }
0x23d: {  	v30 =	vand.u32 $0x7FFFFFFF, v60;
	(xrf1) =	vsort.ascd.msk.f32 $0xffff, v32, v32  }
0x23e: {  	[tilespmem:$0x1F980] =	vst v35;
	v35 =	vand.u32 $0x7FFFFFFF, v35;
	(xrf1) =	vsort.dscd.msk.f32 $0xffff, v30, v30  }
0x23f: {  	v36 =	vand.u32 $0x7FFFFFFF, v56;
	(xrf1) =	vsort.ascd.msk.f32 $0xffff, v35, v35  }
0x240: {  	(xrf1) =	vsort.dscd.msk.f32 $0xffff, v36, v36;
	_ =	sdelay $0x9  }
0x241: {  	v57, _, _ =	vpop (xrf1)  }
0x242: {  	v59, _, _ =	vpop (xrf1)  }
0x243: {  	v41, _, _ =	vpop (xrf1)  }
0x244: {  	v44, _, _ =	vpop (xrf1)  }
0x245: {  	v1 =	vmax.f32 v59, v41;
	v62, _, _ =	vpop (xrf1)  }
0x246: {  	(xrf1) =	vsort.ascd.msk.f32 $0xffff, v1, v1;
	v41 =	vmax.f32 v44, v62  }
0x247: {  	(xrf1) =	vsort.dscd.msk.f32 $0xffff, v41, v41;
	_ =	sdelay $0x7  }
0x248: {  	s19 =	sor.u32 $0x6, s25  }
0x249: {  	s21 =	sshll.u32 s19, $0x9  }
0x24a: {  	s9 =	sor.u32 s24, s21  }
0x24b: {  	v59 =	vld [tilespmem:s9+$0x0]  }
0x24c: {  	v43 =	vld [tilespmem:s9+$0x10]  }
0x24d: {  	v48 =	vld [tilespmem:s9+$0x20];
	v63, _, _ =	vpop (xrf1)  }
0x24e: {  	v52 =	vld [tilespmem:s9+$0x30];
	v49, _, _ =	vpop (xrf1)  }
0x24f: {  	v41 =	vmax.f32 v63, v49  }
0x250: {  	(xrf1) =	vsort.ascd.msk.f32 $0xffff, v41, v41;
	v41 =	vand.u32 $0x7FFFFFFF, v59  }
0x251: {  	v44 =	vand.u32 $0x7FFFFFFF, v43;
	(xrf1) =	vsort.ascd.msk.f32 $0xffff, v41, v41  }
0x252: {  	v63 =	vand.u32 $0x7FFFFFFF, v48;
	(xrf1) =	vsort.dscd.msk.f32 $0xffff, v44, v44  }
0x253: {  	[tilespmem:$0x1F930] =	vst v0;
	v0 =	vand.u32 $0x7FFFFFFF, v52;
	(xrf1) =	vsort.ascd.msk.f32 $0xffff, v63, v63  }
0x254: {  	(xrf1) =	vsort.dscd.msk.f32 $0xffff, v0, v0;
	_ =	sdelay $0x9  }
0x255: {  	[tilespmem:$0x1F990] =	vst v56;
	v56, _, _ =	vpop (xrf1)  }
0x256: {  	v47, _, _ =	vpop (xrf1)  }
0x257: {  	[tilespmem:$0x1F9C0] =	vst v48;
	v48, _, _ =	vpop (xrf1)  }
0x258: {  	[tilespmem:$0x1F9E0] =	vst v52;
	v52, _, _ =	vpop (xrf1)  }
0x259: {  	[tilespmem:$0x1F940] =	vst v57;
	v47 =	vmax.f32 v47, v48;
	v57, _, _ =	vpop (xrf1)  }
0x25a: {  	(xrf1) =	vsort.ascd.msk.f32 $0xffff, v47, v47;
	v48 =	vmax.f32 v52, v57  }
0x25b: {  	(xrf1) =	vsort.dscd.msk.f32 $0xffff, v48, v48;
	_ =	sdelay $0x6  }
0x25c: {  	s14 =	sor.u32 $0x7, s25  }
0x25d: {  	s26 =	sshll.u32 s14, $0x9  }
0x25e: {  	s0 =	sand.u32 $0x6C00, s26  }
0x25f: {  	s8 =	sor.u32 s24, s0  }
0x260: {  	v49 =	vld [tilespmem:s8+$0x40]  }
0x261: {  	v62 =	vld [tilespmem:s8+$0x50]  }
0x262: {  	v52 =	vld [tilespmem:s8+$0x60];
	v47, _, _ =	vpop (xrf1)  }
0x263: {  	[tilespmem:$0x1F950] =	vst v56;
	v56 =	vld [tilespmem:s8+$0x70];
	v48, _, _ =	vpop (xrf1)  }
0x264: {  	v47 =	vmax.f32 v47, v48  }
0x265: {  	(xrf1) =	vsort.ascd.msk.f32 $0xffff, v47, v47;
	v47 =	vand.u32 $0x7FFFFFFF, v49  }
0x266: {  	v48 =	vand.u32 $0x7FFFFFFF, v62;
	(xrf1) =	vsort.ascd.msk.f32 $0xffff, v47, v47  }
0x267: {  	[tilespmem:$0x1FA10] =	vst v52;
	v52 =	vand.u32 $0x7FFFFFFF, v52;
	(xrf1) =	vsort.dscd.msk.f32 $0xffff, v48, v48  }
0x268: {  	[tilespmem:$0x1FA20] =	vst v56;
	v56 =	vand.u32 $0x7FFFFFFF, v56;
	(xrf1) =	vsort.ascd.msk.f32 $0xffff, v52, v52  }
0x269: {  	(xrf1) =	vsort.dscd.msk.f32 $0xffff, v56, v56;
	_ =	sdelay $0x9  }
0x26a: {  	[tilespmem:$0x1F9A0] =	vst v43;
	v57, _, _ =	vpop (xrf1)  }
0x26b: {  	[tilespmem:$0x1FA00] =	vst v62;
	v62, _, _ =	vpop (xrf1)  }
0x26c: {  	[tilespmem:$0x1F960] =	vst v57;
	v57, _, _ =	vpop (xrf1)  }
0x26d: {  	[tilespmem:$0x1F9B0] =	vst v0;
	v43, _, _ =	vpop (xrf1)  }
0x26e: {  	[tilespmem:$0x1F9F0] =	vst v49;
	v0 =	vmax.f32 v62, v57;
	v49, _, _ =	vpop (xrf1)  }
0x26f: {  	(xrf1) =	vsort.ascd.msk.f32 $0xffff, v0, v0;
	v1 =	vmax.f32 v43, v49  }
0x270: {  	(xrf1) =	vsort.dscd.msk.f32 $0xffff, v1, v1;
	_ =	sdelay $0x7  }
0x271: {  	s13 =	sor.u32 $0x8, s25  }
0x272: {  	s28 =	sshll.u32 s13, $0x9  }
0x273: {  	s16 =	sor.u32 s24, s28  }
0x274: {  	v62 =	vld [tilespmem:s16+$0x0]  }
0x275: {  	v57 =	vld [tilespmem:s16+$0x10]  }
0x276: {  	v49 =	vld [tilespmem:s16+$0x20];
	v0, _, _ =	vpop (xrf1)  }
0x277: {  	v43 =	vld [tilespmem:s16+$0x30];
	v1, _, _ =	vpop (xrf1)  }
0x278: {  	v0 =	vmax.f32 v0, v1  }
0x279: {  	[tilespmem:$0x1FA40] =	vst v62;
	v62 =	vand.u32 $0x7FFFFFFF, v62;
	(xrf1) =	vsort.ascd.msk.f32 $0xffff, v0, v0  }
0x27a: {  	[tilespmem:$0x1FA30] =	vst v62;
	(xrf1) =	vsort.ascd.msk.f32 $0xffff, v62, v62;
	v62 =	vand.u32 $0x7FFFFFFF, v57  }
0x27b: {  	[tilespmem:$0x1FA70] =	vst v57;
	v57 =	vand.u32 $0x7FFFFFFF, v49;
	(xrf1) =	vsort.dscd.msk.f32 $0xffff, v62, v62  }
0x27c: {  	[tilespmem:$0x1FA60] =	vst v62;
	v62 =	vand.u32 $0x7FFFFFFF, v43;
	(xrf1) =	vsort.ascd.msk.f32 $0xffff, v57, v57  }
0x27d: {  	(xrf1) =	vsort.dscd.msk.f32 $0xffff, v62, v62;
	_ =	sdelay $0x9  }
0x27e: {  	[tilespmem:$0x1FAC0] =	vst v43;
	v43, _, _ =	vpop (xrf1)  }
0x27f: {  	[tilespmem:$0x1FA90] =	vst v49;
	v49, _, _ =	vpop (xrf1)  }
0x280: {  	[tilespmem:$0x1FAA0] =	vst v62;
	v62, _, _ =	vpop (xrf1)  }
0x281: {  	[tilespmem:$0x1F970] =	vst v43;
	v43, _, _ =	vpop (xrf1)  }
0x282: {  	v0 =	vmax.f32 v49, v62;
	v49, _, _ =	vpop (xrf1)  }
0x283: {  	(xrf1) =	vsort.ascd.msk.f32 $0xffff, v0, v0;
	v1 =	vmax.f32 v43, v49  }
0x284: {  	(xrf1) =	vsort.dscd.msk.f32 $0xffff, v1, v1;
	_ =	sdelay $0x6  }
0x285: {  	s6 =	sor.u32 $0x9, s25  }
0x286: {  	s29 =	sshll.u32 s6, $0x9  }
0x287: {  	s0 =	sand.u32 $0x7000, s29  }
0x288: {  	s0 =	sor.u32 s24, s0  }
0x289: {  	v62 =	vld [tilespmem:s0+$0x40]  }
0x28a: {  	[tilespmem:$0x1FA80] =	vst v57;
	v57 =	vld [tilespmem:s0+$0x50]  }
0x28b: {  	v49 =	vld [tilespmem:s0+$0x60];
	v0, _, _ =	vpop (xrf1)  }
0x28c: {  	v43 =	vld [tilespmem:s0+$0x70];
	v1, _, _ =	vpop (xrf1)  }
0x28d: {  	v0 =	vmax.f32 v0, v1  }
0x28e: {  	[tilespmem:$0x1FAF0] =	vst v62;
	v62 =	vand.u32 $0x7FFFFFFF, v62;
	(xrf1) =	vsort.ascd.msk.f32 $0xffff, v0, v0  }
0x28f: {  	[tilespmem:$0x1FAB0] =	vst v62;
	(xrf1) =	vsort.ascd.msk.f32 $0xffff, v62, v62;
	v62 =	vand.u32 $0x7FFFFFFF, v57  }
0x290: {  	[tilespmem:$0x1FB10] =	vst v57;
	v57 =	vand.u32 $0x7FFFFFFF, v49;
	(xrf1) =	vsort.dscd.msk.f32 $0xffff, v62, v62  }
0x291: {  	[tilespmem:$0x1FAE0] =	vst v62;
	v62 =	vand.u32 $0x7FFFFFFF, v43;
	(xrf1) =	vsort.ascd.msk.f32 $0xffff, v57, v57  }
0x292: {  	(xrf1) =	vsort.dscd.msk.f32 $0xffff, v62, v62;
	_ =	sdelay $0x9  }
0x293: {  	[tilespmem:$0x1FB40] =	vst v43;
	v43, _, _ =	vpop (xrf1)  }
0x294: {  	[tilespmem:$0x1FB20] =	vst v49;
	v49, _, _ =	vpop (xrf1)  }
0x295: {  	[tilespmem:$0x1FB30] =	vst v62;
	v62, _, _ =	vpop (xrf1)  }
0x296: {  	[tilespmem:$0x1F9D0] =	vst v43;
	v43, _, _ =	vpop (xrf1)  }
0x297: {  	v0 =	vmax.f32 v49, v62;
	v49, _, _ =	vpop (xrf1)  }
0x298: {  	(xrf1) =	vsort.ascd.msk.f32 $0xffff, v0, v0;
	v1 =	vmax.f32 v43, v49  }
0x299: {  	(xrf1) =	vsort.dscd.msk.f32 $0xffff, v1, v1;
	_ =	sdelay $0x7  }
0x29a: {  	s15 =	sor.u32 $0xA, s25  }
0x29b: {  	s1 =	sshll.u32 s15, $0x9  }
0x29c: {  	s29 =	sor.u32 s24, s1  }
0x29d: {  	v62 =	vld [tilespmem:s29+$0x0]  }
0x29e: {  	[tilespmem:$0x1FB00] =	vst v57;
	v57 =	vld [tilespmem:s29+$0x10]  }
0x29f: {  	v49 =	vld [tilespmem:s29+$0x20];
	v0, _, _ =	vpop (xrf1)  }
0x2a0: {  	v43 =	vld [tilespmem:s29+$0x30];
	v1, _, _ =	vpop (xrf1)  }
0x2a1: {  	v0 =	vmax.f32 v0, v1  }
0x2a2: {  	[tilespmem:$0x1FB70] =	vst v62;
	v62 =	vand.u32 $0x7FFFFFFF, v62;
	(xrf1) =	vsort.ascd.msk.f32 $0xffff, v0, v0  }
0x2a3: {  	[tilespmem:$0x1FB60] =	vst v62;
	(xrf1) =	vsort.ascd.msk.f32 $0xffff, v62, v62;
	v62 =	vand.u32 $0x7FFFFFFF, v57  }
0x2a4: {  	[tilespmem:$0x1FB90] =	vst v57;
	v57 =	vand.u32 $0x7FFFFFFF, v49;
	(xrf1) =	vsort.dscd.msk.f32 $0xffff, v62, v62  }
0x2a5: {  	[tilespmem:$0x1FB80] =	vst v62;
	v62 =	vand.u32 $0x7FFFFFFF, v43;
	(xrf1) =	vsort.ascd.msk.f32 $0xffff, v57, v57  }
0x2a6: {  	(xrf1) =	vsort.dscd.msk.f32 $0xffff, v62, v62;
	_ =	sdelay $0x9  }
0x2a7: {  	[tilespmem:$0x1FBE0] =	vst v43;
	v43, _, _ =	vpop (xrf1)  }
0x2a8: {  	[tilespmem:$0x1FBC0] =	vst v49;
	v49, _, _ =	vpop (xrf1)  }
0x2a9: {  	[tilespmem:$0x1FBB0] =	vst v62;
	v62, _, _ =	vpop (xrf1)  }
0x2aa: {  	[tilespmem:$0x1FA50] =	vst v43;
	v43, _, _ =	vpop (xrf1)  }
0x2ab: {  	v0 =	vmax.f32 v49, v62;
	v49, _, _ =	vpop (xrf1)  }
0x2ac: {  	(xrf1) =	vsort.ascd.msk.f32 $0xffff, v0, v0;
	v1 =	vmax.f32 v43, v49  }
0x2ad: {  	(xrf1) =	vsort.dscd.msk.f32 $0xffff, v1, v1;
	_ =	sdelay $0x6  }
0x2ae: {  	s31 =	sor.u32 $0xB, s25  }
0x2af: {  	s30 =	sshll.u32 s31, $0x9  }
0x2b0: {  	s1 =	sand.u32 $0x7400, s30  }
0x2b1: {  	s28 =	sor.u32 s24, s1  }
0x2b2: {  	v62 =	vld [tilespmem:s28+$0x40]  }
0x2b3: {  	[tilespmem:$0x1FBA0] =	vst v57;
	v57 =	vld [tilespmem:s28+$0x50]  }
0x2b4: {  	v49 =	vld [tilespmem:s28+$0x60];
	v0, _, _ =	vpop (xrf1)  }
0x2b5: {  	v43 =	vld [tilespmem:s28+$0x70];
	v1, _, _ =	vpop (xrf1)  }
0x2b6: {  	v0 =	vmax.f32 v0, v1  }
0x2b7: {  	[tilespmem:$0x1FC00] =	vst v62;
	v62 =	vand.u32 $0x7FFFFFFF, v62;
	(xrf1) =	vsort.ascd.msk.f32 $0xffff, v0, v0  }
0x2b8: {  	[tilespmem:$0x1FBD0] =	vst v62;
	(xrf1) =	vsort.ascd.msk.f32 $0xffff, v62, v62;
	v62 =	vand.u32 $0x7FFFFFFF, v57  }
0x2b9: {  	[tilespmem:$0x1FC10] =	vst v57;
	v57 =	vand.u32 $0x7FFFFFFF, v49;
	(xrf1) =	vsort.dscd.msk.f32 $0xffff, v62, v62  }
0x2ba: {  	[tilespmem:$0x1FBF0] =	vst v62;
	v62 =	vand.u32 $0x7FFFFFFF, v43;
	(xrf1) =	vsort.ascd.msk.f32 $0xffff, v57, v57  }
0x2bb: {  	(xrf1) =	vsort.dscd.msk.f32 $0xffff, v62, v62;
	_ =	sdelay $0x9  }
0x2bc: {  	[tilespmem:$0x1FC50] =	vst v43;
	v43, _, _ =	vpop (xrf1)  }
0x2bd: {  	[tilespmem:$0x1FC30] =	vst v49;
	v49, _, _ =	vpop (xrf1)  }
0x2be: {  	[tilespmem:$0x1FC40] =	vst v62;
	v62, _, _ =	vpop (xrf1)  }
0x2bf: {  	[tilespmem:$0x1FAD0] =	vst v43;
	v43, _, _ =	vpop (xrf1)  }
0x2c0: {  	v0 =	vmax.f32 v49, v62;
	v49, _, _ =	vpop (xrf1)  }
0x2c1: {  	(xrf1) =	vsort.ascd.msk.f32 $0xffff, v0, v0;
	v1 =	vmax.f32 v43, v49  }
0x2c2: {  	(xrf1) =	vsort.dscd.msk.f32 $0xffff, v1, v1;
	_ =	sdelay $0x7  }
0x2c3: {  	s30 =	sor.u32 $0xC, s25  }
0x2c4: {  	s17 =	sshll.u32 s30, $0x9  }
0x2c5: {  	s26 =	sor.u32 s24, s17  }
0x2c6: {  	v62 =	vld [tilespmem:s26+$0x0]  }
0x2c7: {  	v49 =	vld [tilespmem:s26+$0x10]  }
0x2c8: {  	v43 =	vld [tilespmem:s26+$0x20];
	v0, _, _ =	vpop (xrf1)  }
0x2c9: {  	[tilespmem:$0x1FC20] =	vst v57;
	v57 =	vld [tilespmem:s26+$0x30];
	v1 =	vsel vm0, $0xFF800000, v51;
	v51, _, _ =	vpop (xrf1)  }
0x2ca: {  	(xrf0) =	vmax.scan.msk.f32 $0xffff, v1;
	v0 =	vmax.f32 v0, v51  }
0x2cb: {  	[tilespmem:$0x1FC70] =	vst v62;
	v62 =	vand.u32 $0x7FFFFFFF, v62;
	(xrf1) =	vsort.ascd.msk.f32 $0xffff, v0, v0  }
0x2cc: {  	[tilespmem:$0x1FC80] =	vst v49;
	v49 =	vand.u32 $0x7FFFFFFF, v49;
	(xrf1) =	vsort.ascd.msk.f32 $0xffff, v62, v62  }
0x2cd: {  	[tilespmem:$0x1FC60] =	vst v62;
	v62 =	vand.u32 $0x7FFFFFFF, v43;
	(xrf1) =	vsort.dscd.msk.f32 $0xffff, v49, v49  }
0x2ce: {  	v51 =	vand.u32 $0x7FFFFFFF, v57;
	(xrf1) =	vsort.ascd.msk.f32 $0xffff, v62, v62  }
0x2cf: {  	(xrf1) =	vsort.dscd.msk.f32 $0xffff, v51, v51;
	_ =	sdelay $0x3  }
0x2d0: {  	v0, _, _ =	vpop (xrf0)  }
0x2d1: {  	v0 =	vbroadcast v0, $0xF;
	_ =	sdelay $0x1  }
0x2d2: {  	v29 =	vsel vm0, $0xFF800000, v29;
	vm1 =	vge.f32 v2, v0  }
0x2d3: {  	v1 =	vnsel vm1, $0x0, v3  }
0x2d4: {  	(xrf0) =	vmax.scan.msk.f32 $0xffff, v29;
	vm1 =	vlt.f32 v1, $0.0e+00;
	vm2 =	vgt.f32 v1, $0.0e+00  }
0x2d5: {  	vm1 =	vmor vm2, vm1;
	v29, _, _ =	vpop (xrf1)  }
0x2d6: {  	vm3 =	vge.f32 v4, v0;
	vm2 =	vge.f32 v5, v0;
	[tilespmem:$0x1FB50] =	vst v29;
	v2, _, _ =	vpop (xrf1);
	v29 =	vsel vm1, $0x3F800000, v54  }
0x2d7: {  	s21 =	sshll.u32 s25, $0x6;
	v5 =	vnsel vm3, $0x0, v10;
	v9 =	vnsel vm2, $0x0, v9;
	v3, _, _ =	vpop (xrf1)  }
0x2d8: {  	s20 =	sor.u32 $0x10000, s21;
	[tilespmem:s10+$0x0] =	vst v1;
	vm3 =	vlt.f32 v5, $0.0e+00;
	vm14 =	vgt.f32 v5, $0.0e+00;
	vm2 =	vlt.f32 v9, $0.0e+00;
	v4, _, _ =	vpop (xrf1)  }
0x2d9: {  	vm4 =	vgt.f32 v9, $0.0e+00;
	vm1 =	vge.f32 v8, v0;
	[tilespmem:s20+$0x0] =	vst.add.f32.msk $0xffff, v29;
	v8 =	vmax.f32 v2, v3;
	v29, _, _ =	vpop (xrf1)  }
0x2da: {  	vm3 =	vmor vm14, vm3;
	vm2 =	vmor vm4, vm2;
	(xrf1) =	vsort.ascd.msk.f32 $0xffff, v8, v8;
	v2 =	vmax.f32 v4, v29;
	v4, _, _ =	vpop (xrf0)  }
0x2db: {  	s17 =	sor.u32 $0x10010, s21;
	[tilespmem:s10+$0x10] =	vst v9;
	v9 =	vnsel vm1, $0x0, v15;
	v8 =	vsel vm2, $0x3F800000, v54;
	v0 =	vbroadcast v4, $0xF  }
0x2dc: {  	vm1 =	vlt.f32 v9, $0.0e+00;
	vm15 =	vgt.f32 v9, $0.0e+00;
	[tilespmem:s17+$0x0] =	vst.add.f32.msk $0xffff, v8;
	(xrf1) =	vsort.dscd.msk.f32 $0xffff, v2, v2  }
0x2dd: {  	v10 =	vsel vm3, $0x3F800000, v54;
	s20 =	sor.u32 $0x10020, s21;
	vm1 =	vmor vm15, vm1;
	[tilespmem:s10+$0x20] =	vst v5;
	vm2 =	vge.f32 v6, v0;
	v6 =	vld [tilespmem:$0x1F930]  }
0x2de: {  	v29 =	vsel vm1, $0x3F800000, v54;
	[tilespmem:s20+$0x0] =	vst.add.f32.msk $0xffff, v10;
	v15 =	vnsel vm2, $0x0, v11  }
0x2df: {  	s17 =	sor.u32 $0x10030, s21;
	vm3 =	vge.f32 v7, v0;
	[tilespmem:s10+$0x30] =	vst v9;
	vm2 =	vlt.f32 v15, $0.0e+00;
	vm8 =	vgt.f32 v15, $0.0e+00  }
0x2e0: {  	[tilespmem:s17+$0x0] =	vst.add.f32.msk $0xffff, v29;
	v4 =	vnsel vm3, $0x0, v12;
	vm1 =	vmor vm8, vm2  }
0x2e1: {  	s20 =	sor.u32 $0x10040, s21;
	s17 =	sor.u32 $0xD, s25;
	[tilespmem:s10+$0x40] =	vst v15;
	vm3 =	vgt.f32 v4, $0.0e+00;
	vm2 =	vlt.f32 v4, $0.0e+00;
	v5 =	vsel vm1, $0x3F800000, v54  }
0x2e2: {  	vm1 =	vmor vm3, vm2;
	[tilespmem:s20+$0x0] =	vst.add.f32.msk $0xffff, v5;
	v2 =	vsel vm0, $0xFF800000, v6;
	s20 =	sshll.u32 s17, $0x9  }
0x2e3: {  	v7 =	vsel vm1, $0x3F800000, v54;
	vm1 =	vge.f32 v37, v0;
	[tilespmem:s10+$0x50] =	vst v4;
	(xrf0) =	vmax.scan.msk.f32 $0xffff, v2;
	s1 =	sand.u32 $0x7800, s20;
	s20 =	sor.u32 $0x10050, s21  }
0x2e4: {  	v8 =	vnsel vm1, $0x0, v33;
	[tilespmem:s20+$0x0] =	vst.add.f32.msk $0xffff, v7;
	s1 =	sor.u32 s24, s1  }
0x2e5: {  	vm1 =	vlt.f32 v8, $0.0e+00;
	vm2 =	vgt.f32 v8, $0.0e+00;
	v37 =	vld [tilespmem:s1+$0x40]  }
0x2e6: {  	v33 =	vld [tilespmem:s1+$0x50];
	vm1 =	vmor vm2, vm1  }
0x2e7: {  	v11 =	vsel vm0, $0xFF800000, v58;
	v10 =	vld [tilespmem:s1+$0x60];
	v12 =	vsel vm1, $0x3F800000, v54;
	vm1 =	vge.f32 v50, v0  }
0x2e8: {  	(xrf0) =	vmax.scan.msk.f32 $0xffff, v11;
	v29 =	vld [tilespmem:s1+$0x70];
	v9, _, _ =	vpop (xrf1);
	v4 =	vnsel vm1, $0x0, v46  }
0x2e9: {  	s20 =	sor.u32 $0x10060, s21;
	[tilespmem:s10+$0x60] =	vst v8;
	v8 =	vld [tilespmem:$0x1F940];
	vm1 =	vlt.f32 v4, $0.0e+00;
	vm2 =	vgt.f32 v4, $0.0e+00;
	v58, _, _ =	vpop (xrf0)  }
0x2ea: {  	[tilespmem:s20+$0x0] =	vst.add.f32.msk $0xffff, v12;
	v15, _, _ =	vpop (xrf1);
	vm1 =	vmor vm2, vm1;
	v1 =	vbroadcast v58, $0xF  }
0x2eb: {  	[tilespmem:s10+$0x70] =	vst v4;
	v50 =	vmax.f32 v9, v15;
	v46 =	vand.u32 $0x7FFFFFFF, v33;
	v6 =	vsel vm1, $0x3F800000, v54  }
0x2ec: {  	s20 =	sor.u32 $0x10070, s21;
	(xrf1) =	vsort.ascd.msk.f32 $0xffff, v50, v50;
	v50 =	vand.u32 $0x7FFFFFFF, v37;
	vm3 =	vge.f32 v45, v1;
	v45 =	vand.u32 $0x7FFFFFFF, v10  }
0x2ed: {  	v58 =	vmovc v10;
	[tilespmem:s20+$0x0] =	vst.add.f32.msk $0xffff, v6;
	vm9 =	vge.f32 v42, v1;
	v42 =	vand.u32 $0x7FFFFFFF, v29;
	vm2 =	vge.f32 v13, v1  }
0x2ee: {  	(xrf1) =	vsort.ascd.msk.f32 $0xffff, v50, v50;
	vm1 =	vge.f32 v17, v1;
	v1 =	vsel vm0, $0xFF800000, v8;
	v10, _, _ =	vpop (xrf0);
	v5 =	vnsel vm3, $0x0, v18  }
0x2ef: {  	(xrf1) =	vsort.dscd.msk.f32 $0xffff, v46, v46;
	v7 =	vnsel vm9, $0x0, v19;
	v11 =	vnsel vm2, $0x0, v25;
	v2 =	vbroadcast v10, $0xF  }
0x2f0: {  	(xrf0) =	vmax.scan.msk.f32 $0xffff, v1;
	v13 =	vnsel vm1, $0x0, v27;
	vm3 =	vlt.f32 v5, $0.0e+00;
	vm5 =	vgt.f32 v5, $0.0e+00  }
0x2f1: {  	(xrf1) =	vsort.ascd.msk.f32 $0xffff, v45, v45;
	vm4 =	vlt.f32 v7, $0.0e+00;
	vm10 =	vgt.f32 v7, $0.0e+00;
	vm2 =	vlt.f32 v11, $0.0e+00  }
0x2f2: {  	s7 =	sshll.u32 s7, $0x6;
	vm11 =	vgt.f32 v11, $0.0e+00;
	vm1 =	vlt.f32 v13, $0.0e+00;
	(xrf1) =	vsort.dscd.msk.f32 $0xffff, v42, v42;
	vm3 =	vmor vm5, vm3  }
0x2f3: {  	s21 =	sor.u32 $0x10000, s7;
	[tilespmem:s11+$0x0] =	vst v5;
	vm12 =	vgt.f32 v13, $0.0e+00;
	vm2 =	vmor vm11, vm2;
	v9 =	vsel vm3, $0x3F800000, v54  }
0x2f4: {  	vm1 =	vmor vm12, vm1;
	vm14 =	vge.f32 v22, v2;
	vm3 =	vmor vm10, vm4;
	[tilespmem:s21+$0x0] =	vst.add.f32.msk $0xffff, v9  }
0x2f5: {  	s20 =	sor.u32 $0x10010, s7;
	v12 =	vsel vm3, $0x3F800000, v54;
	vm3 =	vge.f32 v14, v2;
	v14 =	vsel vm2, $0x3F800000, v54;
	[tilespmem:s11+$0x10] =	vst v7  }
0x2f6: {  	vm2 =	vge.f32 v16, v2;
	v16 =	vsel vm1, $0x3F800000, v54;
	v15 =	vnsel vm3, $0x0, v21;
	[tilespmem:s20+$0x0] =	vst.add.f32.msk $0xffff, v12  }
0x2f7: {  	v18 =	vnsel vm2, $0x0, v26;
	vm3 =	vlt.f32 v15, $0.0e+00;
	vm13 =	vgt.f32 v15, $0.0e+00;
	[tilespmem:s4+$0x40] =	vst v15  }
0x2f8: {  	s21 =	sor.u32 $0x10020, s7;
	v17, _, _ =	vpop (xrf0);
	vm2 =	vlt.f32 v18, $0.0e+00;
	v12 =	vnsel vm14, $0x0, v39;
	v15 =	vld [tilespmem:$0x1F950];
	[tilespmem:s11+$0x20] =	vst v11;
	vm1 =	vmor vm13, vm3  }
0x2f9: {  	s20 =	sshll.u32 s12, $0x6;
	vm3 =	vgt.f32 v18, $0.0e+00;
	v8 =	vbroadcast v17, $0xF;
	vm4 =	vgt.f32 v12, $0.0e+00;
	[tilespmem:s21+$0x0] =	vst.add.f32.msk $0xffff, v14  }
0x2fa: {  	s21 =	sor.u32 $0x10000, s20;
	v19 =	vsel vm1, $0x3F800000, v54;
	vm1 =	vge.f32 v23, v2;
	vm2 =	vmor vm3, vm2;
	[tilespmem:s11+$0x30] =	vst v13  }
0x2fb: {  	s7 =	sor.u32 $0x10030, s7;
	vm3 =	vlt.f32 v12, $0.0e+00;
	[tilespmem:s21+$0x0] =	vst.add.f32.msk $0xffff, v19;
	v26 =	vnsel vm1, $0x0, v34;
	v27 =	vsel vm2, $0x3F800000, v54  }
0x2fc: {  	vm3 =	vmor vm4, vm3;
	[tilespmem:s7+$0x0] =	vst.add.f32.msk $0xffff, v16;
	vm1 =	vlt.f32 v26, $0.0e+00;
	vm2 =	vgt.f32 v26, $0.0e+00;
	v9, _, _ =	vpop (xrf1)  }
0x2fd: {  	s11 =	sor.u32 $0x10050, s20;
	[tilespmem:s4+$0x50] =	vst v18;
	v16 =	vsel vm3, $0x3F800000, v54;
	vm3 =	vge.f32 v28, v8;
	vm1 =	vmor vm2, vm1;
	v21, _, _ =	vpop (xrf1)  }
0x2fe: {  	[tilespmem:s11+$0x0] =	vst.add.f32.msk $0xffff, v27;
	vm2 =	vge.f32 v20, v8;
	v1 =	vsel vm0, $0xFF800000, v15;
	v19 =	vnsel vm3, $0x0, v40;
	v23, _, _ =	vpop (xrf1)  }
0x2ff: {  	v39 =	vld [tilespmem:$0x1F980];
	s12 =	sor.u32 $0x10060, s20;
	[tilespmem:s4+$0x60] =	vst v26;
	v13 =	vsel vm1, $0x3F800000, v54;
	vm1 =	vge.f32 v24, v8;
	v14 =	vnsel vm2, $0x0, v31;
	v34, _, _ =	vpop (xrf1)  }
0x300: {  	(xrf0) =	vmax.scan.msk.f32 $0xffff, v1;
	[tilespmem:s12+$0x0] =	vst.add.f32.msk $0xffff, v13;
	vm2 =	vlt.f32 v14, $0.0e+00;
	v25 =	vmax.f32 v21, v23;
	v10, _, _ =	vpop (xrf1)  }
0x301: {  	v24 =	vld [tilespmem:$0x1F960];
	vm15 =	vgt.f32 v14, $0.0e+00;
	[tilespmem:s2+$0x0] =	vst v14;
	(xrf1) =	vsort.ascd.msk.f32 $0xffff, v25, v25;
	v11 =	vmax.f32 v34, v10  }
0x302: {  	s20 =	sor.u32 $0x10070, s20;
	s21 =	sshll.u32 s5, $0x6;
	v27 =	vld [tilespmem:$0x1F970];
	v17 =	vnsel vm1, $0x0, v38;
	[tilespmem:s4+$0x70] =	vst v12;
	vm2 =	vmor vm15, vm2;
	(xrf1) =	vsort.dscd.msk.f32 $0xffff, v11, v11  }
0x303: {  	s5 =	sor.u32 $0x10000, s21;
	vm1 =	vlt.f32 v17, $0.0e+00;
	vm8 =	vgt.f32 v17, $0.0e+00;
	[tilespmem:s20+$0x0] =	vst.add.f32.msk $0xffff, v16;
	v18 =	vsel vm2, $0x3F800000, v54  }
0x304: {  	vm3 =	vgt.f32 v19, $0.0e+00;
	vm1 =	vmor vm8, vm1;
	vm2 =	vlt.f32 v19, $0.0e+00;
	[tilespmem:s5+$0x0] =	vst.add.f32.msk $0xffff, v18  }
0x305: {  	s10 =	sor.u32 $0x10010, s21;
	v14 =	vld [tilespmem:$0x1F9C0];
	v20 =	vsel vm1, $0x3F800000, v54;
	vm1 =	vmor vm3, vm2;
	s5 =	sor.u32 $0xE, s25;
	[tilespmem:s2+$0x10] =	vst v17  }
0x306: {  	s12 =	sshll.u32 s5, $0x9;
	v21 =	vsel vm1, $0x3F800000, v54;
	vm1 =	vge.f32 v53, v8;
	v1 =	vsel vm0, $0xFF800000, v24;
	[tilespmem:s10+$0x0] =	vst.add.f32.msk $0xffff, v20;
	v22, _, _ =	vpop (xrf0)  }
0x307: {  	s4 =	sor.u32 s24, s12;
	(xrf0) =	vmax.scan.msk.f32 $0xffff, v1;
	v25 =	vnsel vm1, $0x0, v61;
	v20 =	vld [tilespmem:$0x1F9D0];
	v23 =	vbroadcast v22, $0xF  }
0x308: {  	v28 =	vsel vm0, $0xFF800000, v27;
	v4 =	vld [tilespmem:s4+$0x0];
	vm10 =	vlt.f32 v25, $0.0e+00;
	vm6 =	vgt.f32 v25, $0.0e+00  }
0x309: {  	[tilespmem:s2+$0x20] =	vst v19;
	v3 =	vld [tilespmem:s4+$0x10];
	vm5 =	vmor vm6, vm10;
	vm9 =	vge.f32 v32, v23;
	vm3 =	vge.f32 v30, v23  }
0x30a: {  	s11 =	sor.u32 $0x10020, s21;
	v2 =	vld [tilespmem:s4+$0x20];
	(xrf0) =	vmax.scan.msk.f32 $0xffff, v28;
	vm2 =	vge.f32 v35, v23;
	vm1 =	vge.f32 v36, v23;
	v32 =	vsel vm5, $0x3F800000, v54  }
0x30b: {  	[tilespmem:s11+$0x0] =	vst.add.f32.msk $0xffff, v21;
	v34 =	vnsel vm9, $0x0, v55;
	v36 =	vnsel vm3, $0x0, v60;
	v11 =	vnsel vm2, $0x0, v39  }
0x30c: {  	s20 =	sor.u32 $0x10030, s21;
	v0 =	vld [tilespmem:s4+$0x30];
	[tilespmem:s2+$0x30] =	vst v25;
	vm4 =	vlt.f32 v34, $0.0e+00;
	vm11 =	vgt.f32 v34, $0.0e+00;
	vm3 =	vlt.f32 v36, $0.0e+00  }
0x30d: {  	s21 =	sshll.u32 s3, $0x6;
	[tilespmem:s20+$0x0] =	vst.add.f32.msk $0xffff, v32;
	vm12 =	vgt.f32 v36, $0.0e+00;
	vm2 =	vlt.f32 v11, $0.0e+00;
	vm4 =	vmor vm11, vm4;
	v35, _, _ =	vpop (xrf0)  }
0x30e: {  	s3 =	sor.u32 $0x10000, s21;
	v23 =	vld [tilespmem:$0x1F9E0];
	[tilespmem:s18+$0x40] =	vst v34;
	vm14 =	vgt.f32 v11, $0.0e+00;
	v1 =	vbroadcast v35, $0xF;
	v38 =	vsel vm4, $0x3F800000, v54  }
0x30f: {  	vm3 =	vmor vm12, vm3;
	vm2 =	vmor vm14, vm2;
	[tilespmem:s3+$0x0] =	vst.add.f32.msk $0xffff, v38;
	v26, _, _ =	vpop (xrf1)  }
0x310: {  	v40 =	vsel vm3, $0x3F800000, v54;
	vm13 =	vge.f32 v41, v1;
	vm3 =	vge.f32 v44, v1;
	v41 =	vld [tilespmem:$0x1F990];
	v30, _, _ =	vpop (xrf1)  }
0x311: {  	v44 =	vsel vm2, $0x3F800000, v54;
	vm2 =	vge.f32 v63, v1;
	v63 =	vld [tilespmem:$0x1F9B0];
	v31 =	vmax.f32 v26, v30  }
0x312: {  	s7 =	sor.u32 $0x10050, s21;
	v60 =	vld [tilespmem:$0x1F9A0];
	v8 =	vand.u32 $0x7FFFFFFF, v4;
	v6 =	vand.u32 $0x7FFFFFFF, v3;
	[tilespmem:s18+$0x50] =	vst v36;
	(xrf1) =	vsort.ascd.msk.f32 $0xffff, v31, v31  }
0x313: {  	v7 =	vand.u32 $0x7FFFFFFF, v2;
	[tilespmem:s7+$0x0] =	vst.add.f32.msk $0xffff, v40;
	v53 =	vnsel vm13, $0x0, v59;
	v59, _, _ =	vpop (xrf0);
	(xrf1) =	vsort.ascd.msk.f32 $0xffff, v8, v8  }
0x314: {  	v32 =	vld [tilespmem:$0x1FA10];
	v5 =	vand.u32 $0x7FFFFFFF, v0;
	[tilespmem:s18+$0x60] =	vst v11;
	v12 =	vbroadcast v59, $0xF;
	(xrf1) =	vsort.dscd.msk.f32 $0xffff, v6, v6  }
0x315: {  	v39 =	vld [tilespmem:$0x1FA20];
	vm4 =	vlt.f32 v53, $0.0e+00;
	vm8 =	vgt.f32 v53, $0.0e+00;
	[tilespmem:s9+$0x0] =	vst v53;
	(xrf1) =	vsort.ascd.msk.f32 $0xffff, v7, v7  }
0x316: {  	s10 =	sor.u32 $0x10060, s21;
	v53 =	vld [tilespmem:$0x1FA60];
	vm11 =	vge.f32 v47, v12;
	v10 =	vnsel vm1, $0x0, v41;
	vm10 =	vge.f32 v63, v1;
	(xrf1) =	vsort.dscd.msk.f32 $0xffff, v5, v5  }
0x317: {  	[tilespmem:s10+$0x0] =	vst.add.f32.msk $0xffff, v44;
	v1 =	vnsel vm2, $0x0, v14;
	vm1 =	vlt.f32 v10, $0.0e+00;
	vm15 =	vgt.f32 v10, $0.0e+00  }
0x318: {  	[tilespmem:s18+$0x70] =	vst v10;
	v10 =	vnsel vm3, $0x0, v60;
	vm12 =	vlt.f32 v1, $0.0e+00;
	v26 =	vld [tilespmem:$0x1F9F0];
	vm1 =	vmor vm15, vm1  }
0x319: {  	s11 =	sshll.u32 s19, $0x6;
	s2 =	sor.u32 $0x10070, s21;
	vm7 =	vgt.f32 v1, $0.0e+00;
	v30 =	vld [tilespmem:$0x1FA00];
	v55 =	vsel vm1, $0x3F800000, v54;
	vm1 =	vmor vm8, vm4  }
0x31a: {  	s12 =	sor.u32 $0x10000, s11;
	vm3 =	vlt.f32 v10, $0.0e+00;
	vm9 =	vgt.f32 v10, $0.0e+00;
	[tilespmem:s2+$0x0] =	vst.add.f32.msk $0xffff, v55;
	v61 =	vsel vm1, $0x3F800000, v54  }
0x31b: {  	vm2 =	vge.f32 v52, v12;
	vm4 =	vmor vm7, vm12;
	vm1 =	vmor vm9, vm3;
	[tilespmem:s12+$0x0] =	vst.add.f32.msk $0xffff, v61  }
0x31c: {  	v44 =	vld [tilespmem:$0x1FA40];
	s18 =	sor.u32 $0x10010, s11;
	vm3 =	vge.f32 v48, v12;
	v24 =	vsel vm4, $0x3F800000, v54;
	v15 =	vsel vm1, $0x3F800000, v54;
	[tilespmem:s9+$0x10] =	vst v10  }
0x31d: {  	vm1 =	vge.f32 v56, v12;
	v10 =	vnsel vm10, $0x0, v23;
	v11 =	vnsel vm11, $0x0, v26;
	[tilespmem:s18+$0x0] =	vst.add.f32.msk $0xffff, v15  }
0x31e: {  	v41 =	vld [tilespmem:$0x1FA30];
	vm13 =	vlt.f32 v10, $0.0e+00;
	vm5 =	vgt.f32 v10, $0.0e+00;
	[tilespmem:s9+$0x20] =	vst v1;
	v1 =	vsel vm0, $0xFF800000, v20  }
0x31f: {  	s19 =	sor.u32 $0x10020, s11;
	v52 =	vld [tilespmem:$0x1FA50];
	vm14 =	vlt.f32 v11, $0.0e+00;
	[tilespmem:s8+$0x40] =	vst v11;
	vm4 =	vmor vm5, vm13;
	(xrf0) =	vmax.scan.msk.f32 $0xffff, v1  }
0x320: {  	[tilespmem:s19+$0x0] =	vst.add.f32.msk $0xffff, v24;
	v1 =	vnsel vm3, $0x0, v30;
	vm3 =	vgt.f32 v11, $0.0e+00;
	v31 =	vsel vm4, $0x3F800000, v54;
	v18, _, _ =	vpop (xrf1)  }
0x321: {  	s20 =	sshll.u32 s14, $0x6;
	s2 =	sor.u32 $0x10030, s11;
	v55 =	vld [tilespmem:$0x1FA70];
	v11 =	vnsel vm1, $0x0, v39;
	[tilespmem:s9+$0x30] =	vst v10;
	vm3 =	vmor vm3, vm14;
	vm15 =	vlt.f32 v1, $0.0e+00;
	v19, _, _ =	vpop (xrf1)  }
0x322: {  	s21 =	sor.u32 $0x10000, s20;
	v10 =	vnsel vm2, $0x0, v32;
	vm2 =	vgt.f32 v1, $0.0e+00;
	[tilespmem:s2+$0x0] =	vst.add.f32.msk $0xffff, v31;
	v34 =	vsel vm3, $0x3F800000, v54;
	v21, _, _ =	vpop (xrf1)  }
0x323: {  	vm1 =	vlt.f32 v11, $0.0e+00;
	vm2 =	vmor vm2, vm15;
	vm3 =	vlt.f32 v10, $0.0e+00;
	[tilespmem:s21+$0x0] =	vst.add.f32.msk $0xffff, v34;
	v25, _, _ =	vpop (xrf1)  }
0x324: {  	s7 =	sor.u32 $0x10050, s20;
	v61 =	vld [tilespmem:$0x1FA80];
	vm8 =	vgt.f32 v10, $0.0e+00;
	v38 =	vsel vm2, $0x3F800000, v54;
	[tilespmem:s8+$0x50] =	vst v1;
	v22 =	vmax.f32 v19, v21;
	v27, _, _ =	vpop (xrf1)  }
0x325: {  	vm3 =	vmor vm8, vm3;
	[tilespmem:s7+$0x0] =	vst.add.f32.msk $0xffff, v38;
	(xrf1) =	vsort.ascd.msk.f32 $0xffff, v22, v22;
	v28 =	vmax.f32 v25, v27  }
0x326: {  	v23 =	vld [tilespmem:$0x1FAA0];
	s9 =	sor.u32 $0x10060, s20;
	vm2 =	vgt.f32 v11, $0.0e+00;
	v40 =	vsel vm3, $0x3F800000, v54;
	v35, _, _ =	vpop (xrf0);
	[tilespmem:s8+$0x60] =	vst v10;
	(xrf1) =	vsort.dscd.msk.f32 $0xffff, v28, v28  }
0x327: {  	s3 =	sor.u32 $0xF, s25;
	vm1 =	vmor vm2, vm1;
	v36 =	vbroadcast v35, $0xF;
	[tilespmem:s9+$0x0] =	vst.add.f32.msk $0xffff, v40  }
0x328: {  	s11 =	sshll.u32 s3, $0x9;
	v30 =	vld [tilespmem:$0x1FAE0];
	s2 =	sor.u32 $0x10070, s20;
	v47 =	vsel vm1, $0x3F800000, v54;
	[tilespmem:s8+$0x70] =	vst v11  }
0x329: {  	vm3 =	vge.f32 v41, v36;
	[tilespmem:s2+$0x0] =	vst.add.f32.msk $0xffff, v47;
	s2 =	sand.u32 $0x7C00, s11  }
0x32a: {  	v10 =	vnsel vm3, $0x0, v44;
	s2 =	sor.u32 s24, s2;
	v21 =	vld [tilespmem:$0x1FA90]  }
0x32b: {  	vm1 =	vlt.f32 v10, $0.0e+00;
	vm2 =	vgt.f32 v10, $0.0e+00;
	[tilespmem:s16+$0x0] =	vst v10;
	v10 =	vsel vm0, $0xFF800000, v52;
	v13 =	vld [tilespmem:s2+$0x40]  }
0x32c: {  	v12 =	vld [tilespmem:s2+$0x50];
	vm1 =	vmor vm2, vm1;
	(xrf0) =	vmax.scan.msk.f32 $0xffff, v10  }
0x32d: {  	v11 =	vld [tilespmem:s2+$0x60];
	v48 =	vsel vm1, $0x3F800000, v54;
	vm1 =	vge.f32 v53, v36  }
0x32e: {  	v27 =	vld [tilespmem:$0x1FAC0];
	v56 =	vnsel vm1, $0x0, v55  }
0x32f: {  	s10 =	sshll.u32 s13, $0x6;
	v28 =	vld [tilespmem:$0x1FAD0];
	vm1 =	vlt.f32 v56, $0.0e+00;
	vm2 =	vgt.f32 v56, $0.0e+00  }
0x330: {  	s12 =	sor.u32 $0x10000, s10;
	v25 =	vld [tilespmem:$0x1FAB0];
	vm1 =	vmor vm2, vm1  }
0x331: {  	[tilespmem:s12+$0x0] =	vst.add.f32.msk $0xffff, v48;
	vm2 =	vge.f32 v61, v36;
	v16 =	vand.u32 $0x7FFFFFFF, v13;
	v17 =	vand.u32 $0x7FFFFFFF, v12  }
0x332: {  	s13 =	sor.u32 $0x10010, s10;
	v31 =	vld [tilespmem:$0x1FAF0];
	[tilespmem:s16+$0x10] =	vst v56;
	v15 =	vand.u32 $0x7FFFFFFF, v11;
	v20 =	vsel vm1, $0x3F800000, v54;
	v22 =	vnsel vm2, $0x0, v21;
	v24, _, _ =	vpop (xrf0)  }
0x333: {  	vm2 =	vge.f32 v23, v36;
	[tilespmem:s13+$0x0] =	vst.add.f32.msk $0xffff, v20;
	vm1 =	vlt.f32 v22, $0.0e+00;
	vm3 =	vgt.f32 v22, $0.0e+00;
	v59, _, _ =	vpop (xrf1)  }
0x334: {  	v10 =	vld [tilespmem:s2+$0x70];
	v20 =	vnsel vm2, $0x0, v27;
	v19 =	vsel vm0, $0xFF800000, v28;
	v1 =	vbroadcast v24, $0xF;
	[tilespmem:s16+$0x20] =	vst v22;
	v60, _, _ =	vpop (xrf1)  }
0x335: {  	v35 =	vld [tilespmem:$0x1FB10];
	vm1 =	vmor vm3, vm1;
	vm2 =	vgt.f32 v20, $0.0e+00;
	(xrf0) =	vmax.scan.msk.f32 $0xffff, v19;
	v63 =	vmax.f32 v59, v60  }
0x336: {  	s14 =	sor.u32 $0x10020, s10;
	v47 =	vld [tilespmem:$0x1FB50];
	v26 =	vsel vm1, $0x3F800000, v54;
	vm1 =	vlt.f32 v20, $0.0e+00;
	vm3 =	vge.f32 v25, v1;
	(xrf1) =	vsort.ascd.msk.f32 $0xffff, v63, v63  }
0x337: {  	[tilespmem:s14+$0x0] =	vst.add.f32.msk $0xffff, v26;
	vm1 =	vmor vm2, vm1;
	v19 =	vnsel vm3, $0x0, v31;
	(xrf1) =	vsort.ascd.msk.f32 $0xffff, v16, v16  }
0x338: {  	v34 =	vld [tilespmem:$0x1FB00];
	v32 =	vsel vm1, $0x3F800000, v54;
	vm1 =	vlt.f32 v19, $0.0e+00;
	vm2 =	vgt.f32 v19, $0.0e+00;
	(xrf1) =	vsort.dscd.msk.f32 $0xffff, v17, v17  }
0x339: {  	s6 =	sshll.u32 s6, $0x6;
	v38 =	vld [tilespmem:$0x1FB20];
	v14 =	vand.u32 $0x7FFFFFFF, v10;
	[tilespmem:s16+$0x30] =	vst v20;
	vm1 =	vmor vm2, vm1;
	(xrf1) =	vsort.ascd.msk.f32 $0xffff, v15, v15  }
0x33a: {  	s18 =	sor.u32 $0x10000, s6;
	v40 =	vld [tilespmem:$0x1FB30];
	vm9 =	vge.f32 v30, v1;
	[tilespmem:s0+$0x40] =	vst v19;
	v36 =	vsel vm1, $0x3F800000, v54;
	(xrf1) =	vsort.dscd.msk.f32 $0xffff, v14, v14  }
0x33b: {  	v20 =	vnsel vm9, $0x0, v35;
	[tilespmem:s18+$0x0] =	vst.add.f32.msk $0xffff, v36  }
0x33c: {  	v44 =	vld [tilespmem:$0x1FB40];
	vm2 =	vgt.f32 v20, $0.0e+00;
	vm1 =	vlt.f32 v20, $0.0e+00;
	[tilespmem:s0+$0x50] =	vst v20;
	v20 =	vsel vm0, $0xFF800000, v47  }
0x33d: {  	v53 =	vld [tilespmem:$0x1FB60];
	v41, _, _ =	vpop (xrf0);
	(xrf0) =	vmax.scan.msk.f32 $0xffff, v20  }
0x33e: {  	v61 =	vld [tilespmem:$0x1FB80]  }
0x33f: {  	v27 =	vld [tilespmem:$0x1FBA0]  }
0x340: {  	v24 =	vld [tilespmem:$0x1FB90]  }
0x341: {  	s7 =	sor.u32 $0x10030, s10;
	v30 =	vld [tilespmem:$0x1FBB0];
	vm3 =	vge.f32 v34, v1  }
0x342: {  	[tilespmem:s7+$0x0] =	vst.add.f32.msk $0xffff, v32;
	v19 =	vnsel vm3, $0x0, v38;
	vm1 =	vmor vm2, vm1  }
0x343: {  	s19 =	sor.u32 $0x10050, s6;
	vm2 =	vgt.f32 v19, $0.0e+00;
	v39 =	vsel vm1, $0x3F800000, v54;
	vm1 =	vlt.f32 v19, $0.0e+00;
	v59 =	vld [tilespmem:$0x1FB70];
	v26, _, _ =	vpop (xrf0)  }
0x344: {  	vm3 =	vge.f32 v40, v1;
	v1 =	vbroadcast v41, $0xF;
	[tilespmem:s19+$0x0] =	vst.add.f32.msk $0xffff, v39;
	vm1 =	vmor vm2, vm1;
	v21, _, _ =	vpop (xrf1)  }
0x345: {  	v9 =	vsel vm0, $0xFF800000, v9;
	s20 =	sor.u32 $0x10060, s6;
	v34 =	vld [tilespmem:$0x1FBD0];
	[tilespmem:s0+$0x60] =	vst v19;
	v19 =	vnsel vm3, $0x0, v44;
	v48 =	vsel vm1, $0x3F800000, v54;
	v52, _, _ =	vpop (xrf1)  }
0x346: {  	vm3 =	vge.f32 v61, v1;
	vm1 =	vlt.f32 v19, $0.0e+00;
	vm2 =	vgt.f32 v19, $0.0e+00;
	[tilespmem:s20+$0x0] =	vst.add.f32.msk $0xffff, v48;
	v55, _, _ =	vpop (xrf1)  }
0x347: {  	v35 =	vld [tilespmem:$0x1FBE0];
	v22 =	vnsel vm3, $0x0, v24;
	vm1 =	vmor vm2, vm1;
	vm2 =	vge.f32 v53, v1;
	[tilespmem:s0+$0x70] =	vst v19;
	v60, _, _ =	vpop (xrf1)  }
0x348: {  	v38 =	vld [tilespmem:$0x1FBF0];
	v56 =	vsel vm1, $0x3F800000, v54;
	v23 =	vnsel vm2, $0x0, v59;
	(xrf0) =	vmax.scan.msk.f32 $0xffff, v9;
	v19 =	vmax.f32 v52, v55;
	v63, _, _ =	vpop (xrf1)  }
0x349: {  	v32 =	vld [tilespmem:$0x1FBC0];
	vm1 =	vlt.f32 v23, $0.0e+00;
	vm2 =	vgt.f32 v23, $0.0e+00;
	(xrf1) =	vsort.ascd.msk.f32 $0xffff, v19, v19;
	v20 =	vmax.f32 v60, v63  }
0x34a: {  	s21 =	sor.u32 $0x10070, s6;
	v39 =	vld [tilespmem:$0x1FC00];
	vm1 =	vmor vm2, vm1;
	vm2 =	vgt.f32 v22, $0.0e+00;
	(xrf1) =	vsort.dscd.msk.f32 $0xffff, v20, v20  }
0x34b: {  	s24 =	sshll.u32 s15, $0x6;
	[tilespmem:s21+$0x0] =	vst.add.f32.msk $0xffff, v56;
	v28 =	vbroadcast v26, $0xF;
	v25 =	vsel vm1, $0x3F800000, v54;
	vm1 =	vlt.f32 v22, $0.0e+00  }
0x34c: {  	s25 =	sor.u32 $0x10000, s24;
	v41 =	vld [tilespmem:$0x1FC10];
	vm3 =	vge.f32 v27, v1;
	[tilespmem:s29+$0x0] =	vst v23;
	vm1 =	vmor vm2, vm1  }
0x34d: {  	[tilespmem:s25+$0x0] =	vst.add.f32.msk $0xffff, v25;
	vm2 =	vge.f32 v30, v1;
	vm11 =	vge.f32 v38, v28;
	v31 =	vsel vm1, $0x3F800000, v54  }
0x34e: {  	v47 =	vld [tilespmem:$0x1FC20];
	[tilespmem:s29+$0x10] =	vst v22;
	vm1 =	vge.f32 v34, v28;
	v60 =	vsel vm0, $0xFF800000, v18;
	v20 =	vnsel vm3, $0x0, v32  }
0x34f: {  	s7 =	sor.u32 $0x10010, s24;
	v61 =	vld [tilespmem:$0x1FC50];
	v1 =	vnsel vm2, $0x0, v35;
	v53, _, _ =	vpop (xrf0);
	(xrf0) =	vmax.scan.msk.f32 $0xffff, v60;
	vm3 =	vlt.f32 v20, $0.0e+00;
	vm10 =	vgt.f32 v20, $0.0e+00  }
0x350: {  	[tilespmem:s7+$0x0] =	vst.add.f32.msk $0xffff, v31;
	vm2 =	vlt.f32 v1, $0.0e+00;
	v9 =	vnsel vm1, $0x0, v39;
	vm3 =	vmor vm10, vm3  }
0x351: {  	v59 =	vld [tilespmem:$0x1FC40];
	[tilespmem:s28+$0x40] =	vst v9;
	v55 =	vbroadcast v53, $0xF;
	v36 =	vsel vm3, $0x3F800000, v54;
	vm3 =	vgt.f32 v1, $0.0e+00  }
0x352: {  	s8 =	sor.u32 $0x10020, s24;
	vm1 =	vlt.f32 v9, $0.0e+00;
	v31 =	vsel vm0, $0xFF800000, v21;
	v52 =	vld [tilespmem:$0x1FC30];
	[tilespmem:s29+$0x20] =	vst v20;
	vm2 =	vmor vm3, vm2  }
0x353: {  	vm12 =	vge.f32 v49, v55;
	[tilespmem:s8+$0x0] =	vst.add.f32.msk $0xffff, v36;
	v40 =	vsel vm2, $0x3F800000, v54;
	vm2 =	vgt.f32 v9, $0.0e+00  }
0x354: {  	s9 =	sshll.u32 s31, $0x6;
	s0 =	sor.u32 $0x10030, s24;
	v63 =	vld [tilespmem:$0x1FC60];
	vm13 =	vge.f32 v51, v55;
	[tilespmem:s29+$0x30] =	vst v1;
	v1 =	vnsel vm11, $0x0, v41;
	vm1 =	vmor vm2, vm1  }
0x355: {  	s10 =	sor.u32 $0x10000, s9;
	[tilespmem:s0+$0x0] =	vst.add.f32.msk $0xffff, v40;
	vm2 =	vgt.f32 v1, $0.0e+00;
	v30, _, _ =	vpop (xrf0);
	v44 =	vsel vm1, $0x3F800000, v54;
	vm1 =	vlt.f32 v1, $0.0e+00  }
0x356: {  	v34 =	vnsel vm13, $0x0, v57;
	v19 =	vbroadcast v30, $0xF;
	[tilespmem:s10+$0x0] =	vst.add.f32.msk $0xffff, v44;
	vm1 =	vmor vm2, vm1  }
0x357: {  	s11 =	sor.u32 $0x10050, s9;
	v24 =	vld [tilespmem:$0x1FC70];
	vm3 =	vge.f32 v59, v28;
	vm2 =	vge.f32 v47, v28;
	[tilespmem:s28+$0x50] =	vst v1;
	v48 =	vsel vm1, $0x3F800000, v54;
	v56, _, _ =	vpop (xrf1)  }
0x358: {  	v18 =	vnsel vm3, $0x0, v61;
	v9 =	vnsel vm2, $0x0, v52;
	vm14 =	vge.f32 v42, v19;
	[tilespmem:s11+$0x0] =	vst.add.f32.msk $0xffff, v48;
	v23, _, _ =	vpop (xrf1)  }
0x359: {  	v26 =	vld [tilespmem:$0x1FC80];
	vm1 =	vlt.f32 v9, $0.0e+00;
	vm2 =	vgt.f32 v9, $0.0e+00;
	[tilespmem:s28+$0x60] =	vst v9;
	v9 =	vmax.f32 v56, v23  }
0x35a: {  	vm3 =	vgt.f32 v18, $0.0e+00;
	v44 =	vnsel vm14, $0x0, v29;
	vm1 =	vmor vm2, vm1;
	(xrf1) =	vsort.ascd.msk.f32 $0xffff, v9, v9  }
0x35b: {  	s12 =	sor.u32 $0x10060, s9;
	(xrf0) =	vmax.scan.msk.f32 $0xffff, v31;
	vm2 =	vge.f32 v63, v55;
	v22 =	vsel vm1, $0x3F800000, v54;
	vm1 =	vlt.f32 v18, $0.0e+00  }
0x35c: {  	[tilespmem:s12+$0x0] =	vst.add.f32.msk $0xffff, v22;
	vm1 =	vmor vm3, vm1;
	vm3 =	vge.f32 v62, v55;
	v9 =	vnsel vm2, $0x0, v24  }
0x35d: {  	s0 =	sor.u32 $0x10070, s9;
	[tilespmem:s28+$0x70] =	vst v18;
	v25 =	vsel vm1, $0x3F800000, v54;
	vm1 =	vlt.f32 v9, $0.0e+00;
	vm2 =	vgt.f32 v9, $0.0e+00  }
0x35e: {  	s13 =	sshll.u32 s30, $0x6;
	v18 =	vnsel vm12, $0x0, v26;
	v28 =	vnsel vm3, $0x0, v43;
	[tilespmem:s0+$0x0] =	vst.add.f32.msk $0xffff, v25;
	vm1 =	vmor vm2, vm1  }
0x35f: {  	s14 =	sor.u32 $0x10000, s13;
	[tilespmem:s26+$0x0] =	vst v9;
	vm2 =	vgt.f32 v18, $0.0e+00;
	v27 =	vsel vm1, $0x3F800000, v54;
	vm1 =	vlt.f32 v18, $0.0e+00  }
0x360: {  	vm3 =	vgt.f32 v28, $0.0e+00;
	[tilespmem:s14+$0x0] =	vst.add.f32.msk $0xffff, v27;
	vm1 =	vmor vm2, vm1;
	vm2 =	vlt.f32 v28, $0.0e+00  }
0x361: {  	s15 =	sor.u32 $0x10010, s13;
	vm4 =	vgt.f32 v44, $0.0e+00;
	v20, _, _ =	vpop (xrf0);
	[tilespmem:s26+$0x10] =	vst v18;
	vm2 =	vmor vm3, vm2;
	v32 =	vsel vm1, $0x3F800000, v54  }
0x362: {  	v40 =	vbroadcast v20, $0xF;
	vm1 =	vge.f32 v50, v19;
	[tilespmem:s15+$0x0] =	vst.add.f32.msk $0xffff, v32;
	v35 =	vsel vm2, $0x3F800000, v54  }
0x363: {  	vm2 =	vlt.f32 v34, $0.0e+00;
	v36 =	vnsel vm1, $0x0, v37;
	vm1 =	vgt.f32 v34, $0.0e+00;
	[tilespmem:s26+$0x20] =	vst v28  }
0x364: {  	s16 =	sor.u32 $0x10020, s13;
	vm1 =	vmor vm1, vm2;
	vm2 =	vlt.f32 v36, $0.0e+00;
	vm3 =	vgt.f32 v36, $0.0e+00;
	[tilespmem:s1+$0x40] =	vst v36  }
0x365: {  	vm15 =	vge.f32 v6, v40;
	[tilespmem:s16+$0x0] =	vst.add.f32.msk $0xffff, v35;
	vm2 =	vmor vm3, vm2;
	vm3 =	vge.f32 v46, v19  }
0x366: {  	s17 =	sshll.u32 s17, $0x6;
	s0 =	sor.u32 $0x10030, s13;
	v37 =	vsel vm1, $0x3F800000, v54;
	vm1 =	vge.f32 v45, v19;
	[tilespmem:s26+$0x30] =	vst v34;
	v39 =	vnsel vm3, $0x0, v33  }
0x367: {  	s18 =	sor.u32 $0x10000, s17;
	v38 =	vsel vm2, $0x3F800000, v54;
	[tilespmem:s0+$0x0] =	vst.add.f32.msk $0xffff, v37;
	vm2 =	vlt.f32 v39, $0.0e+00;
	vm3 =	vgt.f32 v39, $0.0e+00  }
0x368: {  	v3 =	vnsel vm15, $0x0, v3;
	v41 =	vnsel vm1, $0x0, v58;
	[tilespmem:s18+$0x0] =	vst.add.f32.msk $0xffff, v38;
	vm2 =	vmor vm3, vm2;
	v43, _, _ =	vpop (xrf1)  }
0x369: {  	s19 =	sor.u32 $0x10050, s17;
	[tilespmem:s1+$0x50] =	vst v39;
	v42 =	vsel vm2, $0x3F800000, v54;
	vm2 =	vge.f32 v8, v40;
	v8 =	vsel vm0, $0xFF800000, v43  }
0x36a: {  	vm1 =	vlt.f32 v41, $0.0e+00;
	vm3 =	vgt.f32 v41, $0.0e+00;
	[tilespmem:s19+$0x0] =	vst.add.f32.msk $0xffff, v42;
	(xrf0) =	vmax.scan.msk.f32 $0xffff, v8  }
0x36b: {  	vm1 =	vmor vm3, vm1;
	vm3 =	vlt.f32 v44, $0.0e+00;
	v46 =	vnsel vm2, $0x0, v4;
	[tilespmem:s1+$0x60] =	vst v41  }
0x36c: {  	s20 =	sor.u32 $0x10060, s17;
	vm3 =	vmor vm4, vm3;
	v45 =	vsel vm1, $0x3F800000, v54;
	vm1 =	vge.f32 v7, v40;
	[tilespmem:s4+$0x0] =	vst v46  }
0x36d: {  	v47 =	vsel vm3, $0x3F800000, v54;
	vm2 =	vlt.f32 v46, $0.0e+00;
	vm3 =	vgt.f32 v46, $0.0e+00;
	[tilespmem:s20+$0x0] =	vst.add.f32.msk $0xffff, v45  }
0x36e: {  	s21 =	sshll.u32 s5, $0x6;
	s0 =	sor.u32 $0x10070, s17;
	vm4 =	vgt.f32 v3, $0.0e+00;
	v48 =	vnsel vm1, $0x0, v2;
	vm2 =	vmor vm3, vm2;
	[tilespmem:s1+$0x70] =	vst v44  }
0x36f: {  	s24 =	sor.u32 $0x10000, s21;
	vm1 =	vge.f32 v5, v40;
	vm3 =	vlt.f32 v3, $0.0e+00;
	v49 =	vsel vm2, $0x3F800000, v54;
	[tilespmem:s0+$0x0] =	vst.add.f32.msk $0xffff, v47  }
0x370: {  	v0 =	vnsel vm1, $0x0, v0;
	vm1 =	vgt.f32 v48, $0.0e+00;
	vm3 =	vmor vm4, vm3;
	[tilespmem:s24+$0x0] =	vst.add.f32.msk $0xffff, v49;
	v51, _, _ =	vpop (xrf0)  }
0x371: {  	s25 =	sor.u32 $0x10010, s21;
	vm2 =	vlt.f32 v48, $0.0e+00;
	v50 =	vsel vm3, $0x3F800000, v54;
	[tilespmem:s4+$0x10] =	vst v3;
	v52 =	vbroadcast v51, $0xF  }
0x372: {  	vm1 =	vmor vm1, vm2;
	vm2 =	vlt.f32 v0, $0.0e+00;
	vm3 =	vgt.f32 v0, $0.0e+00;
	[tilespmem:s25+$0x0] =	vst.add.f32.msk $0xffff, v50  }
0x373: {  	s26 =	sor.u32 $0x10020, s21;
	vm2 =	vmor vm3, vm2;
	v53 =	vsel vm1, $0x3F800000, v54;
	[tilespmem:s4+$0x20] =	vst v48;
	vm1 =	vge.f32 v16, v52  }
0x374: {  	v55 =	vsel vm2, $0x3F800000, v54;
	[tilespmem:s26+$0x0] =	vst.add.f32.msk $0xffff, v53;
	v56 =	vnsel vm1, $0x0, v13;
	vm1 =	vge.f32 v17, v52  }
0x375: {  	s0 =	sor.u32 $0x10030, s21;
	[tilespmem:s4+$0x30] =	vst v0;
	vm2 =	vlt.f32 v56, $0.0e+00;
	vm3 =	vgt.f32 v56, $0.0e+00;
	v57 =	vnsel vm1, $0x0, v12  }
0x376: {  	s28 =	sshll.u32 s3, $0x6;
	[tilespmem:s0+$0x0] =	vst.add.f32.msk $0xffff, v55;
	vm1 =	vmor vm3, vm2;
	vm2 =	vlt.f32 v57, $0.0e+00;
	vm3 =	vgt.f32 v57, $0.0e+00  }
0x377: {  	s29 =	sor.u32 $0x10000, s28;
	[tilespmem:s2+$0x40] =	vst v56;
	v58 =	vsel vm1, $0x3F800000, v54;
	vm1 =	vmor vm3, vm2;
	vm2 =	vge.f32 v15, v52  }
0x378: {  	vm3 =	vge.f32 v14, v52;
	[tilespmem:s29+$0x0] =	vst.add.f32.msk $0xffff, v58;
	v60 =	vnsel vm2, $0x0, v11  }
0x379: {  	p0 =	slt.u32 s22, $0x1F0;
	s30 =	sor.u32 $0x10050, s28;
	v59 =	vsel vm1, $0x3F800000, v54;
	[tilespmem:s2+$0x50] =	vst v57;
	vm1 =	vlt.f32 v60, $0.0e+00;
	vm2 =	vgt.f32 v60, $0.0e+00  }
.Ltmp2:
0x37a: {  	v61 =	vnsel vm3, $0x0, v10;
	vm1 =	vmor vm2, vm1;
	[tilespmem:s30+$0x0] =	vst.add.f32.msk $0xffff, v59;
	(pc) =	sbr.rel @p0 .LBB2_7-.Ltmp2, $4  }
0x37b: {  	s31 =	sor.u32 $0x10060, s28;
	vm2 =	vgt.f32 v61, $0.0e+00;
	[tilespmem:s2+$0x60] =	vst v60;
	v62 =	vsel vm1, $0x3F800000, v54;
	vm1 =	vlt.f32 v61, $0.0e+00  }
0x37c: {  	[tilespmem:s31+$0x0] =	vst.add.f32.msk $0xffff, v62;
	vm1 =	vmor vm2, vm1  }
0x37d: {  	s0 =	sor.u32 $0x10070, s28;
	[tilespmem:s2+$0x70] =	vst v61;
	v63 =	vsel vm1, $0x3F800000, v54  }
0x37e: {  	s23 =	sadd.s32 $0x20, s23;
	[tilespmem:s0+$0x0] =	vst.add.f32.msk $0xffff, v63  }
0x37f: {  	s0 =	rddreg [dreg:$0xc]  }
0x380: {  	s1 =	rddreg [dreg:$0x1];
	s0 =	sshll.u32 s0, $0x9  }
0x381: {  	s22 =	simm.s32 $0x0;
	s31 =	simm.s32 $0x2;
	s0 =	sadd.s32 s1, s0  }
0x382: {  	[hbm4b:s0+s22] =	stream.linear.scatter [tilespmem:s22], [sflag:$0x3], $0x8000, $0x38;
	[tilespmem:$0x11000] =	vst v63  }
0x383: {  	_ =	swait.ge [sflag:s31], $0x8000  }
0x384: {  	[sflag:s31] =	ssyncset.done $0x0  }
0x385: {  	s23 =	simm.s32 $0xFFFFFFF0;
	[sflag:s31] =	ssyncadd.s32 $0xFFFF8000  }
.LBB2_9:
0x386: {  	s23 =	sadd.s32 $0x10, s23  }
0x387: {  	s25 =	sand.u32 $0x30, s23  }
0x388: {  	s24 =	sand.u32 $0x180, s22;
	s0 =	sshll.u32 s25, $0x9  }
0x389: {  	s10 =	sor.u32 s24, s0  }
0x38a: {  	v3 =	vld [tilespmem:s10+$0x8000]  }
0x38b: {  	v9 =	vld [tilespmem:s10+$0x8010]  }
0x38c: {  	v10 =	vld [tilespmem:s10+$0x8020]  }
0x38d: {  	v15 =	vld [tilespmem:s10+$0x8030];
	_ =	sdelay $0x1  }
0x38e: {  	v2 =	vand.u32 $0x7FFFFFFF, v3  }
0x38f: {  	v5 =	vand.u32 $0x7FFFFFFF, v9;
	(xrf1) =	vsort.ascd.msk.f32 $0xffff, v2, v2  }
0x390: {  	v4 =	vand.u32 $0x7FFFFFFF, v10;
	(xrf1) =	vsort.dscd.msk.f32 $0xffff, v5, v5  }
0x391: {  	v8 =	vand.u32 $0x7FFFFFFF, v15;
	(xrf1) =	vsort.ascd.msk.f32 $0xffff, v4, v4  }
0x392: {  	(xrf1) =	vsort.dscd.msk.f32 $0xffff, v8, v8;
	_ =	sdelay $0xa  }
0x393: {  	v1, _, _ =	vpop (xrf1)  }
0x394: {  	v6, _, _ =	vpop (xrf1)  }
0x395: {  	v7, _, _ =	vpop (xrf1)  }
0x396: {  	v1 =	vmax.f32 v1, v6;
	v33, _, _ =	vpop (xrf1)  }
0x397: {  	(xrf1) =	vsort.ascd.msk.f32 $0xffff, v1, v1;
	v6 =	vmax.f32 v7, v33  }
0x398: {  	(xrf1) =	vsort.dscd.msk.f32 $0xffff, v6, v6;
	_ =	sdelay $0xa  }
0x399: {  	v11 =	vld [tilespmem:s10+$0x8040]  }
0x39a: {  	v12 =	vld [tilespmem:s10+$0x8050]  }
0x39b: {  	v33 =	vld [tilespmem:s10+$0x8060];
	v1, _, _ =	vpop (xrf1)  }
0x39c: {  	v46 =	vld [tilespmem:s10+$0x8070];
	v6, _, _ =	vpop (xrf1)  }
0x39d: {  	v1 =	vmax.f32 v1, v6  }
0x39e: {  	v6 =	vand.u32 $0x7FFFFFFF, v11;
	(xrf1) =	vsort.ascd.msk.f32 $0xffff, v1, v1  }
0x39f: {  	v7 =	vand.u32 $0x7FFFFFFF, v12;
	(xrf1) =	vsort.ascd.msk.f32 $0xffff, v6, v6  }
0x3a0: {  	v37 =	vand.u32 $0x7FFFFFFF, v33;
	(xrf1) =	vsort.dscd.msk.f32 $0xffff, v7, v7  }
0x3a1: {  	v50 =	vand.u32 $0x7FFFFFFF, v46;
	(xrf1) =	vsort.ascd.msk.f32 $0xffff, v37, v37  }
0x3a2: {  	(xrf1) =	vsort.dscd.msk.f32 $0xffff, v50, v50;
	_ =	sdelay $0x9  }
0x3a3: {  	v51, _, _ =	vpop (xrf1)  }
0x3a4: {  	v34, _, _ =	vpop (xrf1)  }
0x3a5: {  	v13, _, _ =	vpop (xrf1)  }
0x3a6: {  	v14, _, _ =	vpop (xrf1)  }
0x3a7: {  	v1 =	vmax.f32 v34, v13;
	v35, _, _ =	vpop (xrf1)  }
0x3a8: {  	(xrf1) =	vsort.ascd.msk.f32 $0xffff, v1, v1;
	v13 =	vmax.f32 v14, v35  }
0x3a9: {  	(xrf1) =	vsort.dscd.msk.f32 $0xffff, v13, v13;
	_ =	sdelay $0x7  }
0x3aa: {  	s7 =	sor.u32 $0x2, s25  }
0x3ab: {  	s17 =	sshll.u32 s7, $0x9  }
0x3ac: {  	s11 =	sor.u32 s24, s17  }
0x3ad: {  	v18 =	vld [tilespmem:s11+$0x8000]  }
0x3ae: {  	v19 =	vld [tilespmem:s11+$0x8010]  }
0x3af: {  	v25 =	vld [tilespmem:s11+$0x8020];
	v1, _, _ =	vpop (xrf1)  }
0x3b0: {  	v27 =	vld [tilespmem:s11+$0x8030];
	v13, _, _ =	vpop (xrf1)  }
0x3b1: {  	v1 =	vmax.f32 v1, v13  }
0x3b2: {  	v45 =	vand.u32 $0x7FFFFFFF, v18;
	(xrf1) =	vsort.ascd.msk.f32 $0xffff, v1, v1  }
0x3b3: {  	v42 =	vand.u32 $0x7FFFFFFF, v19;
	(xrf1) =	vsort.ascd.msk.f32 $0xffff, v45, v45  }
0x3b4: {  	v13 =	vand.u32 $0x7FFFFFFF, v25;
	(xrf1) =	vsort.dscd.msk.f32 $0xffff, v42, v42  }
0x3b5: {  	v17 =	vand.u32 $0x7FFFFFFF, v27;
	(xrf1) =	vsort.ascd.msk.f32 $0xffff, v13, v13  }
0x3b6: {  	(xrf1) =	vsort.dscd.msk.f32 $0xffff, v17, v17;
	_ =	sdelay $0x9  }
0x3b7: {  	v29, _, _ =	vpop (xrf1)  }
0x3b8: {  	v36, _, _ =	vpop (xrf1)  }
0x3b9: {  	v38, _, _ =	vpop (xrf1)  }
0x3ba: {  	v16, _, _ =	vpop (xrf1)  }
0x3bb: {  	v1 =	vmax.f32 v36, v38;
	v39, _, _ =	vpop (xrf1)  }
0x3bc: {  	(xrf1) =	vsort.ascd.msk.f32 $0xffff, v1, v1;
	v14 =	vmax.f32 v16, v39  }
0x3bd: {  	(xrf1) =	vsort.dscd.msk.f32 $0xffff, v14, v14;
	_ =	sdelay $0x6  }
0x3be: {  	s12 =	sor.u32 $0x3, s25  }
0x3bf: {  	s18 =	sshll.u32 s12, $0x9  }
0x3c0: {  	s0 =	sand.u32 $0x6400, s18  }
0x3c1: {  	s4 =	sor.u32 s24, s0  }
0x3c2: {  	v21 =	vld [tilespmem:s4+$0x8040]  }
0x3c3: {  	v26 =	vld [tilespmem:s4+$0x8050]  }
0x3c4: {  	v34 =	vld [tilespmem:s4+$0x8060];
	v1, _, _ =	vpop (xrf1)  }
0x3c5: {  	v39 =	vld [tilespmem:s4+$0x8070];
	v14, _, _ =	vpop (xrf1)  }
0x3c6: {  	v1 =	vmax.f32 v1, v14  }
0x3c7: {  	v14 =	vand.u32 $0x7FFFFFFF, v21;
	(xrf1) =	vsort.ascd.msk.f32 $0xffff, v1, v1  }
0x3c8: {  	v16 =	vand.u32 $0x7FFFFFFF, v26;
	(xrf1) =	vsort.ascd.msk.f32 $0xffff, v14, v14  }
0x3c9: {  	v23 =	vand.u32 $0x7FFFFFFF, v34;
	(xrf1) =	vsort.dscd.msk.f32 $0xffff, v16, v16  }
0x3ca: {  	v22 =	vand.u32 $0x7FFFFFFF, v39;
	(xrf1) =	vsort.ascd.msk.f32 $0xffff, v23, v23  }
0x3cb: {  	(xrf1) =	vsort.dscd.msk.f32 $0xffff, v22, v22;
	_ =	sdelay $0x9  }
0x3cc: {  	v0, _, _ =	vpop (xrf1)  }
0x3cd: {  	v1, _, _ =	vpop (xrf1)  }
0x3ce: {  	v20, _, _ =	vpop (xrf1)  }
0x3cf: {  	v24, _, _ =	vpop (xrf1)  }
0x3d0: {  	v1 =	vmax.f32 v1, v20;
	v40, _, _ =	vpop (xrf1)  }
0x3d1: {  	(xrf1) =	vsort.ascd.msk.f32 $0xffff, v1, v1;
	v20 =	vmax.f32 v24, v40  }
0x3d2: {  	(xrf1) =	vsort.dscd.msk.f32 $0xffff, v20, v20;
	_ =	sdelay $0x7  }
0x3d3: {  	s5 =	sor.u32 $0x4, s25  }
0x3d4: {  	s19 =	sshll.u32 s5, $0x9  }
0x3d5: {  	s2 =	sor.u32 s24, s19  }
0x3d6: {  	v31 =	vld [tilespmem:s2+$0x8000]  }
0x3d7: {  	v38 =	vld [tilespmem:s2+$0x8010]  }
0x3d8: {  	v40 =	vld [tilespmem:s2+$0x8020];
	v1, _, _ =	vpop (xrf1)  }
0x3d9: {  	v61 =	vld [tilespmem:s2+$0x8030];
	v20, _, _ =	vpop (xrf1)  }
0x3da: {  	v1 =	vmax.f32 v1, v20  }
0x3db: {  	v20 =	vand.u32 $0x7FFFFFFF, v31;
	(xrf1) =	vsort.ascd.msk.f32 $0xffff, v1, v1  }
0x3dc: {  	v24 =	vand.u32 $0x7FFFFFFF, v38;
	(xrf1) =	vsort.ascd.msk.f32 $0xffff, v20, v20  }
0x3dd: {  	v28 =	vand.u32 $0x7FFFFFFF, v40;
	(xrf1) =	vsort.dscd.msk.f32 $0xffff, v24, v24  }
0x3de: {  	v53 =	vand.u32 $0x7FFFFFFF, v61;
	(xrf1) =	vsort.ascd.msk.f32 $0xffff, v28, v28  }
0x3df: {  	(xrf1) =	vsort.dscd.msk.f32 $0xffff, v53, v53;
	_ =	sdelay $0x9  }
0x3e0: {  	v57, _, _ =	vpop (xrf1)  }
0x3e1: {  	v41, _, _ =	vpop (xrf1)  }
0x3e2: {  	v30, _, _ =	vpop (xrf1)  }
0x3e3: {  	v32, _, _ =	vpop (xrf1)  }
0x3e4: {  	v1 =	vmax.f32 v41, v30;
	v43, _, _ =	vpop (xrf1)  }
0x3e5: {  	(xrf1) =	vsort.ascd.msk.f32 $0xffff, v1, v1;
	v30 =	vmax.f32 v32, v43  }
0x3e6: {  	(xrf1) =	vsort.dscd.msk.f32 $0xffff, v30, v30;
	_ =	sdelay $0x6  }
0x3e7: {  	s3 =	sor.u32 $0x5, s25  }
0x3e8: {  	s20 =	sshll.u32 s3, $0x9  }
0x3e9: {  	s0 =	sand.u32 $0x6800, s20  }
0x3ea: {  	s18 =	sor.u32 s24, s0  }
0x3eb: {  	v55 =	vld [tilespmem:s18+$0x8040]  }
0x3ec: {  	v60 =	vld [tilespmem:s18+$0x8050]  }
0x3ed: {  	v35 =	vld [tilespmem:s18+$0x8060];
	v1, _, _ =	vpop (xrf1)  }
0x3ee: {  	v44 =	vld [tilespmem:s18+$0x8070];
	v30, _, _ =	vpop (xrf1)  }
0x3ef: {  	v1 =	vmax.f32 v1, v30  }
0x3f0: {  	v32 =	vand.u32 $0x7FFFFFFF, v55;
	(xrf1) =	vsort.ascd.msk.f32 $0xffff, v1, v1  }
0x3f1: {  	v30 =	vand.u32 $0x7FFFFFFF, v60;
	(xrf1) =	vsort.ascd.msk.f32 $0xffff, v32, v32  }
0x3f2: {  	[tilespmem:$0x1F620] =	vst v35;
	v35 =	vand.u32 $0x7FFFFFFF, v35;
	(xrf1) =	vsort.dscd.msk.f32 $0xffff, v30, v30  }
0x3f3: {  	v36 =	vand.u32 $0x7FFFFFFF, v44;
	(xrf1) =	vsort.ascd.msk.f32 $0xffff, v35, v35  }
0x3f4: {  	(xrf1) =	vsort.dscd.msk.f32 $0xffff, v36, v36;
	_ =	sdelay $0x9  }
0x3f5: {  	v47, _, _ =	vpop (xrf1)  }
0x3f6: {  	v48, _, _ =	vpop (xrf1)  }
0x3f7: {  	v41, _, _ =	vpop (xrf1)  }
0x3f8: {  	[tilespmem:$0x1F630] =	vst v44;
	v44, _, _ =	vpop (xrf1)  }
0x3f9: {  	v1 =	vmax.f32 v48, v41;
	v49, _, _ =	vpop (xrf1)  }
0x3fa: {  	(xrf1) =	vsort.ascd.msk.f32 $0xffff, v1, v1;
	v41 =	vmax.f32 v44, v49  }
0x3fb: {  	(xrf1) =	vsort.dscd.msk.f32 $0xffff, v41, v41;
	_ =	sdelay $0x7  }
0x3fc: {  	s19 =	sor.u32 $0x6, s25  }
0x3fd: {  	s21 =	sshll.u32 s19, $0x9  }
0x3fe: {  	s9 =	sor.u32 s24, s21  }
0x3ff: {  	v59 =	vld [tilespmem:s9+$0x8000]  }
0x400: {  	v43 =	vld [tilespmem:s9+$0x8010]  }
0x401: {  	v56 =	vld [tilespmem:s9+$0x8020];
	v52, _, _ =	vpop (xrf1)  }
0x402: {  	v62 =	vld [tilespmem:s9+$0x8030];
	v58, _, _ =	vpop (xrf1)  }
0x403: {  	v41 =	vmax.f32 v52, v58  }
0x404: {  	(xrf1) =	vsort.ascd.msk.f32 $0xffff, v41, v41;
	v41 =	vand.u32 $0x7FFFFFFF, v59  }
0x405: {  	v44 =	vand.u32 $0x7FFFFFFF, v43;
	(xrf1) =	vsort.ascd.msk.f32 $0xffff, v41, v41  }
0x406: {  	[tilespmem:$0x1F660] =	vst v56;
	v56 =	vand.u32 $0x7FFFFFFF, v56;
	(xrf1) =	vsort.dscd.msk.f32 $0xffff, v44, v44  }
0x407: {  	[tilespmem:$0x1F5D0] =	vst v0;
	v0 =	vand.u32 $0x7FFFFFFF, v62;
	(xrf1) =	vsort.ascd.msk.f32 $0xffff, v56, v56  }
0x408: {  	(xrf1) =	vsort.dscd.msk.f32 $0xffff, v0, v0;
	_ =	sdelay $0x9  }
0x409: {  	v63, _, _ =	vpop (xrf1)  }
0x40a: {  	[tilespmem:$0x1F5E0] =	vst v47;
	v47, _, _ =	vpop (xrf1)  }
0x40b: {  	v48, _, _ =	vpop (xrf1)  }
0x40c: {  	v52, _, _ =	vpop (xrf1)  }
0x40d: {  	[tilespmem:$0x1F640] =	vst v43;
	v47 =	vmax.f32 v47, v48;
	v43, _, _ =	vpop (xrf1)  }
0x40e: {  	(xrf1) =	vsort.ascd.msk.f32 $0xffff, v47, v47;
	v48 =	vmax.f32 v52, v43  }
0x40f: {  	(xrf1) =	vsort.dscd.msk.f32 $0xffff, v48, v48;
	_ =	sdelay $0x6  }
0x410: {  	s14 =	sor.u32 $0x7, s25  }
0x411: {  	s26 =	sshll.u32 s14, $0x9  }
0x412: {  	s0 =	sand.u32 $0x6C00, s26  }
0x413: {  	s8 =	sor.u32 s24, s0  }
0x414: {  	v49 =	vld [tilespmem:s8+$0x8040]  }
0x415: {  	v58 =	vld [tilespmem:s8+$0x8050]  }
0x416: {  	[tilespmem:$0x1F680] =	vst v62;
	v62 =	vld [tilespmem:s8+$0x8060];
	v47, _, _ =	vpop (xrf1)  }
0x417: {  	[tilespmem:$0x1F5F0] =	vst v63;
	v63 =	vld [tilespmem:s8+$0x8070];
	v48, _, _ =	vpop (xrf1)  }
0x418: {  	v47 =	vmax.f32 v47, v48  }
0x419: {  	(xrf1) =	vsort.ascd.msk.f32 $0xffff, v47, v47;
	v47 =	vand.u32 $0x7FFFFFFF, v49  }
0x41a: {  	v48 =	vand.u32 $0x7FFFFFFF, v58;
	(xrf1) =	vsort.ascd.msk.f32 $0xffff, v47, v47  }
0x41b: {  	v52 =	vand.u32 $0x7FFFFFFF, v62;
	(xrf1) =	vsort.dscd.msk.f32 $0xffff, v48, v48  }
0x41c: {  	[tilespmem:$0x1F6B0] =	vst v62;
	v62 =	vand.u32 $0x7FFFFFFF, v63;
	(xrf1) =	vsort.ascd.msk.f32 $0xffff, v52, v52  }
0x41d: {  	(xrf1) =	vsort.dscd.msk.f32 $0xffff, v62, v62;
	_ =	sdelay $0x9  }
0x41e: {  	[tilespmem:$0x1F6A0] =	vst v58;
	v58, _, _ =	vpop (xrf1)  }
0x41f: {  	[tilespmem:$0x1F6C0] =	vst v63;
	v63, _, _ =	vpop (xrf1)  }
0x420: {  	[tilespmem:$0x1F600] =	vst v58;
	v58, _, _ =	vpop (xrf1)  }
0x421: {  	[tilespmem:$0x1F650] =	vst v0;
	v43, _, _ =	vpop (xrf1)  }
0x422: {  	[tilespmem:$0x1F690] =	vst v49;
	v0 =	vmax.f32 v63, v58;
	v49, _, _ =	vpop (xrf1)  }
0x423: {  	(xrf1) =	vsort.ascd.msk.f32 $0xffff, v0, v0;
	v1 =	vmax.f32 v43, v49  }
0x424: {  	(xrf1) =	vsort.dscd.msk.f32 $0xffff, v1, v1;
	_ =	sdelay $0x7  }
0x425: {  	s13 =	sor.u32 $0x8, s25  }
0x426: {  	s28 =	sshll.u32 s13, $0x9  }
0x427: {  	s16 =	sor.u32 s24, s28  }
0x428: {  	v63 =	vld [tilespmem:s16+$0x8000]  }
0x429: {  	v58 =	vld [tilespmem:s16+$0x8010]  }
0x42a: {  	v49 =	vld [tilespmem:s16+$0x8020];
	v0, _, _ =	vpop (xrf1)  }
0x42b: {  	v43 =	vld [tilespmem:s16+$0x8030];
	v1, _, _ =	vpop (xrf1)  }
0x42c: {  	v0 =	vmax.f32 v0, v1  }
0x42d: {  	[tilespmem:$0x1F6E0] =	vst v63;
	v63 =	vand.u32 $0x7FFFFFFF, v63;
	(xrf1) =	vsort.ascd.msk.f32 $0xffff, v0, v0  }
0x42e: {  	[tilespmem:$0x1F6D0] =	vst v63;
	(xrf1) =	vsort.ascd.msk.f32 $0xffff, v63, v63;
	v63 =	vand.u32 $0x7FFFFFFF, v58  }
0x42f: {  	[tilespmem:$0x1F710] =	vst v58;
	v58 =	vand.u32 $0x7FFFFFFF, v49;
	(xrf1) =	vsort.dscd.msk.f32 $0xffff, v63, v63  }
0x430: {  	[tilespmem:$0x1F700] =	vst v63;
	v63 =	vand.u32 $0x7FFFFFFF, v43;
	(xrf1) =	vsort.ascd.msk.f32 $0xffff, v58, v58  }
0x431: {  	(xrf1) =	vsort.dscd.msk.f32 $0xffff, v63, v63;
	_ =	sdelay $0x9  }
0x432: {  	[tilespmem:$0x1F760] =	vst v43;
	v43, _, _ =	vpop (xrf1)  }
0x433: {  	[tilespmem:$0x1F730] =	vst v49;
	v49, _, _ =	vpop (xrf1)  }
0x434: {  	[tilespmem:$0x1F740] =	vst v63;
	v63, _, _ =	vpop (xrf1)  }
0x435: {  	[tilespmem:$0x1F610] =	vst v43;
	v43, _, _ =	vpop (xrf1)  }
0x436: {  	v0 =	vmax.f32 v49, v63;
	v49, _, _ =	vpop (xrf1)  }
0x437: {  	(xrf1) =	vsort.ascd.msk.f32 $0xffff, v0, v0;
	v1 =	vmax.f32 v43, v49  }
0x438: {  	(xrf1) =	vsort.dscd.msk.f32 $0xffff, v1, v1;
	_ =	sdelay $0x6  }
0x439: {  	s6 =	sor.u32 $0x9, s25  }
0x43a: {  	s29 =	sshll.u32 s6, $0x9  }
0x43b: {  	s0 =	sand.u32 $0x7000, s29  }
0x43c: {  	s0 =	sor.u32 s24, s0  }
0x43d: {  	v63 =	vld [tilespmem:s0+$0x8040]  }
0x43e: {  	[tilespmem:$0x1F720] =	vst v58;
	v58 =	vld [tilespmem:s0+$0x8050]  }
0x43f: {  	v49 =	vld [tilespmem:s0+$0x8060];
	v0, _, _ =	vpop (xrf1)  }
0x440: {  	v43 =	vld [tilespmem:s0+$0x8070];
	v1, _, _ =	vpop (xrf1)  }
0x441: {  	v0 =	vmax.f32 v0, v1  }
0x442: {  	[tilespmem:$0x1F790] =	vst v63;
	v63 =	vand.u32 $0x7FFFFFFF, v63;
	(xrf1) =	vsort.ascd.msk.f32 $0xffff, v0, v0  }
0x443: {  	[tilespmem:$0x1F750] =	vst v63;
	(xrf1) =	vsort.ascd.msk.f32 $0xffff, v63, v63;
	v63 =	vand.u32 $0x7FFFFFFF, v58  }
0x444: {  	[tilespmem:$0x1F7B0] =	vst v58;
	v58 =	vand.u32 $0x7FFFFFFF, v49;
	(xrf1) =	vsort.dscd.msk.f32 $0xffff, v63, v63  }
0x445: {  	[tilespmem:$0x1F780] =	vst v63;
	v63 =	vand.u32 $0x7FFFFFFF, v43;
	(xrf1) =	vsort.ascd.msk.f32 $0xffff, v58, v58  }
0x446: {  	(xrf1) =	vsort.dscd.msk.f32 $0xffff, v63, v63;
	_ =	sdelay $0x9  }
0x447: {  	[tilespmem:$0x1F7E0] =	vst v43;
	v43, _, _ =	vpop (xrf1)  }
0x448: {  	[tilespmem:$0x1F7C0] =	vst v49;
	v49, _, _ =	vpop (xrf1)  }
0x449: {  	[tilespmem:$0x1F7D0] =	vst v63;
	v63, _, _ =	vpop (xrf1)  }
0x44a: {  	[tilespmem:$0x1F670] =	vst v43;
	v43, _, _ =	vpop (xrf1)  }
0x44b: {  	v0 =	vmax.f32 v49, v63;
	v49, _, _ =	vpop (xrf1)  }
0x44c: {  	(xrf1) =	vsort.ascd.msk.f32 $0xffff, v0, v0;
	v1 =	vmax.f32 v43, v49  }
0x44d: {  	(xrf1) =	vsort.dscd.msk.f32 $0xffff, v1, v1;
	_ =	sdelay $0x7  }
0x44e: {  	s15 =	sor.u32 $0xA, s25  }
0x44f: {  	s1 =	sshll.u32 s15, $0x9  }
0x450: {  	s29 =	sor.u32 s24, s1  }
0x451: {  	v63 =	vld [tilespmem:s29+$0x8000]  }
0x452: {  	[tilespmem:$0x1F7A0] =	vst v58;
	v58 =	vld [tilespmem:s29+$0x8010]  }
0x453: {  	v49 =	vld [tilespmem:s29+$0x8020];
	v0, _, _ =	vpop (xrf1)  }
0x454: {  	v43 =	vld [tilespmem:s29+$0x8030];
	v1, _, _ =	vpop (xrf1)  }
0x455: {  	v0 =	vmax.f32 v0, v1  }
0x456: {  	[tilespmem:$0x1F810] =	vst v63;
	v63 =	vand.u32 $0x7FFFFFFF, v63;
	(xrf1) =	vsort.ascd.msk.f32 $0xffff, v0, v0  }
0x457: {  	[tilespmem:$0x1F800] =	vst v63;
	(xrf1) =	vsort.ascd.msk.f32 $0xffff, v63, v63;
	v63 =	vand.u32 $0x7FFFFFFF, v58  }
0x458: {  	[tilespmem:$0x1F830] =	vst v58;
	v58 =	vand.u32 $0x7FFFFFFF, v49;
	(xrf1) =	vsort.dscd.msk.f32 $0xffff, v63, v63  }
0x459: {  	[tilespmem:$0x1F820] =	vst v63;
	v63 =	vand.u32 $0x7FFFFFFF, v43;
	(xrf1) =	vsort.ascd.msk.f32 $0xffff, v58, v58  }
0x45a: {  	(xrf1) =	vsort.dscd.msk.f32 $0xffff, v63, v63;
	_ =	sdelay $0x9  }
0x45b: {  	[tilespmem:$0x1F880] =	vst v43;
	v43, _, _ =	vpop (xrf1)  }
0x45c: {  	[tilespmem:$0x1F860] =	vst v49;
	v49, _, _ =	vpop (xrf1)  }
0x45d: {  	[tilespmem:$0x1F850] =	vst v63;
	v63, _, _ =	vpop (xrf1)  }
0x45e: {  	[tilespmem:$0x1F6F0] =	vst v43;
	v43, _, _ =	vpop (xrf1)  }
0x45f: {  	v0 =	vmax.f32 v49, v63;
	v49, _, _ =	vpop (xrf1)  }
0x460: {  	(xrf1) =	vsort.ascd.msk.f32 $0xffff, v0, v0;
	v1 =	vmax.f32 v43, v49  }
0x461: {  	(xrf1) =	vsort.dscd.msk.f32 $0xffff, v1, v1;
	_ =	sdelay $0x6  }
0x462: {  	s31 =	sor.u32 $0xB, s25  }
0x463: {  	s30 =	sshll.u32 s31, $0x9  }
0x464: {  	s1 =	sand.u32 $0x7400, s30  }
0x465: {  	s28 =	sor.u32 s24, s1  }
0x466: {  	v63 =	vld [tilespmem:s28+$0x8040]  }
0x467: {  	[tilespmem:$0x1F840] =	vst v58;
	v58 =	vld [tilespmem:s28+$0x8050]  }
0x468: {  	v49 =	vld [tilespmem:s28+$0x8060];
	v0, _, _ =	vpop (xrf1)  }
0x469: {  	v43 =	vld [tilespmem:s28+$0x8070];
	v1, _, _ =	vpop (xrf1)  }
0x46a: {  	v0 =	vmax.f32 v0, v1  }
0x46b: {  	[tilespmem:$0x1F8A0] =	vst v63;
	v63 =	vand.u32 $0x7FFFFFFF, v63;
	(xrf1) =	vsort.ascd.msk.f32 $0xffff, v0, v0  }
0x46c: {  	[tilespmem:$0x1F870] =	vst v63;
	(xrf1) =	vsort.ascd.msk.f32 $0xffff, v63, v63;
	v63 =	vand.u32 $0x7FFFFFFF, v58  }
0x46d: {  	[tilespmem:$0x1F8B0] =	vst v58;
	v58 =	vand.u32 $0x7FFFFFFF, v49;
	(xrf1) =	vsort.dscd.msk.f32 $0xffff, v63, v63  }
0x46e: {  	[tilespmem:$0x1F890] =	vst v63;
	v63 =	vand.u32 $0x7FFFFFFF, v43;
	(xrf1) =	vsort.ascd.msk.f32 $0xffff, v58, v58  }
0x46f: {  	(xrf1) =	vsort.dscd.msk.f32 $0xffff, v63, v63;
	_ =	sdelay $0x9  }
0x470: {  	[tilespmem:$0x1F8F0] =	vst v43;
	v43, _, _ =	vpop (xrf1)  }
0x471: {  	[tilespmem:$0x1F8D0] =	vst v49;
	v49, _, _ =	vpop (xrf1)  }
0x472: {  	[tilespmem:$0x1F8E0] =	vst v63;
	v63, _, _ =	vpop (xrf1)  }
0x473: {  	[tilespmem:$0x1F770] =	vst v43;
	v43, _, _ =	vpop (xrf1)  }
0x474: {  	v0 =	vmax.f32 v49, v63;
	v49, _, _ =	vpop (xrf1)  }
0x475: {  	(xrf1) =	vsort.ascd.msk.f32 $0xffff, v0, v0;
	v1 =	vmax.f32 v43, v49  }
0x476: {  	(xrf1) =	vsort.dscd.msk.f32 $0xffff, v1, v1;
	_ =	sdelay $0x7  }
0x477: {  	s30 =	sor.u32 $0xC, s25  }
0x478: {  	s17 =	sshll.u32 s30, $0x9  }
0x479: {  	s26 =	sor.u32 s24, s17  }
0x47a: {  	v63 =	vld [tilespmem:s26+$0x8000]  }
0x47b: {  	v49 =	vld [tilespmem:s26+$0x8010]  }
0x47c: {  	v43 =	vld [tilespmem:s26+$0x8020];
	v0, _, _ =	vpop (xrf1)  }
0x47d: {  	[tilespmem:$0x1F8C0] =	vst v58;
	v58 =	vld [tilespmem:s26+$0x8030];
	v1 =	vsel vm0, $0xFF800000, v51;
	v51, _, _ =	vpop (xrf1)  }
0x47e: {  	(xrf0) =	vmax.scan.msk.f32 $0xffff, v1;
	v0 =	vmax.f32 v0, v51  }
0x47f: {  	[tilespmem:$0x1F910] =	vst v63;
	v63 =	vand.u32 $0x7FFFFFFF, v63;
	(xrf1) =	vsort.ascd.msk.f32 $0xffff, v0, v0  }
0x480: {  	[tilespmem:$0x1F920] =	vst v49;
	v49 =	vand.u32 $0x7FFFFFFF, v49;
	(xrf1) =	vsort.ascd.msk.f32 $0xffff, v63, v63  }
0x481: {  	[tilespmem:$0x1F900] =	vst v63;
	v63 =	vand.u32 $0x7FFFFFFF, v43;
	(xrf1) =	vsort.dscd.msk.f32 $0xffff, v49, v49  }
0x482: {  	v51 =	vand.u32 $0x7FFFFFFF, v58;
	(xrf1) =	vsort.ascd.msk.f32 $0xffff, v63, v63  }
0x483: {  	(xrf1) =	vsort.dscd.msk.f32 $0xffff, v51, v51;
	_ =	sdelay $0x3  }
0x484: {  	v0, _, _ =	vpop (xrf0)  }
0x485: {  	v0 =	vbroadcast v0, $0xF;
	_ =	sdelay $0x1  }
0x486: {  	v29 =	vsel vm0, $0xFF800000, v29;
	vm1 =	vge.f32 v2, v0  }
0x487: {  	v1 =	vnsel vm1, $0x0, v3  }
0x488: {  	(xrf0) =	vmax.scan.msk.f32 $0xffff, v29;
	vm1 =	vlt.f32 v1, $0.0e+00;
	vm2 =	vgt.f32 v1, $0.0e+00  }
0x489: {  	vm1 =	vmor vm2, vm1;
	v29, _, _ =	vpop (xrf1)  }
0x48a: {  	vm3 =	vge.f32 v4, v0;
	vm2 =	vge.f32 v5, v0;
	[tilespmem:$0x1F7F0] =	vst v29;
	v2, _, _ =	vpop (xrf1);
	v29 =	vsel vm1, $0x3F800000, v54  }
0x48b: {  	s21 =	sshll.u32 s25, $0x6;
	v5 =	vnsel vm3, $0x0, v10;
	v9 =	vnsel vm2, $0x0, v9;
	v3, _, _ =	vpop (xrf1)  }
0x48c: {  	s20 =	sor.u32 $0x10000, s21;
	[tilespmem:s10+$0x8000] =	vst v1;
	vm3 =	vlt.f32 v5, $0.0e+00;
	vm14 =	vgt.f32 v5, $0.0e+00;
	vm2 =	vlt.f32 v9, $0.0e+00;
	v4, _, _ =	vpop (xrf1)  }
0x48d: {  	vm4 =	vgt.f32 v9, $0.0e+00;
	vm1 =	vge.f32 v8, v0;
	[tilespmem:s20+$0x0] =	vst.add.f32.msk $0xffff, v29;
	v8 =	vmax.f32 v2, v3;
	v29, _, _ =	vpop (xrf1)  }
0x48e: {  	vm3 =	vmor vm14, vm3;
	vm2 =	vmor vm4, vm2;
	(xrf1) =	vsort.ascd.msk.f32 $0xffff, v8, v8;
	v2 =	vmax.f32 v4, v29;
	v4, _, _ =	vpop (xrf0)  }
0x48f: {  	s17 =	sor.u32 $0x10010, s21;
	[tilespmem:s10+$0x8010] =	vst v9;
	v9 =	vnsel vm1, $0x0, v15;
	v8 =	vsel vm2, $0x3F800000, v54;
	v0 =	vbroadcast v4, $0xF  }
0x490: {  	vm1 =	vlt.f32 v9, $0.0e+00;
	vm15 =	vgt.f32 v9, $0.0e+00;
	[tilespmem:s17+$0x0] =	vst.add.f32.msk $0xffff, v8;
	(xrf1) =	vsort.dscd.msk.f32 $0xffff, v2, v2  }
0x491: {  	v10 =	vsel vm3, $0x3F800000, v54;
	s20 =	sor.u32 $0x10020, s21;
	vm1 =	vmor vm15, vm1;
	[tilespmem:s10+$0x8020] =	vst v5;
	vm2 =	vge.f32 v6, v0;
	v6 =	vld [tilespmem:$0x1F5D0]  }
0x492: {  	v29 =	vsel vm1, $0x3F800000, v54;
	[tilespmem:s20+$0x0] =	vst.add.f32.msk $0xffff, v10;
	v15 =	vnsel vm2, $0x0, v11  }
0x493: {  	s17 =	sor.u32 $0x10030, s21;
	vm3 =	vge.f32 v7, v0;
	[tilespmem:s10+$0x8030] =	vst v9;
	vm2 =	vlt.f32 v15, $0.0e+00;
	vm8 =	vgt.f32 v15, $0.0e+00  }
0x494: {  	[tilespmem:s17+$0x0] =	vst.add.f32.msk $0xffff, v29;
	v4 =	vnsel vm3, $0x0, v12;
	vm1 =	vmor vm8, vm2  }
0x495: {  	s20 =	sor.u32 $0x10040, s21;
	s17 =	sor.u32 $0xD, s25;
	[tilespmem:s10+$0x8040] =	vst v15;
	vm3 =	vgt.f32 v4, $0.0e+00;
	vm2 =	vlt.f32 v4, $0.0e+00;
	v5 =	vsel vm1, $0x3F800000, v54  }
0x496: {  	vm1 =	vmor vm3, vm2;
	[tilespmem:s20+$0x0] =	vst.add.f32.msk $0xffff, v5;
	v2 =	vsel vm0, $0xFF800000, v6;
	s20 =	sshll.u32 s17, $0x9  }
0x497: {  	v7 =	vsel vm1, $0x3F800000, v54;
	vm1 =	vge.f32 v37, v0;
	[tilespmem:s10+$0x8050] =	vst v4;
	(xrf0) =	vmax.scan.msk.f32 $0xffff, v2;
	s1 =	sand.u32 $0x7800, s20;
	s20 =	sor.u32 $0x10050, s21  }
0x498: {  	v8 =	vnsel vm1, $0x0, v33;
	[tilespmem:s20+$0x0] =	vst.add.f32.msk $0xffff, v7;
	s1 =	sor.u32 s24, s1  }
0x499: {  	vm1 =	vlt.f32 v8, $0.0e+00;
	vm2 =	vgt.f32 v8, $0.0e+00;
	v37 =	vld [tilespmem:s1+$0x8040]  }
0x49a: {  	v33 =	vld [tilespmem:s1+$0x8050];
	vm1 =	vmor vm2, vm1  }
0x49b: {  	v11 =	vsel vm0, $0xFF800000, v57;
	v10 =	vld [tilespmem:s1+$0x8060];
	v12 =	vsel vm1, $0x3F800000, v54;
	vm1 =	vge.f32 v50, v0  }
0x49c: {  	(xrf0) =	vmax.scan.msk.f32 $0xffff, v11;
	v29 =	vld [tilespmem:s1+$0x8070];
	v9, _, _ =	vpop (xrf1);
	v4 =	vnsel vm1, $0x0, v46  }
0x49d: {  	s20 =	sor.u32 $0x10060, s21;
	[tilespmem:s10+$0x8060] =	vst v8;
	v8 =	vld [tilespmem:$0x1F5E0];
	vm1 =	vlt.f32 v4, $0.0e+00;
	vm2 =	vgt.f32 v4, $0.0e+00;
	v57, _, _ =	vpop (xrf0)  }
0x49e: {  	[tilespmem:s20+$0x0] =	vst.add.f32.msk $0xffff, v12;
	v15, _, _ =	vpop (xrf1);
	vm1 =	vmor vm2, vm1;
	v1 =	vbroadcast v57, $0xF  }
0x49f: {  	[tilespmem:s10+$0x8070] =	vst v4;
	v50 =	vmax.f32 v9, v15;
	v46 =	vand.u32 $0x7FFFFFFF, v33;
	v6 =	vsel vm1, $0x3F800000, v54  }
0x4a0: {  	s20 =	sor.u32 $0x10070, s21;
	(xrf1) =	vsort.ascd.msk.f32 $0xffff, v50, v50;
	v50 =	vand.u32 $0x7FFFFFFF, v37;
	vm3 =	vge.f32 v45, v1;
	v45 =	vand.u32 $0x7FFFFFFF, v10  }
0x4a1: {  	v57 =	vmovc v10;
	[tilespmem:s20+$0x0] =	vst.add.f32.msk $0xffff, v6;
	vm9 =	vge.f32 v42, v1;
	v42 =	vand.u32 $0x7FFFFFFF, v29;
	vm2 =	vge.f32 v13, v1  }
0x4a2: {  	(xrf1) =	vsort.ascd.msk.f32 $0xffff, v50, v50;
	vm1 =	vge.f32 v17, v1;
	v1 =	vsel vm0, $0xFF800000, v8;
	v10, _, _ =	vpop (xrf0);
	v5 =	vnsel vm3, $0x0, v18  }
0x4a3: {  	(xrf1) =	vsort.dscd.msk.f32 $0xffff, v46, v46;
	v7 =	vnsel vm9, $0x0, v19;
	v11 =	vnsel vm2, $0x0, v25;
	v2 =	vbroadcast v10, $0xF  }
0x4a4: {  	(xrf0) =	vmax.scan.msk.f32 $0xffff, v1;
	v13 =	vnsel vm1, $0x0, v27;
	vm3 =	vlt.f32 v5, $0.0e+00;
	vm5 =	vgt.f32 v5, $0.0e+00  }
0x4a5: {  	(xrf1) =	vsort.ascd.msk.f32 $0xffff, v45, v45;
	vm4 =	vlt.f32 v7, $0.0e+00;
	vm10 =	vgt.f32 v7, $0.0e+00;
	vm2 =	vlt.f32 v11, $0.0e+00  }
0x4a6: {  	s7 =	sshll.u32 s7, $0x6;
	vm11 =	vgt.f32 v11, $0.0e+00;
	vm1 =	vlt.f32 v13, $0.0e+00;
	(xrf1) =	vsort.dscd.msk.f32 $0xffff, v42, v42;
	vm3 =	vmor vm5, vm3  }
0x4a7: {  	s21 =	sor.u32 $0x10000, s7;
	[tilespmem:s11+$0x8000] =	vst v5;
	vm12 =	vgt.f32 v13, $0.0e+00;
	vm2 =	vmor vm11, vm2;
	v9 =	vsel vm3, $0x3F800000, v54  }
0x4a8: {  	vm1 =	vmor vm12, vm1;
	vm14 =	vge.f32 v22, v2;
	vm3 =	vmor vm10, vm4;
	[tilespmem:s21+$0x0] =	vst.add.f32.msk $0xffff, v9  }
0x4a9: {  	s20 =	sor.u32 $0x10010, s7;
	v12 =	vsel vm3, $0x3F800000, v54;
	vm3 =	vge.f32 v14, v2;
	v14 =	vsel vm2, $0x3F800000, v54;
	[tilespmem:s11+$0x8010] =	vst v7  }
0x4aa: {  	vm2 =	vge.f32 v16, v2;
	v16 =	vsel vm1, $0x3F800000, v54;
	v15 =	vnsel vm3, $0x0, v21;
	[tilespmem:s20+$0x0] =	vst.add.f32.msk $0xffff, v12  }
0x4ab: {  	v18 =	vnsel vm2, $0x0, v26;
	vm3 =	vlt.f32 v15, $0.0e+00;
	vm13 =	vgt.f32 v15, $0.0e+00;
	[tilespmem:s4+$0x8040] =	vst v15  }
0x4ac: {  	s21 =	sor.u32 $0x10020, s7;
	v17, _, _ =	vpop (xrf0);
	vm2 =	vlt.f32 v18, $0.0e+00;
	v12 =	vnsel vm14, $0x0, v39;
	v15 =	vld [tilespmem:$0x1F5F0];
	[tilespmem:s11+$0x8020] =	vst v11;
	vm1 =	vmor vm13, vm3  }
0x4ad: {  	s20 =	sshll.u32 s12, $0x6;
	vm3 =	vgt.f32 v18, $0.0e+00;
	v8 =	vbroadcast v17, $0xF;
	vm4 =	vgt.f32 v12, $0.0e+00;
	[tilespmem:s21+$0x0] =	vst.add.f32.msk $0xffff, v14  }
0x4ae: {  	s21 =	sor.u32 $0x10000, s20;
	v19 =	vsel vm1, $0x3F800000, v54;
	vm1 =	vge.f32 v23, v2;
	vm2 =	vmor vm3, vm2;
	[tilespmem:s11+$0x8030] =	vst v13  }
0x4af: {  	s7 =	sor.u32 $0x10030, s7;
	vm3 =	vlt.f32 v12, $0.0e+00;
	[tilespmem:s21+$0x0] =	vst.add.f32.msk $0xffff, v19;
	v26 =	vnsel vm1, $0x0, v34;
	v27 =	vsel vm2, $0x3F800000, v54  }
0x4b0: {  	vm3 =	vmor vm4, vm3;
	[tilespmem:s7+$0x0] =	vst.add.f32.msk $0xffff, v16;
	vm1 =	vlt.f32 v26, $0.0e+00;
	vm2 =	vgt.f32 v26, $0.0e+00;
	v9, _, _ =	vpop (xrf1)  }
0x4b1: {  	s11 =	sor.u32 $0x10050, s20;
	[tilespmem:s4+$0x8050] =	vst v18;
	v16 =	vsel vm3, $0x3F800000, v54;
	vm3 =	vge.f32 v28, v8;
	vm1 =	vmor vm2, vm1;
	v21, _, _ =	vpop (xrf1)  }
0x4b2: {  	[tilespmem:s11+$0x0] =	vst.add.f32.msk $0xffff, v27;
	vm2 =	vge.f32 v20, v8;
	v1 =	vsel vm0, $0xFF800000, v15;
	v19 =	vnsel vm3, $0x0, v40;
	v23, _, _ =	vpop (xrf1)  }
0x4b3: {  	v39 =	vld [tilespmem:$0x1F620];
	s12 =	sor.u32 $0x10060, s20;
	[tilespmem:s4+$0x8060] =	vst v26;
	v13 =	vsel vm1, $0x3F800000, v54;
	vm1 =	vge.f32 v24, v8;
	v14 =	vnsel vm2, $0x0, v31;
	v34, _, _ =	vpop (xrf1)  }
0x4b4: {  	(xrf0) =	vmax.scan.msk.f32 $0xffff, v1;
	[tilespmem:s12+$0x0] =	vst.add.f32.msk $0xffff, v13;
	vm2 =	vlt.f32 v14, $0.0e+00;
	v25 =	vmax.f32 v21, v23;
	v10, _, _ =	vpop (xrf1)  }
0x4b5: {  	v27 =	vld [tilespmem:$0x1F610];
	vm15 =	vgt.f32 v14, $0.0e+00;
	[tilespmem:s2+$0x8000] =	vst v14;
	(xrf1) =	vsort.ascd.msk.f32 $0xffff, v25, v25;
	v11 =	vmax.f32 v34, v10  }
0x4b6: {  	s20 =	sor.u32 $0x10070, s20;
	s21 =	sshll.u32 s5, $0x6;
	v24 =	vld [tilespmem:$0x1F600];
	v17 =	vnsel vm1, $0x0, v38;
	[tilespmem:s4+$0x8070] =	vst v12;
	vm2 =	vmor vm15, vm2;
	(xrf1) =	vsort.dscd.msk.f32 $0xffff, v11, v11  }
0x4b7: {  	s5 =	sor.u32 $0x10000, s21;
	vm1 =	vlt.f32 v17, $0.0e+00;
	vm8 =	vgt.f32 v17, $0.0e+00;
	[tilespmem:s20+$0x0] =	vst.add.f32.msk $0xffff, v16;
	v18 =	vsel vm2, $0x3F800000, v54  }
0x4b8: {  	vm3 =	vgt.f32 v19, $0.0e+00;
	vm1 =	vmor vm8, vm1;
	vm2 =	vlt.f32 v19, $0.0e+00;
	[tilespmem:s5+$0x0] =	vst.add.f32.msk $0xffff, v18  }
0x4b9: {  	s10 =	sor.u32 $0x10010, s21;
	v14 =	vld [tilespmem:$0x1F660];
	v20 =	vsel vm1, $0x3F800000, v54;
	vm1 =	vmor vm3, vm2;
	s5 =	sor.u32 $0xE, s25;
	[tilespmem:s2+$0x8010] =	vst v17  }
0x4ba: {  	s12 =	sshll.u32 s5, $0x9;
	v21 =	vsel vm1, $0x3F800000, v54;
	vm1 =	vge.f32 v53, v8;
	[tilespmem:s10+$0x0] =	vst.add.f32.msk $0xffff, v20  }
0x4bb: {  	v1 =	vsel vm0, $0xFF800000, v24;
	v22, _, _ =	vpop (xrf0);
	s4 =	sor.u32 s24, s12;
	v25 =	vnsel vm1, $0x0, v61;
	v61 =	vld [tilespmem:$0x1F650]  }
0x4bc: {  	(xrf0) =	vmax.scan.msk.f32 $0xffff, v1;
	v23 =	vbroadcast v22, $0xF;
	v4 =	vld [tilespmem:s4+$0x8000];
	vm10 =	vlt.f32 v25, $0.0e+00;
	vm6 =	vgt.f32 v25, $0.0e+00  }
0x4bd: {  	v28 =	vsel vm0, $0xFF800000, v27;
	v3 =	vld [tilespmem:s4+$0x8010];
	vm5 =	vmor vm6, vm10  }
0x4be: {  	[tilespmem:s2+$0x8020] =	vst v19;
	v2 =	vld [tilespmem:s4+$0x8020];
	vm9 =	vge.f32 v32, v23;
	vm3 =	vge.f32 v30, v23;
	vm2 =	vge.f32 v35, v23  }
0x4bf: {  	s11 =	sor.u32 $0x10020, s21;
	v0 =	vld [tilespmem:s4+$0x8030];
	(xrf0) =	vmax.scan.msk.f32 $0xffff, v28;
	vm1 =	vge.f32 v36, v23;
	v32 =	vsel vm5, $0x3F800000, v54;
	v34 =	vnsel vm9, $0x0, v55  }
0x4c0: {  	[tilespmem:s11+$0x0] =	vst.add.f32.msk $0xffff, v21;
	v36 =	vnsel vm3, $0x0, v60;
	v11 =	vnsel vm2, $0x0, v39;
	vm4 =	vlt.f32 v34, $0.0e+00  }
0x4c1: {  	s20 =	sor.u32 $0x10030, s21;
	v20 =	vld [tilespmem:$0x1F670];
	[tilespmem:s2+$0x8030] =	vst v25;
	vm11 =	vgt.f32 v34, $0.0e+00;
	vm3 =	vlt.f32 v36, $0.0e+00;
	vm12 =	vgt.f32 v36, $0.0e+00  }
0x4c2: {  	s21 =	sshll.u32 s3, $0x6;
	[tilespmem:s20+$0x0] =	vst.add.f32.msk $0xffff, v32;
	vm2 =	vlt.f32 v11, $0.0e+00;
	vm14 =	vgt.f32 v11, $0.0e+00;
	vm4 =	vmor vm11, vm4;
	v35, _, _ =	vpop (xrf0)  }
0x4c3: {  	s3 =	sor.u32 $0x10000, s21;
	v23 =	vld [tilespmem:$0x1F680];
	[tilespmem:s18+$0x8040] =	vst v34;
	v8 =	vand.u32 $0x7FFFFFFF, v4;
	v1 =	vbroadcast v35, $0xF;
	v38 =	vsel vm4, $0x3F800000, v54;
	v26, _, _ =	vpop (xrf1)  }
0x4c4: {  	v6 =	vand.u32 $0x7FFFFFFF, v3;
	v7 =	vand.u32 $0x7FFFFFFF, v2;
	v5 =	vand.u32 $0x7FFFFFFF, v0;
	[tilespmem:s3+$0x0] =	vst.add.f32.msk $0xffff, v38;
	v30, _, _ =	vpop (xrf1)  }
0x4c5: {  	vm3 =	vmor vm12, vm3;
	vm13 =	vge.f32 v41, v1;
	v41 =	vld [tilespmem:$0x1F630];
	v31 =	vmax.f32 v26, v30  }
0x4c6: {  	s7 =	sor.u32 $0x10050, s21;
	v32 =	vld [tilespmem:$0x1F6B0];
	vm2 =	vmor vm14, vm2;
	v40 =	vsel vm3, $0x3F800000, v54;
	[tilespmem:s18+$0x8050] =	vst v36;
	(xrf1) =	vsort.ascd.msk.f32 $0xffff, v31, v31  }
0x4c7: {  	vm3 =	vge.f32 v44, v1;
	v44 =	vsel vm2, $0x3F800000, v54;
	[tilespmem:s7+$0x0] =	vst.add.f32.msk $0xffff, v40;
	(xrf1) =	vsort.ascd.msk.f32 $0xffff, v8, v8  }
0x4c8: {  	vm2 =	vge.f32 v56, v1;
	v56, _, _ =	vpop (xrf0);
	vm10 =	vge.f32 v61, v1;
	v53 =	vnsel vm13, $0x0, v59;
	v59 =	vld [tilespmem:$0x1F640];
	(xrf1) =	vsort.dscd.msk.f32 $0xffff, v6, v6  }
0x4c9: {  	v39 =	vld [tilespmem:$0x1F6C0];
	v12 =	vbroadcast v56, $0xF;
	v1 =	vnsel vm2, $0x0, v14;
	[tilespmem:s18+$0x8060] =	vst v11;
	(xrf1) =	vsort.ascd.msk.f32 $0xffff, v7, v7  }
0x4ca: {  	s10 =	sor.u32 $0x10060, s21;
	v61 =	vld [tilespmem:$0x1F720];
	vm4 =	vlt.f32 v53, $0.0e+00;
	vm8 =	vgt.f32 v53, $0.0e+00;
	v10 =	vnsel vm1, $0x0, v41;
	(xrf1) =	vsort.dscd.msk.f32 $0xffff, v5, v5  }
0x4cb: {  	vm12 =	vlt.f32 v1, $0.0e+00;
	[tilespmem:s10+$0x0] =	vst.add.f32.msk $0xffff, v44;
	vm1 =	vlt.f32 v10, $0.0e+00;
	vm15 =	vgt.f32 v10, $0.0e+00  }
0x4cc: {  	[tilespmem:s9+$0x8000] =	vst v53;
	vm7 =	vgt.f32 v1, $0.0e+00;
	vm11 =	vge.f32 v47, v12;
	v26 =	vld [tilespmem:$0x1F690];
	vm1 =	vmor vm15, vm1  }
0x4cd: {  	s11 =	sshll.u32 s19, $0x6;
	s2 =	sor.u32 $0x10070, s21;
	[tilespmem:s18+$0x8070] =	vst v10;
	v10 =	vnsel vm3, $0x0, v59;
	v30 =	vld [tilespmem:$0x1F6A0];
	v55 =	vsel vm1, $0x3F800000, v54;
	vm1 =	vmor vm8, vm4  }
0x4ce: {  	s12 =	sor.u32 $0x10000, s11;
	vm3 =	vlt.f32 v10, $0.0e+00;
	vm9 =	vgt.f32 v10, $0.0e+00;
	[tilespmem:s2+$0x0] =	vst.add.f32.msk $0xffff, v55;
	v60 =	vsel vm1, $0x3F800000, v54  }
0x4cf: {  	vm2 =	vge.f32 v52, v12;
	vm4 =	vmor vm7, vm12;
	vm1 =	vmor vm9, vm3;
	[tilespmem:s12+$0x0] =	vst.add.f32.msk $0xffff, v60  }
0x4d0: {  	v53 =	vld [tilespmem:$0x1F700];
	s18 =	sor.u32 $0x10010, s11;
	vm3 =	vge.f32 v48, v12;
	v24 =	vsel vm4, $0x3F800000, v54;
	v15 =	vsel vm1, $0x3F800000, v54;
	[tilespmem:s9+$0x8010] =	vst v10  }
0x4d1: {  	vm1 =	vge.f32 v62, v12;
	v10 =	vnsel vm10, $0x0, v23;
	v11 =	vnsel vm11, $0x0, v26;
	[tilespmem:s18+$0x0] =	vst.add.f32.msk $0xffff, v15  }
0x4d2: {  	v44 =	vld [tilespmem:$0x1F6E0];
	vm13 =	vlt.f32 v10, $0.0e+00;
	vm5 =	vgt.f32 v10, $0.0e+00;
	[tilespmem:s9+$0x8020] =	vst v1;
	v1 =	vsel vm0, $0xFF800000, v20  }
0x4d3: {  	s19 =	sor.u32 $0x10020, s11;
	v52 =	vld [tilespmem:$0x1F6F0];
	vm14 =	vlt.f32 v11, $0.0e+00;
	[tilespmem:s8+$0x8040] =	vst v11;
	vm4 =	vmor vm5, vm13;
	(xrf0) =	vmax.scan.msk.f32 $0xffff, v1  }
0x4d4: {  	[tilespmem:s19+$0x0] =	vst.add.f32.msk $0xffff, v24;
	v1 =	vnsel vm3, $0x0, v30;
	vm3 =	vgt.f32 v11, $0.0e+00;
	v31 =	vsel vm4, $0x3F800000, v54;
	v18, _, _ =	vpop (xrf1)  }
0x4d5: {  	s20 =	sshll.u32 s14, $0x6;
	v41 =	vld [tilespmem:$0x1F6D0];
	s2 =	sor.u32 $0x10030, s11;
	v11 =	vnsel vm1, $0x0, v39;
	[tilespmem:s9+$0x8030] =	vst v10;
	vm3 =	vmor vm3, vm14;
	vm15 =	vlt.f32 v1, $0.0e+00;
	v19, _, _ =	vpop (xrf1)  }
0x4d6: {  	s21 =	sor.u32 $0x10000, s20;
	v10 =	vnsel vm2, $0x0, v32;
	vm2 =	vgt.f32 v1, $0.0e+00;
	[tilespmem:s2+$0x0] =	vst.add.f32.msk $0xffff, v31;
	v34 =	vsel vm3, $0x3F800000, v54;
	v21, _, _ =	vpop (xrf1)  }
0x4d7: {  	vm1 =	vlt.f32 v11, $0.0e+00;
	vm2 =	vmor vm2, vm15;
	vm3 =	vlt.f32 v10, $0.0e+00;
	[tilespmem:s21+$0x0] =	vst.add.f32.msk $0xffff, v34;
	v25, _, _ =	vpop (xrf1)  }
0x4d8: {  	s7 =	sor.u32 $0x10050, s20;
	v55 =	vld [tilespmem:$0x1F710];
	vm8 =	vgt.f32 v10, $0.0e+00;
	v38 =	vsel vm2, $0x3F800000, v54;
	[tilespmem:s8+$0x8050] =	vst v1;
	v22 =	vmax.f32 v19, v21;
	v27, _, _ =	vpop (xrf1)  }
0x4d9: {  	vm3 =	vmor vm8, vm3;
	[tilespmem:s7+$0x0] =	vst.add.f32.msk $0xffff, v38;
	(xrf1) =	vsort.ascd.msk.f32 $0xffff, v22, v22;
	v28 =	vmax.f32 v25, v27  }
0x4da: {  	v23 =	vld [tilespmem:$0x1F740];
	s9 =	sor.u32 $0x10060, s20;
	vm2 =	vgt.f32 v11, $0.0e+00;
	v40 =	vsel vm3, $0x3F800000, v54;
	v35, _, _ =	vpop (xrf0);
	[tilespmem:s8+$0x8060] =	vst v10;
	(xrf1) =	vsort.dscd.msk.f32 $0xffff, v28, v28  }
0x4db: {  	s3 =	sor.u32 $0xF, s25;
	vm1 =	vmor vm2, vm1;
	v36 =	vbroadcast v35, $0xF;
	[tilespmem:s9+$0x0] =	vst.add.f32.msk $0xffff, v40  }
0x4dc: {  	s11 =	sshll.u32 s3, $0x9;
	v30 =	vld [tilespmem:$0x1F780];
	s2 =	sor.u32 $0x10070, s20;
	v47 =	vsel vm1, $0x3F800000, v54;
	[tilespmem:s8+$0x8070] =	vst v11  }
0x4dd: {  	vm3 =	vge.f32 v41, v36;
	[tilespmem:s2+$0x0] =	vst.add.f32.msk $0xffff, v47;
	s2 =	sand.u32 $0x7C00, s11  }
0x4de: {  	v10 =	vnsel vm3, $0x0, v44;
	s2 =	sor.u32 s24, s2;
	v21 =	vld [tilespmem:$0x1F730]  }
0x4df: {  	vm1 =	vlt.f32 v10, $0.0e+00;
	vm2 =	vgt.f32 v10, $0.0e+00;
	[tilespmem:s16+$0x8000] =	vst v10;
	v10 =	vsel vm0, $0xFF800000, v52;
	v13 =	vld [tilespmem:s2+$0x8040]  }
0x4e0: {  	v12 =	vld [tilespmem:s2+$0x8050];
	vm1 =	vmor vm2, vm1;
	(xrf0) =	vmax.scan.msk.f32 $0xffff, v10  }
0x4e1: {  	v11 =	vld [tilespmem:s2+$0x8060];
	v48 =	vsel vm1, $0x3F800000, v54;
	vm1 =	vge.f32 v53, v36  }
0x4e2: {  	v27 =	vld [tilespmem:$0x1F760];
	v56 =	vnsel vm1, $0x0, v55  }
0x4e3: {  	s10 =	sshll.u32 s13, $0x6;
	v28 =	vld [tilespmem:$0x1F770];
	vm1 =	vlt.f32 v56, $0.0e+00;
	vm2 =	vgt.f32 v56, $0.0e+00  }
0x4e4: {  	s12 =	sor.u32 $0x10000, s10;
	v25 =	vld [tilespmem:$0x1F750];
	vm1 =	vmor vm2, vm1  }
0x4e5: {  	[tilespmem:s12+$0x0] =	vst.add.f32.msk $0xffff, v48;
	vm2 =	vge.f32 v61, v36;
	v16 =	vand.u32 $0x7FFFFFFF, v13;
	v17 =	vand.u32 $0x7FFFFFFF, v12  }
0x4e6: {  	s13 =	sor.u32 $0x10010, s10;
	v31 =	vld [tilespmem:$0x1F790];
	[tilespmem:s16+$0x8010] =	vst v56;
	v15 =	vand.u32 $0x7FFFFFFF, v11;
	v20 =	vsel vm1, $0x3F800000, v54;
	v22 =	vnsel vm2, $0x0, v21;
	v24, _, _ =	vpop (xrf0)  }
0x4e7: {  	vm2 =	vge.f32 v23, v36;
	[tilespmem:s13+$0x0] =	vst.add.f32.msk $0xffff, v20;
	vm1 =	vlt.f32 v22, $0.0e+00;
	vm3 =	vgt.f32 v22, $0.0e+00;
	v59, _, _ =	vpop (xrf1)  }
0x4e8: {  	v10 =	vld [tilespmem:s2+$0x8070];
	v20 =	vnsel vm2, $0x0, v27;
	v19 =	vsel vm0, $0xFF800000, v28;
	v1 =	vbroadcast v24, $0xF;
	[tilespmem:s16+$0x8020] =	vst v22;
	v60, _, _ =	vpop (xrf1)  }
0x4e9: {  	v35 =	vld [tilespmem:$0x1F7B0];
	vm1 =	vmor vm3, vm1;
	vm2 =	vgt.f32 v20, $0.0e+00;
	(xrf0) =	vmax.scan.msk.f32 $0xffff, v19;
	v62 =	vmax.f32 v59, v60  }
0x4ea: {  	s14 =	sor.u32 $0x10020, s10;
	v47 =	vld [tilespmem:$0x1F7F0];
	v26 =	vsel vm1, $0x3F800000, v54;
	vm1 =	vlt.f32 v20, $0.0e+00;
	vm3 =	vge.f32 v25, v1;
	(xrf1) =	vsort.ascd.msk.f32 $0xffff, v62, v62  }
0x4eb: {  	[tilespmem:s14+$0x0] =	vst.add.f32.msk $0xffff, v26;
	vm1 =	vmor vm2, vm1;
	v19 =	vnsel vm3, $0x0, v31;
	(xrf1) =	vsort.ascd.msk.f32 $0xffff, v16, v16  }
0x4ec: {  	v34 =	vld [tilespmem:$0x1F7A0];
	v32 =	vsel vm1, $0x3F800000, v54;
	vm1 =	vlt.f32 v19, $0.0e+00;
	vm2 =	vgt.f32 v19, $0.0e+00;
	(xrf1) =	vsort.dscd.msk.f32 $0xffff, v17, v17  }
0x4ed: {  	s6 =	sshll.u32 s6, $0x6;
	v38 =	vld [tilespmem:$0x1F7C0];
	v14 =	vand.u32 $0x7FFFFFFF, v10;
	[tilespmem:s16+$0x8030] =	vst v20;
	vm1 =	vmor vm2, vm1;
	(xrf1) =	vsort.ascd.msk.f32 $0xffff, v15, v15  }
0x4ee: {  	s18 =	sor.u32 $0x10000, s6;
	v40 =	vld [tilespmem:$0x1F7D0];
	vm9 =	vge.f32 v30, v1;
	[tilespmem:s0+$0x8040] =	vst v19;
	v36 =	vsel vm1, $0x3F800000, v54;
	(xrf1) =	vsort.dscd.msk.f32 $0xffff, v14, v14  }
0x4ef: {  	v20 =	vnsel vm9, $0x0, v35;
	[tilespmem:s18+$0x0] =	vst.add.f32.msk $0xffff, v36  }
0x4f0: {  	v44 =	vld [tilespmem:$0x1F7E0];
	vm2 =	vgt.f32 v20, $0.0e+00;
	vm1 =	vlt.f32 v20, $0.0e+00;
	[tilespmem:s0+$0x8050] =	vst v20;
	v20 =	vsel vm0, $0xFF800000, v47  }
0x4f1: {  	v53 =	vld [tilespmem:$0x1F800];
	v41, _, _ =	vpop (xrf0);
	(xrf0) =	vmax.scan.msk.f32 $0xffff, v20  }
0x4f2: {  	v61 =	vld [tilespmem:$0x1F820]  }
0x4f3: {  	v27 =	vld [tilespmem:$0x1F840]  }
0x4f4: {  	v24 =	vld [tilespmem:$0x1F830]  }
0x4f5: {  	s7 =	sor.u32 $0x10030, s10;
	v30 =	vld [tilespmem:$0x1F850];
	vm3 =	vge.f32 v34, v1  }
0x4f6: {  	[tilespmem:s7+$0x0] =	vst.add.f32.msk $0xffff, v32;
	v19 =	vnsel vm3, $0x0, v38;
	vm1 =	vmor vm2, vm1  }
0x4f7: {  	s19 =	sor.u32 $0x10050, s6;
	vm2 =	vgt.f32 v19, $0.0e+00;
	v39 =	vsel vm1, $0x3F800000, v54;
	vm1 =	vlt.f32 v19, $0.0e+00;
	v59 =	vld [tilespmem:$0x1F810];
	v26, _, _ =	vpop (xrf0)  }
0x4f8: {  	vm3 =	vge.f32 v40, v1;
	v1 =	vbroadcast v41, $0xF;
	[tilespmem:s19+$0x0] =	vst.add.f32.msk $0xffff, v39;
	vm1 =	vmor vm2, vm1;
	v21, _, _ =	vpop (xrf1)  }
0x4f9: {  	v9 =	vsel vm0, $0xFF800000, v9;
	s20 =	sor.u32 $0x10060, s6;
	v34 =	vld [tilespmem:$0x1F870];
	[tilespmem:s0+$0x8060] =	vst v19;
	v19 =	vnsel vm3, $0x0, v44;
	v48 =	vsel vm1, $0x3F800000, v54;
	v52, _, _ =	vpop (xrf1)  }
0x4fa: {  	vm3 =	vge.f32 v61, v1;
	vm1 =	vlt.f32 v19, $0.0e+00;
	vm2 =	vgt.f32 v19, $0.0e+00;
	[tilespmem:s20+$0x0] =	vst.add.f32.msk $0xffff, v48;
	v55, _, _ =	vpop (xrf1)  }
0x4fb: {  	v35 =	vld [tilespmem:$0x1F880];
	v22 =	vnsel vm3, $0x0, v24;
	vm1 =	vmor vm2, vm1;
	vm2 =	vge.f32 v53, v1;
	[tilespmem:s0+$0x8070] =	vst v19;
	v60, _, _ =	vpop (xrf1)  }
0x4fc: {  	v38 =	vld [tilespmem:$0x1F890];
	v56 =	vsel vm1, $0x3F800000, v54;
	v23 =	vnsel vm2, $0x0, v59;
	(xrf0) =	vmax.scan.msk.f32 $0xffff, v9;
	v19 =	vmax.f32 v52, v55;
	v62, _, _ =	vpop (xrf1)  }
0x4fd: {  	v32 =	vld [tilespmem:$0x1F860];
	vm1 =	vlt.f32 v23, $0.0e+00;
	vm2 =	vgt.f32 v23, $0.0e+00;
	(xrf1) =	vsort.ascd.msk.f32 $0xffff, v19, v19;
	v20 =	vmax.f32 v60, v62  }
0x4fe: {  	s21 =	sor.u32 $0x10070, s6;
	v39 =	vld [tilespmem:$0x1F8A0];
	vm1 =	vmor vm2, vm1;
	vm2 =	vgt.f32 v22, $0.0e+00;
	(xrf1) =	vsort.dscd.msk.f32 $0xffff, v20, v20  }
0x4ff: {  	s24 =	sshll.u32 s15, $0x6;
	[tilespmem:s21+$0x0] =	vst.add.f32.msk $0xffff, v56;
	v28 =	vbroadcast v26, $0xF;
	v25 =	vsel vm1, $0x3F800000, v54;
	vm1 =	vlt.f32 v22, $0.0e+00  }
0x500: {  	s25 =	sor.u32 $0x10000, s24;
	v41 =	vld [tilespmem:$0x1F8B0];
	vm3 =	vge.f32 v27, v1;
	[tilespmem:s29+$0x8000] =	vst v23;
	vm1 =	vmor vm2, vm1  }
0x501: {  	[tilespmem:s25+$0x0] =	vst.add.f32.msk $0xffff, v25;
	vm2 =	vge.f32 v30, v1;
	vm11 =	vge.f32 v38, v28;
	v31 =	vsel vm1, $0x3F800000, v54  }
0x502: {  	v47 =	vld [tilespmem:$0x1F8C0];
	[tilespmem:s29+$0x8010] =	vst v22;
	vm1 =	vge.f32 v34, v28;
	v60 =	vsel vm0, $0xFF800000, v18;
	v20 =	vnsel vm3, $0x0, v32  }
0x503: {  	s7 =	sor.u32 $0x10010, s24;
	v61 =	vld [tilespmem:$0x1F8F0];
	v1 =	vnsel vm2, $0x0, v35;
	v53, _, _ =	vpop (xrf0);
	(xrf0) =	vmax.scan.msk.f32 $0xffff, v60;
	vm3 =	vlt.f32 v20, $0.0e+00;
	vm10 =	vgt.f32 v20, $0.0e+00  }
0x504: {  	[tilespmem:s7+$0x0] =	vst.add.f32.msk $0xffff, v31;
	vm2 =	vlt.f32 v1, $0.0e+00;
	v9 =	vnsel vm1, $0x0, v39;
	vm3 =	vmor vm10, vm3  }
0x505: {  	v59 =	vld [tilespmem:$0x1F8E0];
	[tilespmem:s28+$0x8040] =	vst v9;
	v55 =	vbroadcast v53, $0xF;
	v36 =	vsel vm3, $0x3F800000, v54;
	vm3 =	vgt.f32 v1, $0.0e+00  }
0x506: {  	s8 =	sor.u32 $0x10020, s24;
	vm1 =	vlt.f32 v9, $0.0e+00;
	v31 =	vsel vm0, $0xFF800000, v21;
	v52 =	vld [tilespmem:$0x1F8D0];
	[tilespmem:s29+$0x8020] =	vst v20;
	vm2 =	vmor vm3, vm2  }
0x507: {  	vm12 =	vge.f32 v49, v55;
	[tilespmem:s8+$0x0] =	vst.add.f32.msk $0xffff, v36;
	v40 =	vsel vm2, $0x3F800000, v54;
	vm2 =	vgt.f32 v9, $0.0e+00  }
0x508: {  	s9 =	sshll.u32 s31, $0x6;
	s0 =	sor.u32 $0x10030, s24;
	v62 =	vld [tilespmem:$0x1F900];
	vm13 =	vge.f32 v51, v55;
	[tilespmem:s29+$0x8030] =	vst v1;
	v1 =	vnsel vm11, $0x0, v41;
	vm1 =	vmor vm2, vm1  }
0x509: {  	s10 =	sor.u32 $0x10000, s9;
	[tilespmem:s0+$0x0] =	vst.add.f32.msk $0xffff, v40;
	vm2 =	vgt.f32 v1, $0.0e+00;
	v30, _, _ =	vpop (xrf0);
	v44 =	vsel vm1, $0x3F800000, v54;
	vm1 =	vlt.f32 v1, $0.0e+00  }
0x50a: {  	v34 =	vnsel vm13, $0x0, v58;
	v19 =	vbroadcast v30, $0xF;
	[tilespmem:s10+$0x0] =	vst.add.f32.msk $0xffff, v44;
	vm1 =	vmor vm2, vm1  }
0x50b: {  	s11 =	sor.u32 $0x10050, s9;
	v24 =	vld [tilespmem:$0x1F910];
	vm3 =	vge.f32 v59, v28;
	vm2 =	vge.f32 v47, v28;
	[tilespmem:s28+$0x8050] =	vst v1;
	v48 =	vsel vm1, $0x3F800000, v54;
	v56, _, _ =	vpop (xrf1)  }
0x50c: {  	v18 =	vnsel vm3, $0x0, v61;
	v9 =	vnsel vm2, $0x0, v52;
	vm14 =	vge.f32 v42, v19;
	[tilespmem:s11+$0x0] =	vst.add.f32.msk $0xffff, v48;
	v23, _, _ =	vpop (xrf1)  }
0x50d: {  	v26 =	vld [tilespmem:$0x1F920];
	vm1 =	vlt.f32 v9, $0.0e+00;
	vm2 =	vgt.f32 v9, $0.0e+00;
	[tilespmem:s28+$0x8060] =	vst v9;
	v9 =	vmax.f32 v56, v23  }
0x50e: {  	vm3 =	vgt.f32 v18, $0.0e+00;
	v44 =	vnsel vm14, $0x0, v29;
	vm1 =	vmor vm2, vm1;
	(xrf1) =	vsort.ascd.msk.f32 $0xffff, v9, v9  }
0x50f: {  	s12 =	sor.u32 $0x10060, s9;
	(xrf0) =	vmax.scan.msk.f32 $0xffff, v31;
	vm2 =	vge.f32 v62, v55;
	v22 =	vsel vm1, $0x3F800000, v54;
	vm1 =	vlt.f32 v18, $0.0e+00  }
0x510: {  	[tilespmem:s12+$0x0] =	vst.add.f32.msk $0xffff, v22;
	vm1 =	vmor vm3, vm1;
	vm3 =	vge.f32 v63, v55;
	v9 =	vnsel vm2, $0x0, v24  }
0x511: {  	s0 =	sor.u32 $0x10070, s9;
	[tilespmem:s28+$0x8070] =	vst v18;
	v25 =	vsel vm1, $0x3F800000, v54;
	vm1 =	vlt.f32 v9, $0.0e+00;
	vm2 =	vgt.f32 v9, $0.0e+00  }
0x512: {  	s13 =	sshll.u32 s30, $0x6;
	v18 =	vnsel vm12, $0x0, v26;
	v28 =	vnsel vm3, $0x0, v43;
	[tilespmem:s0+$0x0] =	vst.add.f32.msk $0xffff, v25;
	vm1 =	vmor vm2, vm1  }
0x513: {  	s14 =	sor.u32 $0x10000, s13;
	[tilespmem:s26+$0x8000] =	vst v9;
	vm2 =	vgt.f32 v18, $0.0e+00;
	v27 =	vsel vm1, $0x3F800000, v54;
	vm1 =	vlt.f32 v18, $0.0e+00  }
0x514: {  	vm3 =	vgt.f32 v28, $0.0e+00;
	[tilespmem:s14+$0x0] =	vst.add.f32.msk $0xffff, v27;
	vm1 =	vmor vm2, vm1;
	vm2 =	vlt.f32 v28, $0.0e+00  }
0x515: {  	s15 =	sor.u32 $0x10010, s13;
	vm4 =	vgt.f32 v44, $0.0e+00;
	v20, _, _ =	vpop (xrf0);
	[tilespmem:s26+$0x8010] =	vst v18;
	vm2 =	vmor vm3, vm2;
	v32 =	vsel vm1, $0x3F800000, v54  }
0x516: {  	v40 =	vbroadcast v20, $0xF;
	vm1 =	vge.f32 v50, v19;
	[tilespmem:s15+$0x0] =	vst.add.f32.msk $0xffff, v32;
	v35 =	vsel vm2, $0x3F800000, v54  }
0x517: {  	vm2 =	vlt.f32 v34, $0.0e+00;
	v36 =	vnsel vm1, $0x0, v37;
	vm1 =	vgt.f32 v34, $0.0e+00;
	[tilespmem:s26+$0x8020] =	vst v28  }
0x518: {  	s16 =	sor.u32 $0x10020, s13;
	vm1 =	vmor vm1, vm2;
	vm2 =	vlt.f32 v36, $0.0e+00;
	vm3 =	vgt.f32 v36, $0.0e+00;
	[tilespmem:s1+$0x8040] =	vst v36  }
0x519: {  	vm15 =	vge.f32 v6, v40;
	[tilespmem:s16+$0x0] =	vst.add.f32.msk $0xffff, v35;
	vm2 =	vmor vm3, vm2;
	vm3 =	vge.f32 v46, v19  }
0x51a: {  	s17 =	sshll.u32 s17, $0x6;
	s0 =	sor.u32 $0x10030, s13;
	v37 =	vsel vm1, $0x3F800000, v54;
	vm1 =	vge.f32 v45, v19;
	[tilespmem:s26+$0x8030] =	vst v34;
	v39 =	vnsel vm3, $0x0, v33  }
0x51b: {  	s18 =	sor.u32 $0x10000, s17;
	v38 =	vsel vm2, $0x3F800000, v54;
	[tilespmem:s0+$0x0] =	vst.add.f32.msk $0xffff, v37;
	vm2 =	vlt.f32 v39, $0.0e+00;
	vm3 =	vgt.f32 v39, $0.0e+00  }
0x51c: {  	v3 =	vnsel vm15, $0x0, v3;
	v41 =	vnsel vm1, $0x0, v57;
	[tilespmem:s18+$0x0] =	vst.add.f32.msk $0xffff, v38;
	vm2 =	vmor vm3, vm2;
	v43, _, _ =	vpop (xrf1)  }
0x51d: {  	s19 =	sor.u32 $0x10050, s17;
	[tilespmem:s1+$0x8050] =	vst v39;
	v42 =	vsel vm2, $0x3F800000, v54;
	vm2 =	vge.f32 v8, v40;
	v8 =	vsel vm0, $0xFF800000, v43  }
0x51e: {  	vm1 =	vlt.f32 v41, $0.0e+00;
	vm3 =	vgt.f32 v41, $0.0e+00;
	[tilespmem:s19+$0x0] =	vst.add.f32.msk $0xffff, v42;
	(xrf0) =	vmax.scan.msk.f32 $0xffff, v8  }
0x51f: {  	vm1 =	vmor vm3, vm1;
	vm3 =	vlt.f32 v44, $0.0e+00;
	v46 =	vnsel vm2, $0x0, v4;
	[tilespmem:s1+$0x8060] =	vst v41  }
0x520: {  	s20 =	sor.u32 $0x10060, s17;
	vm3 =	vmor vm4, vm3;
	v45 =	vsel vm1, $0x3F800000, v54;
	vm1 =	vge.f32 v7, v40;
	[tilespmem:s4+$0x8000] =	vst v46  }
0x521: {  	v47 =	vsel vm3, $0x3F800000, v54;
	vm2 =	vlt.f32 v46, $0.0e+00;
	vm3 =	vgt.f32 v46, $0.0e+00;
	[tilespmem:s20+$0x0] =	vst.add.f32.msk $0xffff, v45  }
0x522: {  	s21 =	sshll.u32 s5, $0x6;
	s0 =	sor.u32 $0x10070, s17;
	vm4 =	vgt.f32 v3, $0.0e+00;
	v48 =	vnsel vm1, $0x0, v2;
	vm2 =	vmor vm3, vm2;
	[tilespmem:s1+$0x8070] =	vst v44  }
0x523: {  	s24 =	sor.u32 $0x10000, s21;
	vm1 =	vge.f32 v5, v40;
	vm3 =	vlt.f32 v3, $0.0e+00;
	v49 =	vsel vm2, $0x3F800000, v54;
	[tilespmem:s0+$0x0] =	vst.add.f32.msk $0xffff, v47  }
0x524: {  	v0 =	vnsel vm1, $0x0, v0;
	vm1 =	vgt.f32 v48, $0.0e+00;
	vm3 =	vmor vm4, vm3;
	[tilespmem:s24+$0x0] =	vst.add.f32.msk $0xffff, v49;
	v51, _, _ =	vpop (xrf0)  }
0x525: {  	s25 =	sor.u32 $0x10010, s21;
	vm2 =	vlt.f32 v48, $0.0e+00;
	v50 =	vsel vm3, $0x3F800000, v54;
	[tilespmem:s4+$0x8010] =	vst v3;
	v52 =	vbroadcast v51, $0xF  }
0x526: {  	vm1 =	vmor vm1, vm2;
	vm2 =	vlt.f32 v0, $0.0e+00;
	vm3 =	vgt.f32 v0, $0.0e+00;
	[tilespmem:s25+$0x0] =	vst.add.f32.msk $0xffff, v50  }
0x527: {  	s26 =	sor.u32 $0x10020, s21;
	vm2 =	vmor vm3, vm2;
	v53 =	vsel vm1, $0x3F800000, v54;
	[tilespmem:s4+$0x8020] =	vst v48;
	vm1 =	vge.f32 v16, v52  }
0x528: {  	v55 =	vsel vm2, $0x3F800000, v54;
	[tilespmem:s26+$0x0] =	vst.add.f32.msk $0xffff, v53;
	v56 =	vnsel vm1, $0x0, v13;
	vm1 =	vge.f32 v17, v52  }
0x529: {  	s0 =	sor.u32 $0x10030, s21;
	[tilespmem:s4+$0x8030] =	vst v0;
	vm2 =	vlt.f32 v56, $0.0e+00;
	vm3 =	vgt.f32 v56, $0.0e+00;
	v57 =	vnsel vm1, $0x0, v12  }
0x52a: {  	s28 =	sshll.u32 s3, $0x6;
	[tilespmem:s0+$0x0] =	vst.add.f32.msk $0xffff, v55;
	vm1 =	vmor vm3, vm2;
	vm2 =	vlt.f32 v57, $0.0e+00;
	vm3 =	vgt.f32 v57, $0.0e+00  }
0x52b: {  	s29 =	sor.u32 $0x10000, s28;
	[tilespmem:s2+$0x8040] =	vst v56;
	v58 =	vsel vm1, $0x3F800000, v54;
	vm1 =	vmor vm3, vm2;
	vm2 =	vge.f32 v15, v52  }
0x52c: {  	vm3 =	vge.f32 v14, v52;
	[tilespmem:s29+$0x0] =	vst.add.f32.msk $0xffff, v58;
	v60 =	vnsel vm2, $0x0, v11  }
0x52d: {  	p0 =	slt.u32 s23, $0xF0;
	s30 =	sor.u32 $0x10050, s28;
	v59 =	vsel vm1, $0x3F800000, v54;
	[tilespmem:s2+$0x8050] =	vst v57;
	vm1 =	vlt.f32 v60, $0.0e+00;
	vm2 =	vgt.f32 v60, $0.0e+00  }
.Ltmp3:
0x52e: {  	v61 =	vnsel vm3, $0x0, v10;
	vm1 =	vmor vm2, vm1;
	[tilespmem:s30+$0x0] =	vst.add.f32.msk $0xffff, v59;
	(pc) =	sbr.rel @p0 .LBB2_9-.Ltmp3, $4  }
0x52f: {  	s31 =	sor.u32 $0x10060, s28;
	vm2 =	vgt.f32 v61, $0.0e+00;
	[tilespmem:s2+$0x8060] =	vst v60;
	v62 =	vsel vm1, $0x3F800000, v54;
	vm1 =	vlt.f32 v61, $0.0e+00  }
0x530: {  	[tilespmem:s31+$0x0] =	vst.add.f32.msk $0xffff, v62;
	vm1 =	vmor vm2, vm1  }
0x531: {  	s0 =	sor.u32 $0x10070, s28;
	[tilespmem:s2+$0x8070] =	vst v61;
	v63 =	vsel vm1, $0x3F800000, v54  }
0x532: {  	s22 =	sadd.s32 $0x20, s22;
	[tilespmem:s0+$0x0] =	vst.add.f32.msk $0xffff, v63  }
0x533: {  	s0 =	rddreg [dreg:$0xb]  }
0x534: {  	p0 =	seq.s32 s0, $0x7  }
0x535: {  	s1 =	rddreg [dreg:$0xc];
	s0 =	simm.s32 @!p0 $0x3  }
0x536: {  	s1 =	sor.u32 $0x8, s1;
	_ =	swait.ge @!p0 [sflag:s0], $0x8000  }
0x537: {  	s22 =	simm.s32 $0xF0;
	[dreg:$0xd] =	wrdreg s1;
	[sflag:s0] =	ssyncset.done @!p0 $0x0  }
0x538: {  	s1 =	sshll.u32 @!p0 s1, $0x9;
	[sflag:s0] =	ssyncadd.s32 @!p0 $0xFFFF8000;
	s0 =	rddreg [dreg:$0x7]  }
0x539: {  	s23 =	simm.s32 $0x200;
	s0 =	sadd.s32 @!p0 s1, s0;
	s1 =	simm.s32 @!p0 $0x0  }
0x53a: {  	[tilespmem:s1], [sflag:$0x1] =	stream.linear.gather @!p0 [hbm4b:s0+s1], $0x8000, $0x38;
	[tilespmem:$0x11000] =	vst v63  }
.LBB2_11:
0x53b: {  	s22 =	sadd.s32 $0x10, s22  }
0x53c: {  	s25 =	sand.u32 $0x30, s22  }
0x53d: {  	s24 =	sand.u32 $0x380, s23;
	s0 =	sshll.u32 s25, $0x9  }
0x53e: {  	s10 =	sor.u32 s24, s0  }
0x53f: {  	v3 =	vld [tilespmem:s10+$0x8000]  }
0x540: {  	v9 =	vld [tilespmem:s10+$0x8010]  }
0x541: {  	v10 =	vld [tilespmem:s10+$0x8020]  }
0x542: {  	v15 =	vld [tilespmem:s10+$0x8030];
	_ =	sdelay $0x1  }
0x543: {  	v2 =	vand.u32 $0x7FFFFFFF, v3  }
0x544: {  	v5 =	vand.u32 $0x7FFFFFFF, v9;
	(xrf1) =	vsort.ascd.msk.f32 $0xffff, v2, v2  }
0x545: {  	v4 =	vand.u32 $0x7FFFFFFF, v10;
	(xrf1) =	vsort.dscd.msk.f32 $0xffff, v5, v5  }
0x546: {  	v8 =	vand.u32 $0x7FFFFFFF, v15;
	(xrf1) =	vsort.ascd.msk.f32 $0xffff, v4, v4  }
0x547: {  	(xrf1) =	vsort.dscd.msk.f32 $0xffff, v8, v8;
	_ =	sdelay $0xa  }
0x548: {  	v1, _, _ =	vpop (xrf1)  }
0x549: {  	v6, _, _ =	vpop (xrf1)  }
0x54a: {  	v7, _, _ =	vpop (xrf1)  }
0x54b: {  	v1 =	vmax.f32 v1, v6;
	v46, _, _ =	vpop (xrf1)  }
0x54c: {  	(xrf1) =	vsort.ascd.msk.f32 $0xffff, v1, v1;
	v6 =	vmax.f32 v7, v46  }
0x54d: {  	(xrf1) =	vsort.dscd.msk.f32 $0xffff, v6, v6;
	_ =	sdelay $0xa  }
0x54e: {  	v11 =	vld [tilespmem:s10+$0x8040]  }
0x54f: {  	v12 =	vld [tilespmem:s10+$0x8050]  }
0x550: {  	v33 =	vld [tilespmem:s10+$0x8060];
	v1, _, _ =	vpop (xrf1)  }
0x551: {  	v46 =	vld [tilespmem:s10+$0x8070];
	v6, _, _ =	vpop (xrf1)  }
0x552: {  	v1 =	vmax.f32 v1, v6  }
0x553: {  	v6 =	vand.u32 $0x7FFFFFFF, v11;
	(xrf1) =	vsort.ascd.msk.f32 $0xffff, v1, v1  }
0x554: {  	v7 =	vand.u32 $0x7FFFFFFF, v12;
	(xrf1) =	vsort.ascd.msk.f32 $0xffff, v6, v6  }
0x555: {  	v37 =	vand.u32 $0x7FFFFFFF, v33;
	(xrf1) =	vsort.dscd.msk.f32 $0xffff, v7, v7  }
0x556: {  	v50 =	vand.u32 $0x7FFFFFFF, v46;
	(xrf1) =	vsort.ascd.msk.f32 $0xffff, v37, v37  }
0x557: {  	(xrf1) =	vsort.dscd.msk.f32 $0xffff, v50, v50;
	_ =	sdelay $0x9  }
0x558: {  	v51, _, _ =	vpop (xrf1)  }
0x559: {  	v47, _, _ =	vpop (xrf1)  }
0x55a: {  	v13, _, _ =	vpop (xrf1)  }
0x55b: {  	v14, _, _ =	vpop (xrf1)  }
0x55c: {  	v1 =	vmax.f32 v47, v13;
	v48, _, _ =	vpop (xrf1)  }
0x55d: {  	(xrf1) =	vsort.ascd.msk.f32 $0xffff, v1, v1;
	v13 =	vmax.f32 v14, v48  }
0x55e: {  	(xrf1) =	vsort.dscd.msk.f32 $0xffff, v13, v13;
	_ =	sdelay $0x7  }
0x55f: {  	s7 =	sor.u32 $0x2, s25  }
0x560: {  	s26 =	sshll.u32 s7, $0x9  }
0x561: {  	s11 =	sor.u32 s24, s26  }
0x562: {  	v18 =	vld [tilespmem:s11+$0x8000]  }
0x563: {  	v19 =	vld [tilespmem:s11+$0x8010]  }
0x564: {  	v25 =	vld [tilespmem:s11+$0x8020];
	v1, _, _ =	vpop (xrf1)  }
0x565: {  	v27 =	vld [tilespmem:s11+$0x8030];
	v13, _, _ =	vpop (xrf1)  }
0x566: {  	v1 =	vmax.f32 v1, v13  }
0x567: {  	v45 =	vand.u32 $0x7FFFFFFF, v18;
	(xrf1) =	vsort.ascd.msk.f32 $0xffff, v1, v1  }
0x568: {  	v42 =	vand.u32 $0x7FFFFFFF, v19;
	(xrf1) =	vsort.ascd.msk.f32 $0xffff, v45, v45  }
0x569: {  	v13 =	vand.u32 $0x7FFFFFFF, v25;
	(xrf1) =	vsort.dscd.msk.f32 $0xffff, v42, v42  }
0x56a: {  	v17 =	vand.u32 $0x7FFFFFFF, v27;
	(xrf1) =	vsort.ascd.msk.f32 $0xffff, v13, v13  }
0x56b: {  	(xrf1) =	vsort.dscd.msk.f32 $0xffff, v17, v17;
	_ =	sdelay $0x9  }
0x56c: {  	v29, _, _ =	vpop (xrf1)  }
0x56d: {  	v49, _, _ =	vpop (xrf1)  }
0x56e: {  	v52, _, _ =	vpop (xrf1)  }
0x56f: {  	v16, _, _ =	vpop (xrf1)  }
0x570: {  	v1 =	vmax.f32 v49, v52;
	v53, _, _ =	vpop (xrf1)  }
0x571: {  	(xrf1) =	vsort.ascd.msk.f32 $0xffff, v1, v1;
	v14 =	vmax.f32 v16, v53  }
0x572: {  	(xrf1) =	vsort.dscd.msk.f32 $0xffff, v14, v14;
	_ =	sdelay $0x6  }
0x573: {  	s12 =	sor.u32 $0x3, s25  }
0x574: {  	s28 =	sshll.u32 s12, $0x9  }
0x575: {  	s0 =	sand.u32 $0x6400, s28  }
0x576: {  	s4 =	sor.u32 s24, s0  }
0x577: {  	v21 =	vld [tilespmem:s4+$0x8040]  }
0x578: {  	v26 =	vld [tilespmem:s4+$0x8050]  }
0x579: {  	v34 =	vld [tilespmem:s4+$0x8060];
	v1, _, _ =	vpop (xrf1)  }
0x57a: {  	v39 =	vld [tilespmem:s4+$0x8070];
	v14, _, _ =	vpop (xrf1)  }
0x57b: {  	v1 =	vmax.f32 v1, v14  }
0x57c: {  	v14 =	vand.u32 $0x7FFFFFFF, v21;
	(xrf1) =	vsort.ascd.msk.f32 $0xffff, v1, v1  }
0x57d: {  	v16 =	vand.u32 $0x7FFFFFFF, v26;
	(xrf1) =	vsort.ascd.msk.f32 $0xffff, v14, v14  }
0x57e: {  	v23 =	vand.u32 $0x7FFFFFFF, v34;
	(xrf1) =	vsort.dscd.msk.f32 $0xffff, v16, v16  }
0x57f: {  	v22 =	vand.u32 $0x7FFFFFFF, v39;
	(xrf1) =	vsort.ascd.msk.f32 $0xffff, v23, v23  }
0x580: {  	(xrf1) =	vsort.dscd.msk.f32 $0xffff, v22, v22;
	_ =	sdelay $0x9  }
0x581: {  	v0, _, _ =	vpop (xrf1)  }
0x582: {  	v1, _, _ =	vpop (xrf1)  }
0x583: {  	v20, _, _ =	vpop (xrf1)  }
0x584: {  	v24, _, _ =	vpop (xrf1)  }
0x585: {  	v1 =	vmax.f32 v1, v20;
	v55, _, _ =	vpop (xrf1)  }
0x586: {  	(xrf1) =	vsort.ascd.msk.f32 $0xffff, v1, v1;
	v20 =	vmax.f32 v24, v55  }
0x587: {  	(xrf1) =	vsort.dscd.msk.f32 $0xffff, v20, v20;
	_ =	sdelay $0x7  }
0x588: {  	s5 =	sor.u32 $0x4, s25  }
0x589: {  	s29 =	sshll.u32 s5, $0x9  }
0x58a: {  	s2 =	sor.u32 s24, s29  }
0x58b: {  	v31 =	vld [tilespmem:s2+$0x8000]  }
0x58c: {  	v38 =	vld [tilespmem:s2+$0x8010]  }
0x58d: {  	v40 =	vld [tilespmem:s2+$0x8020];
	v1, _, _ =	vpop (xrf1)  }
0x58e: {  	v61 =	vld [tilespmem:s2+$0x8030];
	v20, _, _ =	vpop (xrf1)  }
0x58f: {  	v1 =	vmax.f32 v1, v20  }
0x590: {  	v20 =	vand.u32 $0x7FFFFFFF, v31;
	(xrf1) =	vsort.ascd.msk.f32 $0xffff, v1, v1  }
0x591: {  	v24 =	vand.u32 $0x7FFFFFFF, v38;
	(xrf1) =	vsort.ascd.msk.f32 $0xffff, v20, v20  }
0x592: {  	v28 =	vand.u32 $0x7FFFFFFF, v40;
	(xrf1) =	vsort.dscd.msk.f32 $0xffff, v24, v24  }
0x593: {  	v53 =	vand.u32 $0x7FFFFFFF, v61;
	(xrf1) =	vsort.ascd.msk.f32 $0xffff, v28, v28  }
0x594: {  	(xrf1) =	vsort.dscd.msk.f32 $0xffff, v53, v53;
	_ =	sdelay $0x9  }
0x595: {  	v58, _, _ =	vpop (xrf1)  }
0x596: {  	v56, _, _ =	vpop (xrf1)  }
0x597: {  	v30, _, _ =	vpop (xrf1)  }
0x598: {  	v32, _, _ =	vpop (xrf1)  }
0x599: {  	v1 =	vmax.f32 v56, v30;
	v57, _, _ =	vpop (xrf1)  }
0x59a: {  	(xrf1) =	vsort.ascd.msk.f32 $0xffff, v1, v1;
	v30 =	vmax.f32 v32, v57  }
0x59b: {  	(xrf1) =	vsort.dscd.msk.f32 $0xffff, v30, v30;
	_ =	sdelay $0x6  }
0x59c: {  	s3 =	sor.u32 $0x5, s25  }
0x59d: {  	s30 =	sshll.u32 s3, $0x9  }
0x59e: {  	s0 =	sand.u32 $0x6800, s30  }
0x59f: {  	s18 =	sor.u32 s24, s0  }
0x5a0: {  	v57 =	vld [tilespmem:s18+$0x8040]  }
0x5a1: {  	v60 =	vld [tilespmem:s18+$0x8050]  }
0x5a2: {  	v35 =	vld [tilespmem:s18+$0x8060];
	v1, _, _ =	vpop (xrf1)  }
0x5a3: {  	v59 =	vld [tilespmem:s18+$0x8070];
	v30, _, _ =	vpop (xrf1)  }
0x5a4: {  	v1 =	vmax.f32 v1, v30  }
0x5a5: {  	v32 =	vand.u32 $0x7FFFFFFF, v57;
	(xrf1) =	vsort.ascd.msk.f32 $0xffff, v1, v1  }
0x5a6: {  	v30 =	vand.u32 $0x7FFFFFFF, v60;
	(xrf1) =	vsort.ascd.msk.f32 $0xffff, v32, v32  }
0x5a7: {  	[tilespmem:$0x1F2C0] =	vst v35;
	v35 =	vand.u32 $0x7FFFFFFF, v35;
	(xrf1) =	vsort.dscd.msk.f32 $0xffff, v30, v30  }
0x5a8: {  	v36 =	vand.u32 $0x7FFFFFFF, v59;
	(xrf1) =	vsort.ascd.msk.f32 $0xffff, v35, v35  }
0x5a9: {  	(xrf1) =	vsort.dscd.msk.f32 $0xffff, v36, v36;
	_ =	sdelay $0x9  }
0x5aa: {  	v62, _, _ =	vpop (xrf1)  }
0x5ab: {  	v63, _, _ =	vpop (xrf1)  }
0x5ac: {  	v41, _, _ =	vpop (xrf1)  }
0x5ad: {  	v44, _, _ =	vpop (xrf1)  }
0x5ae: {  	v1 =	vmax.f32 v63, v41;
	v48, _, _ =	vpop (xrf1)  }
0x5af: {  	(xrf1) =	vsort.ascd.msk.f32 $0xffff, v1, v1;
	v41 =	vmax.f32 v44, v48  }
0x5b0: {  	(xrf1) =	vsort.dscd.msk.f32 $0xffff, v41, v41;
	_ =	sdelay $0x7  }
0x5b1: {  	s19 =	sor.u32 $0x6, s25  }
0x5b2: {  	s31 =	sshll.u32 s19, $0x9  }
0x5b3: {  	s9 =	sor.u32 s24, s31  }
0x5b4: {  	[tilespmem:$0x1F2D0] =	vst v59;
	v59 =	vld [tilespmem:s9+$0x8000]  }
0x5b5: {  	v43 =	vld [tilespmem:s9+$0x8010]  }
0x5b6: {  	v52 =	vld [tilespmem:s9+$0x8020];
	v49, _, _ =	vpop (xrf1)  }
0x5b7: {  	v56 =	vld [tilespmem:s9+$0x8030];
	v55, _, _ =	vpop (xrf1)  }
0x5b8: {  	v41 =	vmax.f32 v49, v55  }
0x5b9: {  	(xrf1) =	vsort.ascd.msk.f32 $0xffff, v41, v41;
	v41 =	vand.u32 $0x7FFFFFFF, v59  }
0x5ba: {  	v44 =	vand.u32 $0x7FFFFFFF, v43;
	(xrf1) =	vsort.ascd.msk.f32 $0xffff, v41, v41  }
0x5bb: {  	v63 =	vand.u32 $0x7FFFFFFF, v52;
	(xrf1) =	vsort.dscd.msk.f32 $0xffff, v44, v44  }
0x5bc: {  	[tilespmem:$0x1F270] =	vst v0;
	v0 =	vand.u32 $0x7FFFFFFF, v56;
	(xrf1) =	vsort.ascd.msk.f32 $0xffff, v63, v63  }
0x5bd: {  	(xrf1) =	vsort.dscd.msk.f32 $0xffff, v0, v0;
	_ =	sdelay $0x9  }
0x5be: {  	[tilespmem:$0x1F280] =	vst v62;
	v62, _, _ =	vpop (xrf1)  }
0x5bf: {  	v47, _, _ =	vpop (xrf1)  }
0x5c0: {  	v48, _, _ =	vpop (xrf1)  }
0x5c1: {  	[tilespmem:$0x1F300] =	vst v52;
	v52, _, _ =	vpop (xrf1)  }
0x5c2: {  	[tilespmem:$0x1F2E0] =	vst v43;
	v47 =	vmax.f32 v47, v48;
	v43, _, _ =	vpop (xrf1)  }
0x5c3: {  	(xrf1) =	vsort.ascd.msk.f32 $0xffff, v47, v47;
	v48 =	vmax.f32 v52, v43  }
0x5c4: {  	(xrf1) =	vsort.dscd.msk.f32 $0xffff, v48, v48;
	_ =	sdelay $0x6  }
0x5c5: {  	s14 =	sor.u32 $0x7, s25  }
0x5c6: {  	s1 =	sshll.u32 s14, $0x9  }
0x5c7: {  	s0 =	sand.u32 $0x6C00, s1  }
0x5c8: {  	s8 =	sor.u32 s24, s0  }
0x5c9: {  	v49 =	vld [tilespmem:s8+$0x8040]  }
0x5ca: {  	v55 =	vld [tilespmem:s8+$0x8050]  }
0x5cb: {  	[tilespmem:$0x1F320] =	vst v56;
	v56 =	vld [tilespmem:s8+$0x8060];
	v47, _, _ =	vpop (xrf1)  }
0x5cc: {  	[tilespmem:$0x1F290] =	vst v62;
	v62 =	vld [tilespmem:s8+$0x8070];
	v48, _, _ =	vpop (xrf1)  }
0x5cd: {  	v47 =	vmax.f32 v47, v48  }
0x5ce: {  	(xrf1) =	vsort.ascd.msk.f32 $0xffff, v47, v47;
	v47 =	vand.u32 $0x7FFFFFFF, v49  }
0x5cf: {  	v48 =	vand.u32 $0x7FFFFFFF, v55;
	(xrf1) =	vsort.ascd.msk.f32 $0xffff, v47, v47  }
0x5d0: {  	v52 =	vand.u32 $0x7FFFFFFF, v56;
	(xrf1) =	vsort.dscd.msk.f32 $0xffff, v48, v48  }
0x5d1: {  	[tilespmem:$0x1F360] =	vst v62;
	v62 =	vand.u32 $0x7FFFFFFF, v62;
	(xrf1) =	vsort.ascd.msk.f32 $0xffff, v52, v52  }
0x5d2: {  	(xrf1) =	vsort.dscd.msk.f32 $0xffff, v62, v62;
	_ =	sdelay $0x9  }
0x5d3: {  	v43, _, _ =	vpop (xrf1)  }
0x5d4: {  	[tilespmem:$0x1F330] =	vst v49;
	v49, _, _ =	vpop (xrf1)  }
0x5d5: {  	[tilespmem:$0x1F350] =	vst v56;
	v56, _, _ =	vpop (xrf1)  }
0x5d6: {  	[tilespmem:$0x1F2A0] =	vst v43;
	v43, _, _ =	vpop (xrf1)  }
0x5d7: {  	[tilespmem:$0x1F2F0] =	vst v0;
	v0 =	vmax.f32 v49, v56;
	v49, _, _ =	vpop (xrf1)  }
0x5d8: {  	(xrf1) =	vsort.ascd.msk.f32 $0xffff, v0, v0;
	v1 =	vmax.f32 v43, v49  }
0x5d9: {  	(xrf1) =	vsort.dscd.msk.f32 $0xffff, v1, v1;
	_ =	sdelay $0x7  }
0x5da: {  	s13 =	sor.u32 $0x8, s25  }
0x5db: {  	s6 =	sshll.u32 s13, $0x9  }
0x5dc: {  	s16 =	sor.u32 s24, s6  }
0x5dd: {  	v56 =	vld [tilespmem:s16+$0x8000]  }
0x5de: {  	[tilespmem:$0x1F340] =	vst v55;
	v55 =	vld [tilespmem:s16+$0x8010]  }
0x5df: {  	v49 =	vld [tilespmem:s16+$0x8020];
	v0, _, _ =	vpop (xrf1)  }
0x5e0: {  	v43 =	vld [tilespmem:s16+$0x8030];
	v1, _, _ =	vpop (xrf1)  }
0x5e1: {  	v0 =	vmax.f32 v0, v1  }
0x5e2: {  	[tilespmem:$0x1F380] =	vst v56;
	v56 =	vand.u32 $0x7FFFFFFF, v56;
	(xrf1) =	vsort.ascd.msk.f32 $0xffff, v0, v0  }
0x5e3: {  	[tilespmem:$0x1F370] =	vst v56;
	(xrf1) =	vsort.ascd.msk.f32 $0xffff, v56, v56;
	v56 =	vand.u32 $0x7FFFFFFF, v55  }
0x5e4: {  	[tilespmem:$0x1F3D0] =	vst v49;
	v49 =	vand.u32 $0x7FFFFFFF, v49;
	(xrf1) =	vsort.dscd.msk.f32 $0xffff, v56, v56  }
0x5e5: {  	[tilespmem:$0x1F3B0] =	vst v55;
	v55 =	vand.u32 $0x7FFFFFFF, v43;
	(xrf1) =	vsort.ascd.msk.f32 $0xffff, v49, v49  }
0x5e6: {  	(xrf1) =	vsort.dscd.msk.f32 $0xffff, v55, v55;
	_ =	sdelay $0x9  }
0x5e7: {  	[tilespmem:$0x1F3A0] =	vst v56;
	v56, _, _ =	vpop (xrf1)  }
0x5e8: {  	v0, _, _ =	vpop (xrf1)  }
0x5e9: {  	[tilespmem:$0x1F400] =	vst v43;
	v43, _, _ =	vpop (xrf1)  }
0x5ea: {  	[tilespmem:$0x1F3C0] =	vst v49;
	v49, _, _ =	vpop (xrf1)  }
0x5eb: {  	[tilespmem:$0x1F3E0] =	vst v55;
	v0 =	vmax.f32 v0, v43;
	v55, _, _ =	vpop (xrf1)  }
0x5ec: {  	(xrf1) =	vsort.ascd.msk.f32 $0xffff, v0, v0;
	v1 =	vmax.f32 v49, v55  }
0x5ed: {  	(xrf1) =	vsort.dscd.msk.f32 $0xffff, v1, v1;
	_ =	sdelay $0x6  }
0x5ee: {  	s6 =	sor.u32 $0x9, s25  }
0x5ef: {  	s15 =	sshll.u32 s6, $0x9  }
0x5f0: {  	s0 =	sand.u32 $0x7000, s15  }
0x5f1: {  	s0 =	sor.u32 s24, s0  }
0x5f2: {  	[tilespmem:$0x1F2B0] =	vst v56;
	v56 =	vld [tilespmem:s0+$0x8040]  }
0x5f3: {  	v55 =	vld [tilespmem:s0+$0x8050]  }
0x5f4: {  	v49 =	vld [tilespmem:s0+$0x8060];
	v0, _, _ =	vpop (xrf1)  }
0x5f5: {  	v43 =	vld [tilespmem:s0+$0x8070];
	v1, _, _ =	vpop (xrf1)  }
0x5f6: {  	v0 =	vmax.f32 v0, v1  }
0x5f7: {  	[tilespmem:$0x1F430] =	vst v56;
	v56 =	vand.u32 $0x7FFFFFFF, v56;
	(xrf1) =	vsort.ascd.msk.f32 $0xffff, v0, v0  }
0x5f8: {  	[tilespmem:$0x1F3F0] =	vst v56;
	(xrf1) =	vsort.ascd.msk.f32 $0xffff, v56, v56;
	v56 =	vand.u32 $0x7FFFFFFF, v55  }
0x5f9: {  	[tilespmem:$0x1F460] =	vst v49;
	v49 =	vand.u32 $0x7FFFFFFF, v49;
	(xrf1) =	vsort.dscd.msk.f32 $0xffff, v56, v56  }
0x5fa: {  	[tilespmem:$0x1F450] =	vst v55;
	v55 =	vand.u32 $0x7FFFFFFF, v43;
	(xrf1) =	vsort.ascd.msk.f32 $0xffff, v49, v49  }
0x5fb: {  	(xrf1) =	vsort.dscd.msk.f32 $0xffff, v55, v55;
	_ =	sdelay $0x9  }
0x5fc: {  	[tilespmem:$0x1F420] =	vst v56;
	v56, _, _ =	vpop (xrf1)  }
0x5fd: {  	v0, _, _ =	vpop (xrf1)  }
0x5fe: {  	[tilespmem:$0x1F480] =	vst v43;
	v43, _, _ =	vpop (xrf1)  }
0x5ff: {  	[tilespmem:$0x1F440] =	vst v49;
	v49, _, _ =	vpop (xrf1)  }
0x600: {  	[tilespmem:$0x1F470] =	vst v55;
	v0 =	vmax.f32 v0, v43;
	v55, _, _ =	vpop (xrf1)  }
0x601: {  	(xrf1) =	vsort.ascd.msk.f32 $0xffff, v0, v0;
	v1 =	vmax.f32 v49, v55  }
0x602: {  	(xrf1) =	vsort.dscd.msk.f32 $0xffff, v1, v1;
	_ =	sdelay $0x7  }
0x603: {  	s15 =	sor.u32 $0xA, s25  }
0x604: {  	s1 =	sshll.u32 s15, $0x9  }
0x605: {  	s29 =	sor.u32 s24, s1  }
0x606: {  	[tilespmem:$0x1F310] =	vst v56;
	v56 =	vld [tilespmem:s29+$0x8000]  }
0x607: {  	v55 =	vld [tilespmem:s29+$0x8010]  }
0x608: {  	v49 =	vld [tilespmem:s29+$0x8020];
	v0, _, _ =	vpop (xrf1)  }
0x609: {  	v43 =	vld [tilespmem:s29+$0x8030];
	v1, _, _ =	vpop (xrf1)  }
0x60a: {  	v0 =	vmax.f32 v0, v1  }
0x60b: {  	[tilespmem:$0x1F4B0] =	vst v56;
	v56 =	vand.u32 $0x7FFFFFFF, v56;
	(xrf1) =	vsort.ascd.msk.f32 $0xffff, v0, v0  }
0x60c: {  	[tilespmem:$0x1F4A0] =	vst v56;
	(xrf1) =	vsort.ascd.msk.f32 $0xffff, v56, v56;
	v56 =	vand.u32 $0x7FFFFFFF, v55  }
0x60d: {  	[tilespmem:$0x1F500] =	vst v49;
	v49 =	vand.u32 $0x7FFFFFFF, v49;
	(xrf1) =	vsort.dscd.msk.f32 $0xffff, v56, v56  }
0x60e: {  	[tilespmem:$0x1F4D0] =	vst v55;
	v55 =	vand.u32 $0x7FFFFFFF, v43;
	(xrf1) =	vsort.ascd.msk.f32 $0xffff, v49, v49  }
0x60f: {  	(xrf1) =	vsort.dscd.msk.f32 $0xffff, v55, v55;
	_ =	sdelay $0x9  }
0x610: {  	[tilespmem:$0x1F4C0] =	vst v56;
	v56, _, _ =	vpop (xrf1)  }
0x611: {  	v0, _, _ =	vpop (xrf1)  }
0x612: {  	[tilespmem:$0x1F520] =	vst v43;
	v43, _, _ =	vpop (xrf1)  }
0x613: {  	[tilespmem:$0x1F4E0] =	vst v49;
	v49, _, _ =	vpop (xrf1)  }
0x614: {  	[tilespmem:$0x1F4F0] =	vst v55;
	v0 =	vmax.f32 v0, v43;
	v55, _, _ =	vpop (xrf1)  }
0x615: {  	(xrf1) =	vsort.ascd.msk.f32 $0xffff, v0, v0;
	v1 =	vmax.f32 v49, v55  }
0x616: {  	(xrf1) =	vsort.dscd.msk.f32 $0xffff, v1, v1;
	_ =	sdelay $0x6  }
0x617: {  	s31 =	sor.u32 $0xB, s25  }
0x618: {  	s17 =	sshll.u32 s31, $0x9  }
0x619: {  	s1 =	sand.u32 $0x7400, s17  }
0x61a: {  	s28 =	sor.u32 s24, s1  }
0x61b: {  	[tilespmem:$0x1F390] =	vst v56;
	v56 =	vld [tilespmem:s28+$0x8040]  }
0x61c: {  	v55 =	vld [tilespmem:s28+$0x8050]  }
0x61d: {  	v49 =	vld [tilespmem:s28+$0x8060];
	v0, _, _ =	vpop (xrf1)  }
0x61e: {  	v43 =	vld [tilespmem:s28+$0x8070];
	v1, _, _ =	vpop (xrf1)  }
0x61f: {  	v0 =	vmax.f32 v0, v1  }
0x620: {  	[tilespmem:$0x1F540] =	vst v56;
	v56 =	vand.u32 $0x7FFFFFFF, v56;
	(xrf1) =	vsort.ascd.msk.f32 $0xffff, v0, v0  }
0x621: {  	[tilespmem:$0x1F510] =	vst v56;
	(xrf1) =	vsort.ascd.msk.f32 $0xffff, v56, v56;
	v56 =	vand.u32 $0x7FFFFFFF, v55  }
0x622: {  	[tilespmem:$0x1F550] =	vst v55;
	v55 =	vand.u32 $0x7FFFFFFF, v49;
	(xrf1) =	vsort.dscd.msk.f32 $0xffff, v56, v56  }
0x623: {  	[tilespmem:$0x1F530] =	vst v56;
	v56 =	vand.u32 $0x7FFFFFFF, v43;
	(xrf1) =	vsort.ascd.msk.f32 $0xffff, v55, v55  }
0x624: {  	(xrf1) =	vsort.dscd.msk.f32 $0xffff, v56, v56;
	_ =	sdelay $0x9  }
0x625: {  	[tilespmem:$0x1F590] =	vst v43;
	v43, _, _ =	vpop (xrf1)  }
0x626: {  	v0, _, _ =	vpop (xrf1)  }
0x627: {  	[tilespmem:$0x1F570] =	vst v49;
	v49, _, _ =	vpop (xrf1)  }
0x628: {  	[tilespmem:$0x1F410] =	vst v43;
	v43, _, _ =	vpop (xrf1)  }
0x629: {  	v0 =	vmax.f32 v0, v49;
	v49, _, _ =	vpop (xrf1)  }
0x62a: {  	(xrf1) =	vsort.ascd.msk.f32 $0xffff, v0, v0;
	v1 =	vmax.f32 v43, v49  }
0x62b: {  	(xrf1) =	vsort.dscd.msk.f32 $0xffff, v1, v1;
	_ =	sdelay $0x7  }
0x62c: {  	s30 =	sor.u32 $0xC, s25  }
0x62d: {  	s20 =	sshll.u32 s30, $0x9  }
0x62e: {  	s26 =	sor.u32 s24, s20  }
0x62f: {  	[tilespmem:$0x1F560] =	vst v55;
	v55 =	vld [tilespmem:s26+$0x8000]  }
0x630: {  	v49 =	vld [tilespmem:s26+$0x8010]  }
0x631: {  	v43 =	vld [tilespmem:s26+$0x8020];
	v0, _, _ =	vpop (xrf1)  }
0x632: {  	[tilespmem:$0x1F580] =	vst v56;
	v56 =	vld [tilespmem:s26+$0x8030];
	v1 =	vsel vm0, $0xFF800000, v51;
	v51, _, _ =	vpop (xrf1)  }
0x633: {  	(xrf0) =	vmax.scan.msk.f32 $0xffff, v1;
	v0 =	vmax.f32 v0, v51  }
0x634: {  	[tilespmem:$0x1F5B0] =	vst v55;
	v55 =	vand.u32 $0x7FFFFFFF, v55;
	(xrf1) =	vsort.ascd.msk.f32 $0xffff, v0, v0  }
0x635: {  	[tilespmem:$0x1F5C0] =	vst v49;
	v49 =	vand.u32 $0x7FFFFFFF, v49;
	(xrf1) =	vsort.ascd.msk.f32 $0xffff, v55, v55  }
0x636: {  	[tilespmem:$0x1F5A0] =	vst v55;
	v55 =	vand.u32 $0x7FFFFFFF, v43;
	(xrf1) =	vsort.dscd.msk.f32 $0xffff, v49, v49  }
0x637: {  	v51 =	vand.u32 $0x7FFFFFFF, v56;
	(xrf1) =	vsort.ascd.msk.f32 $0xffff, v55, v55  }
0x638: {  	(xrf1) =	vsort.dscd.msk.f32 $0xffff, v51, v51;
	_ =	sdelay $0x3  }
0x639: {  	v0, _, _ =	vpop (xrf0)  }
0x63a: {  	v0 =	vbroadcast v0, $0xF;
	_ =	sdelay $0x1  }
0x63b: {  	v29 =	vsel vm0, $0xFF800000, v29;
	vm1 =	vge.f32 v2, v0  }
0x63c: {  	v1 =	vnsel vm1, $0x0, v3  }
0x63d: {  	(xrf0) =	vmax.scan.msk.f32 $0xffff, v29;
	vm1 =	vlt.f32 v1, $0.0e+00;
	vm2 =	vgt.f32 v1, $0.0e+00  }
0x63e: {  	vm1 =	vmor vm2, vm1;
	v29, _, _ =	vpop (xrf1)  }
0x63f: {  	vm3 =	vge.f32 v4, v0;
	vm2 =	vge.f32 v5, v0;
	[tilespmem:$0x1F490] =	vst v29;
	v2, _, _ =	vpop (xrf1);
	v29 =	vsel vm1, $0x3F800000, v54  }
0x640: {  	s20 =	sshll.u32 s25, $0x6;
	v5 =	vnsel vm3, $0x0, v10;
	v9 =	vnsel vm2, $0x0, v9;
	v3, _, _ =	vpop (xrf1)  }
0x641: {  	s21 =	sor.u32 $0x10000, s20;
	[tilespmem:s10+$0x8000] =	vst v1;
	vm3 =	vlt.f32 v5, $0.0e+00;
	vm14 =	vgt.f32 v5, $0.0e+00;
	vm2 =	vlt.f32 v9, $0.0e+00;
	v4, _, _ =	vpop (xrf1)  }
0x642: {  	vm4 =	vgt.f32 v9, $0.0e+00;
	vm1 =	vge.f32 v8, v0;
	[tilespmem:s21+$0x0] =	vst.add.f32.msk $0xffff, v29;
	v8 =	vmax.f32 v2, v3;
	v29, _, _ =	vpop (xrf1)  }
0x643: {  	vm3 =	vmor vm14, vm3;
	vm2 =	vmor vm4, vm2;
	(xrf1) =	vsort.ascd.msk.f32 $0xffff, v8, v8;
	v2 =	vmax.f32 v4, v29;
	v4, _, _ =	vpop (xrf0)  }
0x644: {  	s17 =	sor.u32 $0x10010, s20;
	[tilespmem:s10+$0x8010] =	vst v9;
	v9 =	vnsel vm1, $0x0, v15;
	v8 =	vsel vm2, $0x3F800000, v54;
	v0 =	vbroadcast v4, $0xF  }
0x645: {  	vm1 =	vlt.f32 v9, $0.0e+00;
	vm15 =	vgt.f32 v9, $0.0e+00;
	[tilespmem:s17+$0x0] =	vst.add.f32.msk $0xffff, v8;
	(xrf1) =	vsort.dscd.msk.f32 $0xffff, v2, v2  }
0x646: {  	v10 =	vsel vm3, $0x3F800000, v54;
	s21 =	sor.u32 $0x10020, s20;
	vm1 =	vmor vm15, vm1;
	[tilespmem:s10+$0x8020] =	vst v5;
	vm2 =	vge.f32 v6, v0;
	v6 =	vld [tilespmem:$0x1F270]  }
0x647: {  	v29 =	vsel vm1, $0x3F800000, v54;
	[tilespmem:s21+$0x0] =	vst.add.f32.msk $0xffff, v10;
	v15 =	vnsel vm2, $0x0, v11  }
0x648: {  	s17 =	sor.u32 $0x10030, s20;
	vm3 =	vge.f32 v7, v0;
	[tilespmem:s10+$0x8030] =	vst v9;
	vm2 =	vlt.f32 v15, $0.0e+00;
	vm8 =	vgt.f32 v15, $0.0e+00  }
0x649: {  	[tilespmem:s17+$0x0] =	vst.add.f32.msk $0xffff, v29;
	v4 =	vnsel vm3, $0x0, v12;
	vm1 =	vmor vm8, vm2  }
0x64a: {  	s21 =	sor.u32 $0x10040, s20;
	s17 =	sor.u32 $0xD, s25;
	[tilespmem:s10+$0x8040] =	vst v15;
	vm3 =	vgt.f32 v4, $0.0e+00;
	vm2 =	vlt.f32 v4, $0.0e+00;
	v5 =	vsel vm1, $0x3F800000, v54  }
0x64b: {  	vm1 =	vmor vm3, vm2;
	[tilespmem:s21+$0x0] =	vst.add.f32.msk $0xffff, v5;
	v2 =	vsel vm0, $0xFF800000, v6;
	s21 =	sshll.u32 s17, $0x9  }
0x64c: {  	v7 =	vsel vm1, $0x3F800000, v54;
	vm1 =	vge.f32 v37, v0;
	[tilespmem:s10+$0x8050] =	vst v4;
	(xrf0) =	vmax.scan.msk.f32 $0xffff, v2;
	s1 =	sand.u32 $0x7800, s21;
	s21 =	sor.u32 $0x10050, s20  }
0x64d: {  	v8 =	vnsel vm1, $0x0, v33;
	[tilespmem:s21+$0x0] =	vst.add.f32.msk $0xffff, v7;
	s1 =	sor.u32 s24, s1  }
0x64e: {  	vm1 =	vlt.f32 v8, $0.0e+00;
	vm2 =	vgt.f32 v8, $0.0e+00;
	v37 =	vld [tilespmem:s1+$0x8040]  }
0x64f: {  	v33 =	vld [tilespmem:s1+$0x8050];
	vm1 =	vmor vm2, vm1  }
0x650: {  	v11 =	vsel vm0, $0xFF800000, v58;
	v10 =	vld [tilespmem:s1+$0x8060];
	v12 =	vsel vm1, $0x3F800000, v54;
	vm1 =	vge.f32 v50, v0  }
0x651: {  	(xrf0) =	vmax.scan.msk.f32 $0xffff, v11;
	v29 =	vld [tilespmem:s1+$0x8070];
	v9, _, _ =	vpop (xrf1);
	v4 =	vnsel vm1, $0x0, v46  }
0x652: {  	s21 =	sor.u32 $0x10060, s20;
	[tilespmem:s10+$0x8060] =	vst v8;
	v8 =	vld [tilespmem:$0x1F280];
	vm1 =	vlt.f32 v4, $0.0e+00;
	vm2 =	vgt.f32 v4, $0.0e+00;
	v58, _, _ =	vpop (xrf0)  }
0x653: {  	[tilespmem:s21+$0x0] =	vst.add.f32.msk $0xffff, v12;
	v15, _, _ =	vpop (xrf1);
	vm1 =	vmor vm2, vm1;
	v1 =	vbroadcast v58, $0xF  }
0x654: {  	[tilespmem:s10+$0x8070] =	vst v4;
	v50 =	vmax.f32 v9, v15;
	v46 =	vand.u32 $0x7FFFFFFF, v33;
	v6 =	vsel vm1, $0x3F800000, v54  }
0x655: {  	s20 =	sor.u32 $0x10070, s20;
	(xrf1) =	vsort.ascd.msk.f32 $0xffff, v50, v50;
	v50 =	vand.u32 $0x7FFFFFFF, v37;
	vm3 =	vge.f32 v45, v1;
	v45 =	vand.u32 $0x7FFFFFFF, v10  }
0x656: {  	v58 =	vmovc v10;
	[tilespmem:s20+$0x0] =	vst.add.f32.msk $0xffff, v6;
	vm9 =	vge.f32 v42, v1;
	v42 =	vand.u32 $0x7FFFFFFF, v29;
	vm2 =	vge.f32 v13, v1  }
0x657: {  	(xrf1) =	vsort.ascd.msk.f32 $0xffff, v50, v50;
	vm1 =	vge.f32 v17, v1;
	v1 =	vsel vm0, $0xFF800000, v8;
	v10, _, _ =	vpop (xrf0);
	v5 =	vnsel vm3, $0x0, v18  }
0x658: {  	(xrf1) =	vsort.dscd.msk.f32 $0xffff, v46, v46;
	v7 =	vnsel vm9, $0x0, v19;
	v11 =	vnsel vm2, $0x0, v25;
	v2 =	vbroadcast v10, $0xF  }
0x659: {  	(xrf0) =	vmax.scan.msk.f32 $0xffff, v1;
	v13 =	vnsel vm1, $0x0, v27;
	vm3 =	vlt.f32 v5, $0.0e+00;
	vm5 =	vgt.f32 v5, $0.0e+00  }
0x65a: {  	(xrf1) =	vsort.ascd.msk.f32 $0xffff, v45, v45;
	vm4 =	vlt.f32 v7, $0.0e+00;
	vm10 =	vgt.f32 v7, $0.0e+00;
	vm2 =	vlt.f32 v11, $0.0e+00  }
0x65b: {  	s7 =	sshll.u32 s7, $0x6;
	vm11 =	vgt.f32 v11, $0.0e+00;
	vm1 =	vlt.f32 v13, $0.0e+00;
	(xrf1) =	vsort.dscd.msk.f32 $0xffff, v42, v42;
	vm3 =	vmor vm5, vm3  }
0x65c: {  	s21 =	sor.u32 $0x10000, s7;
	[tilespmem:s11+$0x8000] =	vst v5;
	vm12 =	vgt.f32 v13, $0.0e+00;
	vm2 =	vmor vm11, vm2;
	v9 =	vsel vm3, $0x3F800000, v54  }
0x65d: {  	vm1 =	vmor vm12, vm1;
	vm14 =	vge.f32 v22, v2;
	vm3 =	vmor vm10, vm4;
	[tilespmem:s21+$0x0] =	vst.add.f32.msk $0xffff, v9  }
0x65e: {  	s20 =	sor.u32 $0x10010, s7;
	v12 =	vsel vm3, $0x3F800000, v54;
	vm3 =	vge.f32 v14, v2;
	v14 =	vsel vm2, $0x3F800000, v54;
	[tilespmem:s11+$0x8010] =	vst v7  }
0x65f: {  	vm2 =	vge.f32 v16, v2;
	v16 =	vsel vm1, $0x3F800000, v54;
	v15 =	vnsel vm3, $0x0, v21;
	[tilespmem:s20+$0x0] =	vst.add.f32.msk $0xffff, v12  }
0x660: {  	v18 =	vnsel vm2, $0x0, v26;
	vm3 =	vlt.f32 v15, $0.0e+00;
	vm13 =	vgt.f32 v15, $0.0e+00;
	[tilespmem:s4+$0x8040] =	vst v15  }
0x661: {  	s21 =	sor.u32 $0x10020, s7;
	v17, _, _ =	vpop (xrf0);
	vm2 =	vlt.f32 v18, $0.0e+00;
	v12 =	vnsel vm14, $0x0, v39;
	v15 =	vld [tilespmem:$0x1F290];
	[tilespmem:s11+$0x8020] =	vst v11;
	vm1 =	vmor vm13, vm3  }
0x662: {  	s20 =	sshll.u32 s12, $0x6;
	vm3 =	vgt.f32 v18, $0.0e+00;
	v8 =	vbroadcast v17, $0xF;
	vm4 =	vgt.f32 v12, $0.0e+00;
	[tilespmem:s21+$0x0] =	vst.add.f32.msk $0xffff, v14  }
0x663: {  	s21 =	sor.u32 $0x10000, s20;
	v19 =	vsel vm1, $0x3F800000, v54;
	vm1 =	vge.f32 v23, v2;
	vm2 =	vmor vm3, vm2;
	[tilespmem:s11+$0x8030] =	vst v13  }
0x664: {  	s7 =	sor.u32 $0x10030, s7;
	vm3 =	vlt.f32 v12, $0.0e+00;
	[tilespmem:s21+$0x0] =	vst.add.f32.msk $0xffff, v19;
	v26 =	vnsel vm1, $0x0, v34;
	v27 =	vsel vm2, $0x3F800000, v54  }
0x665: {  	vm3 =	vmor vm4, vm3;
	[tilespmem:s7+$0x0] =	vst.add.f32.msk $0xffff, v16;
	vm1 =	vlt.f32 v26, $0.0e+00;
	vm2 =	vgt.f32 v26, $0.0e+00;
	v9, _, _ =	vpop (xrf1)  }
0x666: {  	s11 =	sor.u32 $0x10050, s20;
	[tilespmem:s4+$0x8050] =	vst v18;
	v16 =	vsel vm3, $0x3F800000, v54;
	vm3 =	vge.f32 v28, v8;
	vm1 =	vmor vm2, vm1;
	v21, _, _ =	vpop (xrf1)  }
0x667: {  	[tilespmem:s11+$0x0] =	vst.add.f32.msk $0xffff, v27;
	vm2 =	vge.f32 v20, v8;
	v1 =	vsel vm0, $0xFF800000, v15;
	v19 =	vnsel vm3, $0x0, v40;
	v23, _, _ =	vpop (xrf1)  }
0x668: {  	v39 =	vld [tilespmem:$0x1F2C0];
	s12 =	sor.u32 $0x10060, s20;
	[tilespmem:s4+$0x8060] =	vst v26;
	v13 =	vsel vm1, $0x3F800000, v54;
	vm1 =	vge.f32 v24, v8;
	v14 =	vnsel vm2, $0x0, v31;
	v34, _, _ =	vpop (xrf1)  }
0x669: {  	(xrf0) =	vmax.scan.msk.f32 $0xffff, v1;
	[tilespmem:s12+$0x0] =	vst.add.f32.msk $0xffff, v13;
	vm2 =	vlt.f32 v14, $0.0e+00;
	v25 =	vmax.f32 v21, v23;
	v10, _, _ =	vpop (xrf1)  }
0x66a: {  	v24 =	vld [tilespmem:$0x1F2A0];
	vm15 =	vgt.f32 v14, $0.0e+00;
	[tilespmem:s2+$0x8000] =	vst v14;
	(xrf1) =	vsort.ascd.msk.f32 $0xffff, v25, v25;
	v11 =	vmax.f32 v34, v10  }
0x66b: {  	s20 =	sor.u32 $0x10070, s20;
	s21 =	sshll.u32 s5, $0x6;
	v27 =	vld [tilespmem:$0x1F2B0];
	v17 =	vnsel vm1, $0x0, v38;
	[tilespmem:s4+$0x8070] =	vst v12;
	vm2 =	vmor vm15, vm2;
	(xrf1) =	vsort.dscd.msk.f32 $0xffff, v11, v11  }
0x66c: {  	s5 =	sor.u32 $0x10000, s21;
	vm1 =	vlt.f32 v17, $0.0e+00;
	vm8 =	vgt.f32 v17, $0.0e+00;
	[tilespmem:s20+$0x0] =	vst.add.f32.msk $0xffff, v16;
	v18 =	vsel vm2, $0x3F800000, v54  }
0x66d: {  	vm3 =	vgt.f32 v19, $0.0e+00;
	vm1 =	vmor vm8, vm1;
	vm2 =	vlt.f32 v19, $0.0e+00;
	[tilespmem:s5+$0x0] =	vst.add.f32.msk $0xffff, v18  }
0x66e: {  	s10 =	sor.u32 $0x10010, s21;
	v14 =	vld [tilespmem:$0x1F300];
	v20 =	vsel vm1, $0x3F800000, v54;
	vm1 =	vmor vm3, vm2;
	s5 =	sor.u32 $0xE, s25;
	[tilespmem:s2+$0x8010] =	vst v17  }
0x66f: {  	s12 =	sshll.u32 s5, $0x9;
	v21 =	vsel vm1, $0x3F800000, v54;
	vm1 =	vge.f32 v53, v8;
	v1 =	vsel vm0, $0xFF800000, v24;
	[tilespmem:s10+$0x0] =	vst.add.f32.msk $0xffff, v20;
	v22, _, _ =	vpop (xrf0)  }
0x670: {  	s4 =	sor.u32 s24, s12;
	(xrf0) =	vmax.scan.msk.f32 $0xffff, v1;
	v25 =	vnsel vm1, $0x0, v61;
	v20 =	vld [tilespmem:$0x1F310];
	v23 =	vbroadcast v22, $0xF  }
0x671: {  	v28 =	vsel vm0, $0xFF800000, v27;
	v4 =	vld [tilespmem:s4+$0x8000];
	vm10 =	vlt.f32 v25, $0.0e+00;
	vm6 =	vgt.f32 v25, $0.0e+00  }
0x672: {  	[tilespmem:s2+$0x8020] =	vst v19;
	v3 =	vld [tilespmem:s4+$0x8010];
	vm5 =	vmor vm6, vm10;
	vm9 =	vge.f32 v32, v23;
	vm3 =	vge.f32 v30, v23  }
0x673: {  	s11 =	sor.u32 $0x10020, s21;
	v2 =	vld [tilespmem:s4+$0x8020];
	(xrf0) =	vmax.scan.msk.f32 $0xffff, v28;
	vm2 =	vge.f32 v35, v23;
	vm1 =	vge.f32 v36, v23;
	v32 =	vsel vm5, $0x3F800000, v54  }
0x674: {  	[tilespmem:s11+$0x0] =	vst.add.f32.msk $0xffff, v21;
	v34 =	vnsel vm9, $0x0, v57;
	v36 =	vnsel vm3, $0x0, v60;
	v11 =	vnsel vm2, $0x0, v39  }
0x675: {  	s20 =	sor.u32 $0x10030, s21;
	v0 =	vld [tilespmem:s4+$0x8030];
	[tilespmem:s2+$0x8030] =	vst v25;
	vm4 =	vlt.f32 v34, $0.0e+00;
	vm11 =	vgt.f32 v34, $0.0e+00;
	vm3 =	vlt.f32 v36, $0.0e+00  }
0x676: {  	s21 =	sshll.u32 s3, $0x6;
	[tilespmem:s20+$0x0] =	vst.add.f32.msk $0xffff, v32;
	vm12 =	vgt.f32 v36, $0.0e+00;
	vm2 =	vlt.f32 v11, $0.0e+00;
	vm4 =	vmor vm11, vm4;
	v35, _, _ =	vpop (xrf0)  }
0x677: {  	s3 =	sor.u32 $0x10000, s21;
	v23 =	vld [tilespmem:$0x1F320];
	[tilespmem:s18+$0x8040] =	vst v34;
	vm14 =	vgt.f32 v11, $0.0e+00;
	v1 =	vbroadcast v35, $0xF;
	v38 =	vsel vm4, $0x3F800000, v54  }
0x678: {  	vm3 =	vmor vm12, vm3;
	vm2 =	vmor vm14, vm2;
	[tilespmem:s3+$0x0] =	vst.add.f32.msk $0xffff, v38;
	v26, _, _ =	vpop (xrf1)  }
0x679: {  	v40 =	vsel vm3, $0x3F800000, v54;
	vm13 =	vge.f32 v41, v1;
	vm3 =	vge.f32 v44, v1;
	v41 =	vld [tilespmem:$0x1F2D0];
	v30, _, _ =	vpop (xrf1)  }
0x67a: {  	v44 =	vsel vm2, $0x3F800000, v54;
	vm2 =	vge.f32 v63, v1;
	v63 =	vld [tilespmem:$0x1F2F0];
	v31 =	vmax.f32 v26, v30  }
0x67b: {  	s7 =	sor.u32 $0x10050, s21;
	v60 =	vld [tilespmem:$0x1F2E0];
	v8 =	vand.u32 $0x7FFFFFFF, v4;
	v6 =	vand.u32 $0x7FFFFFFF, v3;
	[tilespmem:s18+$0x8050] =	vst v36;
	(xrf1) =	vsort.ascd.msk.f32 $0xffff, v31, v31  }
0x67c: {  	v7 =	vand.u32 $0x7FFFFFFF, v2;
	[tilespmem:s7+$0x0] =	vst.add.f32.msk $0xffff, v40;
	v53 =	vnsel vm13, $0x0, v59;
	v59, _, _ =	vpop (xrf0);
	(xrf1) =	vsort.ascd.msk.f32 $0xffff, v8, v8  }
0x67d: {  	v32 =	vld [tilespmem:$0x1F350];
	v5 =	vand.u32 $0x7FFFFFFF, v0;
	[tilespmem:s18+$0x8060] =	vst v11;
	v12 =	vbroadcast v59, $0xF;
	(xrf1) =	vsort.dscd.msk.f32 $0xffff, v6, v6  }
0x67e: {  	v39 =	vld [tilespmem:$0x1F360];
	vm4 =	vlt.f32 v53, $0.0e+00;
	vm8 =	vgt.f32 v53, $0.0e+00;
	[tilespmem:s9+$0x8000] =	vst v53;
	(xrf1) =	vsort.ascd.msk.f32 $0xffff, v7, v7  }
0x67f: {  	s10 =	sor.u32 $0x10060, s21;
	v53 =	vld [tilespmem:$0x1F3A0];
	vm11 =	vge.f32 v47, v12;
	v10 =	vnsel vm1, $0x0, v41;
	vm10 =	vge.f32 v63, v1;
	(xrf1) =	vsort.dscd.msk.f32 $0xffff, v5, v5  }
0x680: {  	[tilespmem:s10+$0x0] =	vst.add.f32.msk $0xffff, v44;
	v1 =	vnsel vm2, $0x0, v14;
	vm1 =	vlt.f32 v10, $0.0e+00;
	vm15 =	vgt.f32 v10, $0.0e+00  }
0x681: {  	[tilespmem:s18+$0x8070] =	vst v10;
	v10 =	vnsel vm3, $0x0, v60;
	vm12 =	vlt.f32 v1, $0.0e+00;
	v26 =	vld [tilespmem:$0x1F330];
	vm1 =	vmor vm15, vm1  }
0x682: {  	s11 =	sshll.u32 s19, $0x6;
	s2 =	sor.u32 $0x10070, s21;
	vm7 =	vgt.f32 v1, $0.0e+00;
	v30 =	vld [tilespmem:$0x1F340];
	v57 =	vsel vm1, $0x3F800000, v54;
	vm1 =	vmor vm8, vm4  }
0x683: {  	s12 =	sor.u32 $0x10000, s11;
	vm3 =	vlt.f32 v10, $0.0e+00;
	vm9 =	vgt.f32 v10, $0.0e+00;
	[tilespmem:s2+$0x0] =	vst.add.f32.msk $0xffff, v57;
	v61 =	vsel vm1, $0x3F800000, v54  }
0x684: {  	vm2 =	vge.f32 v52, v12;
	vm4 =	vmor vm7, vm12;
	vm1 =	vmor vm9, vm3;
	[tilespmem:s12+$0x0] =	vst.add.f32.msk $0xffff, v61  }
0x685: {  	v44 =	vld [tilespmem:$0x1F380];
	s18 =	sor.u32 $0x10010, s11;
	vm3 =	vge.f32 v48, v12;
	v24 =	vsel vm4, $0x3F800000, v54;
	v15 =	vsel vm1, $0x3F800000, v54;
	[tilespmem:s9+$0x8010] =	vst v10  }
0x686: {  	vm1 =	vge.f32 v62, v12;
	v10 =	vnsel vm10, $0x0, v23;
	v11 =	vnsel vm11, $0x0, v26;
	[tilespmem:s18+$0x0] =	vst.add.f32.msk $0xffff, v15  }
0x687: {  	v41 =	vld [tilespmem:$0x1F370];
	vm13 =	vlt.f32 v10, $0.0e+00;
	vm5 =	vgt.f32 v10, $0.0e+00;
	[tilespmem:s9+$0x8020] =	vst v1;
	v1 =	vsel vm0, $0xFF800000, v20  }
0x688: {  	s19 =	sor.u32 $0x10020, s11;
	v52 =	vld [tilespmem:$0x1F390];
	vm14 =	vlt.f32 v11, $0.0e+00;
	[tilespmem:s8+$0x8040] =	vst v11;
	vm4 =	vmor vm5, vm13;
	(xrf0) =	vmax.scan.msk.f32 $0xffff, v1  }
0x689: {  	[tilespmem:s19+$0x0] =	vst.add.f32.msk $0xffff, v24;
	v1 =	vnsel vm3, $0x0, v30;
	vm3 =	vgt.f32 v11, $0.0e+00;
	v31 =	vsel vm4, $0x3F800000, v54;
	v18, _, _ =	vpop (xrf1)  }
0x68a: {  	s20 =	sshll.u32 s14, $0x6;
	s2 =	sor.u32 $0x10030, s11;
	v57 =	vld [tilespmem:$0x1F3B0];
	v11 =	vnsel vm1, $0x0, v39;
	[tilespmem:s9+$0x8030] =	vst v10;
	vm3 =	vmor vm3, vm14;
	vm15 =	vlt.f32 v1, $0.0e+00;
	v19, _, _ =	vpop (xrf1)  }
0x68b: {  	s21 =	sor.u32 $0x10000, s20;
	v10 =	vnsel vm2, $0x0, v32;
	vm2 =	vgt.f32 v1, $0.0e+00;
	[tilespmem:s2+$0x0] =	vst.add.f32.msk $0xffff, v31;
	v34 =	vsel vm3, $0x3F800000, v54;
	v21, _, _ =	vpop (xrf1)  }
0x68c: {  	vm1 =	vlt.f32 v11, $0.0e+00;
	vm2 =	vmor vm2, vm15;
	vm3 =	vlt.f32 v10, $0.0e+00;
	[tilespmem:s21+$0x0] =	vst.add.f32.msk $0xffff, v34;
	v25, _, _ =	vpop (xrf1)  }
0x68d: {  	s7 =	sor.u32 $0x10050, s20;
	v62 =	vld [tilespmem:$0x1F3C0];
	vm8 =	vgt.f32 v10, $0.0e+00;
	v38 =	vsel vm2, $0x3F800000, v54;
	[tilespmem:s8+$0x8050] =	vst v1;
	v22 =	vmax.f32 v19, v21;
	v27, _, _ =	vpop (xrf1)  }
0x68e: {  	vm3 =	vmor vm8, vm3;
	[tilespmem:s7+$0x0] =	vst.add.f32.msk $0xffff, v38;
	(xrf1) =	vsort.ascd.msk.f32 $0xffff, v22, v22;
	v28 =	vmax.f32 v25, v27  }
0x68f: {  	v23 =	vld [tilespmem:$0x1F3E0];
	s9 =	sor.u32 $0x10060, s20;
	vm2 =	vgt.f32 v11, $0.0e+00;
	v40 =	vsel vm3, $0x3F800000, v54;
	v35, _, _ =	vpop (xrf0);
	[tilespmem:s8+$0x8060] =	vst v10;
	(xrf1) =	vsort.dscd.msk.f32 $0xffff, v28, v28  }
0x690: {  	s3 =	sor.u32 $0xF, s25;
	vm1 =	vmor vm2, vm1;
	v36 =	vbroadcast v35, $0xF;
	[tilespmem:s9+$0x0] =	vst.add.f32.msk $0xffff, v40  }
0x691: {  	s11 =	sshll.u32 s3, $0x9;
	v30 =	vld [tilespmem:$0x1F420];
	s2 =	sor.u32 $0x10070, s20;
	v47 =	vsel vm1, $0x3F800000, v54;
	[tilespmem:s8+$0x8070] =	vst v11  }
0x692: {  	vm3 =	vge.f32 v41, v36;
	[tilespmem:s2+$0x0] =	vst.add.f32.msk $0xffff, v47;
	s2 =	sand.u32 $0x7C00, s11  }
0x693: {  	v10 =	vnsel vm3, $0x0, v44;
	s2 =	sor.u32 s24, s2;
	v21 =	vld [tilespmem:$0x1F3D0]  }
0x694: {  	vm1 =	vlt.f32 v10, $0.0e+00;
	vm2 =	vgt.f32 v10, $0.0e+00;
	[tilespmem:s16+$0x8000] =	vst v10;
	v10 =	vsel vm0, $0xFF800000, v52;
	v13 =	vld [tilespmem:s2+$0x8040]  }
0x695: {  	v12 =	vld [tilespmem:s2+$0x8050];
	vm1 =	vmor vm2, vm1;
	(xrf0) =	vmax.scan.msk.f32 $0xffff, v10  }
0x696: {  	v11 =	vld [tilespmem:s2+$0x8060];
	v48 =	vsel vm1, $0x3F800000, v54;
	vm1 =	vge.f32 v53, v36  }
0x697: {  	v27 =	vld [tilespmem:$0x1F400];
	v59 =	vnsel vm1, $0x0, v57  }
0x698: {  	s10 =	sshll.u32 s13, $0x6;
	v28 =	vld [tilespmem:$0x1F410];
	vm1 =	vlt.f32 v59, $0.0e+00;
	vm2 =	vgt.f32 v59, $0.0e+00  }
0x699: {  	s12 =	sor.u32 $0x10000, s10;
	v25 =	vld [tilespmem:$0x1F3F0];
	vm1 =	vmor vm2, vm1  }
0x69a: {  	[tilespmem:s12+$0x0] =	vst.add.f32.msk $0xffff, v48;
	vm2 =	vge.f32 v62, v36;
	v16 =	vand.u32 $0x7FFFFFFF, v13;
	v17 =	vand.u32 $0x7FFFFFFF, v12  }
0x69b: {  	s13 =	sor.u32 $0x10010, s10;
	v31 =	vld [tilespmem:$0x1F430];
	[tilespmem:s16+$0x8010] =	vst v59;
	v15 =	vand.u32 $0x7FFFFFFF, v11;
	v20 =	vsel vm1, $0x3F800000, v54;
	v22 =	vnsel vm2, $0x0, v21;
	v24, _, _ =	vpop (xrf0)  }
0x69c: {  	vm2 =	vge.f32 v23, v36;
	[tilespmem:s13+$0x0] =	vst.add.f32.msk $0xffff, v20;
	vm1 =	vlt.f32 v22, $0.0e+00;
	vm3 =	vgt.f32 v22, $0.0e+00;
	v60, _, _ =	vpop (xrf1)  }
0x69d: {  	v10 =	vld [tilespmem:s2+$0x8070];
	v20 =	vnsel vm2, $0x0, v27;
	v19 =	vsel vm0, $0xFF800000, v28;
	v1 =	vbroadcast v24, $0xF;
	[tilespmem:s16+$0x8020] =	vst v22;
	v61, _, _ =	vpop (xrf1)  }
0x69e: {  	v35 =	vld [tilespmem:$0x1F450];
	vm1 =	vmor vm3, vm1;
	vm2 =	vgt.f32 v20, $0.0e+00;
	(xrf0) =	vmax.scan.msk.f32 $0xffff, v19;
	v63 =	vmax.f32 v60, v61  }
0x69f: {  	s14 =	sor.u32 $0x10020, s10;
	v47 =	vld [tilespmem:$0x1F490];
	v26 =	vsel vm1, $0x3F800000, v54;
	vm1 =	vlt.f32 v20, $0.0e+00;
	vm3 =	vge.f32 v25, v1;
	(xrf1) =	vsort.ascd.msk.f32 $0xffff, v63, v63  }
0x6a0: {  	[tilespmem:s14+$0x0] =	vst.add.f32.msk $0xffff, v26;
	vm1 =	vmor vm2, vm1;
	v19 =	vnsel vm3, $0x0, v31;
	(xrf1) =	vsort.ascd.msk.f32 $0xffff, v16, v16  }
0x6a1: {  	v34 =	vld [tilespmem:$0x1F440];
	v32 =	vsel vm1, $0x3F800000, v54;
	vm1 =	vlt.f32 v19, $0.0e+00;
	vm2 =	vgt.f32 v19, $0.0e+00;
	(xrf1) =	vsort.dscd.msk.f32 $0xffff, v17, v17  }
0x6a2: {  	s6 =	sshll.u32 s6, $0x6;
	v38 =	vld [tilespmem:$0x1F460];
	v14 =	vand.u32 $0x7FFFFFFF, v10;
	[tilespmem:s16+$0x8030] =	vst v20;
	vm1 =	vmor vm2, vm1;
	(xrf1) =	vsort.ascd.msk.f32 $0xffff, v15, v15  }
0x6a3: {  	s18 =	sor.u32 $0x10000, s6;
	v40 =	vld [tilespmem:$0x1F470];
	vm9 =	vge.f32 v30, v1;
	[tilespmem:s0+$0x8040] =	vst v19;
	v36 =	vsel vm1, $0x3F800000, v54;
	(xrf1) =	vsort.dscd.msk.f32 $0xffff, v14, v14  }
0x6a4: {  	v20 =	vnsel vm9, $0x0, v35;
	[tilespmem:s18+$0x0] =	vst.add.f32.msk $0xffff, v36  }
0x6a5: {  	v44 =	vld [tilespmem:$0x1F480];
	vm2 =	vgt.f32 v20, $0.0e+00;
	vm1 =	vlt.f32 v20, $0.0e+00;
	[tilespmem:s0+$0x8050] =	vst v20;
	v20 =	vsel vm0, $0xFF800000, v47  }
0x6a6: {  	v53 =	vld [tilespmem:$0x1F4A0];
	v41, _, _ =	vpop (xrf0);
	(xrf0) =	vmax.scan.msk.f32 $0xffff, v20  }
0x6a7: {  	v62 =	vld [tilespmem:$0x1F4C0]  }
0x6a8: {  	v27 =	vld [tilespmem:$0x1F4E0]  }
0x6a9: {  	v24 =	vld [tilespmem:$0x1F4D0]  }
0x6aa: {  	s7 =	sor.u32 $0x10030, s10;
	v30 =	vld [tilespmem:$0x1F4F0];
	vm3 =	vge.f32 v34, v1  }
0x6ab: {  	[tilespmem:s7+$0x0] =	vst.add.f32.msk $0xffff, v32;
	v19 =	vnsel vm3, $0x0, v38;
	vm1 =	vmor vm2, vm1  }
0x6ac: {  	s19 =	sor.u32 $0x10050, s6;
	vm2 =	vgt.f32 v19, $0.0e+00;
	v39 =	vsel vm1, $0x3F800000, v54;
	vm1 =	vlt.f32 v19, $0.0e+00;
	v60 =	vld [tilespmem:$0x1F4B0];
	v26, _, _ =	vpop (xrf0)  }
0x6ad: {  	vm3 =	vge.f32 v40, v1;
	v1 =	vbroadcast v41, $0xF;
	[tilespmem:s19+$0x0] =	vst.add.f32.msk $0xffff, v39;
	vm1 =	vmor vm2, vm1;
	v21, _, _ =	vpop (xrf1)  }
0x6ae: {  	v9 =	vsel vm0, $0xFF800000, v9;
	s20 =	sor.u32 $0x10060, s6;
	v34 =	vld [tilespmem:$0x1F510];
	[tilespmem:s0+$0x8060] =	vst v19;
	v19 =	vnsel vm3, $0x0, v44;
	v48 =	vsel vm1, $0x3F800000, v54;
	v52, _, _ =	vpop (xrf1)  }
0x6af: {  	vm3 =	vge.f32 v62, v1;
	vm1 =	vlt.f32 v19, $0.0e+00;
	vm2 =	vgt.f32 v19, $0.0e+00;
	[tilespmem:s20+$0x0] =	vst.add.f32.msk $0xffff, v48;
	v57, _, _ =	vpop (xrf1)  }
0x6b0: {  	v35 =	vld [tilespmem:$0x1F520];
	v22 =	vnsel vm3, $0x0, v24;
	vm1 =	vmor vm2, vm1;
	vm2 =	vge.f32 v53, v1;
	[tilespmem:s0+$0x8070] =	vst v19;
	v61, _, _ =	vpop (xrf1)  }
0x6b1: {  	v38 =	vld [tilespmem:$0x1F530];
	v59 =	vsel vm1, $0x3F800000, v54;
	v23 =	vnsel vm2, $0x0, v60;
	(xrf0) =	vmax.scan.msk.f32 $0xffff, v9;
	v19 =	vmax.f32 v52, v57;
	v63, _, _ =	vpop (xrf1)  }
0x6b2: {  	v32 =	vld [tilespmem:$0x1F500];
	vm1 =	vlt.f32 v23, $0.0e+00;
	vm2 =	vgt.f32 v23, $0.0e+00;
	(xrf1) =	vsort.ascd.msk.f32 $0xffff, v19, v19;
	v20 =	vmax.f32 v61, v63  }
0x6b3: {  	s21 =	sor.u32 $0x10070, s6;
	v39 =	vld [tilespmem:$0x1F540];
	vm1 =	vmor vm2, vm1;
	vm2 =	vgt.f32 v22, $0.0e+00;
	(xrf1) =	vsort.dscd.msk.f32 $0xffff, v20, v20  }
0x6b4: {  	s24 =	sshll.u32 s15, $0x6;
	[tilespmem:s21+$0x0] =	vst.add.f32.msk $0xffff, v59;
	v28 =	vbroadcast v26, $0xF;
	v25 =	vsel vm1, $0x3F800000, v54;
	vm1 =	vlt.f32 v22, $0.0e+00  }
0x6b5: {  	s25 =	sor.u32 $0x10000, s24;
	v41 =	vld [tilespmem:$0x1F550];
	vm3 =	vge.f32 v27, v1;
	[tilespmem:s29+$0x8000] =	vst v23;
	vm1 =	vmor vm2, vm1  }
0x6b6: {  	[tilespmem:s25+$0x0] =	vst.add.f32.msk $0xffff, v25;
	vm2 =	vge.f32 v30, v1;
	vm11 =	vge.f32 v38, v28;
	v31 =	vsel vm1, $0x3F800000, v54  }
0x6b7: {  	v47 =	vld [tilespmem:$0x1F560];
	[tilespmem:s29+$0x8010] =	vst v22;
	vm1 =	vge.f32 v34, v28;
	v61 =	vsel vm0, $0xFF800000, v18;
	v20 =	vnsel vm3, $0x0, v32  }
0x6b8: {  	s7 =	sor.u32 $0x10010, s24;
	v62 =	vld [tilespmem:$0x1F590];
	v1 =	vnsel vm2, $0x0, v35;
	v53, _, _ =	vpop (xrf0);
	(xrf0) =	vmax.scan.msk.f32 $0xffff, v61;
	vm3 =	vlt.f32 v20, $0.0e+00;
	vm10 =	vgt.f32 v20, $0.0e+00  }
0x6b9: {  	[tilespmem:s7+$0x0] =	vst.add.f32.msk $0xffff, v31;
	vm2 =	vlt.f32 v1, $0.0e+00;
	v9 =	vnsel vm1, $0x0, v39;
	vm3 =	vmor vm10, vm3  }
0x6ba: {  	v60 =	vld [tilespmem:$0x1F580];
	[tilespmem:s28+$0x8040] =	vst v9;
	v57 =	vbroadcast v53, $0xF;
	v36 =	vsel vm3, $0x3F800000, v54;
	vm3 =	vgt.f32 v1, $0.0e+00  }
0x6bb: {  	s8 =	sor.u32 $0x10020, s24;
	vm1 =	vlt.f32 v9, $0.0e+00;
	v31 =	vsel vm0, $0xFF800000, v21;
	v52 =	vld [tilespmem:$0x1F570];
	[tilespmem:s29+$0x8020] =	vst v20;
	vm2 =	vmor vm3, vm2  }
0x6bc: {  	vm12 =	vge.f32 v49, v57;
	[tilespmem:s8+$0x0] =	vst.add.f32.msk $0xffff, v36;
	v40 =	vsel vm2, $0x3F800000, v54;
	vm2 =	vgt.f32 v9, $0.0e+00  }
0x6bd: {  	s9 =	sshll.u32 s31, $0x6;
	s0 =	sor.u32 $0x10030, s24;
	v63 =	vld [tilespmem:$0x1F5A0];
	vm13 =	vge.f32 v51, v57;
	[tilespmem:s29+$0x8030] =	vst v1;
	v1 =	vnsel vm11, $0x0, v41;
	vm1 =	vmor vm2, vm1  }
0x6be: {  	s10 =	sor.u32 $0x10000, s9;
	[tilespmem:s0+$0x0] =	vst.add.f32.msk $0xffff, v40;
	vm2 =	vgt.f32 v1, $0.0e+00;
	v30, _, _ =	vpop (xrf0);
	v44 =	vsel vm1, $0x3F800000, v54;
	vm1 =	vlt.f32 v1, $0.0e+00  }
0x6bf: {  	v34 =	vnsel vm13, $0x0, v56;
	v19 =	vbroadcast v30, $0xF;
	[tilespmem:s10+$0x0] =	vst.add.f32.msk $0xffff, v44;
	vm1 =	vmor vm2, vm1  }
0x6c0: {  	s11 =	sor.u32 $0x10050, s9;
	v24 =	vld [tilespmem:$0x1F5B0];
	vm3 =	vge.f32 v60, v28;
	vm2 =	vge.f32 v47, v28;
	[tilespmem:s28+$0x8050] =	vst v1;
	v48 =	vsel vm1, $0x3F800000, v54;
	v59, _, _ =	vpop (xrf1)  }
0x6c1: {  	v18 =	vnsel vm3, $0x0, v62;
	v9 =	vnsel vm2, $0x0, v52;
	vm14 =	vge.f32 v42, v19;
	[tilespmem:s11+$0x0] =	vst.add.f32.msk $0xffff, v48;
	v23, _, _ =	vpop (xrf1)  }
0x6c2: {  	v26 =	vld [tilespmem:$0x1F5C0];
	vm1 =	vlt.f32 v9, $0.0e+00;
	vm2 =	vgt.f32 v9, $0.0e+00;
	[tilespmem:s28+$0x8060] =	vst v9;
	v9 =	vmax.f32 v59, v23  }
0x6c3: {  	vm3 =	vgt.f32 v18, $0.0e+00;
	v44 =	vnsel vm14, $0x0, v29;
	vm1 =	vmor vm2, vm1;
	(xrf1) =	vsort.ascd.msk.f32 $0xffff, v9, v9  }
0x6c4: {  	s12 =	sor.u32 $0x10060, s9;
	(xrf0) =	vmax.scan.msk.f32 $0xffff, v31;
	vm2 =	vge.f32 v63, v57;
	v22 =	vsel vm1, $0x3F800000, v54;
	vm1 =	vlt.f32 v18, $0.0e+00  }
0x6c5: {  	[tilespmem:s12+$0x0] =	vst.add.f32.msk $0xffff, v22;
	vm1 =	vmor vm3, vm1;
	vm3 =	vge.f32 v55, v57;
	v9 =	vnsel vm2, $0x0, v24  }
0x6c6: {  	s0 =	sor.u32 $0x10070, s9;
	[tilespmem:s28+$0x8070] =	vst v18;
	v25 =	vsel vm1, $0x3F800000, v54;
	vm1 =	vlt.f32 v9, $0.0e+00;
	vm2 =	vgt.f32 v9, $0.0e+00  }
0x6c7: {  	s13 =	sshll.u32 s30, $0x6;
	v18 =	vnsel vm12, $0x0, v26;
	v28 =	vnsel vm3, $0x0, v43;
	[tilespmem:s0+$0x0] =	vst.add.f32.msk $0xffff, v25;
	vm1 =	vmor vm2, vm1  }
0x6c8: {  	s14 =	sor.u32 $0x10000, s13;
	[tilespmem:s26+$0x8000] =	vst v9;
	vm2 =	vgt.f32 v18, $0.0e+00;
	v27 =	vsel vm1, $0x3F800000, v54;
	vm1 =	vlt.f32 v18, $0.0e+00  }
0x6c9: {  	vm3 =	vgt.f32 v28, $0.0e+00;
	[tilespmem:s14+$0x0] =	vst.add.f32.msk $0xffff, v27;
	vm1 =	vmor vm2, vm1;
	vm2 =	vlt.f32 v28, $0.0e+00  }
0x6ca: {  	s15 =	sor.u32 $0x10010, s13;
	vm4 =	vgt.f32 v44, $0.0e+00;
	v20, _, _ =	vpop (xrf0);
	[tilespmem:s26+$0x8010] =	vst v18;
	vm2 =	vmor vm3, vm2;
	v32 =	vsel vm1, $0x3F800000, v54  }
0x6cb: {  	v40 =	vbroadcast v20, $0xF;
	vm1 =	vge.f32 v50, v19;
	[tilespmem:s15+$0x0] =	vst.add.f32.msk $0xffff, v32;
	v35 =	vsel vm2, $0x3F800000, v54  }
0x6cc: {  	vm2 =	vlt.f32 v34, $0.0e+00;
	v36 =	vnsel vm1, $0x0, v37;
	vm1 =	vgt.f32 v34, $0.0e+00;
	[tilespmem:s26+$0x8020] =	vst v28  }
0x6cd: {  	s16 =	sor.u32 $0x10020, s13;
	vm1 =	vmor vm1, vm2;
	vm2 =	vlt.f32 v36, $0.0e+00;
	vm3 =	vgt.f32 v36, $0.0e+00;
	[tilespmem:s1+$0x8040] =	vst v36  }
0x6ce: {  	vm15 =	vge.f32 v6, v40;
	[tilespmem:s16+$0x0] =	vst.add.f32.msk $0xffff, v35;
	vm2 =	vmor vm3, vm2;
	vm3 =	vge.f32 v46, v19  }
0x6cf: {  	s17 =	sshll.u32 s17, $0x6;
	s0 =	sor.u32 $0x10030, s13;
	v37 =	vsel vm1, $0x3F800000, v54;
	vm1 =	vge.f32 v45, v19;
	[tilespmem:s26+$0x8030] =	vst v34;
	v39 =	vnsel vm3, $0x0, v33  }
0x6d0: {  	s18 =	sor.u32 $0x10000, s17;
	v38 =	vsel vm2, $0x3F800000, v54;
	[tilespmem:s0+$0x0] =	vst.add.f32.msk $0xffff, v37;
	vm2 =	vlt.f32 v39, $0.0e+00;
	vm3 =	vgt.f32 v39, $0.0e+00  }
0x6d1: {  	v3 =	vnsel vm15, $0x0, v3;
	v41 =	vnsel vm1, $0x0, v58;
	[tilespmem:s18+$0x0] =	vst.add.f32.msk $0xffff, v38;
	vm2 =	vmor vm3, vm2;
	v43, _, _ =	vpop (xrf1)  }
0x6d2: {  	s19 =	sor.u32 $0x10050, s17;
	[tilespmem:s1+$0x8050] =	vst v39;
	v42 =	vsel vm2, $0x3F800000, v54;
	vm2 =	vge.f32 v8, v40;
	v8 =	vsel vm0, $0xFF800000, v43  }
0x6d3: {  	vm1 =	vlt.f32 v41, $0.0e+00;
	vm3 =	vgt.f32 v41, $0.0e+00;
	[tilespmem:s19+$0x0] =	vst.add.f32.msk $0xffff, v42;
	(xrf0) =	vmax.scan.msk.f32 $0xffff, v8  }
0x6d4: {  	vm1 =	vmor vm3, vm1;
	vm3 =	vlt.f32 v44, $0.0e+00;
	v46 =	vnsel vm2, $0x0, v4;
	[tilespmem:s1+$0x8060] =	vst v41  }
0x6d5: {  	s20 =	sor.u32 $0x10060, s17;
	vm3 =	vmor vm4, vm3;
	v45 =	vsel vm1, $0x3F800000, v54;
	vm1 =	vge.f32 v7, v40;
	[tilespmem:s4+$0x8000] =	vst v46  }
0x6d6: {  	v47 =	vsel vm3, $0x3F800000, v54;
	vm2 =	vlt.f32 v46, $0.0e+00;
	vm3 =	vgt.f32 v46, $0.0e+00;
	[tilespmem:s20+$0x0] =	vst.add.f32.msk $0xffff, v45  }
0x6d7: {  	s21 =	sshll.u32 s5, $0x6;
	s0 =	sor.u32 $0x10070, s17;
	vm4 =	vgt.f32 v3, $0.0e+00;
	v48 =	vnsel vm1, $0x0, v2;
	vm2 =	vmor vm3, vm2;
	[tilespmem:s1+$0x8070] =	vst v44  }
0x6d8: {  	s24 =	sor.u32 $0x10000, s21;
	vm1 =	vge.f32 v5, v40;
	vm3 =	vlt.f32 v3, $0.0e+00;
	v49 =	vsel vm2, $0x3F800000, v54;
	[tilespmem:s0+$0x0] =	vst.add.f32.msk $0xffff, v47  }
0x6d9: {  	v0 =	vnsel vm1, $0x0, v0;
	vm1 =	vgt.f32 v48, $0.0e+00;
	vm3 =	vmor vm4, vm3;
	[tilespmem:s24+$0x0] =	vst.add.f32.msk $0xffff, v49;
	v51, _, _ =	vpop (xrf0)  }
0x6da: {  	s25 =	sor.u32 $0x10010, s21;
	vm2 =	vlt.f32 v48, $0.0e+00;
	v50 =	vsel vm3, $0x3F800000, v54;
	[tilespmem:s4+$0x8010] =	vst v3;
	v52 =	vbroadcast v51, $0xF  }
0x6db: {  	vm1 =	vmor vm1, vm2;
	vm2 =	vlt.f32 v0, $0.0e+00;
	vm3 =	vgt.f32 v0, $0.0e+00;
	[tilespmem:s25+$0x0] =	vst.add.f32.msk $0xffff, v50  }
0x6dc: {  	s26 =	sor.u32 $0x10020, s21;
	vm2 =	vmor vm3, vm2;
	v53 =	vsel vm1, $0x3F800000, v54;
	[tilespmem:s4+$0x8020] =	vst v48;
	vm1 =	vge.f32 v16, v52  }
0x6dd: {  	v55 =	vsel vm2, $0x3F800000, v54;
	[tilespmem:s26+$0x0] =	vst.add.f32.msk $0xffff, v53;
	v56 =	vnsel vm1, $0x0, v13;
	vm1 =	vge.f32 v17, v52  }
0x6de: {  	s0 =	sor.u32 $0x10030, s21;
	[tilespmem:s4+$0x8030] =	vst v0;
	vm2 =	vlt.f32 v56, $0.0e+00;
	vm3 =	vgt.f32 v56, $0.0e+00;
	v57 =	vnsel vm1, $0x0, v12  }
0x6df: {  	s28 =	sshll.u32 s3, $0x6;
	[tilespmem:s0+$0x0] =	vst.add.f32.msk $0xffff, v55;
	vm1 =	vmor vm3, vm2;
	vm2 =	vlt.f32 v57, $0.0e+00;
	vm3 =	vgt.f32 v57, $0.0e+00  }
0x6e0: {  	s29 =	sor.u32 $0x10000, s28;
	[tilespmem:s2+$0x8040] =	vst v56;
	v58 =	vsel vm1, $0x3F800000, v54;
	vm1 =	vmor vm3, vm2;
	vm2 =	vge.f32 v15, v52  }
0x6e1: {  	vm3 =	vge.f32 v14, v52;
	[tilespmem:s29+$0x0] =	vst.add.f32.msk $0xffff, v58;
	v60 =	vnsel vm2, $0x0, v11  }
0x6e2: {  	p0 =	slt.u32 s22, $0x1F0;
	s30 =	sor.u32 $0x10050, s28;
	v59 =	vsel vm1, $0x3F800000, v54;
	[tilespmem:s2+$0x8050] =	vst v57;
	vm1 =	vlt.f32 v60, $0.0e+00;
	vm2 =	vgt.f32 v60, $0.0e+00  }
.Ltmp4:
0x6e3: {  	v61 =	vnsel vm3, $0x0, v10;
	vm1 =	vmor vm2, vm1;
	[tilespmem:s30+$0x0] =	vst.add.f32.msk $0xffff, v59;
	(pc) =	sbr.rel @p0 .LBB2_11-.Ltmp4, $4  }
0x6e4: {  	s31 =	sor.u32 $0x10060, s28;
	vm2 =	vgt.f32 v61, $0.0e+00;
	[tilespmem:s2+$0x8060] =	vst v60;
	v62 =	vsel vm1, $0x3F800000, v54;
	vm1 =	vlt.f32 v61, $0.0e+00  }
0x6e5: {  	[tilespmem:s31+$0x0] =	vst.add.f32.msk $0xffff, v62;
	vm1 =	vmor vm2, vm1  }
0x6e6: {  	s0 =	sor.u32 $0x10070, s28;
	[tilespmem:s2+$0x8070] =	vst v61;
	v63 =	vsel vm1, $0x3F800000, v54  }
0x6e7: {  	s23 =	sadd.s32 $0x20, s23;
	[tilespmem:s0+$0x0] =	vst.add.f32.msk $0xffff, v63  }
0x6e8: {  	s0 =	rddreg [dreg:$0xd]  }
0x6e9: {  	s1 =	rddreg [dreg:$0x1];
	s30 =	simm.s32 $0x0;
	s0 =	sshll.u32 s0, $0x9  }
0x6ea: {  	s2 =	simm.s32 $0x8000;
	s31 =	rddreg [dreg:$0xb];
	s0 =	sadd.s32 s1, s0  }
0x6eb: {  	[hbm4b:s0+s30] =	stream.linear.scatter [tilespmem:s2], [sflag:$0x4], $0x8000, $0x38;
	[tilespmem:$0x11000] =	vst v63  }
0x6ec: {  	s0 =	sadd.s32 $0x1, s31  }
0x6ed: {  	p0 =	sne.s32 s0, $0x8  }
.Ltmp5:
0x6ee: {  	_ = 	snop;
	(pc) =	sbr.rel @p0 .LBB2_4-.Ltmp5, $2  }
0x6ef: {  	_ =	sdelay $0x2  }
0x6f0: {  	[dreg:$0xb] =	wrdreg s0  }
0x6f1: {  	s0 =	simm.s32 $0x3  }
0x6f2: {  	_ =	swait.ge [sflag:s0], $0x8000  }
0x6f3: {  	[sflag:s0] =	ssyncset.done $0x0  }
0x6f4: {  	s26 =	simm.s32 $0x4;
	[sflag:s0] =	ssyncadd.s32 $0xFFFF8000  }
0x6f5: {  	s1 =	simm.s32 $0x80;
	_ =	swait.ge [sflag:s26], $0x8000  }
0x6f6: {  	s2 =	simm.s32 $0x400;
	s3 =	simm.s32 $0x10000;
	[sflag:s26] =	ssyncset.done $0x0  }
0x6f7: {  	s29 =	simm.s32 $0x5;
	s28 =	rddreg [dreg:$0x8];
	[sflag:s26] =	ssyncadd.s32 $0xFFFF8000  }
0x6f8: {  	[hbm4b:s28+s1] =	stream.strided.scatter [tilespmem:s3], [sflag:$0x5], $0x1000, s2, s1, $0x38;
	[tilespmem:$0x11000] =	vst v63  }
0x6f9: {  	_ =	swait.ge [sflag:s29], $0x1000  }
0x6fa: {  	s30 =	rddreg [dreg:$0xa]  }
0x6fb: {  	s31 =	rddreg [dreg:$0x9];
	s2 =	sadd.s32 $0x1, s30  }
0x6fc: {  	p0 =	sne.s32 s2, s31  }
.Ltmp6:
0x6fd: {  	_ = 	snop;
	(pc) =	sbr.rel @p0 .LBB2_1-.Ltmp6, $3  }
0x6fe: {  	_ =	sdelay $0x1  }
0x6ff: {  	[sflag:s29] =	ssyncset.done $0x0  }
0x700: {  	v0 =	vimm.f32 $0.0e+00;
	[sflag:s29] =	ssyncadd.s32 $0xFFFFF000  }
0x701: {  	_ =	sfence.sel $0x180000  }
0x702: {  	[bflag:$0x0] =	sbarrier.arrive $0xFFFF  }
0x703: {  	_ =	strace $0x90000047  }
0x704: {  	s0 =	stileid.u32;
	[bflag:$0x2] =	sbarrier.arrive $0xFFFF  }
0x705: {  	p0 =	sne.s32 s0, $0x0;
	s0 =	rddreg [dreg:$0x3]  }
0x706: {  	s0 =	sadd.s32 @!p0 $0x100000, s0  }
0x707: {  	[sflag:s0] =	ssyncadd.tile.s32 @!p0 $0x1;
	_ =	shalt  }
.Lfunc_end2:
_tile_overlayer_lowered:
.L_overlay_start_2:
0x708: {  	(tag) =	ssettag $0x2  }
0x709: {  	s0 =	rddreg [dreg:$0x0];
	s2 =	stileid.u32  }
0x70a: {  	s1 =	rddreg [dreg:$0x1];
	p0 =	sne.s32 s2, $0x0  }
0x70b: {  	s3 =	rddreg [dreg:$0x2];
	[bflag:$0x3] =	sbarrier.arrive $0xFFFF;
	s2 =	simm.s32 @!p0 $0x1C05  }
0x70c: {  	[timem:s3], [sflag:s2] =	dma.local @!p0 [hbm:s0], s1  }
0x70d: {  	s0 =	simm.s32 @!p0 $0x5  }
0x70e: {  	_ =	swait.ge @!p0 [sflag:s0], s1  }
0x70f: {  	s1 =	ssub.s32 @!p0 $0x0, s1;
	[sflag:s0] =	ssyncset.done @!p0 $0x0  }
0x710: {  	[sflag:s0] =	ssyncadd.s32 @!p0 s1  }
0x711: {  	[bflag:$0x3] =	sbarrier.arrive $0xFFFF  }
0x712: {  	_ =	shalt  }

</sc_bundles>
